<compile_context>
chip_gen: v7x
topology: tpu7x:2x2x1
jax: 0.10.2.dev20260603
libtpu: 0.0.44.dev20260713+nightly
codegen_flags: <defaults>
</compile_context>

<pallas_src>
import functools

import numpy as _np

import jax
import jax.numpy as jnp
from jax import lax
from jax.experimental import pallas as pl
from jax.experimental.pallas import tpu as pltpu
from jax.experimental.pallas import tpu_sc as plsc

N = 10000
E = 320000
D = 128
H = 128

NC = 2
NS = 16
NW = NC * NS
EPW = E // NW

GC = 80
NCHUNK = EPW // GC

@functools.lru_cache(maxsize=None)
def _mesh():
    return plsc.VectorSubcoreMesh(
        core_axis_name="c", subcore_axis_name="s", num_cores=NC, num_subcores=NS)


def _pre_body(nf_ref, we1a_ref, we1b_ref, wn1a_ref, ps_ref, pr_ref, qn_ref):
    nf = nf_ref[...]
    ps_ref[...] = jnp.dot(nf, we1a_ref[...], preferred_element_type=jnp.float32)
    pr_ref[...] = jnp.dot(nf, we1b_ref[...], preferred_element_type=jnp.float32)
    qn_ref[...] = jnp.dot(nf, wn1a_ref[...], preferred_element_type=jnp.float32)


def _pre(nf, we1a, we1b, wn1a):
    return pl.pallas_call(
        _pre_body,
        out_shape=(jax.ShapeDtypeStruct((N, D), jnp.float32),
                   jax.ShapeDtypeStruct((N, D), jnp.float32),
                   jax.ShapeDtypeStruct((N, D), jnp.float32)),
    )(nf, we1a, we1b, wn1a)


def _gather_body(ps_hbm, pr_hbm, s_hbm, r_hbm, out_hbm,
                 sidx_all, ridx_all, a0, a1, a2, a3, b0, b1, b2, b3, c0, c1,
                 gsem0, gsem1, gsem2, gsem3, ssem0, ssem1):
    sid = lax.axis_index("s")
    wid = lax.axis_index("c") * NS + sid
    base0 = wid * EPW
    abuf = (a0, a1, a2, a3)
    bbuf = (b0, b1, b2, b3)
    cbuf = (c0, c1)
    gsem = (gsem0, gsem1, gsem2, gsem3)
    ssem = (ssem0, ssem1)

    pltpu.sync_copy(s_hbm.at[wid], sidx_all)
    pltpu.sync_copy(r_hbm.at[wid], ridx_all)

    def fire_g(k, b):
        sl = pl.ds(k * GC, GC)
        pltpu.async_copy(ps_hbm.at[sidx_all.at[sl]], abuf[b], gsem[b])
        pltpu.async_copy(pr_hbm.at[ridx_all.at[sl]], bbuf[b], gsem[b])

    def wait_g(b):
        pltpu.make_async_copy(ps_hbm.at[pl.ds(0, GC)], abuf[b], gsem[b]).wait()
        pltpu.make_async_copy(pr_hbm.at[pl.ds(0, GC)], bbuf[b], gsem[b]).wait()

    half_ulp = jnp.int32(32768)
    hi_mask = jnp.int32(-65536)

    def vadd(b, cb):
        def row(i, carry):
            for j in range(D // 32):
                lo = abuf[b][i, pl.ds(32 * j, 16)] + bbuf[b][i, pl.ds(32 * j, 16)]
                hi = abuf[b][i, pl.ds(32 * j + 16, 16)] + bbuf[b][i, pl.ds(32 * j + 16, 16)]
                li = lax.bitcast_convert_type(lo, jnp.int32) + half_ulp
                hj = lax.bitcast_convert_type(hi, jnp.int32) + half_ulp
                cbuf[cb][i, pl.ds(16 * j, 16)] = (
                    lax.shift_right_logical(li, 16) | (hj & hi_mask))
            return carry
        lax.fori_loop(0, GC, row, 0, unroll=4)

    def fire_s(k, cb):
        pltpu.async_copy(cbuf[cb], out_hbm.at[pl.ds(base0 + k * GC, GC)], ssem[cb])

    def wait_s(cb):
        pltpu.make_async_copy(cbuf[cb], out_hbm.at[pl.ds(base0, GC)], ssem[cb]).wait()

    RD = 4
    for b in range(RD):
        fire_g(b, b)

    def quad(i, carry):
        for b in range(RD):
            k = RD * i + b
            cb = b % 2
            wait_g(b)

            @pl.when(k >= 2)
            def _():
                wait_s(cb)

            vadd(b, cb)
            fire_s(k, cb)

            @pl.when(k + RD <= NCHUNK - 1)
            def _():
                fire_g(k + RD, b)
        return carry

    lax.fori_loop(0, NCHUNK // RD, quad, 0)

    k_tail = (NCHUNK // RD) * RD
    wait_g(0)
    wait_s(0)
    vadd(0, 0)
    fire_s(k_tail, 0)
    wait_s(1)
    wait_s(0)


@functools.lru_cache(maxsize=None)
def _gather_kernel():
    gbuf = pltpu.VMEM((GC, D), jnp.float32)
    cbuf = pltpu.VMEM((GC, D // 2), jnp.int32)
    return pl.kernel(
        _gather_body,
        out_type=jax.ShapeDtypeStruct((E, D // 2), jnp.int32),
        mesh=_mesh(),
        scratch_types=(
            [pltpu.VMEM((EPW,), jnp.int32)] * 2
            + [gbuf] * 8
            + [cbuf] * 2
            + [pltpu.SemaphoreType.DMA] * 6
        ),
    )


def _edge_body(g_ref, ef_ref, w1lo_ref, w1hi_ref, blo_ref, bhi_ref,
               w2lo_ref, w2hi_ref, be2_ref, ge_ref, bbe_ref, oe_ref, ne_ref):
    ef = ef_ref[...]
    g32 = g_ref[...]
    hi_mask = jnp.int32(-65536)
    xl = (lax.bitcast_convert_type(g32 << 16, jnp.float32)
          + jnp.dot(ef, w1lo_ref[...], preferred_element_type=jnp.float32)
          + blo_ref[...])
    xh = (lax.bitcast_convert_type(g32 & hi_mask, jnp.float32)
          + jnp.dot(ef, w1hi_ref[...], preferred_element_type=jnp.float32)
          + bhi_ref[...])
    h2 = (jnp.dot(jnp.maximum(xl, 0.0), w2lo_ref[...],
                  preferred_element_type=jnp.float32)
          + jnp.dot(jnp.maximum(xh, 0.0), w2hi_ref[...],
                    preferred_element_type=jnp.float32)
          + be2_ref[...])
    mu = jnp.mean(h2, axis=-1, keepdims=True)
    var = jnp.mean((h2 - mu) * (h2 - mu), axis=-1, keepdims=True)
    ne = (h2 - mu) * lax.rsqrt(var + 1e-5) * ge_ref[...] + bbe_ref[...]
    ne_ref[...] = ne
    oe_ref[...] = ef + ne


def _edge_mlp(g, ef, w1lo, w1hi, blo, bhi, w2lo, w2hi, be2, ge, bbe):
    BE = 2000
    grid = E // BE
    row_spec = pl.BlockSpec((BE, D), lambda i: (i, 0))
    g_spec = pl.BlockSpec((BE, D // 2), lambda i: (i, 0))
    wl_spec = pl.BlockSpec((D, H // 2), lambda i: (0, 0))
    w2_spec = pl.BlockSpec((H // 2, D), lambda i: (0, 0))
    hv_spec = pl.BlockSpec((1, H // 2), lambda i: (0, 0))
    v_spec = pl.BlockSpec((1, D), lambda i: (0, 0))
    out = jax.ShapeDtypeStruct((E, D), jnp.float32)
    return pl.pallas_call(
        _edge_body,
        grid=(grid,),
        in_specs=[g_spec, row_spec, wl_spec, wl_spec, hv_spec, hv_spec,
                  w2_spec, w2_spec, v_spec, v_spec, v_spec],
        out_specs=(row_spec, row_spec),
        out_shape=(out, out),
    )(g, ef, w1lo, w1hi, blo, bhi, w2lo, w2hi, be2, ge, bbe)


def _segsum_body(ne_hbm, r_hbm, zeros_hbm, out_hbm,
                 ridx, ld0, ld1, agg, lsem0, lsem1, ssem0, ssem1):
    cid = lax.axis_index("c")
    sid = lax.axis_index("s")
    ld = (ld0, ld1)
    lsem = (lsem0, lsem1)
    ssem = (ssem0, ssem1)

    base0 = (cid * NS + sid) * EPW
    wid = cid * NS + sid

    pltpu.sync_copy(r_hbm.at[wid], ridx)

    zsl = pl.ds(sid * 624, 624)
    pltpu.sync_copy(zeros_hbm.at[zsl], agg.at[zsl])

    @pl.when(sid == 0)
    def _():
        ztail = pl.ds(NS * 624, N - NS * 624)
        pltpu.sync_copy(zeros_hbm.at[ztail], agg.at[ztail])

    plsc.subcore_barrier()

    def fire_l(k, b):
        pltpu.async_copy(ne_hbm.at[pl.ds(base0 + k * GC, GC)], ld[b], lsem[b])

    def wait_l(b):
        pltpu.make_async_copy(ne_hbm.at[pl.ds(base0, GC)], ld[b], lsem[b]).wait()

    def fire_sc(k, b):
        pltpu.async_copy(ld[b], agg.at[ridx.at[k]], ssem[b], add=True)

    def wait_sc(b):
        pltpu.make_async_copy(ld[b], agg.at[ridx.at[0]], ssem[b]).wait()

    fire_l(0, 0)

    def pair(i, carry):
        for b in (0, 1):
            k = 2 * i + b

            @pl.when(k >= 1)
            def _():
                wait_sc(1 - b)

            @pl.when(k + 1 <= NCHUNK - 1)
            def _():
                fire_l(k + 1, 1 - b)

            wait_l(b)
            fire_sc(k, b)
        return carry

    lax.fori_loop(0, NCHUNK // 2, pair, 0)

    wait_sc(1)
    wait_l(0)
    fire_sc(NCHUNK - 1, 0)
    wait_sc(0)

    plsc.subcore_barrier()

    rows = 624
    sl = pl.ds(sid * rows, rows)
    pltpu.sync_copy(agg.at[sl], out_hbm.at[cid].at[sl])

    @pl.when(sid == 0)
    def _():
        tail = pl.ds(NS * rows, N - NS * rows)
        pltpu.sync_copy(agg.at[tail], out_hbm.at[cid].at[tail])


@functools.lru_cache(maxsize=None)
def _segsum_kernel():
    return pl.kernel(
        _segsum_body,
        out_type=jax.ShapeDtypeStruct((NC, N, D), jnp.float32),
        mesh=_mesh(),
        scratch_types=[
            pltpu.VMEM((NCHUNK, GC), jnp.int32),
            pltpu.VMEM((GC, D), jnp.float32),
            pltpu.VMEM((GC, D), jnp.float32),
            pltpu.VMEM_SHARED((N, D), jnp.float32),
            pltpu.SemaphoreType.DMA,
            pltpu.SemaphoreType.DMA,
            pltpu.SemaphoreType.DMA,
            pltpu.SemaphoreType.DMA,
        ],
    )


def _node_body(nf_ref, qn_ref, p0_ref, p1_ref, wn1b_ref, bn1_ref,
               wn2_ref, bn2_ref, gn_ref, bbn_ref, on_ref):
    agg = p0_ref[...] + p1_ref[...]
    x = qn_ref[...] + jnp.dot(agg, wn1b_ref[...],
                              preferred_element_type=jnp.float32) + bn1_ref[...]
    h = jnp.maximum(x, 0.0)
    h2 = jnp.dot(h, wn2_ref[...], preferred_element_type=jnp.float32) + bn2_ref[...]
    mu = jnp.mean(h2, axis=-1, keepdims=True)
    var = jnp.mean((h2 - mu) * (h2 - mu), axis=-1, keepdims=True)
    nn = (h2 - mu) * lax.rsqrt(var + 1e-5) * gn_ref[...] + bbn_ref[...]
    on_ref[...] = nf_ref[...] + nn


def _node_mlp(nf, qn, p0, p1, wn1b, bn1, wn2, bn2, gn, bbn):
    BN = 2000
    grid = N // BN
    row_spec = pl.BlockSpec((BN, D), lambda i: (i, 0))
    w_spec = pl.BlockSpec((D, H), lambda i: (0, 0))
    v_spec = pl.BlockSpec((1, D), lambda i: (0, 0))
    return pl.pallas_call(
        _node_body,
        grid=(grid,),
        in_specs=[row_spec, row_spec, row_spec, row_spec,
                  w_spec, v_spec, w_spec, v_spec, v_spec, v_spec],
        out_specs=row_spec,
        out_shape=jax.ShapeDtypeStruct((N, D), jnp.float32),
    )(nf, qn, p0, p1, wn1b, bn1, wn2, bn2, gn, bbn)


def kernel(node_features, senders, receivers, edge_features,
           We1, be1, We2, be2, ge, bbe, Wn1, bn1, Wn2, bn2, gn, bbn):
    senders = senders.astype(jnp.int32)
    receivers = receivers.astype(jnp.int32)

    we1a, we1b, we1c = We1[0:D], We1[D:2 * D], We1[2 * D:3 * D]
    wn1a, wn1b = Wn1[0:D], Wn1[D:2 * D]

    s2 = senders.reshape(NW, EPW)
    r2 = receivers.reshape(NW, EPW)
    r3 = receivers.reshape(NW, NCHUNK, GC)

    ps_tbl, pr_tbl, qn = _pre(node_features, we1a, we1b, wn1a)
    g_i32 = _gather_kernel()(ps_tbl, pr_tbl, s2, r2)

    lanes = _np.arange(D // 2)
    perm_lo = jnp.asarray((lanes // 16) * 32 + lanes % 16)
    perm_hi = perm_lo + 16
    out_edges, new_edge = _edge_mlp(
        g_i32, edge_features, we1c[:, perm_lo], we1c[:, perm_hi],
        be1[perm_lo].reshape(1, D // 2), be1[perm_hi].reshape(1, D // 2),
        We2[perm_lo, :], We2[perm_hi, :], be2.reshape(1, D),
        ge.reshape(1, D), bbe.reshape(1, D))
    zeros = jnp.zeros((N, D), jnp.float32)
    parts = _segsum_kernel()(new_edge, r3, zeros)
    out_nodes = _node_mlp(
        node_features, qn, parts[0], parts[1],
        wn1b, bn1.reshape(1, D), Wn2, bn2.reshape(1, D),
        gn.reshape(1, D), bbn.reshape(1, D))
    return (out_nodes, out_edges)

# --- scband reference (transcript-rebuilt; emitter-appended) ---
"""Pipeline reference for scband-graph-net-block-8126078124038 (READ-ONLY COPY).

The authoritative reference and input builder live on the scoring server;
editing this copy changes nothing except your own understanding.
"""

import jax, jax.numpy as jnp
import numpy as np

N = 10000
E = 320000
D = 128
H = 128


def _mlp(x, W1, b1, W2, b2, g, bb):
    h = jax.nn.relu(x @ W1 + b1)
    h = h @ W2 + b2
    mu = jnp.mean(h, axis=-1, keepdims=True)
    var = jnp.var(h, axis=-1, keepdims=True)
    return (h - mu) / jnp.sqrt(var + 1e-5) * g + bb


def setup_inputs(seed: int = 0):
    key = jax.random.key(seed)
    ks = jax.random.split(key, 10)
    node_features = jax.random.normal(ks[0], (N, D), dtype=jnp.float32)
    edge_features = jax.random.normal(ks[1], (E, D), dtype=jnp.float32)
    senders = jax.random.randint(ks[2], (E,), 0, N)
    receivers = jax.random.randint(ks[3], (E,), 0, N)
    s = 0.05
    We1 = jax.random.normal(ks[4], (3 * D, H), dtype=jnp.float32) * s
    be1 = jnp.zeros((H,), jnp.float32)
    We2 = jax.random.normal(ks[5], (H, D), dtype=jnp.float32) * s
    be2 = jnp.zeros((D,), jnp.float32)
    ge = jnp.ones((D,), jnp.float32)
    bbe = jnp.zeros((D,), jnp.float32)
    Wn1 = jax.random.normal(ks[6], (2 * D, H), dtype=jnp.float32) * s
    bn1 = jnp.zeros((H,), jnp.float32)
    Wn2 = jax.random.normal(ks[7], (H, D), dtype=jnp.float32) * s
    bn2 = jnp.zeros((D,), jnp.float32)
    gn = jnp.ones((D,), jnp.float32)
    bbn = jnp.zeros((D,), jnp.float32)
    return dict(node_features=node_features, senders=senders, receivers=receivers,
                edge_features=edge_features, We1=We1, be1=be1, We2=We2, be2=be2,
                ge=ge, bbe=bbe, Wn1=Wn1, bn1=bn1, Wn2=Wn2, bn2=bn2, gn=gn, bbn=bbn)


def reference(node_features, senders, receivers, edge_features,
              We1, be1, We2, be2, ge, bbe, Wn1, bn1, Wn2, bn2, gn, bbn):
    # edge update: gather sender/receiver node features, concat with edge features, apply edge MLP
    sf = jnp.take(node_features, senders, axis=0)
    rf = jnp.take(node_features, receivers, axis=0)
    ein = jnp.concatenate([sf, rf, edge_features], axis=-1)
    new_edge = _mlp(ein, We1, be1, We2, be2, ge, bbe)
    # node update: unsorted_segment_sum of updated edge features into receiver nodes
    agg = jax.ops.segment_sum(new_edge, receivers, num_segments=node_features.shape[0])
    nin = jnp.concatenate([node_features, agg], axis=-1)
    new_node = _mlp(nin, Wn1, bn1, Wn2, bn2, gn, bbn)
    # residual connections
    out_nodes = node_features + new_node
    out_edges = edge_features + new_edge
    return (out_nodes, out_edges)

if __name__ == "__main__":
    import jax
    _d = setup_inputs()
    print(jax.jit(kernel)(*tuple(_d.values())))

</pallas_src>

<mosaic_0001>
#map = affine_map<(d0, d1) -> (0, 0)>
#map1 = affine_map<(d0, d1) -> (0, 0, 0)>
module attributes {stable_mosaic.version = 14 : i64} {
  func.func @_segsum_body(%arg0: i32, %arg1: i32, %arg2: memref<320000x128xf32, #tpu.memory_space<hbm>>, %arg3: memref<32x125x80xi32, #tpu.memory_space<hbm>>, %arg4: memref<10000x128xf32, #tpu.memory_space<hbm>>, %arg5: memref<2x10000x128xf32, #tpu.memory_space<hbm>>, %arg6: memref<125x80xi32, #tpu.memory_space<vmem>>, %arg7: memref<80x128xf32, #tpu.memory_space<vmem>>, %arg8: memref<80x128xf32, #tpu.memory_space<vmem>>, %arg9: memref<10000x128xf32, #tpu.memory_space<vmem_shared>>, %arg10: memref<!tpu.dma_semaphore, #tpu.memory_space<semaphore_mem>>, %arg11: memref<!tpu.dma_semaphore, #tpu.memory_space<semaphore_mem>>, %arg12: memref<!tpu.dma_semaphore, #tpu.memory_space<semaphore_mem>>, %arg13: memref<!tpu.dma_semaphore, #tpu.memory_space<semaphore_mem>>) attributes {dimension_semantics = [#tpu.dimension_semantics<core_parallel>, #tpu.dimension_semantics<subcore_parallel>], iteration_bounds = array<i64: 2, 16>, scalar_prefetch = 0 : i64, scratch_operands = 8 : i64, tpu.core_type = #tpu.core_type<sc_vector_subcore>, window_params = [{transform_indices = #map}, {transform_indices = #map1}, {transform_indices = #map}, {transform_indices = #map1}]} {
    %mul3A = arith.constant 16 : i32
    %mul3A_0 = arith.muli %arg0, %mul3A : i32
    %add3A = arith.addi %mul3A_0, %arg1 : i32
    %mul3A_1 = arith.constant 10000 : i32
    %mul3A_2 = arith.muli %add3A, %mul3A_1 : i32
    %mul3A_3 = arith.constant 16 : i32
    %mul3A_4 = arith.muli %arg0, %mul3A_3 : i32
    %add3A_5 = arith.addi %mul3A_4, %arg1 : i32
    "tpu.region"() ({
      %run_scoped3A = tpu.sem_alloc : memref<!tpu.dma_semaphore, #tpu.memory_space<semaphore_mem>>
      %dma_start3A_52 = arith.constant 0 : i32
      %dma_start3A_53 = arith.constant 0 : i32
      %dma_start3A_54 = tpu.memref_slice %arg3[%add3A_5, %dma_start3A_52, %dma_start3A_53] : memref<32x125x80xi32, #tpu.memory_space<hbm>> -> memref<1x125x80xi32, #tpu.memory_space<hbm>>
      %dma_start3A_55 = tpu.memref_squeeze %dma_start3A_54 : memref<1x125x80xi32, #tpu.memory_space<hbm>> -> memref<125x80xi32, #tpu.memory_space<hbm>>
      %dma_start3A_56 = arith.constant 0 : i32
      %dma_start3A_57 = arith.constant 0 : i32
      %dma_start3A_58 = tpu.memref_slice %arg3[%add3A_5, %dma_start3A_56, %dma_start3A_57] : memref<32x125x80xi32, #tpu.memory_space<hbm>> -> memref<1x125x80xi32, #tpu.memory_space<hbm>>
      %dma_start3A_59 = tpu.memref_squeeze %dma_start3A_58 : memref<1x125x80xi32, #tpu.memory_space<hbm>> -> memref<125x80xi32, #tpu.memory_space<hbm>>
      tpu.enqueue_dma source(%dma_start3A_59 : memref<125x80xi32, #tpu.memory_space<hbm>>) target(%arg6 : memref<125x80xi32, #tpu.memory_space<vmem>>) target_semaphore(%run_scoped3A : memref<!tpu.dma_semaphore, #tpu.memory_space<semaphore_mem>>)
      %dma_wait3A_60 = arith.constant 0 : i32
      %dma_wait3A_61 = arith.constant 0 : i32
      %dma_wait3A_62 = tpu.memref_slice %arg3[%add3A_5, %dma_wait3A_60, %dma_wait3A_61] : memref<32x125x80xi32, #tpu.memory_space<hbm>> -> memref<1x125x80xi32, #tpu.memory_space<hbm>>
      %dma_wait3A_63 = tpu.memref_squeeze %dma_wait3A_62 : memref<1x125x80xi32, #tpu.memory_space<hbm>> -> memref<125x80xi32, #tpu.memory_space<hbm>>
      %dma_wait3A_64 = arith.constant 0 : i32
      %dma_wait3A_65 = arith.constant 0 : i32
      %dma_wait3A_66 = tpu.memref_slice %arg3[%add3A_5, %dma_wait3A_64, %dma_wait3A_65] : memref<32x125x80xi32, #tpu.memory_space<hbm>> -> memref<1x125x80xi32, #tpu.memory_space<hbm>>
      %dma_wait3A_67 = tpu.memref_squeeze %dma_wait3A_66 : memref<1x125x80xi32, #tpu.memory_space<hbm>> -> memref<125x80xi32, #tpu.memory_space<hbm>>
      tpu.wait_dma2 semaphore(%run_scoped3A : memref<!tpu.dma_semaphore, #tpu.memory_space<semaphore_mem>>) src(%dma_wait3A_67 : memref<125x80xi32, #tpu.memory_space<hbm>>) dst(%arg6 : memref<125x80xi32, #tpu.memory_space<vmem>>)
      tpu.yield
    }) : () -> ()
    %mul3A_6 = arith.constant 624 : i32
    %mul3A_7 = arith.muli %arg1, %mul3A_6 : i32
    "tpu.region"() ({
      %run_scoped3A = tpu.sem_alloc : memref<!tpu.dma_semaphore, #tpu.memory_space<semaphore_mem>>
      %dma_start3A_52 = arith.constant 0 : i32
      %dma_start3A_53 = tpu.memref_slice %arg9[%mul3A_7, %dma_start3A_52] : memref<10000x128xf32, #tpu.memory_space<vmem_shared>> -> memref<624x128xf32, #tpu.memory_space<vmem_shared>>
      %dma_start3A_54 = arith.constant 0 : i32
      %dma_start3A_55 = tpu.memref_slice %arg4[%mul3A_7, %dma_start3A_54] : memref<10000x128xf32, #tpu.memory_space<hbm>> -> memref<624x128xf32, #tpu.memory_space<hbm>>
      tpu.enqueue_dma source(%dma_start3A_55 : memref<624x128xf32, #tpu.memory_space<hbm>>) target(%dma_start3A_53 : memref<624x128xf32, #tpu.memory_space<vmem_shared>>) target_semaphore(%run_scoped3A : memref<!tpu.dma_semaphore, #tpu.memory_space<semaphore_mem>>)
      %dma_wait3A_56 = arith.constant 0 : i32
      %dma_wait3A_57 = tpu.memref_slice %arg9[%mul3A_7, %dma_wait3A_56] : memref<10000x128xf32, #tpu.memory_space<vmem_shared>> -> memref<624x128xf32, #tpu.memory_space<vmem_shared>>
      %dma_wait3A_58 = arith.constant 0 : i32
      %dma_wait3A_59 = tpu.memref_slice %arg4[%mul3A_7, %dma_wait3A_58] : memref<10000x128xf32, #tpu.memory_space<hbm>> -> memref<624x128xf32, #tpu.memory_space<hbm>>
      tpu.wait_dma2 semaphore(%run_scoped3A : memref<!tpu.dma_semaphore, #tpu.memory_space<semaphore_mem>>) src(%dma_wait3A_59 : memref<624x128xf32, #tpu.memory_space<hbm>>) dst(%dma_wait3A_57 : memref<624x128xf32, #tpu.memory_space<vmem_shared>>)
      tpu.yield
    }) : () -> ()
    %eq3A = arith.constant 0 : i32
    %eq3A_8 = arith.cmpi eq, %arg1, %eq3A : i32
    %convert_element_type3A = arith.extui %eq3A_8 : i1 to i32
    %cond3A = arith.constant 0 : i32
    %cond3A_9 = arith.cmpi ne, %convert_element_type3A, %cond3A : i32
    scf.if %cond3A_9 {
      "tpu.region"() ({
        %run_scoped3A = tpu.sem_alloc : memref<!tpu.dma_semaphore, #tpu.memory_space<semaphore_mem>>
        %dma_start3A_52 = arith.constant 9984 : i32
        %dma_start3A_53 = arith.constant 0 : i32
        %dma_start3A_54 = tpu.memref_slice %arg9[%dma_start3A_52, %dma_start3A_53] : memref<10000x128xf32, #tpu.memory_space<vmem_shared>> -> memref<16x128xf32, #tpu.memory_space<vmem_shared>>
        %dma_start3A_55 = arith.constant 9984 : i32
        %dma_start3A_56 = arith.constant 0 : i32
        %dma_start3A_57 = tpu.memref_slice %arg4[%dma_start3A_55, %dma_start3A_56] : memref<10000x128xf32, #tpu.memory_space<hbm>> -> memref<16x128xf32, #tpu.memory_space<hbm>>
        tpu.enqueue_dma source(%dma_start3A_57 : memref<16x128xf32, #tpu.memory_space<hbm>>) target(%dma_start3A_54 : memref<16x128xf32, #tpu.memory_space<vmem_shared>>) target_semaphore(%run_scoped3A : memref<!tpu.dma_semaphore, #tpu.memory_space<semaphore_mem>>)
        %dma_wait3A_58 = arith.constant 9984 : i32
        %dma_wait3A_59 = arith.constant 0 : i32
        %dma_wait3A_60 = tpu.memref_slice %arg9[%dma_wait3A_58, %dma_wait3A_59] : memref<10000x128xf32, #tpu.memory_space<vmem_shared>> -> memref<16x128xf32, #tpu.memory_space<vmem_shared>>
        %dma_wait3A_61 = arith.constant 9984 : i32
        %dma_wait3A_62 = arith.constant 0 : i32
        %dma_wait3A_63 = tpu.memref_slice %arg4[%dma_wait3A_61, %dma_wait3A_62] : memref<10000x128xf32, #tpu.memory_space<hbm>> -> memref<16x128xf32, #tpu.memory_space<hbm>>
        tpu.wait_dma2 semaphore(%run_scoped3A : memref<!tpu.dma_semaphore, #tpu.memory_space<semaphore_mem>>) src(%dma_wait3A_63 : memref<16x128xf32, #tpu.memory_space<hbm>>) dst(%dma_wait3A_60 : memref<16x128xf32, #tpu.memory_space<vmem_shared>>)
        tpu.yield
      }) : () -> ()
    } else {
    }
    %barrier3A = arith.constant 0 : index
    tpu.barrier barrier_id(%barrier3A)
    %add3A_10 = arith.constant 0 : i32
    %add3A_11 = arith.addi %mul3A_2, %add3A_10 : i32
    %dma_start3A = arith.constant 0 : i32
    %dma_start3A_12 = tpu.memref_slice %arg2[%add3A_11, %dma_start3A] : memref<320000x128xf32, #tpu.memory_space<hbm>> -> memref<80x128xf32, #tpu.memory_space<hbm>>
    %dma_start3A_13 = arith.constant 0 : i32
    %dma_start3A_14 = tpu.memref_slice %arg2[%add3A_11, %dma_start3A_13] : memref<320000x128xf32, #tpu.memory_space<hbm>> -> memref<80x128xf32, #tpu.memory_space<hbm>>
    tpu.enqueue_dma source(%dma_start3A_14 : memref<80x128xf32, #tpu.memory_space<hbm>>) target(%arg7 : memref<80x128xf32, #tpu.memory_space<vmem>>) target_semaphore(%arg10 : memref<!tpu.dma_semaphore, #tpu.memory_space<semaphore_mem>>)
    %scan3A = arith.constant 0 : i32
    %scan3A_15 = arith.constant 0 : i32
    %scan3A_16 = arith.constant 62 : i32
    %scan3A_17 = arith.addi %scan3A_15, %scan3A_16 : i32
    %scan3A_18 = arith.constant 1 : i32
    scf.for %scan3A_52 = %scan3A_15 to %scan3A_17 step %scan3A_18  : i32 {
      %mul3A_53 = arith.constant 2 : i32
      %mul3A_54 = arith.muli %mul3A_53, %scan3A_52 : i32
      %add3A_55 = arith.constant 0 : i32
      %add3A_56 = arith.addi %mul3A_54, %add3A_55 : i32
      %ge3A = arith.constant 1 : i32
      %ge3A_57 = arith.cmpi sge, %add3A_56, %ge3A : i32
      %convert_element_type3A_58 = arith.extui %ge3A_57 : i1 to i32
      %cond3A_59 = arith.constant 0 : i32
      %cond3A_60 = arith.cmpi ne, %convert_element_type3A_58, %cond3A_59 : i32
      scf.if %cond3A_60 {
        %dma_wait3A_103 = arith.constant 0 : i32
        %dma_wait3A_104 = arith.constant 0 : i32
        %dma_wait3A_105 = tpu.memref_slice %arg6[%dma_wait3A_103, %dma_wait3A_104] : memref<125x80xi32, #tpu.memory_space<vmem>> -> memref<1x80xi32, #tpu.memory_space<vmem>>
        %dma_wait3A_106 = tpu.memref_squeeze %dma_wait3A_105 : memref<1x80xi32, #tpu.memory_space<vmem>> -> memref<80xi32, #tpu.memory_space<vmem>>
        %dma_wait3A_107 = arith.constant 0 : i32
        %dma_wait3A_108 = arith.constant 0 : i32
        %dma_wait3A_109 = tpu.memref_slice %arg9[%dma_wait3A_107, %dma_wait3A_108] : memref<10000x128xf32, #tpu.memory_space<vmem_shared>> -> memref<10000x128xf32, #tpu.memory_space<vmem_shared>>
        tpu.wait_indirect_dma semaphore(%arg13 : memref<!tpu.dma_semaphore, #tpu.memory_space<semaphore_mem>>) src(%arg8 : memref<80x128xf32, #tpu.memory_space<vmem>>) dst(%dma_wait3A_109 : memref<10000x128xf32, #tpu.memory_space<vmem_shared>>)
      } else {
      }
      %add3A_61 = arith.constant 1 : i32
      %add3A_62 = arith.addi %add3A_56, %add3A_61 : i32
      %le3A = arith.constant 124 : i32
      %le3A_63 = arith.cmpi sle, %add3A_62, %le3A : i32
      %convert_element_type3A_64 = arith.extui %le3A_63 : i1 to i32
      %cond3A_65 = arith.constant 0 : i32
      %cond3A_66 = arith.cmpi ne, %convert_element_type3A_64, %cond3A_65 : i32
      scf.if %cond3A_66 {
        %add3A_103 = arith.constant 1 : i32
        %add3A_104 = arith.addi %add3A_56, %add3A_103 : i32
        %mul3A_105 = arith.constant 80 : i32
        %mul3A_106 = arith.muli %add3A_104, %mul3A_105 : i32
        %add3A_107 = arith.addi %mul3A_2, %mul3A_106 : i32
        %dma_start3A_108 = arith.constant 0 : i32
        %dma_start3A_109 = tpu.memref_slice %arg2[%add3A_107, %dma_start3A_108] : memref<320000x128xf32, #tpu.memory_space<hbm>> -> memref<80x128xf32, #tpu.memory_space<hbm>>
        %dma_start3A_110 = arith.constant 0 : i32
        %dma_start3A_111 = tpu.memref_slice %arg2[%add3A_107, %dma_start3A_110] : memref<320000x128xf32, #tpu.memory_space<hbm>> -> memref<80x128xf32, #tpu.memory_space<hbm>>
        tpu.enqueue_dma source(%dma_start3A_111 : memref<80x128xf32, #tpu.memory_space<hbm>>) target(%arg8 : memref<80x128xf32, #tpu.memory_space<vmem>>) target_semaphore(%arg11 : memref<!tpu.dma_semaphore, #tpu.memory_space<semaphore_mem>>)
      } else {
      }
      %dma_wait3A_67 = arith.constant 0 : i32
      %dma_wait3A_68 = tpu.memref_slice %arg2[%mul3A_2, %dma_wait3A_67] : memref<320000x128xf32, #tpu.memory_space<hbm>> -> memref<80x128xf32, #tpu.memory_space<hbm>>
      %dma_wait3A_69 = arith.constant 0 : i32
      %dma_wait3A_70 = tpu.memref_slice %arg2[%mul3A_2, %dma_wait3A_69] : memref<320000x128xf32, #tpu.memory_space<hbm>> -> memref<80x128xf32, #tpu.memory_space<hbm>>
      tpu.wait_dma2 semaphore(%arg10 : memref<!tpu.dma_semaphore, #tpu.memory_space<semaphore_mem>>) src(%dma_wait3A_70 : memref<80x128xf32, #tpu.memory_space<hbm>>) dst(%arg7 : memref<80x128xf32, #tpu.memory_space<vmem>>)
      %dma_start3A_71 = arith.constant 0 : i32
      %dma_start3A_72 = tpu.memref_slice %arg6[%add3A_56, %dma_start3A_71] : memref<125x80xi32, #tpu.memory_space<vmem>> -> memref<1x80xi32, #tpu.memory_space<vmem>>
      %dma_start3A_73 = tpu.memref_squeeze %dma_start3A_72 : memref<1x80xi32, #tpu.memory_space<vmem>> -> memref<80xi32, #tpu.memory_space<vmem>>
      %dma_start3A_74 = arith.constant 0 : i32
      %dma_start3A_75 = arith.constant 0 : i32
      %dma_start3A_76 = tpu.memref_slice %arg9[%dma_start3A_74, %dma_start3A_75] : memref<10000x128xf32, #tpu.memory_space<vmem_shared>> -> memref<10000x128xf32, #tpu.memory_space<vmem_shared>>
      tpu.enqueue_indirect_dma source(%arg7 : memref<80x128xf32, #tpu.memory_space<vmem>>) target(%dma_start3A_76 : memref<10000x128xf32, #tpu.memory_space<vmem_shared>>) offsets(%dma_start3A_73 : memref<80xi32, #tpu.memory_space<vmem>>) semaphore(%arg12 : memref<!tpu.dma_semaphore, #tpu.memory_space<semaphore_mem>>) {add = true}
      %mul3A_77 = arith.constant 2 : i32
      %mul3A_78 = arith.muli %mul3A_77, %scan3A_52 : i32
      %add3A_79 = arith.constant 1 : i32
      %add3A_80 = arith.addi %mul3A_78, %add3A_79 : i32
      %ge3A_81 = arith.constant 1 : i32
      %ge3A_82 = arith.cmpi sge, %add3A_80, %ge3A_81 : i32
      %convert_element_type3A_83 = arith.extui %ge3A_82 : i1 to i32
      %cond3A_84 = arith.constant 0 : i32
      %cond3A_85 = arith.cmpi ne, %convert_element_type3A_83, %cond3A_84 : i32
      scf.if %cond3A_85 {
        %dma_wait3A_103 = arith.constant 0 : i32
        %dma_wait3A_104 = arith.constant 0 : i32
        %dma_wait3A_105 = tpu.memref_slice %arg6[%dma_wait3A_103, %dma_wait3A_104] : memref<125x80xi32, #tpu.memory_space<vmem>> -> memref<1x80xi32, #tpu.memory_space<vmem>>
        %dma_wait3A_106 = tpu.memref_squeeze %dma_wait3A_105 : memref<1x80xi32, #tpu.memory_space<vmem>> -> memref<80xi32, #tpu.memory_space<vmem>>
        %dma_wait3A_107 = arith.constant 0 : i32
        %dma_wait3A_108 = arith.constant 0 : i32
        %dma_wait3A_109 = tpu.memref_slice %arg9[%dma_wait3A_107, %dma_wait3A_108] : memref<10000x128xf32, #tpu.memory_space<vmem_shared>> -> memref<10000x128xf32, #tpu.memory_space<vmem_shared>>
        tpu.wait_indirect_dma semaphore(%arg12 : memref<!tpu.dma_semaphore, #tpu.memory_space<semaphore_mem>>) src(%arg7 : memref<80x128xf32, #tpu.memory_space<vmem>>) dst(%dma_wait3A_109 : memref<10000x128xf32, #tpu.memory_space<vmem_shared>>)
      } else {
      }
      %add3A_86 = arith.constant 1 : i32
      %add3A_87 = arith.addi %add3A_80, %add3A_86 : i32
      %le3A_88 = arith.constant 124 : i32
      %le3A_89 = arith.cmpi sle, %add3A_87, %le3A_88 : i32
      %convert_element_type3A_90 = arith.extui %le3A_89 : i1 to i32
      %cond3A_91 = arith.constant 0 : i32
      %cond3A_92 = arith.cmpi ne, %convert_element_type3A_90, %cond3A_91 : i32
      scf.if %cond3A_92 {
        %add3A_103 = arith.constant 1 : i32
        %add3A_104 = arith.addi %add3A_80, %add3A_103 : i32
        %mul3A_105 = arith.constant 80 : i32
        %mul3A_106 = arith.muli %add3A_104, %mul3A_105 : i32
        %add3A_107 = arith.addi %mul3A_2, %mul3A_106 : i32
        %dma_start3A_108 = arith.constant 0 : i32
        %dma_start3A_109 = tpu.memref_slice %arg2[%add3A_107, %dma_start3A_108] : memref<320000x128xf32, #tpu.memory_space<hbm>> -> memref<80x128xf32, #tpu.memory_space<hbm>>
        %dma_start3A_110 = arith.constant 0 : i32
        %dma_start3A_111 = tpu.memref_slice %arg2[%add3A_107, %dma_start3A_110] : memref<320000x128xf32, #tpu.memory_space<hbm>> -> memref<80x128xf32, #tpu.memory_space<hbm>>
        tpu.enqueue_dma source(%dma_start3A_111 : memref<80x128xf32, #tpu.memory_space<hbm>>) target(%arg7 : memref<80x128xf32, #tpu.memory_space<vmem>>) target_semaphore(%arg10 : memref<!tpu.dma_semaphore, #tpu.memory_space<semaphore_mem>>)
      } else {
      }
      %dma_wait3A_93 = arith.constant 0 : i32
      %dma_wait3A_94 = tpu.memref_slice %arg2[%mul3A_2, %dma_wait3A_93] : memref<320000x128xf32, #tpu.memory_space<hbm>> -> memref<80x128xf32, #tpu.memory_space<hbm>>
      %dma_wait3A_95 = arith.constant 0 : i32
      %dma_wait3A_96 = tpu.memref_slice %arg2[%mul3A_2, %dma_wait3A_95] : memref<320000x128xf32, #tpu.memory_space<hbm>> -> memref<80x128xf32, #tpu.memory_space<hbm>>
      tpu.wait_dma2 semaphore(%arg11 : memref<!tpu.dma_semaphore, #tpu.memory_space<semaphore_mem>>) src(%dma_wait3A_96 : memref<80x128xf32, #tpu.memory_space<hbm>>) dst(%arg8 : memref<80x128xf32, #tpu.memory_space<vmem>>)
      %dma_start3A_97 = arith.constant 0 : i32
      %dma_start3A_98 = tpu.memref_slice %arg6[%add3A_80, %dma_start3A_97] : memref<125x80xi32, #tpu.memory_space<vmem>> -> memref<1x80xi32, #tpu.memory_space<vmem>>
      %dma_start3A_99 = tpu.memref_squeeze %dma_start3A_98 : memref<1x80xi32, #tpu.memory_space<vmem>> -> memref<80xi32, #tpu.memory_space<vmem>>
      %dma_start3A_100 = arith.constant 0 : i32
      %dma_start3A_101 = arith.constant 0 : i32
      %dma_start3A_102 = tpu.memref_slice %arg9[%dma_start3A_100, %dma_start3A_101] : memref<10000x128xf32, #tpu.memory_space<vmem_shared>> -> memref<10000x128xf32, #tpu.memory_space<vmem_shared>>
      tpu.enqueue_indirect_dma source(%arg8 : memref<80x128xf32, #tpu.memory_space<vmem>>) target(%dma_start3A_102 : memref<10000x128xf32, #tpu.memory_space<vmem_shared>>) offsets(%dma_start3A_99 : memref<80xi32, #tpu.memory_space<vmem>>) semaphore(%arg13 : memref<!tpu.dma_semaphore, #tpu.memory_space<semaphore_mem>>) {add = true}
    }
    %scan3A_19 = arith.constant 62 : i32
    %dma_wait3A = arith.constant 0 : i32
    %dma_wait3A_20 = arith.constant 0 : i32
    %dma_wait3A_21 = tpu.memref_slice %arg6[%dma_wait3A, %dma_wait3A_20] : memref<125x80xi32, #tpu.memory_space<vmem>> -> memref<1x80xi32, #tpu.memory_space<vmem>>
    %dma_wait3A_22 = tpu.memref_squeeze %dma_wait3A_21 : memref<1x80xi32, #tpu.memory_space<vmem>> -> memref<80xi32, #tpu.memory_space<vmem>>
    %dma_wait3A_23 = arith.constant 0 : i32
    %dma_wait3A_24 = arith.constant 0 : i32
    %dma_wait3A_25 = tpu.memref_slice %arg9[%dma_wait3A_23, %dma_wait3A_24] : memref<10000x128xf32, #tpu.memory_space<vmem_shared>> -> memref<10000x128xf32, #tpu.memory_space<vmem_shared>>
    tpu.wait_indirect_dma semaphore(%arg13 : memref<!tpu.dma_semaphore, #tpu.memory_space<semaphore_mem>>) src(%arg8 : memref<80x128xf32, #tpu.memory_space<vmem>>) dst(%dma_wait3A_25 : memref<10000x128xf32, #tpu.memory_space<vmem_shared>>)
    %dma_wait3A_26 = arith.constant 0 : i32
    %dma_wait3A_27 = tpu.memref_slice %arg2[%mul3A_2, %dma_wait3A_26] : memref<320000x128xf32, #tpu.memory_space<hbm>> -> memref<80x128xf32, #tpu.memory_space<hbm>>
    %dma_wait3A_28 = arith.constant 0 : i32
    %dma_wait3A_29 = tpu.memref_slice %arg2[%mul3A_2, %dma_wait3A_28] : memref<320000x128xf32, #tpu.memory_space<hbm>> -> memref<80x128xf32, #tpu.memory_space<hbm>>
    tpu.wait_dma2 semaphore(%arg10 : memref<!tpu.dma_semaphore, #tpu.memory_space<semaphore_mem>>) src(%dma_wait3A_29 : memref<80x128xf32, #tpu.memory_space<hbm>>) dst(%arg7 : memref<80x128xf32, #tpu.memory_space<vmem>>)
    %dma_start3A_30 = arith.constant 124 : i32
    %dma_start3A_31 = arith.constant 0 : i32
    %dma_start3A_32 = tpu.memref_slice %arg6[%dma_start3A_30, %dma_start3A_31] : memref<125x80xi32, #tpu.memory_space<vmem>> -> memref<1x80xi32, #tpu.memory_space<vmem>>
    %dma_start3A_33 = tpu.memref_squeeze %dma_start3A_32 : memref<1x80xi32, #tpu.memory_space<vmem>> -> memref<80xi32, #tpu.memory_space<vmem>>
    %dma_start3A_34 = arith.constant 0 : i32
    %dma_start3A_35 = arith.constant 0 : i32
    %dma_start3A_36 = tpu.memref_slice %arg9[%dma_start3A_34, %dma_start3A_35] : memref<10000x128xf32, #tpu.memory_space<vmem_shared>> -> memref<10000x128xf32, #tpu.memory_space<vmem_shared>>
    tpu.enqueue_indirect_dma source(%arg7 : memref<80x128xf32, #tpu.memory_space<vmem>>) target(%dma_start3A_36 : memref<10000x128xf32, #tpu.memory_space<vmem_shared>>) offsets(%dma_start3A_33 : memref<80xi32, #tpu.memory_space<vmem>>) semaphore(%arg12 : memref<!tpu.dma_semaphore, #tpu.memory_space<semaphore_mem>>) {add = true}
    %dma_wait3A_37 = arith.constant 0 : i32
    %dma_wait3A_38 = arith.constant 0 : i32
    %dma_wait3A_39 = tpu.memref_slice %arg6[%dma_wait3A_37, %dma_wait3A_38] : memref<125x80xi32, #tpu.memory_space<vmem>> -> memref<1x80xi32, #tpu.memory_space<vmem>>
    %dma_wait3A_40 = tpu.memref_squeeze %dma_wait3A_39 : memref<1x80xi32, #tpu.memory_space<vmem>> -> memref<80xi32, #tpu.memory_space<vmem>>
    %dma_wait3A_41 = arith.constant 0 : i32
    %dma_wait3A_42 = arith.constant 0 : i32
    %dma_wait3A_43 = tpu.memref_slice %arg9[%dma_wait3A_41, %dma_wait3A_42] : memref<10000x128xf32, #tpu.memory_space<vmem_shared>> -> memref<10000x128xf32, #tpu.memory_space<vmem_shared>>
    tpu.wait_indirect_dma semaphore(%arg12 : memref<!tpu.dma_semaphore, #tpu.memory_space<semaphore_mem>>) src(%arg7 : memref<80x128xf32, #tpu.memory_space<vmem>>) dst(%dma_wait3A_43 : memref<10000x128xf32, #tpu.memory_space<vmem_shared>>)
    %barrier3A_44 = arith.constant 0 : index
    tpu.barrier barrier_id(%barrier3A_44)
    %mul3A_45 = arith.constant 624 : i32
    %mul3A_46 = arith.muli %arg1, %mul3A_45 : i32
    "tpu.region"() ({
      %run_scoped3A = tpu.sem_alloc : memref<!tpu.dma_semaphore, #tpu.memory_space<semaphore_mem>>
      %dma_start3A_52 = arith.constant 0 : i32
      %dma_start3A_53 = arith.constant 0 : i32
      %dma_start3A_54 = tpu.memref_slice %arg5[%arg0, %dma_start3A_52, %dma_start3A_53] : memref<2x10000x128xf32, #tpu.memory_space<hbm>> -> memref<1x10000x128xf32, #tpu.memory_space<hbm>>
      %dma_start3A_55 = tpu.memref_squeeze %dma_start3A_54 : memref<1x10000x128xf32, #tpu.memory_space<hbm>> -> memref<10000x128xf32, #tpu.memory_space<hbm>>
      %dma_start3A_56 = arith.constant 0 : i32
      %dma_start3A_57 = tpu.memref_slice %dma_start3A_55[%mul3A_46, %dma_start3A_56] : memref<10000x128xf32, #tpu.memory_space<hbm>> -> memref<624x128xf32, #tpu.memory_space<hbm>>
      %dma_start3A_58 = arith.constant 0 : i32
      %dma_start3A_59 = tpu.memref_slice %arg9[%mul3A_46, %dma_start3A_58] : memref<10000x128xf32, #tpu.memory_space<vmem_shared>> -> memref<624x128xf32, #tpu.memory_space<vmem_shared>>
      tpu.enqueue_dma source(%dma_start3A_59 : memref<624x128xf32, #tpu.memory_space<vmem_shared>>) target(%dma_start3A_57 : memref<624x128xf32, #tpu.memory_space<hbm>>) target_semaphore(%run_scoped3A : memref<!tpu.dma_semaphore, #tpu.memory_space<semaphore_mem>>)
      %dma_wait3A_60 = arith.constant 0 : i32
      %dma_wait3A_61 = arith.constant 0 : i32
      %dma_wait3A_62 = tpu.memref_slice %arg5[%arg0, %dma_wait3A_60, %dma_wait3A_61] : memref<2x10000x128xf32, #tpu.memory_space<hbm>> -> memref<1x10000x128xf32, #tpu.memory_space<hbm>>
      %dma_wait3A_63 = tpu.memref_squeeze %dma_wait3A_62 : memref<1x10000x128xf32, #tpu.memory_space<hbm>> -> memref<10000x128xf32, #tpu.memory_space<hbm>>
      %dma_wait3A_64 = arith.constant 0 : i32
      %dma_wait3A_65 = tpu.memref_slice %dma_wait3A_63[%mul3A_46, %dma_wait3A_64] : memref<10000x128xf32, #tpu.memory_space<hbm>> -> memref<624x128xf32, #tpu.memory_space<hbm>>
      %dma_wait3A_66 = arith.constant 0 : i32
      %dma_wait3A_67 = tpu.memref_slice %arg9[%mul3A_46, %dma_wait3A_66] : memref<10000x128xf32, #tpu.memory_space<vmem_shared>> -> memref<624x128xf32, #tpu.memory_space<vmem_shared>>
      tpu.wait_dma2 semaphore(%run_scoped3A : memref<!tpu.dma_semaphore, #tpu.memory_space<semaphore_mem>>) src(%dma_wait3A_67 : memref<624x128xf32, #tpu.memory_space<vmem_shared>>) dst(%dma_wait3A_65 : memref<624x128xf32, #tpu.memory_space<hbm>>)
      tpu.yield
    }) : () -> ()
    %eq3A_47 = arith.constant 0 : i32
    %eq3A_48 = arith.cmpi eq, %arg1, %eq3A_47 : i32
    %convert_element_type3A_49 = arith.extui %eq3A_48 : i1 to i32
    %cond3A_50 = arith.constant 0 : i32
    %cond3A_51 = arith.cmpi ne, %convert_element_type3A_49, %cond3A_50 : i32
    scf.if %cond3A_51 {
      "tpu.region"() ({
        %run_scoped3A = tpu.sem_alloc : memref<!tpu.dma_semaphore, #tpu.memory_space<semaphore_mem>>
        %dma_start3A_52 = arith.constant 0 : i32
        %dma_start3A_53 = arith.constant 0 : i32
        %dma_start3A_54 = tpu.memref_slice %arg5[%arg0, %dma_start3A_52, %dma_start3A_53] : memref<2x10000x128xf32, #tpu.memory_space<hbm>> -> memref<1x10000x128xf32, #tpu.memory_space<hbm>>
        %dma_start3A_55 = tpu.memref_squeeze %dma_start3A_54 : memref<1x10000x128xf32, #tpu.memory_space<hbm>> -> memref<10000x128xf32, #tpu.memory_space<hbm>>
        %dma_start3A_56 = arith.constant 9984 : i32
        %dma_start3A_57 = arith.constant 0 : i32
        %dma_start3A_58 = tpu.memref_slice %dma_start3A_55[%dma_start3A_56, %dma_start3A_57] : memref<10000x128xf32, #tpu.memory_space<hbm>> -> memref<16x128xf32, #tpu.memory_space<hbm>>
        %dma_start3A_59 = arith.constant 9984 : i32
        %dma_start3A_60 = arith.constant 0 : i32
        %dma_start3A_61 = tpu.memref_slice %arg9[%dma_start3A_59, %dma_start3A_60] : memref<10000x128xf32, #tpu.memory_space<vmem_shared>> -> memref<16x128xf32, #tpu.memory_space<vmem_shared>>
        tpu.enqueue_dma source(%dma_start3A_61 : memref<16x128xf32, #tpu.memory_space<vmem_shared>>) target(%dma_start3A_58 : memref<16x128xf32, #tpu.memory_space<hbm>>) target_semaphore(%run_scoped3A : memref<!tpu.dma_semaphore, #tpu.memory_space<semaphore_mem>>)
        %dma_wait3A_62 = arith.constant 0 : i32
        %dma_wait3A_63 = arith.constant 0 : i32
        %dma_wait3A_64 = tpu.memref_slice %arg5[%arg0, %dma_wait3A_62, %dma_wait3A_63] : memref<2x10000x128xf32, #tpu.memory_space<hbm>> -> memref<1x10000x128xf32, #tpu.memory_space<hbm>>
        %dma_wait3A_65 = tpu.memref_squeeze %dma_wait3A_64 : memref<1x10000x128xf32, #tpu.memory_space<hbm>> -> memref<10000x128xf32, #tpu.memory_space<hbm>>
        %dma_wait3A_66 = arith.constant 9984 : i32
        %dma_wait3A_67 = arith.constant 0 : i32
        %dma_wait3A_68 = tpu.memref_slice %dma_wait3A_65[%dma_wait3A_66, %dma_wait3A_67] : memref<10000x128xf32, #tpu.memory_space<hbm>> -> memref<16x128xf32, #tpu.memory_space<hbm>>
        %dma_wait3A_69 = arith.constant 9984 : i32
        %dma_wait3A_70 = arith.constant 0 : i32
        %dma_wait3A_71 = tpu.memref_slice %arg9[%dma_wait3A_69, %dma_wait3A_70] : memref<10000x128xf32, #tpu.memory_space<vmem_shared>> -> memref<16x128xf32, #tpu.memory_space<vmem_shared>>
        tpu.wait_dma2 semaphore(%run_scoped3A : memref<!tpu.dma_semaphore, #tpu.memory_space<semaphore_mem>>) src(%dma_wait3A_71 : memref<16x128xf32, #tpu.memory_space<vmem_shared>>) dst(%dma_wait3A_68 : memref<16x128xf32, #tpu.memory_space<hbm>>)
        tpu.yield
      }) : () -> ()
    } else {
    }
    return
  }
}

#map = affine_map<(d0, d1) -> (0, 0)>
module attributes {stable_mosaic.version = 14 : i64} {
  func.func @_gather_body(%arg0: i32, %arg1: i32, %arg2: memref<10000x128xf32, #tpu.memory_space<hbm>>, %arg3: memref<10000x128xf32, #tpu.memory_space<hbm>>, %arg4: memref<32x10000xi32, #tpu.memory_space<hbm>>, %arg5: memref<32x10000xi32, #tpu.memory_space<hbm>>, %arg6: memref<320000x64xi32, #tpu.memory_space<hbm>>, %arg7: memref<10000xi32, #tpu.memory_space<vmem>>, %arg8: memref<10000xi32, #tpu.memory_space<vmem>>, %arg9: memref<80x128xf32, #tpu.memory_space<vmem>>, %arg10: memref<80x128xf32, #tpu.memory_space<vmem>>, %arg11: memref<80x128xf32, #tpu.memory_space<vmem>>, %arg12: memref<80x128xf32, #tpu.memory_space<vmem>>, %arg13: memref<80x128xf32, #tpu.memory_space<vmem>>, %arg14: memref<80x128xf32, #tpu.memory_space<vmem>>, %arg15: memref<80x128xf32, #tpu.memory_space<vmem>>, %arg16: memref<80x128xf32, #tpu.memory_space<vmem>>, %arg17: memref<80x64xi32, #tpu.memory_space<vmem>>, %arg18: memref<80x64xi32, #tpu.memory_space<vmem>>, %arg19: memref<!tpu.dma_semaphore, #tpu.memory_space<semaphore_mem>>, %arg20: memref<!tpu.dma_semaphore, #tpu.memory_space<semaphore_mem>>, %arg21: memref<!tpu.dma_semaphore, #tpu.memory_space<semaphore_mem>>, %arg22: memref<!tpu.dma_semaphore, #tpu.memory_space<semaphore_mem>>, %arg23: memref<!tpu.dma_semaphore, #tpu.memory_space<semaphore_mem>>, %arg24: memref<!tpu.dma_semaphore, #tpu.memory_space<semaphore_mem>>) attributes {dimension_semantics = [#tpu.dimension_semantics<core_parallel>, #tpu.dimension_semantics<subcore_parallel>], iteration_bounds = array<i64: 2, 16>, scalar_prefetch = 0 : i64, scratch_operands = 18 : i64, tpu.core_type = #tpu.core_type<sc_vector_subcore>, window_params = [{transform_indices = #map}, {transform_indices = #map}, {transform_indices = #map}, {transform_indices = #map}, {transform_indices = #map}]} {
    %mul3A = arith.constant 16 : i32
    %mul3A_0 = arith.muli %arg0, %mul3A : i32
    %add3A = arith.addi %mul3A_0, %arg1 : i32
    %mul3A_1 = arith.constant 10000 : i32
    %mul3A_2 = arith.muli %add3A, %mul3A_1 : i32
    "tpu.region"() ({
      %run_scoped3A = tpu.sem_alloc : memref<!tpu.dma_semaphore, #tpu.memory_space<semaphore_mem>>
      %dma_start3A_86 = arith.constant 0 : i32
      %dma_start3A_87 = tpu.memref_slice %arg4[%add3A, %dma_start3A_86] : memref<32x10000xi32, #tpu.memory_space<hbm>> -> memref<1x10000xi32, #tpu.memory_space<hbm>>
      %dma_start3A_88 = tpu.memref_squeeze %dma_start3A_87 : memref<1x10000xi32, #tpu.memory_space<hbm>> -> memref<10000xi32, #tpu.memory_space<hbm>>
      %dma_start3A_89 = arith.constant 0 : i32
      %dma_start3A_90 = tpu.memref_slice %arg4[%add3A, %dma_start3A_89] : memref<32x10000xi32, #tpu.memory_space<hbm>> -> memref<1x10000xi32, #tpu.memory_space<hbm>>
      %dma_start3A_91 = tpu.memref_squeeze %dma_start3A_90 : memref<1x10000xi32, #tpu.memory_space<hbm>> -> memref<10000xi32, #tpu.memory_space<hbm>>
      tpu.enqueue_dma source(%dma_start3A_91 : memref<10000xi32, #tpu.memory_space<hbm>>) target(%arg7 : memref<10000xi32, #tpu.memory_space<vmem>>) target_semaphore(%run_scoped3A : memref<!tpu.dma_semaphore, #tpu.memory_space<semaphore_mem>>)
      %dma_wait3A_92 = arith.constant 0 : i32
      %dma_wait3A_93 = tpu.memref_slice %arg4[%add3A, %dma_wait3A_92] : memref<32x10000xi32, #tpu.memory_space<hbm>> -> memref<1x10000xi32, #tpu.memory_space<hbm>>
      %dma_wait3A_94 = tpu.memref_squeeze %dma_wait3A_93 : memref<1x10000xi32, #tpu.memory_space<hbm>> -> memref<10000xi32, #tpu.memory_space<hbm>>
      %dma_wait3A_95 = arith.constant 0 : i32
      %dma_wait3A_96 = tpu.memref_slice %arg4[%add3A, %dma_wait3A_95] : memref<32x10000xi32, #tpu.memory_space<hbm>> -> memref<1x10000xi32, #tpu.memory_space<hbm>>
      %dma_wait3A_97 = tpu.memref_squeeze %dma_wait3A_96 : memref<1x10000xi32, #tpu.memory_space<hbm>> -> memref<10000xi32, #tpu.memory_space<hbm>>
      tpu.wait_dma2 semaphore(%run_scoped3A : memref<!tpu.dma_semaphore, #tpu.memory_space<semaphore_mem>>) src(%dma_wait3A_97 : memref<10000xi32, #tpu.memory_space<hbm>>) dst(%arg7 : memref<10000xi32, #tpu.memory_space<vmem>>)
      tpu.yield
    }) : () -> ()
    "tpu.region"() ({
      %run_scoped3A = tpu.sem_alloc : memref<!tpu.dma_semaphore, #tpu.memory_space<semaphore_mem>>
      %dma_start3A_86 = arith.constant 0 : i32
      %dma_start3A_87 = tpu.memref_slice %arg5[%add3A, %dma_start3A_86] : memref<32x10000xi32, #tpu.memory_space<hbm>> -> memref<1x10000xi32, #tpu.memory_space<hbm>>
      %dma_start3A_88 = tpu.memref_squeeze %dma_start3A_87 : memref<1x10000xi32, #tpu.memory_space<hbm>> -> memref<10000xi32, #tpu.memory_space<hbm>>
      %dma_start3A_89 = arith.constant 0 : i32
      %dma_start3A_90 = tpu.memref_slice %arg5[%add3A, %dma_start3A_89] : memref<32x10000xi32, #tpu.memory_space<hbm>> -> memref<1x10000xi32, #tpu.memory_space<hbm>>
      %dma_start3A_91 = tpu.memref_squeeze %dma_start3A_90 : memref<1x10000xi32, #tpu.memory_space<hbm>> -> memref<10000xi32, #tpu.memory_space<hbm>>
      tpu.enqueue_dma source(%dma_start3A_91 : memref<10000xi32, #tpu.memory_space<hbm>>) target(%arg8 : memref<10000xi32, #tpu.memory_space<vmem>>) target_semaphore(%run_scoped3A : memref<!tpu.dma_semaphore, #tpu.memory_space<semaphore_mem>>)
      %dma_wait3A_92 = arith.constant 0 : i32
      %dma_wait3A_93 = tpu.memref_slice %arg5[%add3A, %dma_wait3A_92] : memref<32x10000xi32, #tpu.memory_space<hbm>> -> memref<1x10000xi32, #tpu.memory_space<hbm>>
      %dma_wait3A_94 = tpu.memref_squeeze %dma_wait3A_93 : memref<1x10000xi32, #tpu.memory_space<hbm>> -> memref<10000xi32, #tpu.memory_space<hbm>>
      %dma_wait3A_95 = arith.constant 0 : i32
      %dma_wait3A_96 = tpu.memref_slice %arg5[%add3A, %dma_wait3A_95] : memref<32x10000xi32, #tpu.memory_space<hbm>> -> memref<1x10000xi32, #tpu.memory_space<hbm>>
      %dma_wait3A_97 = tpu.memref_squeeze %dma_wait3A_96 : memref<1x10000xi32, #tpu.memory_space<hbm>> -> memref<10000xi32, #tpu.memory_space<hbm>>
      tpu.wait_dma2 semaphore(%run_scoped3A : memref<!tpu.dma_semaphore, #tpu.memory_space<semaphore_mem>>) src(%dma_wait3A_97 : memref<10000xi32, #tpu.memory_space<hbm>>) dst(%arg8 : memref<10000xi32, #tpu.memory_space<vmem>>)
      tpu.yield
    }) : () -> ()
    %dma_start3A = arith.constant 0 : i32
    %dma_start3A_3 = tpu.memref_slice %arg7[%dma_start3A] : memref<10000xi32, #tpu.memory_space<vmem>> -> memref<80xi32, #tpu.memory_space<vmem>>
    %dma_start3A_4 = arith.constant 0 : i32
    %dma_start3A_5 = arith.constant 0 : i32
    %dma_start3A_6 = tpu.memref_slice %arg2[%dma_start3A_4, %dma_start3A_5] : memref<10000x128xf32, #tpu.memory_space<hbm>> -> memref<10000x128xf32, #tpu.memory_space<hbm>>
    tpu.enqueue_indirect_dma source(%dma_start3A_6 : memref<10000x128xf32, #tpu.memory_space<hbm>>) target(%arg9 : memref<80x128xf32, #tpu.memory_space<vmem>>) offsets(%dma_start3A_3 : memref<80xi32, #tpu.memory_space<vmem>>) semaphore(%arg19 : memref<!tpu.dma_semaphore, #tpu.memory_space<semaphore_mem>>)
    %dma_start3A_7 = arith.constant 0 : i32
    %dma_start3A_8 = tpu.memref_slice %arg8[%dma_start3A_7] : memref<10000xi32, #tpu.memory_space<vmem>> -> memref<80xi32, #tpu.memory_space<vmem>>
    %dma_start3A_9 = arith.constant 0 : i32
    %dma_start3A_10 = arith.constant 0 : i32
    %dma_start3A_11 = tpu.memref_slice %arg3[%dma_start3A_9, %dma_start3A_10] : memref<10000x128xf32, #tpu.memory_space<hbm>> -> memref<10000x128xf32, #tpu.memory_space<hbm>>
    tpu.enqueue_indirect_dma source(%dma_start3A_11 : memref<10000x128xf32, #tpu.memory_space<hbm>>) target(%arg13 : memref<80x128xf32, #tpu.memory_space<vmem>>) offsets(%dma_start3A_8 : memref<80xi32, #tpu.memory_space<vmem>>) semaphore(%arg19 : memref<!tpu.dma_semaphore, #tpu.memory_space<semaphore_mem>>)
    %dma_start3A_12 = arith.constant 80 : i32
    %dma_start3A_13 = tpu.memref_slice %arg7[%dma_start3A_12] : memref<10000xi32, #tpu.memory_space<vmem>> -> memref<80xi32, #tpu.memory_space<vmem>>
    %dma_start3A_14 = arith.constant 0 : i32
    %dma_start3A_15 = arith.constant 0 : i32
    %dma_start3A_16 = tpu.memref_slice %arg2[%dma_start3A_14, %dma_start3A_15] : memref<10000x128xf32, #tpu.memory_space<hbm>> -> memref<10000x128xf32, #tpu.memory_space<hbm>>
    tpu.enqueue_indirect_dma source(%dma_start3A_16 : memref<10000x128xf32, #tpu.memory_space<hbm>>) target(%arg10 : memref<80x128xf32, #tpu.memory_space<vmem>>) offsets(%dma_start3A_13 : memref<80xi32, #tpu.memory_space<vmem>>) semaphore(%arg20 : memref<!tpu.dma_semaphore, #tpu.memory_space<semaphore_mem>>)
    %dma_start3A_17 = arith.constant 80 : i32
    %dma_start3A_18 = tpu.memref_slice %arg8[%dma_start3A_17] : memref<10000xi32, #tpu.memory_space<vmem>> -> memref<80xi32, #tpu.memory_space<vmem>>
    %dma_start3A_19 = arith.constant 0 : i32
    %dma_start3A_20 = arith.constant 0 : i32
    %dma_start3A_21 = tpu.memref_slice %arg3[%dma_start3A_19, %dma_start3A_20] : memref<10000x128xf32, #tpu.memory_space<hbm>> -> memref<10000x128xf32, #tpu.memory_space<hbm>>
    tpu.enqueue_indirect_dma source(%dma_start3A_21 : memref<10000x128xf32, #tpu.memory_space<hbm>>) target(%arg14 : memref<80x128xf32, #tpu.memory_space<vmem>>) offsets(%dma_start3A_18 : memref<80xi32, #tpu.memory_space<vmem>>) semaphore(%arg20 : memref<!tpu.dma_semaphore, #tpu.memory_space<semaphore_mem>>)
    %dma_start3A_22 = arith.constant 160 : i32
    %dma_start3A_23 = tpu.memref_slice %arg7[%dma_start3A_22] : memref<10000xi32, #tpu.memory_space<vmem>> -> memref<80xi32, #tpu.memory_space<vmem>>
    %dma_start3A_24 = arith.constant 0 : i32
    %dma_start3A_25 = arith.constant 0 : i32
    %dma_start3A_26 = tpu.memref_slice %arg2[%dma_start3A_24, %dma_start3A_25] : memref<10000x128xf32, #tpu.memory_space<hbm>> -> memref<10000x128xf32, #tpu.memory_space<hbm>>
    tpu.enqueue_indirect_dma source(%dma_start3A_26 : memref<10000x128xf32, #tpu.memory_space<hbm>>) target(%arg11 : memref<80x128xf32, #tpu.memory_space<vmem>>) offsets(%dma_start3A_23 : memref<80xi32, #tpu.memory_space<vmem>>) semaphore(%arg21 : memref<!tpu.dma_semaphore, #tpu.memory_space<semaphore_mem>>)
    %dma_start3A_27 = arith.constant 160 : i32
    %dma_start3A_28 = tpu.memref_slice %arg8[%dma_start3A_27] : memref<10000xi32, #tpu.memory_space<vmem>> -> memref<80xi32, #tpu.memory_space<vmem>>
    %dma_start3A_29 = arith.constant 0 : i32
    %dma_start3A_30 = arith.constant 0 : i32
    %dma_start3A_31 = tpu.memref_slice %arg3[%dma_start3A_29, %dma_start3A_30] : memref<10000x128xf32, #tpu.memory_space<hbm>> -> memref<10000x128xf32, #tpu.memory_space<hbm>>
    tpu.enqueue_indirect_dma source(%dma_start3A_31 : memref<10000x128xf32, #tpu.memory_space<hbm>>) target(%arg15 : memref<80x128xf32, #tpu.memory_space<vmem>>) offsets(%dma_start3A_28 : memref<80xi32, #tpu.memory_space<vmem>>) semaphore(%arg21 : memref<!tpu.dma_semaphore, #tpu.memory_space<semaphore_mem>>)
    %dma_start3A_32 = arith.constant 240 : i32
    %dma_start3A_33 = tpu.memref_slice %arg7[%dma_start3A_32] : memref<10000xi32, #tpu.memory_space<vmem>> -> memref<80xi32, #tpu.memory_space<vmem>>
    %dma_start3A_34 = arith.constant 0 : i32
    %dma_start3A_35 = arith.constant 0 : i32
    %dma_start3A_36 = tpu.memref_slice %arg2[%dma_start3A_34, %dma_start3A_35] : memref<10000x128xf32, #tpu.memory_space<hbm>> -> memref<10000x128xf32, #tpu.memory_space<hbm>>
    tpu.enqueue_indirect_dma source(%dma_start3A_36 : memref<10000x128xf32, #tpu.memory_space<hbm>>) target(%arg12 : memref<80x128xf32, #tpu.memory_space<vmem>>) offsets(%dma_start3A_33 : memref<80xi32, #tpu.memory_space<vmem>>) semaphore(%arg22 : memref<!tpu.dma_semaphore, #tpu.memory_space<semaphore_mem>>)
    %dma_start3A_37 = arith.constant 240 : i32
    %dma_start3A_38 = tpu.memref_slice %arg8[%dma_start3A_37] : memref<10000xi32, #tpu.memory_space<vmem>> -> memref<80xi32, #tpu.memory_space<vmem>>
    %dma_start3A_39 = arith.constant 0 : i32
    %dma_start3A_40 = arith.constant 0 : i32
    %dma_start3A_41 = tpu.memref_slice %arg3[%dma_start3A_39, %dma_start3A_40] : memref<10000x128xf32, #tpu.memory_space<hbm>> -> memref<10000x128xf32, #tpu.memory_space<hbm>>
    tpu.enqueue_indirect_dma source(%dma_start3A_41 : memref<10000x128xf32, #tpu.memory_space<hbm>>) target(%arg16 : memref<80x128xf32, #tpu.memory_space<vmem>>) offsets(%dma_start3A_38 : memref<80xi32, #tpu.memory_space<vmem>>) semaphore(%arg22 : memref<!tpu.dma_semaphore, #tpu.memory_space<semaphore_mem>>)
    %scan3A = arith.constant 0 : i32
    %scan3A_42 = arith.constant 32768 : i32
    %scan3A_43 = arith.constant -65536 : i32
    %scan3A_44 = arith.constant 0 : i32
    %scan3A_45 = arith.constant 31 : i32
    %scan3A_46 = arith.addi %scan3A_44, %scan3A_45 : i32
    %scan3A_47 = arith.constant 1 : i32
    scf.for %scan3A_86 = %scan3A_44 to %scan3A_46 step %scan3A_47  : i32 {
      %mul3A_87 = arith.constant 4 : i32
      %mul3A_88 = arith.muli %mul3A_87, %scan3A_86 : i32
      %add3A_89 = arith.constant 0 : i32
      %add3A_90 = arith.addi %mul3A_88, %add3A_89 : i32
      %dma_wait3A_91 = arith.constant 0 : i32
      %dma_wait3A_92 = arith.constant 0 : i32
      %dma_wait3A_93 = tpu.memref_slice %arg2[%dma_wait3A_91, %dma_wait3A_92] : memref<10000x128xf32, #tpu.memory_space<hbm>> -> memref<80x128xf32, #tpu.memory_space<hbm>>
      %dma_wait3A_94 = arith.constant 0 : i32
      %dma_wait3A_95 = arith.constant 0 : i32
      %dma_wait3A_96 = tpu.memref_slice %arg2[%dma_wait3A_94, %dma_wait3A_95] : memref<10000x128xf32, #tpu.memory_space<hbm>> -> memref<80x128xf32, #tpu.memory_space<hbm>>
      tpu.wait_dma2 semaphore(%arg19 : memref<!tpu.dma_semaphore, #tpu.memory_space<semaphore_mem>>) src(%dma_wait3A_96 : memref<80x128xf32, #tpu.memory_space<hbm>>) dst(%arg9 : memref<80x128xf32, #tpu.memory_space<vmem>>)
      %dma_wait3A_97 = arith.constant 0 : i32
      %dma_wait3A_98 = arith.constant 0 : i32
      %dma_wait3A_99 = tpu.memref_slice %arg3[%dma_wait3A_97, %dma_wait3A_98] : memref<10000x128xf32, #tpu.memory_space<hbm>> -> memref<80x128xf32, #tpu.memory_space<hbm>>
      %dma_wait3A_100 = arith.constant 0 : i32
      %dma_wait3A_101 = arith.constant 0 : i32
      %dma_wait3A_102 = tpu.memref_slice %arg3[%dma_wait3A_100, %dma_wait3A_101] : memref<10000x128xf32, #tpu.memory_space<hbm>> -> memref<80x128xf32, #tpu.memory_space<hbm>>
      tpu.wait_dma2 semaphore(%arg19 : memref<!tpu.dma_semaphore, #tpu.memory_space<semaphore_mem>>) src(%dma_wait3A_102 : memref<80x128xf32, #tpu.memory_space<hbm>>) dst(%arg13 : memref<80x128xf32, #tpu.memory_space<vmem>>)
      %ge3A = arith.constant 2 : i32
      %ge3A_103 = arith.cmpi sge, %add3A_90, %ge3A : i32
      %convert_element_type3A = arith.extui %ge3A_103 : i1 to i32
      %cond3A = arith.constant 0 : i32
      %cond3A_104 = arith.cmpi ne, %convert_element_type3A, %cond3A : i32
      scf.if %cond3A_104 {
        %dma_wait3A_247 = arith.constant 0 : i32
        %dma_wait3A_248 = tpu.memref_slice %arg6[%mul3A_2, %dma_wait3A_247] : memref<320000x64xi32, #tpu.memory_space<hbm>> -> memref<80x64xi32, #tpu.memory_space<hbm>>
        %dma_wait3A_249 = arith.constant 0 : i32
        %dma_wait3A_250 = tpu.memref_slice %arg6[%mul3A_2, %dma_wait3A_249] : memref<320000x64xi32, #tpu.memory_space<hbm>> -> memref<80x64xi32, #tpu.memory_space<hbm>>
        tpu.wait_dma2 semaphore(%arg23 : memref<!tpu.dma_semaphore, #tpu.memory_space<semaphore_mem>>) src(%arg17 : memref<80x64xi32, #tpu.memory_space<vmem>>) dst(%dma_wait3A_250 : memref<80x64xi32, #tpu.memory_space<hbm>>)
      } else {
      }
      %scan3A_105 = arith.constant 0 : i32
      %scan3A_106 = arith.constant 0 : i32
      %scan3A_107 = arith.constant 80 : i32
      %scan3A_108 = arith.addi %scan3A_106, %scan3A_107 : i32
      %scan3A_109 = arith.constant 4 : i32
      scf.for %scan3A_247 = %scan3A_106 to %scan3A_108 step %scan3A_109  : i32 {
        %get3A = arith.index_cast %scan3A_247 : i32 to index
        %get3A_248 = arith.constant 0 : index
        %get3A_249 = tpu.vector_load %arg9[%get3A, %get3A_248] {strides = array<i32>} : memref<80x128xf32, #tpu.memory_space<vmem>>, vector<1x16xf32>,
        %get3A_250 = vector.shape_cast %get3A_249 : vector<1x16xf32> to vector<16xf32>
        %get3A_251 = arith.index_cast %scan3A_247 : i32 to index
        %get3A_252 = arith.constant 0 : index
        %get3A_253 = tpu.vector_load %arg13[%get3A_251, %get3A_252] {strides = array<i32>} : memref<80x128xf32, #tpu.memory_space<vmem>>, vector<1x16xf32>,
        %get3A_254 = vector.shape_cast %get3A_253 : vector<1x16xf32> to vector<16xf32>
        %add3A_255 = arith.addf %get3A_250, %get3A_254 : vector<16xf32>
        %get3A_256 = arith.index_cast %scan3A_247 : i32 to index
        %get3A_257 = arith.constant 16 : index
        %get3A_258 = tpu.vector_load %arg9[%get3A_256, %get3A_257] {strides = array<i32>} : memref<80x128xf32, #tpu.memory_space<vmem>>, vector<1x16xf32>,
        %get3A_259 = vector.shape_cast %get3A_258 : vector<1x16xf32> to vector<16xf32>
        %get3A_260 = arith.index_cast %scan3A_247 : i32 to index
        %get3A_261 = arith.constant 16 : index
        %get3A_262 = tpu.vector_load %arg13[%get3A_260, %get3A_261] {strides = array<i32>} : memref<80x128xf32, #tpu.memory_space<vmem>>, vector<1x16xf32>,
        %get3A_263 = vector.shape_cast %get3A_262 : vector<1x16xf32> to vector<16xf32>
        %add3A_264 = arith.addf %get3A_259, %get3A_263 : vector<16xf32>
        %bitcast_convert_type3A = tpu.bitcast %add3A_255 : vector<16xf32> -> vector<16xi32>
        %add3A_265 = vector.broadcast %scan3A_42 : i32 to vector<16xi32>
        %add3A_266 = arith.addi %bitcast_convert_type3A, %add3A_265 : vector<16xi32>
        %bitcast_convert_type3A_267 = tpu.bitcast %add3A_264 : vector<16xf32> -> vector<16xi32>
        %add3A_268 = vector.broadcast %scan3A_42 : i32 to vector<16xi32>
        %add3A_269 = arith.addi %bitcast_convert_type3A_267, %add3A_268 : vector<16xi32>
        %shift_right_logical3A = arith.constant 16 : i32
        %shift_right_logical3A_270 = vector.broadcast %shift_right_logical3A : i32 to vector<16xi32>
        %shift_right_logical3A_271 = arith.shrui %add3A_266, %shift_right_logical3A_270 : vector<16xi32>
        %and3A = vector.broadcast %scan3A_43 : i32 to vector<16xi32>
        %and3A_272 = arith.andi %add3A_269, %and3A : vector<16xi32>
        %or3A = arith.ori %shift_right_logical3A_271, %and3A_272 : vector<16xi32>
        %swap3A = arith.index_cast %scan3A_247 : i32 to index
        %swap3A_273 = arith.constant 0 : index
        %swap3A_274 = tpu.vector_load %arg17[%swap3A, %swap3A_273] {strides = array<i32>} : memref<80x64xi32, #tpu.memory_space<vmem>>, vector<1x16xi32>,
        %swap3A_275 = vector.shape_cast %swap3A_274 : vector<1x16xi32> to vector<16xi32>
        %swap3A_276 = vector.shape_cast %or3A : vector<16xi32> to vector<1x16xi32>
        tpu.vector_store %arg17[%swap3A, %swap3A_273], %swap3A_276 {strides = array<i32>} : memref<80x64xi32, #tpu.memory_space<vmem>>, vector<1x16xi32>,
        %get3A_277 = arith.index_cast %scan3A_247 : i32 to index
        %get3A_278 = arith.constant 32 : index
        %get3A_279 = tpu.vector_load %arg9[%get3A_277, %get3A_278] {strides = array<i32>} : memref<80x128xf32, #tpu.memory_space<vmem>>, vector<1x16xf32>,
        %get3A_280 = vector.shape_cast %get3A_279 : vector<1x16xf32> to vector<16xf32>
        %get3A_281 = arith.index_cast %scan3A_247 : i32 to index
        %get3A_282 = arith.constant 32 : index
        %get3A_283 = tpu.vector_load %arg13[%get3A_281, %get3A_282] {strides = array<i32>} : memref<80x128xf32, #tpu.memory_space<vmem>>, vector<1x16xf32>,
        %get3A_284 = vector.shape_cast %get3A_283 : vector<1x16xf32> to vector<16xf32>
        %add3A_285 = arith.addf %get3A_280, %get3A_284 : vector<16xf32>
        %get3A_286 = arith.index_cast %scan3A_247 : i32 to index
        %get3A_287 = arith.constant 48 : index
        %get3A_288 = tpu.vector_load %arg9[%get3A_286, %get3A_287] {strides = array<i32>} : memref<80x128xf32, #tpu.memory_space<vmem>>, vector<1x16xf32>,
        %get3A_289 = vector.shape_cast %get3A_288 : vector<1x16xf32> to vector<16xf32>
        %get3A_290 = arith.index_cast %scan3A_247 : i32 to index
        %get3A_291 = arith.constant 48 : index
        %get3A_292 = tpu.vector_load %arg13[%get3A_290, %get3A_291] {strides = array<i32>} : memref<80x128xf32, #tpu.memory_space<vmem>>, vector<1x16xf32>,
        %get3A_293 = vector.shape_cast %get3A_292 : vector<1x16xf32> to vector<16xf32>
        %add3A_294 = arith.addf %get3A_289, %get3A_293 : vector<16xf32>
        %bitcast_convert_type3A_295 = tpu.bitcast %add3A_285 : vector<16xf32> -> vector<16xi32>
        %add3A_296 = vector.broadcast %scan3A_42 : i32 to vector<16xi32>
        %add3A_297 = arith.addi %bitcast_convert_type3A_295, %add3A_296 : vector<16xi32>
        %bitcast_convert_type3A_298 = tpu.bitcast %add3A_294 : vector<16xf32> -> vector<16xi32>
        %add3A_299 = vector.broadcast %scan3A_42 : i32 to vector<16xi32>
        %add3A_300 = arith.addi %bitcast_convert_type3A_298, %add3A_299 : vector<16xi32>
        %shift_right_logical3A_301 = arith.constant 16 : i32
        %shift_right_logical3A_302 = vector.broadcast %shift_right_logical3A_301 : i32 to vector<16xi32>
        %shift_right_logical3A_303 = arith.shrui %add3A_297, %shift_right_logical3A_302 : vector<16xi32>
        %and3A_304 = vector.broadcast %scan3A_43 : i32 to vector<16xi32>
        %and3A_305 = arith.andi %add3A_300, %and3A_304 : vector<16xi32>
        %or3A_306 = arith.ori %shift_right_logical3A_303, %and3A_305 : vector<16xi32>
        %swap3A_307 = arith.index_cast %scan3A_247 : i32 to index
        %swap3A_308 = arith.constant 16 : index
        %swap3A_309 = tpu.vector_load %arg17[%swap3A_307, %swap3A_308] {strides = array<i32>} : memref<80x64xi32, #tpu.memory_space<vmem>>, vector<1x16xi32>,
        %swap3A_310 = vector.shape_cast %swap3A_309 : vector<1x16xi32> to vector<16xi32>
        %swap3A_311 = vector.shape_cast %or3A_306 : vector<16xi32> to vector<1x16xi32>
        tpu.vector_store %arg17[%swap3A_307, %swap3A_308], %swap3A_311 {strides = array<i32>} : memref<80x64xi32, #tpu.memory_space<vmem>>, vector<1x16xi32>,
        %get3A_312 = arith.index_cast %scan3A_247 : i32 to index
        %get3A_313 = arith.constant 64 : index
        %get3A_314 = tpu.vector_load %arg9[%get3A_312, %get3A_313] {strides = array<i32>} : memref<80x128xf32, #tpu.memory_space<vmem>>, vector<1x16xf32>,
        %get3A_315 = vector.shape_cast %get3A_314 : vector<1x16xf32> to vector<16xf32>
        %get3A_316 = arith.index_cast %scan3A_247 : i32 to index
        %get3A_317 = arith.constant 64 : index
        %get3A_318 = tpu.vector_load %arg13[%get3A_316, %get3A_317] {strides = array<i32>} : memref<80x128xf32, #tpu.memory_space<vmem>>, vector<1x16xf32>,
        %get3A_319 = vector.shape_cast %get3A_318 : vector<1x16xf32> to vector<16xf32>
        %add3A_320 = arith.addf %get3A_315, %get3A_319 : vector<16xf32>
        %get3A_321 = arith.index_cast %scan3A_247 : i32 to index
        %get3A_322 = arith.constant 80 : index
        %get3A_323 = tpu.vector_load %arg9[%get3A_321, %get3A_322] {strides = array<i32>} : memref<80x128xf32, #tpu.memory_space<vmem>>, vector<1x16xf32>,
        %get3A_324 = vector.shape_cast %get3A_323 : vector<1x16xf32> to vector<16xf32>
        %get3A_325 = arith.index_cast %scan3A_247 : i32 to index
        %get3A_326 = arith.constant 80 : index
        %get3A_327 = tpu.vector_load %arg13[%get3A_325, %get3A_326] {strides = array<i32>} : memref<80x128xf32, #tpu.memory_space<vmem>>, vector<1x16xf32>,
        %get3A_328 = vector.shape_cast %get3A_327 : vector<1x16xf32> to vector<16xf32>
        %add3A_329 = arith.addf %get3A_324, %get3A_328 : vector<16xf32>
        %bitcast_convert_type3A_330 = tpu.bitcast %add3A_320 : vector<16xf32> -> vector<16xi32>
        %add3A_331 = vector.broadcast %scan3A_42 : i32 to vector<16xi32>
        %add3A_332 = arith.addi %bitcast_convert_type3A_330, %add3A_331 : vector<16xi32>
        %bitcast_convert_type3A_333 = tpu.bitcast %add3A_329 : vector<16xf32> -> vector<16xi32>
        %add3A_334 = vector.broadcast %scan3A_42 : i32 to vector<16xi32>
        %add3A_335 = arith.addi %bitcast_convert_type3A_333, %add3A_334 : vector<16xi32>
        %shift_right_logical3A_336 = arith.constant 16 : i32
        %shift_right_logical3A_337 = vector.broadcast %shift_right_logical3A_336 : i32 to vector<16xi32>
        %shift_right_logical3A_338 = arith.shrui %add3A_332, %shift_right_logical3A_337 : vector<16xi32>
        %and3A_339 = vector.broadcast %scan3A_43 : i32 to vector<16xi32>
        %and3A_340 = arith.andi %add3A_335, %and3A_339 : vector<16xi32>
        %or3A_341 = arith.ori %shift_right_logical3A_338, %and3A_340 : vector<16xi32>
        %swap3A_342 = arith.index_cast %scan3A_247 : i32 to index
        %swap3A_343 = arith.constant 32 : index
        %swap3A_344 = tpu.vector_load %arg17[%swap3A_342, %swap3A_343] {strides = array<i32>} : memref<80x64xi32, #tpu.memory_space<vmem>>, vector<1x16xi32>,
        %swap3A_345 = vector.shape_cast %swap3A_344 : vector<1x16xi32> to vector<16xi32>
        %swap3A_346 = vector.shape_cast %or3A_341 : vector<16xi32> to vector<1x16xi32>
        tpu.vector_store %arg17[%swap3A_342, %swap3A_343], %swap3A_346 {strides = array<i32>} : memref<80x64xi32, #tpu.memory_space<vmem>>, vector<1x16xi32>,
        %get3A_347 = arith.index_cast %scan3A_247 : i32 to index
        %get3A_348 = arith.constant 96 : index
        %get3A_349 = tpu.vector_load %arg9[%get3A_347, %get3A_348] {strides = array<i32>} : memref<80x128xf32, #tpu.memory_space<vmem>>, vector<1x16xf32>,
        %get3A_350 = vector.shape_cast %get3A_349 : vector<1x16xf32> to vector<16xf32>
        %get3A_351 = arith.index_cast %scan3A_247 : i32 to index
        %get3A_352 = arith.constant 96 : index
        %get3A_353 = tpu.vector_load %arg13[%get3A_351, %get3A_352] {strides = array<i32>} : memref<80x128xf32, #tpu.memory_space<vmem>>, vector<1x16xf32>,
        %get3A_354 = vector.shape_cast %get3A_353 : vector<1x16xf32> to vector<16xf32>
        %add3A_355 = arith.addf %get3A_350, %get3A_354 : vector<16xf32>
        %get3A_356 = arith.index_cast %scan3A_247 : i32 to index
        %get3A_357 = arith.constant 112 : index
        %get3A_358 = tpu.vector_load %arg9[%get3A_356, %get3A_357] {strides = array<i32>} : memref<80x128xf32, #tpu.memory_space<vmem>>, vector<1x16xf32>,
        %get3A_359 = vector.shape_cast %get3A_358 : vector<1x16xf32> to vector<16xf32>
        %get3A_360 = arith.index_cast %scan3A_247 : i32 to index
        %get3A_361 = arith.constant 112 : index
        %get3A_362 = tpu.vector_load %arg13[%get3A_360, %get3A_361] {strides = array<i32>} : memref<80x128xf32, #tpu.memory_space<vmem>>, vector<1x16xf32>,
        %get3A_363 = vector.shape_cast %get3A_362 : vector<1x16xf32> to vector<16xf32>
        %add3A_364 = arith.addf %get3A_359, %get3A_363 : vector<16xf32>
        %bitcast_convert_type3A_365 = tpu.bitcast %add3A_355 : vector<16xf32> -> vector<16xi32>
        %add3A_366 = vector.broadcast %scan3A_42 : i32 to vector<16xi32>
        %add3A_367 = arith.addi %bitcast_convert_type3A_365, %add3A_366 : vector<16xi32>
        %bitcast_convert_type3A_368 = tpu.bitcast %add3A_364 : vector<16xf32> -> vector<16xi32>
        %add3A_369 = vector.broadcast %scan3A_42 : i32 to vector<16xi32>
        %add3A_370 = arith.addi %bitcast_convert_type3A_368, %add3A_369 : vector<16xi32>
        %shift_right_logical3A_371 = arith.constant 16 : i32
        %shift_right_logical3A_372 = vector.broadcast %shift_right_logical3A_371 : i32 to vector<16xi32>
        %shift_right_logical3A_373 = arith.shrui %add3A_367, %shift_right_logical3A_372 : vector<16xi32>
        %and3A_374 = vector.broadcast %scan3A_43 : i32 to vector<16xi32>
        %and3A_375 = arith.andi %add3A_370, %and3A_374 : vector<16xi32>
        %or3A_376 = arith.ori %shift_right_logical3A_373, %and3A_375 : vector<16xi32>
        %swap3A_377 = arith.index_cast %scan3A_247 : i32 to index
        %swap3A_378 = arith.constant 48 : index
        %swap3A_379 = tpu.vector_load %arg17[%swap3A_377, %swap3A_378] {strides = array<i32>} : memref<80x64xi32, #tpu.memory_space<vmem>>, vector<1x16xi32>,
        %swap3A_380 = vector.shape_cast %swap3A_379 : vector<1x16xi32> to vector<16xi32>
        %swap3A_381 = vector.shape_cast %or3A_376 : vector<16xi32> to vector<1x16xi32>
        tpu.vector_store %arg17[%swap3A_377, %swap3A_378], %swap3A_381 {strides = array<i32>} : memref<80x64xi32, #tpu.memory_space<vmem>>, vector<1x16xi32>,
        %scan3A_382 = arith.constant 1 : i32
        %scan3A_383 = arith.addi %scan3A_247, %scan3A_382 : i32
        %get3A_384 = arith.index_cast %scan3A_383 : i32 to index
        %get3A_385 = arith.constant 0 : index
        %get3A_386 = tpu.vector_load %arg9[%get3A_384, %get3A_385] {strides = array<i32>} : memref<80x128xf32, #tpu.memory_space<vmem>>, vector<1x16xf32>,
        %get3A_387 = vector.shape_cast %get3A_386 : vector<1x16xf32> to vector<16xf32>
        %get3A_388 = arith.index_cast %scan3A_383 : i32 to index
        %get3A_389 = arith.constant 0 : index
        %get3A_390 = tpu.vector_load %arg13[%get3A_388, %get3A_389] {strides = array<i32>} : memref<80x128xf32, #tpu.memory_space<vmem>>, vector<1x16xf32>,
        %get3A_391 = vector.shape_cast %get3A_390 : vector<1x16xf32> to vector<16xf32>
        %add3A_392 = arith.addf %get3A_387, %get3A_391 : vector<16xf32>
        %get3A_393 = arith.index_cast %scan3A_383 : i32 to index
        %get3A_394 = arith.constant 16 : index
        %get3A_395 = tpu.vector_load %arg9[%get3A_393, %get3A_394] {strides = array<i32>} : memref<80x128xf32, #tpu.memory_space<vmem>>, vector<1x16xf32>,
        %get3A_396 = vector.shape_cast %get3A_395 : vector<1x16xf32> to vector<16xf32>
        %get3A_397 = arith.index_cast %scan3A_383 : i32 to index
        %get3A_398 = arith.constant 16 : index
        %get3A_399 = tpu.vector_load %arg13[%get3A_397, %get3A_398] {strides = array<i32>} : memref<80x128xf32, #tpu.memory_space<vmem>>, vector<1x16xf32>,
        %get3A_400 = vector.shape_cast %get3A_399 : vector<1x16xf32> to vector<16xf32>
        %add3A_401 = arith.addf %get3A_396, %get3A_400 : vector<16xf32>
        %bitcast_convert_type3A_402 = tpu.bitcast %add3A_392 : vector<16xf32> -> vector<16xi32>
        %add3A_403 = vector.broadcast %scan3A_42 : i32 to vector<16xi32>
        %add3A_404 = arith.addi %bitcast_convert_type3A_402, %add3A_403 : vector<16xi32>
        %bitcast_convert_type3A_405 = tpu.bitcast %add3A_401 : vector<16xf32> -> vector<16xi32>
        %add3A_406 = vector.broadcast %scan3A_42 : i32 to vector<16xi32>
        %add3A_407 = arith.addi %bitcast_convert_type3A_405, %add3A_406 : vector<16xi32>
        %shift_right_logical3A_408 = arith.constant 16 : i32
        %shift_right_logical3A_409 = vector.broadcast %shift_right_logical3A_408 : i32 to vector<16xi32>
        %shift_right_logical3A_410 = arith.shrui %add3A_404, %shift_right_logical3A_409 : vector<16xi32>
        %and3A_411 = vector.broadcast %scan3A_43 : i32 to vector<16xi32>
        %and3A_412 = arith.andi %add3A_407, %and3A_411 : vector<16xi32>
        %or3A_413 = arith.ori %shift_right_logical3A_410, %and3A_412 : vector<16xi32>
        %swap3A_414 = arith.index_cast %scan3A_383 : i32 to index
        %swap3A_415 = arith.constant 0 : index
        %swap3A_416 = tpu.vector_load %arg17[%swap3A_414, %swap3A_415] {strides = array<i32>} : memref<80x64xi32, #tpu.memory_space<vmem>>, vector<1x16xi32>,
        %swap3A_417 = vector.shape_cast %swap3A_416 : vector<1x16xi32> to vector<16xi32>
        %swap3A_418 = vector.shape_cast %or3A_413 : vector<16xi32> to vector<1x16xi32>
        tpu.vector_store %arg17[%swap3A_414, %swap3A_415], %swap3A_418 {strides = array<i32>} : memref<80x64xi32, #tpu.memory_space<vmem>>, vector<1x16xi32>,
        %get3A_419 = arith.index_cast %scan3A_383 : i32 to index
        %get3A_420 = arith.constant 32 : index
        %get3A_421 = tpu.vector_load %arg9[%get3A_419, %get3A_420] {strides = array<i32>} : memref<80x128xf32, #tpu.memory_space<vmem>>, vector<1x16xf32>,
        %get3A_422 = vector.shape_cast %get3A_421 : vector<1x16xf32> to vector<16xf32>
        %get3A_423 = arith.index_cast %scan3A_383 : i32 to index
        %get3A_424 = arith.constant 32 : index
        %get3A_425 = tpu.vector_load %arg13[%get3A_423, %get3A_424] {strides = array<i32>} : memref<80x128xf32, #tpu.memory_space<vmem>>, vector<1x16xf32>,
        %get3A_426 = vector.shape_cast %get3A_425 : vector<1x16xf32> to vector<16xf32>
        %add3A_427 = arith.addf %get3A_422, %get3A_426 : vector<16xf32>
        %get3A_428 = arith.index_cast %scan3A_383 : i32 to index
        %get3A_429 = arith.constant 48 : index
        %get3A_430 = tpu.vector_load %arg9[%get3A_428, %get3A_429] {strides = array<i32>} : memref<80x128xf32, #tpu.memory_space<vmem>>, vector<1x16xf32>,
        %get3A_431 = vector.shape_cast %get3A_430 : vector<1x16xf32> to vector<16xf32>
        %get3A_432 = arith.index_cast %scan3A_383 : i32 to index
        %get3A_433 = arith.constant 48 : index
        %get3A_434 = tpu.vector_load %arg13[%get3A_432, %get3A_433] {strides = array<i32>} : memref<80x128xf32, #tpu.memory_space<vmem>>, vector<1x16xf32>,
        %get3A_435 = vector.shape_cast %get3A_434 : vector<1x16xf32> to vector<16xf32>
        %add3A_436 = arith.addf %get3A_431, %get3A_435 : vector<16xf32>
        %bitcast_convert_type3A_437 = tpu.bitcast %add3A_427 : vector<16xf32> -> vector<16xi32>
        %add3A_438 = vector.broadcast %scan3A_42 : i32 to vector<16xi32>
        %add3A_439 = arith.addi %bitcast_convert_type3A_437, %add3A_438 : vector<16xi32>
        %bitcast_convert_type3A_440 = tpu.bitcast %add3A_436 : vector<16xf32> -> vector<16xi32>
        %add3A_441 = vector.broadcast %scan3A_42 : i32 to vector<16xi32>
        %add3A_442 = arith.addi %bitcast_convert_type3A_440, %add3A_441 : vector<16xi32>
        %shift_right_logical3A_443 = arith.constant 16 : i32
        %shift_right_logical3A_444 = vector.broadcast %shift_right_logical3A_443 : i32 to vector<16xi32>
        %shift_right_logical3A_445 = arith.shrui %add3A_439, %shift_right_logical3A_444 : vector<16xi32>
        %and3A_446 = vector.broadcast %scan3A_43 : i32 to vector<16xi32>
        %and3A_447 = arith.andi %add3A_442, %and3A_446 : vector<16xi32>
        %or3A_448 = arith.ori %shift_right_logical3A_445, %and3A_447 : vector<16xi32>
        %swap3A_449 = arith.index_cast %scan3A_383 : i32 to index
        %swap3A_450 = arith.constant 16 : index
        %swap3A_451 = tpu.vector_load %arg17[%swap3A_449, %swap3A_450] {strides = array<i32>} : memref<80x64xi32, #tpu.memory_space<vmem>>, vector<1x16xi32>,
        %swap3A_452 = vector.shape_cast %swap3A_451 : vector<1x16xi32> to vector<16xi32>
        %swap3A_453 = vector.shape_cast %or3A_448 : vector<16xi32> to vector<1x16xi32>
        tpu.vector_store %arg17[%swap3A_449, %swap3A_450], %swap3A_453 {strides = array<i32>} : memref<80x64xi32, #tpu.memory_space<vmem>>, vector<1x16xi32>,
        %get3A_454 = arith.index_cast %scan3A_383 : i32 to index
        %get3A_455 = arith.constant 64 : index
        %get3A_456 = tpu.vector_load %arg9[%get3A_454, %get3A_455] {strides = array<i32>} : memref<80x128xf32, #tpu.memory_space<vmem>>, vector<1x16xf32>,
        %get3A_457 = vector.shape_cast %get3A_456 : vector<1x16xf32> to vector<16xf32>
        %get3A_458 = arith.index_cast %scan3A_383 : i32 to index
        %get3A_459 = arith.constant 64 : index
        %get3A_460 = tpu.vector_load %arg13[%get3A_458, %get3A_459] {strides = array<i32>} : memref<80x128xf32, #tpu.memory_space<vmem>>, vector<1x16xf32>,
        %get3A_461 = vector.shape_cast %get3A_460 : vector<1x16xf32> to vector<16xf32>
        %add3A_462 = arith.addf %get3A_457, %get3A_461 : vector<16xf32>
        %get3A_463 = arith.index_cast %scan3A_383 : i32 to index
        %get3A_464 = arith.constant 80 : index
        %get3A_465 = tpu.vector_load %arg9[%get3A_463, %get3A_464] {strides = array<i32>} : memref<80x128xf32, #tpu.memory_space<vmem>>, vector<1x16xf32>,
        %get3A_466 = vector.shape_cast %get3A_465 : vector<1x16xf32> to vector<16xf32>
        %get3A_467 = arith.index_cast %scan3A_383 : i32 to index
        %get3A_468 = arith.constant 80 : index
        %get3A_469 = tpu.vector_load %arg13[%get3A_467, %get3A_468] {strides = array<i32>} : memref<80x128xf32, #tpu.memory_space<vmem>>, vector<1x16xf32>,
        %get3A_470 = vector.shape_cast %get3A_469 : vector<1x16xf32> to vector<16xf32>
        %add3A_471 = arith.addf %get3A_466, %get3A_470 : vector<16xf32>
        %bitcast_convert_type3A_472 = tpu.bitcast %add3A_462 : vector<16xf32> -> vector<16xi32>
        %add3A_473 = vector.broadcast %scan3A_42 : i32 to vector<16xi32>
        %add3A_474 = arith.addi %bitcast_convert_type3A_472, %add3A_473 : vector<16xi32>
        %bitcast_convert_type3A_475 = tpu.bitcast %add3A_471 : vector<16xf32> -> vector<16xi32>
        %add3A_476 = vector.broadcast %scan3A_42 : i32 to vector<16xi32>
        %add3A_477 = arith.addi %bitcast_convert_type3A_475, %add3A_476 : vector<16xi32>
        %shift_right_logical3A_478 = arith.constant 16 : i32
        %shift_right_logical3A_479 = vector.broadcast %shift_right_logical3A_478 : i32 to vector<16xi32>
        %shift_right_logical3A_480 = arith.shrui %add3A_474, %shift_right_logical3A_479 : vector<16xi32>
        %and3A_481 = vector.broadcast %scan3A_43 : i32 to vector<16xi32>
        %and3A_482 = arith.andi %add3A_477, %and3A_481 : vector<16xi32>
        %or3A_483 = arith.ori %shift_right_logical3A_480, %and3A_482 : vector<16xi32>
        %swap3A_484 = arith.index_cast %scan3A_383 : i32 to index
        %swap3A_485 = arith.constant 32 : index
        %swap3A_486 = tpu.vector_load %arg17[%swap3A_484, %swap3A_485] {strides = array<i32>} : memref<80x64xi32, #tpu.memory_space<vmem>>, vector<1x16xi32>,
        %swap3A_487 = vector.shape_cast %swap3A_486 : vector<1x16xi32> to vector<16xi32>
        %swap3A_488 = vector.shape_cast %or3A_483 : vector<16xi32> to vector<1x16xi32>
        tpu.vector_store %arg17[%swap3A_484, %swap3A_485], %swap3A_488 {strides = array<i32>} : memref<80x64xi32, #tpu.memory_space<vmem>>, vector<1x16xi32>,
        %get3A_489 = arith.index_cast %scan3A_383 : i32 to index
        %get3A_490 = arith.constant 96 : index
        %get3A_491 = tpu.vector_load %arg9[%get3A_489, %get3A_490] {strides = array<i32>} : memref<80x128xf32, #tpu.memory_space<vmem>>, vector<1x16xf32>,
        %get3A_492 = vector.shape_cast %get3A_491 : vector<1x16xf32> to vector<16xf32>
        %get3A_493 = arith.index_cast %scan3A_383 : i32 to index
        %get3A_494 = arith.constant 96 : index
        %get3A_495 = tpu.vector_load %arg13[%get3A_493, %get3A_494] {strides = array<i32>} : memref<80x128xf32, #tpu.memory_space<vmem>>, vector<1x16xf32>,
        %get3A_496 = vector.shape_cast %get3A_495 : vector<1x16xf32> to vector<16xf32>
        %add3A_497 = arith.addf %get3A_492, %get3A_496 : vector<16xf32>
        %get3A_498 = arith.index_cast %scan3A_383 : i32 to index
        %get3A_499 = arith.constant 112 : index
        %get3A_500 = tpu.vector_load %arg9[%get3A_498, %get3A_499] {strides = array<i32>} : memref<80x128xf32, #tpu.memory_space<vmem>>, vector<1x16xf32>,
        %get3A_501 = vector.shape_cast %get3A_500 : vector<1x16xf32> to vector<16xf32>
        %get3A_502 = arith.index_cast %scan3A_383 : i32 to index
        %get3A_503 = arith.constant 112 : index
        %get3A_504 = tpu.vector_load %arg13[%get3A_502, %get3A_503] {strides = array<i32>} : memref<80x128xf32, #tpu.memory_space<vmem>>, vector<1x16xf32>,
        %get3A_505 = vector.shape_cast %get3A_504 : vector<1x16xf32> to vector<16xf32>
        %add3A_506 = arith.addf %get3A_501, %get3A_505 : vector<16xf32>
        %bitcast_convert_type3A_507 = tpu.bitcast %add3A_497 : vector<16xf32> -> vector<16xi32>
        %add3A_508 = vector.broadcast %scan3A_42 : i32 to vector<16xi32>
        %add3A_509 = arith.addi %bitcast_convert_type3A_507, %add3A_508 : vector<16xi32>
        %bitcast_convert_type3A_510 = tpu.bitcast %add3A_506 : vector<16xf32> -> vector<16xi32>
        %add3A_511 = vector.broadcast %scan3A_42 : i32 to vector<16xi32>
        %add3A_512 = arith.addi %bitcast_convert_type3A_510, %add3A_511 : vector<16xi32>
        %shift_right_logical3A_513 = arith.constant 16 : i32
        %shift_right_logical3A_514 = vector.broadcast %shift_right_logical3A_513 : i32 to vector<16xi32>
        %shift_right_logical3A_515 = arith.shrui %add3A_509, %shift_right_logical3A_514 : vector<16xi32>
        %and3A_516 = vector.broadcast %scan3A_43 : i32 to vector<16xi32>
        %and3A_517 = arith.andi %add3A_512, %and3A_516 : vector<16xi32>
        %or3A_518 = arith.ori %shift_right_logical3A_515, %and3A_517 : vector<16xi32>
        %swap3A_519 = arith.index_cast %scan3A_383 : i32 to index
        %swap3A_520 = arith.constant 48 : index
        %swap3A_521 = tpu.vector_load %arg17[%swap3A_519, %swap3A_520] {strides = array<i32>} : memref<80x64xi32, #tpu.memory_space<vmem>>, vector<1x16xi32>,
        %swap3A_522 = vector.shape_cast %swap3A_521 : vector<1x16xi32> to vector<16xi32>
        %swap3A_523 = vector.shape_cast %or3A_518 : vector<16xi32> to vector<1x16xi32>
        tpu.vector_store %arg17[%swap3A_519, %swap3A_520], %swap3A_523 {strides = array<i32>} : memref<80x64xi32, #tpu.memory_space<vmem>>, vector<1x16xi32>,
        %scan3A_524 = arith.constant 2 : i32
        %scan3A_525 = arith.addi %scan3A_247, %scan3A_524 : i32
        %get3A_526 = arith.index_cast %scan3A_525 : i32 to index
        %get3A_527 = arith.constant 0 : index
        %get3A_528 = tpu.vector_load %arg9[%get3A_526, %get3A_527] {strides = array<i32>} : memref<80x128xf32, #tpu.memory_space<vmem>>, vector<1x16xf32>,
        %get3A_529 = vector.shape_cast %get3A_528 : vector<1x16xf32> to vector<16xf32>
        %get3A_530 = arith.index_cast %scan3A_525 : i32 to index
        %get3A_531 = arith.constant 0 : index
        %get3A_532 = tpu.vector_load %arg13[%get3A_530, %get3A_531] {strides = array<i32>} : memref<80x128xf32, #tpu.memory_space<vmem>>, vector<1x16xf32>,
        %get3A_533 = vector.shape_cast %get3A_532 : vector<1x16xf32> to vector<16xf32>
        %add3A_534 = arith.addf %get3A_529, %get3A_533 : vector<16xf32>
        %get3A_535 = arith.index_cast %scan3A_525 : i32 to index
        %get3A_536 = arith.constant 16 : index
        %get3A_537 = tpu.vector_load %arg9[%get3A_535, %get3A_536] {strides = array<i32>} : memref<80x128xf32, #tpu.memory_space<vmem>>, vector<1x16xf32>,
        %get3A_538 = vector.shape_cast %get3A_537 : vector<1x16xf32> to vector<16xf32>
        %get3A_539 = arith.index_cast %scan3A_525 : i32 to index
        %get3A_540 = arith.constant 16 : index
        %get3A_541 = tpu.vector_load %arg13[%get3A_539, %get3A_540] {strides = array<i32>} : memref<80x128xf32, #tpu.memory_space<vmem>>, vector<1x16xf32>,
        %get3A_542 = vector.shape_cast %get3A_541 : vector<1x16xf32> to vector<16xf32>
        %add3A_543 = arith.addf %get3A_538, %get3A_542 : vector<16xf32>
        %bitcast_convert_type3A_544 = tpu.bitcast %add3A_534 : vector<16xf32> -> vector<16xi32>
        %add3A_545 = vector.broadcast %scan3A_42 : i32 to vector<16xi32>
        %add3A_546 = arith.addi %bitcast_convert_type3A_544, %add3A_545 : vector<16xi32>
        %bitcast_convert_type3A_547 = tpu.bitcast %add3A_543 : vector<16xf32> -> vector<16xi32>
        %add3A_548 = vector.broadcast %scan3A_42 : i32 to vector<16xi32>
        %add3A_549 = arith.addi %bitcast_convert_type3A_547, %add3A_548 : vector<16xi32>
        %shift_right_logical3A_550 = arith.constant 16 : i32
        %shift_right_logical3A_551 = vector.broadcast %shift_right_logical3A_550 : i32 to vector<16xi32>
        %shift_right_logical3A_552 = arith.shrui %add3A_546, %shift_right_logical3A_551 : vector<16xi32>
        %and3A_553 = vector.broadcast %scan3A_43 : i32 to vector<16xi32>
        %and3A_554 = arith.andi %add3A_549, %and3A_553 : vector<16xi32>
        %or3A_555 = arith.ori %shift_right_logical3A_552, %and3A_554 : vector<16xi32>
        %swap3A_556 = arith.index_cast %scan3A_525 : i32 to index
        %swap3A_557 = arith.constant 0 : index
        %swap3A_558 = tpu.vector_load %arg17[%swap3A_556, %swap3A_557] {strides = array<i32>} : memref<80x64xi32, #tpu.memory_space<vmem>>, vector<1x16xi32>,
        %swap3A_559 = vector.shape_cast %swap3A_558 : vector<1x16xi32> to vector<16xi32>
        %swap3A_560 = vector.shape_cast %or3A_555 : vector<16xi32> to vector<1x16xi32>
        tpu.vector_store %arg17[%swap3A_556, %swap3A_557], %swap3A_560 {strides = array<i32>} : memref<80x64xi32, #tpu.memory_space<vmem>>, vector<1x16xi32>,
        %get3A_561 = arith.index_cast %scan3A_525 : i32 to index
        %get3A_562 = arith.constant 32 : index
        %get3A_563 = tpu.vector_load %arg9[%get3A_561, %get3A_562] {strides = array<i32>} : memref<80x128xf32, #tpu.memory_space<vmem>>, vector<1x16xf32>,
        %get3A_564 = vector.shape_cast %get3A_563 : vector<1x16xf32> to vector<16xf32>
        %get3A_565 = arith.index_cast %scan3A_525 : i32 to index
        %get3A_566 = arith.constant 32 : index
        %get3A_567 = tpu.vector_load %arg13[%get3A_565, %get3A_566] {strides = array<i32>} : memref<80x128xf32, #tpu.memory_space<vmem>>, vector<1x16xf32>,
        %get3A_568 = vector.shape_cast %get3A_567 : vector<1x16xf32> to vector<16xf32>
        %add3A_569 = arith.addf %get3A_564, %get3A_568 : vector<16xf32>
        %get3A_570 = arith.index_cast %scan3A_525 : i32 to index
        %get3A_571 = arith.constant 48 : index
        %get3A_572 = tpu.vector_load %arg9[%get3A_570, %get3A_571] {strides = array<i32>} : memref<80x128xf32, #tpu.memory_space<vmem>>, vector<1x16xf32>,
        %get3A_573 = vector.shape_cast %get3A_572 : vector<1x16xf32> to vector<16xf32>
        %get3A_574 = arith.index_cast %scan3A_525 : i32 to index
        %get3A_575 = arith.constant 48 : index
        %get3A_576 = tpu.vector_load %arg13[%get3A_574, %get3A_575] {strides = array<i32>} : memref<80x128xf32, #tpu.memory_space<vmem>>, vector<1x16xf32>,
        %get3A_577 = vector.shape_cast %get3A_576 : vector<1x16xf32> to vector<16xf32>
        %add3A_578 = arith.addf %get3A_573, %get3A_577 : vector<16xf32>
        %bitcast_convert_type3A_579 = tpu.bitcast %add3A_569 : vector<16xf32> -> vector<16xi32>
        %add3A_580 = vector.broadcast %scan3A_42 : i32 to vector<16xi32>
        %add3A_581 = arith.addi %bitcast_convert_type3A_579, %add3A_580 : vector<16xi32>
        %bitcast_convert_type3A_582 = tpu.bitcast %add3A_578 : vector<16xf32> -> vector<16xi32>
        %add3A_583 = vector.broadcast %scan3A_42 : i32 to vector<16xi32>
        %add3A_584 = arith.addi %bitcast_convert_type3A_582, %add3A_583 : vector<16xi32>
        %shift_right_logical3A_585 = arith.constant 16 : i32
        %shift_right_logical3A_586 = vector.broadcast %shift_right_logical3A_585 : i32 to vector<16xi32>
        %shift_right_logical3A_587 = arith.shrui %add3A_581, %shift_right_logical3A_586 : vector<16xi32>
        %and3A_588 = vector.broadcast %scan3A_43 : i32 to vector<16xi32>
        %and3A_589 = arith.andi %add3A_584, %and3A_588 : vector<16xi32>
        %or3A_590 = arith.ori %shift_right_logical3A_587, %and3A_589 : vector<16xi32>
        %swap3A_591 = arith.index_cast %scan3A_525 : i32 to index
        %swap3A_592 = arith.constant 16 : index
        %swap3A_593 = tpu.vector_load %arg17[%swap3A_591, %swap3A_592] {strides = array<i32>} : memref<80x64xi32, #tpu.memory_space<vmem>>, vector<1x16xi32>,
        %swap3A_594 = vector.shape_cast %swap3A_593 : vector<1x16xi32> to vector<16xi32>
        %swap3A_595 = vector.shape_cast %or3A_590 : vector<16xi32> to vector<1x16xi32>
        tpu.vector_store %arg17[%swap3A_591, %swap3A_592], %swap3A_595 {strides = array<i32>} : memref<80x64xi32, #tpu.memory_space<vmem>>, vector<1x16xi32>,
        %get3A_596 = arith.index_cast %scan3A_525 : i32 to index
        %get3A_597 = arith.constant 64 : index
        %get3A_598 = tpu.vector_load %arg9[%get3A_596, %get3A_597] {strides = array<i32>} : memref<80x128xf32, #tpu.memory_space<vmem>>, vector<1x16xf32>,
        %get3A_599 = vector.shape_cast %get3A_598 : vector<1x16xf32> to vector<16xf32>
        %get3A_600 = arith.index_cast %scan3A_525 : i32 to index
        %get3A_601 = arith.constant 64 : index
        %get3A_602 = tpu.vector_load %arg13[%get3A_600, %get3A_601] {strides = array<i32>} : memref<80x128xf32, #tpu.memory_space<vmem>>, vector<1x16xf32>,
        %get3A_603 = vector.shape_cast %get3A_602 : vector<1x16xf32> to vector<16xf32>
        %add3A_604 = arith.addf %get3A_599, %get3A_603 : vector<16xf32>
        %get3A_605 = arith.index_cast %scan3A_525 : i32 to index
        %get3A_606 = arith.constant 80 : index
        %get3A_607 = tpu.vector_load %arg9[%get3A_605, %get3A_606] {strides = array<i32>} : memref<80x128xf32, #tpu.memory_space<vmem>>, vector<1x16xf32>,
        %get3A_608 = vector.shape_cast %get3A_607 : vector<1x16xf32> to vector<16xf32>
        %get3A_609 = arith.index_cast %scan3A_525 : i32 to index
        %get3A_610 = arith.constant 80 : index
        %get3A_611 = tpu.vector_load %arg13[%get3A_609, %get3A_610] {strides = array<i32>} : memref<80x128xf32, #tpu.memory_space<vmem>>, vector<1x16xf32>,
        %get3A_612 = vector.shape_cast %get3A_611 : vector<1x16xf32> to vector<16xf32>
        %add3A_613 = arith.addf %get3A_608, %get3A_612 : vector<16xf32>
        %bitcast_convert_type3A_614 = tpu.bitcast %add3A_604 : vector<16xf32> -> vector<16xi32>
        %add3A_615 = vector.broadcast %scan3A_42 : i32 to vector<16xi32>
        %add3A_616 = arith.addi %bitcast_convert_type3A_614, %add3A_615 : vector<16xi32>
        %bitcast_convert_type3A_617 = tpu.bitcast %add3A_613 : vector<16xf32> -> vector<16xi32>
        %add3A_618 = vector.broadcast %scan3A_42 : i32 to vector<16xi32>
        %add3A_619 = arith.addi %bitcast_convert_type3A_617, %add3A_618 : vector<16xi32>
        %shift_right_logical3A_620 = arith.constant 16 : i32
        %shift_right_logical3A_621 = vector.broadcast %shift_right_logical3A_620 : i32 to vector<16xi32>
        %shift_right_logical3A_622 = arith.shrui %add3A_616, %shift_right_logical3A_621 : vector<16xi32>
        %and3A_623 = vector.broadcast %scan3A_43 : i32 to vector<16xi32>
        %and3A_624 = arith.andi %add3A_619, %and3A_623 : vector<16xi32>
        %or3A_625 = arith.ori %shift_right_logical3A_622, %and3A_624 : vector<16xi32>
        %swap3A_626 = arith.index_cast %scan3A_525 : i32 to index
        %swap3A_627 = arith.constant 32 : index
        %swap3A_628 = tpu.vector_load %arg17[%swap3A_626, %swap3A_627] {strides = array<i32>} : memref<80x64xi32, #tpu.memory_space<vmem>>, vector<1x16xi32>,
        %swap3A_629 = vector.shape_cast %swap3A_628 : vector<1x16xi32> to vector<16xi32>
        %swap3A_630 = vector.shape_cast %or3A_625 : vector<16xi32> to vector<1x16xi32>
        tpu.vector_store %arg17[%swap3A_626, %swap3A_627], %swap3A_630 {strides = array<i32>} : memref<80x64xi32, #tpu.memory_space<vmem>>, vector<1x16xi32>,
        %get3A_631 = arith.index_cast %scan3A_525 : i32 to index
        %get3A_632 = arith.constant 96 : index
        %get3A_633 = tpu.vector_load %arg9[%get3A_631, %get3A_632] {strides = array<i32>} : memref<80x128xf32, #tpu.memory_space<vmem>>, vector<1x16xf32>,
        %get3A_634 = vector.shape_cast %get3A_633 : vector<1x16xf32> to vector<16xf32>
        %get3A_635 = arith.index_cast %scan3A_525 : i32 to index
        %get3A_636 = arith.constant 96 : index
        %get3A_637 = tpu.vector_load %arg13[%get3A_635, %get3A_636] {strides = array<i32>} : memref<80x128xf32, #tpu.memory_space<vmem>>, vector<1x16xf32>,
        %get3A_638 = vector.shape_cast %get3A_637 : vector<1x16xf32> to vector<16xf32>
        %add3A_639 = arith.addf %get3A_634, %get3A_638 : vector<16xf32>
        %get3A_640 = arith.index_cast %scan3A_525 : i32 to index
        %get3A_641 = arith.constant 112 : index
        %get3A_642 = tpu.vector_load %arg9[%get3A_640, %get3A_641] {strides = array<i32>} : memref<80x128xf32, #tpu.memory_space<vmem>>, vector<1x16xf32>,
        %get3A_643 = vector.shape_cast %get3A_642 : vector<1x16xf32> to vector<16xf32>
        %get3A_644 = arith.index_cast %scan3A_525 : i32 to index
        %get3A_645 = arith.constant 112 : index
        %get3A_646 = tpu.vector_load %arg13[%get3A_644, %get3A_645] {strides = array<i32>} : memref<80x128xf32, #tpu.memory_space<vmem>>, vector<1x16xf32>,
        %get3A_647 = vector.shape_cast %get3A_646 : vector<1x16xf32> to vector<16xf32>
        %add3A_648 = arith.addf %get3A_643, %get3A_647 : vector<16xf32>
        %bitcast_convert_type3A_649 = tpu.bitcast %add3A_639 : vector<16xf32> -> vector<16xi32>
        %add3A_650 = vector.broadcast %scan3A_42 : i32 to vector<16xi32>
        %add3A_651 = arith.addi %bitcast_convert_type3A_649, %add3A_650 : vector<16xi32>
        %bitcast_convert_type3A_652 = tpu.bitcast %add3A_648 : vector<16xf32> -> vector<16xi32>
        %add3A_653 = vector.broadcast %scan3A_42 : i32 to vector<16xi32>
        %add3A_654 = arith.addi %bitcast_convert_type3A_652, %add3A_653 : vector<16xi32>
        %shift_right_logical3A_655 = arith.constant 16 : i32
        %shift_right_logical3A_656 = vector.broadcast %shift_right_logical3A_655 : i32 to vector<16xi32>
        %shift_right_logical3A_657 = arith.shrui %add3A_651, %shift_right_logical3A_656 : vector<16xi32>
        %and3A_658 = vector.broadcast %scan3A_43 : i32 to vector<16xi32>
        %and3A_659 = arith.andi %add3A_654, %and3A_658 : vector<16xi32>
        %or3A_660 = arith.ori %shift_right_logical3A_657, %and3A_659 : vector<16xi32>
        %swap3A_661 = arith.index_cast %scan3A_525 : i32 to index
        %swap3A_662 = arith.constant 48 : index
        %swap3A_663 = tpu.vector_load %arg17[%swap3A_661, %swap3A_662] {strides = array<i32>} : memref<80x64xi32, #tpu.memory_space<vmem>>, vector<1x16xi32>,
        %swap3A_664 = vector.shape_cast %swap3A_663 : vector<1x16xi32> to vector<16xi32>
        %swap3A_665 = vector.shape_cast %or3A_660 : vector<16xi32> to vector<1x16xi32>
        tpu.vector_store %arg17[%swap3A_661, %swap3A_662], %swap3A_665 {strides = array<i32>} : memref<80x64xi32, #tpu.memory_space<vmem>>, vector<1x16xi32>,
        %scan3A_666 = arith.constant 3 : i32
        %scan3A_667 = arith.addi %scan3A_247, %scan3A_666 : i32
        %get3A_668 = arith.index_cast %scan3A_667 : i32 to index
        %get3A_669 = arith.constant 0 : index
        %get3A_670 = tpu.vector_load %arg9[%get3A_668, %get3A_669] {strides = array<i32>} : memref<80x128xf32, #tpu.memory_space<vmem>>, vector<1x16xf32>,
        %get3A_671 = vector.shape_cast %get3A_670 : vector<1x16xf32> to vector<16xf32>
        %get3A_672 = arith.index_cast %scan3A_667 : i32 to index
        %get3A_673 = arith.constant 0 : index
        %get3A_674 = tpu.vector_load %arg13[%get3A_672, %get3A_673] {strides = array<i32>} : memref<80x128xf32, #tpu.memory_space<vmem>>, vector<1x16xf32>,
        %get3A_675 = vector.shape_cast %get3A_674 : vector<1x16xf32> to vector<16xf32>
        %add3A_676 = arith.addf %get3A_671, %get3A_675 : vector<16xf32>
        %get3A_677 = arith.index_cast %scan3A_667 : i32 to index
        %get3A_678 = arith.constant 16 : index
        %get3A_679 = tpu.vector_load %arg9[%get3A_677, %get3A_678] {strides = array<i32>} : memref<80x128xf32, #tpu.memory_space<vmem>>, vector<1x16xf32>,
        %get3A_680 = vector.shape_cast %get3A_679 : vector<1x16xf32> to vector<16xf32>
        %get3A_681 = arith.index_cast %scan3A_667 : i32 to index
        %get3A_682 = arith.constant 16 : index
        %get3A_683 = tpu.vector_load %arg13[%get3A_681, %get3A_682] {strides = array<i32>} : memref<80x128xf32, #tpu.memory_space<vmem>>, vector<1x16xf32>,
        %get3A_684 = vector.shape_cast %get3A_683 : vector<1x16xf32> to vector<16xf32>
        %add3A_685 = arith.addf %get3A_680, %get3A_684 : vector<16xf32>
        %bitcast_convert_type3A_686 = tpu.bitcast %add3A_676 : vector<16xf32> -> vector<16xi32>
        %add3A_687 = vector.broadcast %scan3A_42 : i32 to vector<16xi32>
        %add3A_688 = arith.addi %bitcast_convert_type3A_686, %add3A_687 : vector<16xi32>
        %bitcast_convert_type3A_689 = tpu.bitcast %add3A_685 : vector<16xf32> -> vector<16xi32>
        %add3A_690 = vector.broadcast %scan3A_42 : i32 to vector<16xi32>
        %add3A_691 = arith.addi %bitcast_convert_type3A_689, %add3A_690 : vector<16xi32>
        %shift_right_logical3A_692 = arith.constant 16 : i32
        %shift_right_logical3A_693 = vector.broadcast %shift_right_logical3A_692 : i32 to vector<16xi32>
        %shift_right_logical3A_694 = arith.shrui %add3A_688, %shift_right_logical3A_693 : vector<16xi32>
        %and3A_695 = vector.broadcast %scan3A_43 : i32 to vector<16xi32>
        %and3A_696 = arith.andi %add3A_691, %and3A_695 : vector<16xi32>
        %or3A_697 = arith.ori %shift_right_logical3A_694, %and3A_696 : vector<16xi32>
        %swap3A_698 = arith.index_cast %scan3A_667 : i32 to index
        %swap3A_699 = arith.constant 0 : index
        %swap3A_700 = tpu.vector_load %arg17[%swap3A_698, %swap3A_699] {strides = array<i32>} : memref<80x64xi32, #tpu.memory_space<vmem>>, vector<1x16xi32>,
        %swap3A_701 = vector.shape_cast %swap3A_700 : vector<1x16xi32> to vector<16xi32>
        %swap3A_702 = vector.shape_cast %or3A_697 : vector<16xi32> to vector<1x16xi32>
        tpu.vector_store %arg17[%swap3A_698, %swap3A_699], %swap3A_702 {strides = array<i32>} : memref<80x64xi32, #tpu.memory_space<vmem>>, vector<1x16xi32>,
        %get3A_703 = arith.index_cast %scan3A_667 : i32 to index
        %get3A_704 = arith.constant 32 : index
        %get3A_705 = tpu.vector_load %arg9[%get3A_703, %get3A_704] {strides = array<i32>} : memref<80x128xf32, #tpu.memory_space<vmem>>, vector<1x16xf32>,
        %get3A_706 = vector.shape_cast %get3A_705 : vector<1x16xf32> to vector<16xf32>
        %get3A_707 = arith.index_cast %scan3A_667 : i32 to index
        %get3A_708 = arith.constant 32 : index
        %get3A_709 = tpu.vector_load %arg13[%get3A_707, %get3A_708] {strides = array<i32>} : memref<80x128xf32, #tpu.memory_space<vmem>>, vector<1x16xf32>,
        %get3A_710 = vector.shape_cast %get3A_709 : vector<1x16xf32> to vector<16xf32>
        %add3A_711 = arith.addf %get3A_706, %get3A_710 : vector<16xf32>
        %get3A_712 = arith.index_cast %scan3A_667 : i32 to index
        %get3A_713 = arith.constant 48 : index
        %get3A_714 = tpu.vector_load %arg9[%get3A_712, %get3A_713] {strides = array<i32>} : memref<80x128xf32, #tpu.memory_space<vmem>>, vector<1x16xf32>,
        %get3A_715 = vector.shape_cast %get3A_714 : vector<1x16xf32> to vector<16xf32>
        %get3A_716 = arith.index_cast %scan3A_667 : i32 to index
        %get3A_717 = arith.constant 48 : index
        %get3A_718 = tpu.vector_load %arg13[%get3A_716, %get3A_717] {strides = array<i32>} : memref<80x128xf32, #tpu.memory_space<vmem>>, vector<1x16xf32>,
        %get3A_719 = vector.shape_cast %get3A_718 : vector<1x16xf32> to vector<16xf32>
        %add3A_720 = arith.addf %get3A_715, %get3A_719 : vector<16xf32>
        %bitcast_convert_type3A_721 = tpu.bitcast %add3A_711 : vector<16xf32> -> vector<16xi32>
        %add3A_722 = vector.broadcast %scan3A_42 : i32 to vector<16xi32>
        %add3A_723 = arith.addi %bitcast_convert_type3A_721, %add3A_722 : vector<16xi32>
        %bitcast_convert_type3A_724 = tpu.bitcast %add3A_720 : vector<16xf32> -> vector<16xi32>
        %add3A_725 = vector.broadcast %scan3A_42 : i32 to vector<16xi32>
        %add3A_726 = arith.addi %bitcast_convert_type3A_724, %add3A_725 : vector<16xi32>
        %shift_right_logical3A_727 = arith.constant 16 : i32
        %shift_right_logical3A_728 = vector.broadcast %shift_right_logical3A_727 : i32 to vector<16xi32>
        %shift_right_logical3A_729 = arith.shrui %add3A_723, %shift_right_logical3A_728 : vector<16xi32>
        %and3A_730 = vector.broadcast %scan3A_43 : i32 to vector<16xi32>
        %and3A_731 = arith.andi %add3A_726, %and3A_730 : vector<16xi32>
        %or3A_732 = arith.ori %shift_right_logical3A_729, %and3A_731 : vector<16xi32>
        %swap3A_733 = arith.index_cast %scan3A_667 : i32 to index
        %swap3A_734 = arith.constant 16 : index
        %swap3A_735 = tpu.vector_load %arg17[%swap3A_733, %swap3A_734] {strides = array<i32>} : memref<80x64xi32, #tpu.memory_space<vmem>>, vector<1x16xi32>,
        %swap3A_736 = vector.shape_cast %swap3A_735 : vector<1x16xi32> to vector<16xi32>
        %swap3A_737 = vector.shape_cast %or3A_732 : vector<16xi32> to vector<1x16xi32>
        tpu.vector_store %arg17[%swap3A_733, %swap3A_734], %swap3A_737 {strides = array<i32>} : memref<80x64xi32, #tpu.memory_space<vmem>>, vector<1x16xi32>,
        %get3A_738 = arith.index_cast %scan3A_667 : i32 to index
        %get3A_739 = arith.constant 64 : index
        %get3A_740 = tpu.vector_load %arg9[%get3A_738, %get3A_739] {strides = array<i32>} : memref<80x128xf32, #tpu.memory_space<vmem>>, vector<1x16xf32>,
        %get3A_741 = vector.shape_cast %get3A_740 : vector<1x16xf32> to vector<16xf32>
        %get3A_742 = arith.index_cast %scan3A_667 : i32 to index
        %get3A_743 = arith.constant 64 : index
        %get3A_744 = tpu.vector_load %arg13[%get3A_742, %get3A_743] {strides = array<i32>} : memref<80x128xf32, #tpu.memory_space<vmem>>, vector<1x16xf32>,
        %get3A_745 = vector.shape_cast %get3A_744 : vector<1x16xf32> to vector<16xf32>
        %add3A_746 = arith.addf %get3A_741, %get3A_745 : vector<16xf32>
        %get3A_747 = arith.index_cast %scan3A_667 : i32 to index
        %get3A_748 = arith.constant 80 : index
        %get3A_749 = tpu.vector_load %arg9[%get3A_747, %get3A_748] {strides = array<i32>} : memref<80x128xf32, #tpu.memory_space<vmem>>, vector<1x16xf32>,
        %get3A_750 = vector.shape_cast %get3A_749 : vector<1x16xf32> to vector<16xf32>
        %get3A_751 = arith.index_cast %scan3A_667 : i32 to index
        %get3A_752 = arith.constant 80 : index
        %get3A_753 = tpu.vector_load %arg13[%get3A_751, %get3A_752] {strides = array<i32>} : memref<80x128xf32, #tpu.memory_space<vmem>>, vector<1x16xf32>,
        %get3A_754 = vector.shape_cast %get3A_753 : vector<1x16xf32> to vector<16xf32>
        %add3A_755 = arith.addf %get3A_750, %get3A_754 : vector<16xf32>
        %bitcast_convert_type3A_756 = tpu.bitcast %add3A_746 : vector<16xf32> -> vector<16xi32>
        %add3A_757 = vector.broadcast %scan3A_42 : i32 to vector<16xi32>
        %add3A_758 = arith.addi %bitcast_convert_type3A_756, %add3A_757 : vector<16xi32>
        %bitcast_convert_type3A_759 = tpu.bitcast %add3A_755 : vector<16xf32> -> vector<16xi32>
        %add3A_760 = vector.broadcast %scan3A_42 : i32 to vector<16xi32>
        %add3A_761 = arith.addi %bitcast_convert_type3A_759, %add3A_760 : vector<16xi32>
        %shift_right_logical3A_762 = arith.constant 16 : i32
        %shift_right_logical3A_763 = vector.broadcast %shift_right_logical3A_762 : i32 to vector<16xi32>
        %shift_right_logical3A_764 = arith.shrui %add3A_758, %shift_right_logical3A_763 : vector<16xi32>
        %and3A_765 = vector.broadcast %scan3A_43 : i32 to vector<16xi32>
        %and3A_766 = arith.andi %add3A_761, %and3A_765 : vector<16xi32>
        %or3A_767 = arith.ori %shift_right_logical3A_764, %and3A_766 : vector<16xi32>
        %swap3A_768 = arith.index_cast %scan3A_667 : i32 to index
        %swap3A_769 = arith.constant 32 : index
        %swap3A_770 = tpu.vector_load %arg17[%swap3A_768, %swap3A_769] {strides = array<i32>} : memref<80x64xi32, #tpu.memory_space<vmem>>, vector<1x16xi32>,
        %swap3A_771 = vector.shape_cast %swap3A_770 : vector<1x16xi32> to vector<16xi32>
        %swap3A_772 = vector.shape_cast %or3A_767 : vector<16xi32> to vector<1x16xi32>
        tpu.vector_store %arg17[%swap3A_768, %swap3A_769], %swap3A_772 {strides = array<i32>} : memref<80x64xi32, #tpu.memory_space<vmem>>, vector<1x16xi32>,
        %get3A_773 = arith.index_cast %scan3A_667 : i32 to index
        %get3A_774 = arith.constant 96 : index
        %get3A_775 = tpu.vector_load %arg9[%get3A_773, %get3A_774] {strides = array<i32>} : memref<80x128xf32, #tpu.memory_space<vmem>>, vector<1x16xf32>,
        %get3A_776 = vector.shape_cast %get3A_775 : vector<1x16xf32> to vector<16xf32>
        %get3A_777 = arith.index_cast %scan3A_667 : i32 to index
        %get3A_778 = arith.constant 96 : index
        %get3A_779 = tpu.vector_load %arg13[%get3A_777, %get3A_778] {strides = array<i32>} : memref<80x128xf32, #tpu.memory_space<vmem>>, vector<1x16xf32>,
        %get3A_780 = vector.shape_cast %get3A_779 : vector<1x16xf32> to vector<16xf32>
        %add3A_781 = arith.addf %get3A_776, %get3A_780 : vector<16xf32>
        %get3A_782 = arith.index_cast %scan3A_667 : i32 to index
        %get3A_783 = arith.constant 112 : index
        %get3A_784 = tpu.vector_load %arg9[%get3A_782, %get3A_783] {strides = array<i32>} : memref<80x128xf32, #tpu.memory_space<vmem>>, vector<1x16xf32>,
        %get3A_785 = vector.shape_cast %get3A_784 : vector<1x16xf32> to vector<16xf32>
        %get3A_786 = arith.index_cast %scan3A_667 : i32 to index
        %get3A_787 = arith.constant 112 : index
        %get3A_788 = tpu.vector_load %arg13[%get3A_786, %get3A_787] {strides = array<i32>} : memref<80x128xf32, #tpu.memory_space<vmem>>, vector<1x16xf32>,
        %get3A_789 = vector.shape_cast %get3A_788 : vector<1x16xf32> to vector<16xf32>
        %add3A_790 = arith.addf %get3A_785, %get3A_789 : vector<16xf32>
        %bitcast_convert_type3A_791 = tpu.bitcast %add3A_781 : vector<16xf32> -> vector<16xi32>
        %add3A_792 = vector.broadcast %scan3A_42 : i32 to vector<16xi32>
        %add3A_793 = arith.addi %bitcast_convert_type3A_791, %add3A_792 : vector<16xi32>
        %bitcast_convert_type3A_794 = tpu.bitcast %add3A_790 : vector<16xf32> -> vector<16xi32>
        %add3A_795 = vector.broadcast %scan3A_42 : i32 to vector<16xi32>
        %add3A_796 = arith.addi %bitcast_convert_type3A_794, %add3A_795 : vector<16xi32>
        %shift_right_logical3A_797 = arith.constant 16 : i32
        %shift_right_logical3A_798 = vector.broadcast %shift_right_logical3A_797 : i32 to vector<16xi32>
        %shift_right_logical3A_799 = arith.shrui %add3A_793, %shift_right_logical3A_798 : vector<16xi32>
        %and3A_800 = vector.broadcast %scan3A_43 : i32 to vector<16xi32>
        %and3A_801 = arith.andi %add3A_796, %and3A_800 : vector<16xi32>
        %or3A_802 = arith.ori %shift_right_logical3A_799, %and3A_801 : vector<16xi32>
        %swap3A_803 = arith.index_cast %scan3A_667 : i32 to index
        %swap3A_804 = arith.constant 48 : index
        %swap3A_805 = tpu.vector_load %arg17[%swap3A_803, %swap3A_804] {strides = array<i32>} : memref<80x64xi32, #tpu.memory_space<vmem>>, vector<1x16xi32>,
        %swap3A_806 = vector.shape_cast %swap3A_805 : vector<1x16xi32> to vector<16xi32>
        %swap3A_807 = vector.shape_cast %or3A_802 : vector<16xi32> to vector<1x16xi32>
        tpu.vector_store %arg17[%swap3A_803, %swap3A_804], %swap3A_807 {strides = array<i32>} : memref<80x64xi32, #tpu.memory_space<vmem>>, vector<1x16xi32>,
      }
      %scan3A_110 = arith.constant 80 : i32
      %mul3A_111 = arith.constant 80 : i32
      %mul3A_112 = arith.muli %add3A_90, %mul3A_111 : i32
      %add3A_113 = arith.addi %mul3A_2, %mul3A_112 : i32
      %dma_start3A_114 = arith.constant 0 : i32
      %dma_start3A_115 = tpu.memref_slice %arg6[%add3A_113, %dma_start3A_114] : memref<320000x64xi32, #tpu.memory_space<hbm>> -> memref<80x64xi32, #tpu.memory_space<hbm>>
      %dma_start3A_116 = arith.constant 0 : i32
      %dma_start3A_117 = tpu.memref_slice %arg6[%add3A_113, %dma_start3A_116] : memref<320000x64xi32, #tpu.memory_space<hbm>> -> memref<80x64xi32, #tpu.memory_space<hbm>>
      tpu.enqueue_dma source(%arg17 : memref<80x64xi32, #tpu.memory_space<vmem>>) target(%dma_start3A_117 : memref<80x64xi32, #tpu.memory_space<hbm>>) target_semaphore(%arg23 : memref<!tpu.dma_semaphore, #tpu.memory_space<semaphore_mem>>)
      %add3A_118 = arith.constant 4 : i32
      %add3A_119 = arith.addi %add3A_90, %add3A_118 : i32
      %le3A = arith.constant 124 : i32
      %le3A_120 = arith.cmpi sle, %add3A_119, %le3A : i32
      %convert_element_type3A_121 = arith.extui %le3A_120 : i1 to i32
      %cond3A_122 = arith.constant 0 : i32
      %cond3A_123 = arith.cmpi ne, %convert_element_type3A_121, %cond3A_122 : i32
      scf.if %cond3A_123 {
        %add3A_247 = arith.constant 4 : i32
        %add3A_248 = arith.addi %add3A_90, %add3A_247 : i32
        %mul3A_249 = arith.constant 80 : i32
        %mul3A_250 = arith.muli %add3A_248, %mul3A_249 : i32
        %dma_start3A_251 = tpu.memref_slice %arg7[%mul3A_250] : memref<10000xi32, #tpu.memory_space<vmem>> -> memref<80xi32, #tpu.memory_space<vmem>>
        %dma_start3A_252 = arith.constant 0 : i32
        %dma_start3A_253 = arith.constant 0 : i32
        %dma_start3A_254 = tpu.memref_slice %arg2[%dma_start3A_252, %dma_start3A_253] : memref<10000x128xf32, #tpu.memory_space<hbm>> -> memref<10000x128xf32, #tpu.memory_space<hbm>>
        tpu.enqueue_indirect_dma source(%dma_start3A_254 : memref<10000x128xf32, #tpu.memory_space<hbm>>) target(%arg9 : memref<80x128xf32, #tpu.memory_space<vmem>>) offsets(%dma_start3A_251 : memref<80xi32, #tpu.memory_space<vmem>>) semaphore(%arg19 : memref<!tpu.dma_semaphore, #tpu.memory_space<semaphore_mem>>)
        %dma_start3A_255 = tpu.memref_slice %arg8[%mul3A_250] : memref<10000xi32, #tpu.memory_space<vmem>> -> memref<80xi32, #tpu.memory_space<vmem>>
        %dma_start3A_256 = arith.constant 0 : i32
        %dma_start3A_257 = arith.constant 0 : i32
        %dma_start3A_258 = tpu.memref_slice %arg3[%dma_start3A_256, %dma_start3A_257] : memref<10000x128xf32, #tpu.memory_space<hbm>> -> memref<10000x128xf32, #tpu.memory_space<hbm>>
        tpu.enqueue_indirect_dma source(%dma_start3A_258 : memref<10000x128xf32, #tpu.memory_space<hbm>>) target(%arg13 : memref<80x128xf32, #tpu.memory_space<vmem>>) offsets(%dma_start3A_255 : memref<80xi32, #tpu.memory_space<vmem>>) semaphore(%arg19 : memref<!tpu.dma_semaphore, #tpu.memory_space<semaphore_mem>>)
      } else {
      }
      %mul3A_124 = arith.constant 4 : i32
      %mul3A_125 = arith.muli %mul3A_124, %scan3A_86 : i32
      %add3A_126 = arith.constant 1 : i32
      %add3A_127 = arith.addi %mul3A_125, %add3A_126 : i32
      %dma_wait3A_128 = arith.constant 0 : i32
      %dma_wait3A_129 = arith.constant 0 : i32
      %dma_wait3A_130 = tpu.memref_slice %arg2[%dma_wait3A_128, %dma_wait3A_129] : memref<10000x128xf32, #tpu.memory_space<hbm>> -> memref<80x128xf32, #tpu.memory_space<hbm>>
      %dma_wait3A_131 = arith.constant 0 : i32
      %dma_wait3A_132 = arith.constant 0 : i32
      %dma_wait3A_133 = tpu.memref_slice %arg2[%dma_wait3A_131, %dma_wait3A_132] : memref<10000x128xf32, #tpu.memory_space<hbm>> -> memref<80x128xf32, #tpu.memory_space<hbm>>
      tpu.wait_dma2 semaphore(%arg20 : memref<!tpu.dma_semaphore, #tpu.memory_space<semaphore_mem>>) src(%dma_wait3A_133 : memref<80x128xf32, #tpu.memory_space<hbm>>) dst(%arg10 : memref<80x128xf32, #tpu.memory_space<vmem>>)
      %dma_wait3A_134 = arith.constant 0 : i32
      %dma_wait3A_135 = arith.constant 0 : i32
      %dma_wait3A_136 = tpu.memref_slice %arg3[%dma_wait3A_134, %dma_wait3A_135] : memref<10000x128xf32, #tpu.memory_space<hbm>> -> memref<80x128xf32, #tpu.memory_space<hbm>>
      %dma_wait3A_137 = arith.constant 0 : i32
      %dma_wait3A_138 = arith.constant 0 : i32
      %dma_wait3A_139 = tpu.memref_slice %arg3[%dma_wait3A_137, %dma_wait3A_138] : memref<10000x128xf32, #tpu.memory_space<hbm>> -> memref<80x128xf32, #tpu.memory_space<hbm>>
      tpu.wait_dma2 semaphore(%arg20 : memref<!tpu.dma_semaphore, #tpu.memory_space<semaphore_mem>>) src(%dma_wait3A_139 : memref<80x128xf32, #tpu.memory_space<hbm>>) dst(%arg14 : memref<80x128xf32, #tpu.memory_space<vmem>>)
      %ge3A_140 = arith.constant 2 : i32
      %ge3A_141 = arith.cmpi sge, %add3A_127, %ge3A_140 : i32
      %convert_element_type3A_142 = arith.extui %ge3A_141 : i1 to i32
      %cond3A_143 = arith.constant 0 : i32
      %cond3A_144 = arith.cmpi ne, %convert_element_type3A_142, %cond3A_143 : i32
      scf.if %cond3A_144 {
        %dma_wait3A_247 = arith.constant 0 : i32
        %dma_wait3A_248 = tpu.memref_slice %arg6[%mul3A_2, %dma_wait3A_247] : memref<320000x64xi32, #tpu.memory_space<hbm>> -> memref<80x64xi32, #tpu.memory_space<hbm>>
        %dma_wait3A_249 = arith.constant 0 : i32
        %dma_wait3A_250 = tpu.memref_slice %arg6[%mul3A_2, %dma_wait3A_249] : memref<320000x64xi32, #tpu.memory_space<hbm>> -> memref<80x64xi32, #tpu.memory_space<hbm>>
        tpu.wait_dma2 semaphore(%arg24 : memref<!tpu.dma_semaphore, #tpu.memory_space<semaphore_mem>>) src(%arg18 : memref<80x64xi32, #tpu.memory_space<vmem>>) dst(%dma_wait3A_250 : memref<80x64xi32, #tpu.memory_space<hbm>>)
      } else {
      }
      %scan3A_145 = arith.constant 0 : i32
      %scan3A_146 = arith.constant 0 : i32
      %scan3A_147 = arith.constant 80 : i32
      %scan3A_148 = arith.addi %scan3A_146, %scan3A_147 : i32
      %scan3A_149 = arith.constant 4 : i32
      scf.for %scan3A_247 = %scan3A_146 to %scan3A_148 step %scan3A_149  : i32 {
        %get3A = arith.index_cast %scan3A_247 : i32 to index
        %get3A_248 = arith.constant 0 : index
        %get3A_249 = tpu.vector_load %arg10[%get3A, %get3A_248] {strides = array<i32>} : memref<80x128xf32, #tpu.memory_space<vmem>>, vector<1x16xf32>,
        %get3A_250 = vector.shape_cast %get3A_249 : vector<1x16xf32> to vector<16xf32>
        %get3A_251 = arith.index_cast %scan3A_247 : i32 to index
        %get3A_252 = arith.constant 0 : index
        %get3A_253 = tpu.vector_load %arg14[%get3A_251, %get3A_252] {strides = array<i32>} : memref<80x128xf32, #tpu.memory_space<vmem>>, vector<1x16xf32>,
        %get3A_254 = vector.shape_cast %get3A_253 : vector<1x16xf32> to vector<16xf32>
        %add3A_255 = arith.addf %get3A_250, %get3A_254 : vector<16xf32>
        %get3A_256 = arith.index_cast %scan3A_247 : i32 to index
        %get3A_257 = arith.constant 16 : index
        %get3A_258 = tpu.vector_load %arg10[%get3A_256, %get3A_257] {strides = array<i32>} : memref<80x128xf32, #tpu.memory_space<vmem>>, vector<1x16xf32>,
        %get3A_259 = vector.shape_cast %get3A_258 : vector<1x16xf32> to vector<16xf32>
        %get3A_260 = arith.index_cast %scan3A_247 : i32 to index
        %get3A_261 = arith.constant 16 : index
        %get3A_262 = tpu.vector_load %arg14[%get3A_260, %get3A_261] {strides = array<i32>} : memref<80x128xf32, #tpu.memory_space<vmem>>, vector<1x16xf32>,
        %get3A_263 = vector.shape_cast %get3A_262 : vector<1x16xf32> to vector<16xf32>
        %add3A_264 = arith.addf %get3A_259, %get3A_263 : vector<16xf32>
        %bitcast_convert_type3A = tpu.bitcast %add3A_255 : vector<16xf32> -> vector<16xi32>
        %add3A_265 = vector.broadcast %scan3A_42 : i32 to vector<16xi32>
        %add3A_266 = arith.addi %bitcast_convert_type3A, %add3A_265 : vector<16xi32>
        %bitcast_convert_type3A_267 = tpu.bitcast %add3A_264 : vector<16xf32> -> vector<16xi32>
        %add3A_268 = vector.broadcast %scan3A_42 : i32 to vector<16xi32>
        %add3A_269 = arith.addi %bitcast_convert_type3A_267, %add3A_268 : vector<16xi32>
        %shift_right_logical3A = arith.constant 16 : i32
        %shift_right_logical3A_270 = vector.broadcast %shift_right_logical3A : i32 to vector<16xi32>
        %shift_right_logical3A_271 = arith.shrui %add3A_266, %shift_right_logical3A_270 : vector<16xi32>
        %and3A = vector.broadcast %scan3A_43 : i32 to vector<16xi32>
        %and3A_272 = arith.andi %add3A_269, %and3A : vector<16xi32>
        %or3A = arith.ori %shift_right_logical3A_271, %and3A_272 : vector<16xi32>
        %swap3A = arith.index_cast %scan3A_247 : i32 to index
        %swap3A_273 = arith.constant 0 : index
        %swap3A_274 = tpu.vector_load %arg18[%swap3A, %swap3A_273] {strides = array<i32>} : memref<80x64xi32, #tpu.memory_space<vmem>>, vector<1x16xi32>,
        %swap3A_275 = vector.shape_cast %swap3A_274 : vector<1x16xi32> to vector<16xi32>
        %swap3A_276 = vector.shape_cast %or3A : vector<16xi32> to vector<1x16xi32>
        tpu.vector_store %arg18[%swap3A, %swap3A_273], %swap3A_276 {strides = array<i32>} : memref<80x64xi32, #tpu.memory_space<vmem>>, vector<1x16xi32>,
        %get3A_277 = arith.index_cast %scan3A_247 : i32 to index
        %get3A_278 = arith.constant 32 : index
        %get3A_279 = tpu.vector_load %arg10[%get3A_277, %get3A_278] {strides = array<i32>} : memref<80x128xf32, #tpu.memory_space<vmem>>, vector<1x16xf32>,
        %get3A_280 = vector.shape_cast %get3A_279 : vector<1x16xf32> to vector<16xf32>
        %get3A_281 = arith.index_cast %scan3A_247 : i32 to index
        %get3A_282 = arith.constant 32 : index
        %get3A_283 = tpu.vector_load %arg14[%get3A_281, %get3A_282] {strides = array<i32>} : memref<80x128xf32, #tpu.memory_space<vmem>>, vector<1x16xf32>,
        %get3A_284 = vector.shape_cast %get3A_283 : vector<1x16xf32> to vector<16xf32>
        %add3A_285 = arith.addf %get3A_280, %get3A_284 : vector<16xf32>
        %get3A_286 = arith.index_cast %scan3A_247 : i32 to index
        %get3A_287 = arith.constant 48 : index
        %get3A_288 = tpu.vector_load %arg10[%get3A_286, %get3A_287] {strides = array<i32>} : memref<80x128xf32, #tpu.memory_space<vmem>>, vector<1x16xf32>,
        %get3A_289 = vector.shape_cast %get3A_288 : vector<1x16xf32> to vector<16xf32>
        %get3A_290 = arith.index_cast %scan3A_247 : i32 to index
        %get3A_291 = arith.constant 48 : index
        %get3A_292 = tpu.vector_load %arg14[%get3A_290, %get3A_291] {strides = array<i32>} : memref<80x128xf32, #tpu.memory_space<vmem>>, vector<1x16xf32>,
        %get3A_293 = vector.shape_cast %get3A_292 : vector<1x16xf32> to vector<16xf32>
        %add3A_294 = arith.addf %get3A_289, %get3A_293 : vector<16xf32>
        %bitcast_convert_type3A_295 = tpu.bitcast %add3A_285 : vector<16xf32> -> vector<16xi32>
        %add3A_296 = vector.broadcast %scan3A_42 : i32 to vector<16xi32>
        %add3A_297 = arith.addi %bitcast_convert_type3A_295, %add3A_296 : vector<16xi32>
        %bitcast_convert_type3A_298 = tpu.bitcast %add3A_294 : vector<16xf32> -> vector<16xi32>
        %add3A_299 = vector.broadcast %scan3A_42 : i32 to vector<16xi32>
        %add3A_300 = arith.addi %bitcast_convert_type3A_298, %add3A_299 : vector<16xi32>
        %shift_right_logical3A_301 = arith.constant 16 : i32
        %shift_right_logical3A_302 = vector.broadcast %shift_right_logical3A_301 : i32 to vector<16xi32>
        %shift_right_logical3A_303 = arith.shrui %add3A_297, %shift_right_logical3A_302 : vector<16xi32>
        %and3A_304 = vector.broadcast %scan3A_43 : i32 to vector<16xi32>
        %and3A_305 = arith.andi %add3A_300, %and3A_304 : vector<16xi32>
        %or3A_306 = arith.ori %shift_right_logical3A_303, %and3A_305 : vector<16xi32>
        %swap3A_307 = arith.index_cast %scan3A_247 : i32 to index
        %swap3A_308 = arith.constant 16 : index
        %swap3A_309 = tpu.vector_load %arg18[%swap3A_307, %swap3A_308] {strides = array<i32>} : memref<80x64xi32, #tpu.memory_space<vmem>>, vector<1x16xi32>,
        %swap3A_310 = vector.shape_cast %swap3A_309 : vector<1x16xi32> to vector<16xi32>
        %swap3A_311 = vector.shape_cast %or3A_306 : vector<16xi32> to vector<1x16xi32>
        tpu.vector_store %arg18[%swap3A_307, %swap3A_308], %swap3A_311 {strides = array<i32>} : memref<80x64xi32, #tpu.memory_space<vmem>>, vector<1x16xi32>,
        %get3A_312 = arith.index_cast %scan3A_247 : i32 to index
        %get3A_313 = arith.constant 64 : index
        %get3A_314 = tpu.vector_load %arg10[%get3A_312, %get3A_313] {strides = array<i32>} : memref<80x128xf32, #tpu.memory_space<vmem>>, vector<1x16xf32>,
        %get3A_315 = vector.shape_cast %get3A_314 : vector<1x16xf32> to vector<16xf32>
        %get3A_316 = arith.index_cast %scan3A_247 : i32 to index
        %get3A_317 = arith.constant 64 : index
        %get3A_318 = tpu.vector_load %arg14[%get3A_316, %get3A_317] {strides = array<i32>} : memref<80x128xf32, #tpu.memory_space<vmem>>, vector<1x16xf32>,
        %get3A_319 = vector.shape_cast %get3A_318 : vector<1x16xf32> to vector<16xf32>
        %add3A_320 = arith.addf %get3A_315, %get3A_319 : vector<16xf32>
        %get3A_321 = arith.index_cast %scan3A_247 : i32 to index
        %get3A_322 = arith.constant 80 : index
        %get3A_323 = tpu.vector_load %arg10[%get3A_321, %get3A_322] {strides = array<i32>} : memref<80x128xf32, #tpu.memory_space<vmem>>, vector<1x16xf32>,
        %get3A_324 = vector.shape_cast %get3A_323 : vector<1x16xf32> to vector<16xf32>
        %get3A_325 = arith.index_cast %scan3A_247 : i32 to index
        %get3A_326 = arith.constant 80 : index
        %get3A_327 = tpu.vector_load %arg14[%get3A_325, %get3A_326] {strides = array<i32>} : memref<80x128xf32, #tpu.memory_space<vmem>>, vector<1x16xf32>,
        %get3A_328 = vector.shape_cast %get3A_327 : vector<1x16xf32> to vector<16xf32>
        %add3A_329 = arith.addf %get3A_324, %get3A_328 : vector<16xf32>
        %bitcast_convert_type3A_330 = tpu.bitcast %add3A_320 : vector<16xf32> -> vector<16xi32>
        %add3A_331 = vector.broadcast %scan3A_42 : i32 to vector<16xi32>
        %add3A_332 = arith.addi %bitcast_convert_type3A_330, %add3A_331 : vector<16xi32>
        %bitcast_convert_type3A_333 = tpu.bitcast %add3A_329 : vector<16xf32> -> vector<16xi32>
        %add3A_334 = vector.broadcast %scan3A_42 : i32 to vector<16xi32>
        %add3A_335 = arith.addi %bitcast_convert_type3A_333, %add3A_334 : vector<16xi32>
        %shift_right_logical3A_336 = arith.constant 16 : i32
        %shift_right_logical3A_337 = vector.broadcast %shift_right_logical3A_336 : i32 to vector<16xi32>
        %shift_right_logical3A_338 = arith.shrui %add3A_332, %shift_right_logical3A_337 : vector<16xi32>
        %and3A_339 = vector.broadcast %scan3A_43 : i32 to vector<16xi32>
        %and3A_340 = arith.andi %add3A_335, %and3A_339 : vector<16xi32>
        %or3A_341 = arith.ori %shift_right_logical3A_338, %and3A_340 : vector<16xi32>
        %swap3A_342 = arith.index_cast %scan3A_247 : i32 to index
        %swap3A_343 = arith.constant 32 : index
        %swap3A_344 = tpu.vector_load %arg18[%swap3A_342, %swap3A_343] {strides = array<i32>} : memref<80x64xi32, #tpu.memory_space<vmem>>, vector<1x16xi32>,
        %swap3A_345 = vector.shape_cast %swap3A_344 : vector<1x16xi32> to vector<16xi32>
        %swap3A_346 = vector.shape_cast %or3A_341 : vector<16xi32> to vector<1x16xi32>
        tpu.vector_store %arg18[%swap3A_342, %swap3A_343], %swap3A_346 {strides = array<i32>} : memref<80x64xi32, #tpu.memory_space<vmem>>, vector<1x16xi32>,
        %get3A_347 = arith.index_cast %scan3A_247 : i32 to index
        %get3A_348 = arith.constant 96 : index
        %get3A_349 = tpu.vector_load %arg10[%get3A_347, %get3A_348] {strides = array<i32>} : memref<80x128xf32, #tpu.memory_space<vmem>>, vector<1x16xf32>,
        %get3A_350 = vector.shape_cast %get3A_349 : vector<1x16xf32> to vector<16xf32>
        %get3A_351 = arith.index_cast %scan3A_247 : i32 to index
        %get3A_352 = arith.constant 96 : index
        %get3A_353 = tpu.vector_load %arg14[%get3A_351, %get3A_352] {strides = array<i32>} : memref<80x128xf32, #tpu.memory_space<vmem>>, vector<1x16xf32>,
        %get3A_354 = vector.shape_cast %get3A_353 : vector<1x16xf32> to vector<16xf32>
        %add3A_355 = arith.addf %get3A_350, %get3A_354 : vector<16xf32>
        %get3A_356 = arith.index_cast %scan3A_247 : i32 to index
        %get3A_357 = arith.constant 112 : index
        %get3A_358 = tpu.vector_load %arg10[%get3A_356, %get3A_357] {strides = array<i32>} : memref<80x128xf32, #tpu.memory_space<vmem>>, vector<1x16xf32>,
        %get3A_359 = vector.shape_cast %get3A_358 : vector<1x16xf32> to vector<16xf32>
        %get3A_360 = arith.index_cast %scan3A_247 : i32 to index
        %get3A_361 = arith.constant 112 : index
        %get3A_362 = tpu.vector_load %arg14[%get3A_360, %get3A_361] {strides = array<i32>} : memref<80x128xf32, #tpu.memory_space<vmem>>, vector<1x16xf32>,
        %get3A_363 = vector.shape_cast %get3A_362 : vector<1x16xf32> to vector<16xf32>
        %add3A_364 = arith.addf %get3A_359, %get3A_363 : vector<16xf32>
        %bitcast_convert_type3A_365 = tpu.bitcast %add3A_355 : vector<16xf32> -> vector<16xi32>
        %add3A_366 = vector.broadcast %scan3A_42 : i32 to vector<16xi32>
        %add3A_367 = arith.addi %bitcast_convert_type3A_365, %add3A_366 : vector<16xi32>
        %bitcast_convert_type3A_368 = tpu.bitcast %add3A_364 : vector<16xf32> -> vector<16xi32>
        %add3A_369 = vector.broadcast %scan3A_42 : i32 to vector<16xi32>
        %add3A_370 = arith.addi %bitcast_convert_type3A_368, %add3A_369 : vector<16xi32>
        %shift_right_logical3A_371 = arith.constant 16 : i32
        %shift_right_logical3A_372 = vector.broadcast %shift_right_logical3A_371 : i32 to vector<16xi32>
        %shift_right_logical3A_373 = arith.shrui %add3A_367, %shift_right_logical3A_372 : vector<16xi32>
        %and3A_374 = vector.broadcast %scan3A_43 : i32 to vector<16xi32>
        %and3A_375 = arith.andi %add3A_370, %and3A_374 : vector<16xi32>
        %or3A_376 = arith.ori %shift_right_logical3A_373, %and3A_375 : vector<16xi32>
        %swap3A_377 = arith.index_cast %scan3A_247 : i32 to index
        %swap3A_378 = arith.constant 48 : index
        %swap3A_379 = tpu.vector_load %arg18[%swap3A_377, %swap3A_378] {strides = array<i32>} : memref<80x64xi32, #tpu.memory_space<vmem>>, vector<1x16xi32>,
        %swap3A_380 = vector.shape_cast %swap3A_379 : vector<1x16xi32> to vector<16xi32>
        %swap3A_381 = vector.shape_cast %or3A_376 : vector<16xi32> to vector<1x16xi32>
        tpu.vector_store %arg18[%swap3A_377, %swap3A_378], %swap3A_381 {strides = array<i32>} : memref<80x64xi32, #tpu.memory_space<vmem>>, vector<1x16xi32>,
        %scan3A_382 = arith.constant 1 : i32
        %scan3A_383 = arith.addi %scan3A_247, %scan3A_382 : i32
        %get3A_384 = arith.index_cast %scan3A_383 : i32 to index
        %get3A_385 = arith.constant 0 : index
        %get3A_386 = tpu.vector_load %arg10[%get3A_384, %get3A_385] {strides = array<i32>} : memref<80x128xf32, #tpu.memory_space<vmem>>, vector<1x16xf32>,
        %get3A_387 = vector.shape_cast %get3A_386 : vector<1x16xf32> to vector<16xf32>
        %get3A_388 = arith.index_cast %scan3A_383 : i32 to index
        %get3A_389 = arith.constant 0 : index
        %get3A_390 = tpu.vector_load %arg14[%get3A_388, %get3A_389] {strides = array<i32>} : memref<80x128xf32, #tpu.memory_space<vmem>>, vector<1x16xf32>,
        %get3A_391 = vector.shape_cast %get3A_390 : vector<1x16xf32> to vector<16xf32>
        %add3A_392 = arith.addf %get3A_387, %get3A_391 : vector<16xf32>
        %get3A_393 = arith.index_cast %scan3A_383 : i32 to index
        %get3A_394 = arith.constant 16 : index
        %get3A_395 = tpu.vector_load %arg10[%get3A_393, %get3A_394] {strides = array<i32>} : memref<80x128xf32, #tpu.memory_space<vmem>>, vector<1x16xf32>,
        %get3A_396 = vector.shape_cast %get3A_395 : vector<1x16xf32> to vector<16xf32>
        %get3A_397 = arith.index_cast %scan3A_383 : i32 to index
        %get3A_398 = arith.constant 16 : index
        %get3A_399 = tpu.vector_load %arg14[%get3A_397, %get3A_398] {strides = array<i32>} : memref<80x128xf32, #tpu.memory_space<vmem>>, vector<1x16xf32>,
        %get3A_400 = vector.shape_cast %get3A_399 : vector<1x16xf32> to vector<16xf32>
        %add3A_401 = arith.addf %get3A_396, %get3A_400 : vector<16xf32>
        %bitcast_convert_type3A_402 = tpu.bitcast %add3A_392 : vector<16xf32> -> vector<16xi32>
        %add3A_403 = vector.broadcast %scan3A_42 : i32 to vector<16xi32>
        %add3A_404 = arith.addi %bitcast_convert_type3A_402, %add3A_403 : vector<16xi32>
        %bitcast_convert_type3A_405 = tpu.bitcast %add3A_401 : vector<16xf32> -> vector<16xi32>
        %add3A_406 = vector.broadcast %scan3A_42 : i32 to vector<16xi32>
        %add3A_407 = arith.addi %bitcast_convert_type3A_405, %add3A_406 : vector<16xi32>
        %shift_right_logical3A_408 = arith.constant 16 : i32
        %shift_right_logical3A_409 = vector.broadcast %shift_right_logical3A_408 : i32 to vector<16xi32>
        %shift_right_logical3A_410 = arith.shrui %add3A_404, %shift_right_logical3A_409 : vector<16xi32>
        %and3A_411 = vector.broadcast %scan3A_43 : i32 to vector<16xi32>
        %and3A_412 = arith.andi %add3A_407, %and3A_411 : vector<16xi32>
        %or3A_413 = arith.ori %shift_right_logical3A_410, %and3A_412 : vector<16xi32>
        %swap3A_414 = arith.index_cast %scan3A_383 : i32 to index
        %swap3A_415 = arith.constant 0 : index
        %swap3A_416 = tpu.vector_load %arg18[%swap3A_414, %swap3A_415] {strides = array<i32>} : memref<80x64xi32, #tpu.memory_space<vmem>>, vector<1x16xi32>,
        %swap3A_417 = vector.shape_cast %swap3A_416 : vector<1x16xi32> to vector<16xi32>
        %swap3A_418 = vector.shape_cast %or3A_413 : vector<16xi32> to vector<1x16xi32>
        tpu.vector_store %arg18[%swap3A_414, %swap3A_415], %swap3A_418 {strides = array<i32>} : memref<80x64xi32, #tpu.memory_space<vmem>>, vector<1x16xi32>,
        %get3A_419 = arith.index_cast %scan3A_383 : i32 to index
        %get3A_420 = arith.constant 32 : index
        %get3A_421 = tpu.vector_load %arg10[%get3A_419, %get3A_420] {strides = array<i32>} : memref<80x128xf32, #tpu.memory_space<vmem>>, vector<1x16xf32>,
        %get3A_422 = vector.shape_cast %get3A_421 : vector<1x16xf32> to vector<16xf32>
        %get3A_423 = arith.index_cast %scan3A_383 : i32 to index
        %get3A_424 = arith.constant 32 : index
        %get3A_425 = tpu.vector_load %arg14[%get3A_423, %get3A_424] {strides = array<i32>} : memref<80x128xf32, #tpu.memory_space<vmem>>, vector<1x16xf32>,
        %get3A_426 = vector.shape_cast %get3A_425 : vector<1x16xf32> to vector<16xf32>
        %add3A_427 = arith.addf %get3A_422, %get3A_426 : vector<16xf32>
        %get3A_428 = arith.index_cast %scan3A_383 : i32 to index
        %get3A_429 = arith.constant 48 : index
        %get3A_430 = tpu.vector_load %arg10[%get3A_428, %get3A_429] {strides = array<i32>} : memref<80x128xf32, #tpu.memory_space<vmem>>, vector<1x16xf32>,
        %get3A_431 = vector.shape_cast %get3A_430 : vector<1x16xf32> to vector<16xf32>
        %get3A_432 = arith.index_cast %scan3A_383 : i32 to index
        %get3A_433 = arith.constant 48 : index
        %get3A_434 = tpu.vector_load %arg14[%get3A_432, %get3A_433] {strides = array<i32>} : memref<80x128xf32, #tpu.memory_space<vmem>>, vector<1x16xf32>,
        %get3A_435 = vector.shape_cast %get3A_434 : vector<1x16xf32> to vector<16xf32>
        %add3A_436 = arith.addf %get3A_431, %get3A_435 : vector<16xf32>
        %bitcast_convert_type3A_437 = tpu.bitcast %add3A_427 : vector<16xf32> -> vector<16xi32>
        %add3A_438 = vector.broadcast %scan3A_42 : i32 to vector<16xi32>
        %add3A_439 = arith.addi %bitcast_convert_type3A_437, %add3A_438 : vector<16xi32>
        %bitcast_convert_type3A_440 = tpu.bitcast %add3A_436 : vector<16xf32> -> vector<16xi32>
        %add3A_441 = vector.broadcast %scan3A_42 : i32 to vector<16xi32>
        %add3A_442 = arith.addi %bitcast_convert_type3A_440, %add3A_441 : vector<16xi32>
        %shift_right_logical3A_443 = arith.constant 16 : i32
        %shift_right_logical3A_444 = vector.broadcast %shift_right_logical3A_443 : i32 to vector<16xi32>
        %shift_right_logical3A_445 = arith.shrui %add3A_439, %shift_right_logical3A_444 : vector<16xi32>
        %and3A_446 = vector.broadcast %scan3A_43 : i32 to vector<16xi32>
        %and3A_447 = arith.andi %add3A_442, %and3A_446 : vector<16xi32>
        %or3A_448 = arith.ori %shift_right_logical3A_445, %and3A_447 : vector<16xi32>
        %swap3A_449 = arith.index_cast %scan3A_383 : i32 to index
        %swap3A_450 = arith.constant 16 : index
        %swap3A_451 = tpu.vector_load %arg18[%swap3A_449, %swap3A_450] {strides = array<i32>} : memref<80x64xi32, #tpu.memory_space<vmem>>, vector<1x16xi32>,
        %swap3A_452 = vector.shape_cast %swap3A_451 : vector<1x16xi32> to vector<16xi32>
        %swap3A_453 = vector.shape_cast %or3A_448 : vector<16xi32> to vector<1x16xi32>
        tpu.vector_store %arg18[%swap3A_449, %swap3A_450], %swap3A_453 {strides = array<i32>} : memref<80x64xi32, #tpu.memory_space<vmem>>, vector<1x16xi32>,
        %get3A_454 = arith.index_cast %scan3A_383 : i32 to index
        %get3A_455 = arith.constant 64 : index
        %get3A_456 = tpu.vector_load %arg10[%get3A_454, %get3A_455] {strides = array<i32>} : memref<80x128xf32, #tpu.memory_space<vmem>>, vector<1x16xf32>,
        %get3A_457 = vector.shape_cast %get3A_456 : vector<1x16xf32> to vector<16xf32>
        %get3A_458 = arith.index_cast %scan3A_383 : i32 to index
        %get3A_459 = arith.constant 64 : index
        %get3A_460 = tpu.vector_load %arg14[%get3A_458, %get3A_459] {strides = array<i32>} : memref<80x128xf32, #tpu.memory_space<vmem>>, vector<1x16xf32>,
        %get3A_461 = vector.shape_cast %get3A_460 : vector<1x16xf32> to vector<16xf32>
        %add3A_462 = arith.addf %get3A_457, %get3A_461 : vector<16xf32>
        %get3A_463 = arith.index_cast %scan3A_383 : i32 to index
        %get3A_464 = arith.constant 80 : index
        %get3A_465 = tpu.vector_load %arg10[%get3A_463, %get3A_464] {strides = array<i32>} : memref<80x128xf32, #tpu.memory_space<vmem>>, vector<1x16xf32>,
        %get3A_466 = vector.shape_cast %get3A_465 : vector<1x16xf32> to vector<16xf32>
        %get3A_467 = arith.index_cast %scan3A_383 : i32 to index
        %get3A_468 = arith.constant 80 : index
        %get3A_469 = tpu.vector_load %arg14[%get3A_467, %get3A_468] {strides = array<i32>} : memref<80x128xf32, #tpu.memory_space<vmem>>, vector<1x16xf32>,
        %get3A_470 = vector.shape_cast %get3A_469 : vector<1x16xf32> to vector<16xf32>
        %add3A_471 = arith.addf %get3A_466, %get3A_470 : vector<16xf32>
        %bitcast_convert_type3A_472 = tpu.bitcast %add3A_462 : vector<16xf32> -> vector<16xi32>
        %add3A_473 = vector.broadcast %scan3A_42 : i32 to vector<16xi32>
        %add3A_474 = arith.addi %bitcast_convert_type3A_472, %add3A_473 : vector<16xi32>
        %bitcast_convert_type3A_475 = tpu.bitcast %add3A_471 : vector<16xf32> -> vector<16xi32>
        %add3A_476 = vector.broadcast %scan3A_42 : i32 to vector<16xi32>
        %add3A_477 = arith.addi %bitcast_convert_type3A_475, %add3A_476 : vector<16xi32>
        %shift_right_logical3A_478 = arith.constant 16 : i32
        %shift_right_logical3A_479 = vector.broadcast %shift_right_logical3A_478 : i32 to vector<16xi32>
        %shift_right_logical3A_480 = arith.shrui %add3A_474, %shift_right_logical3A_479 : vector<16xi32>
        %and3A_481 = vector.broadcast %scan3A_43 : i32 to vector<16xi32>
        %and3A_482 = arith.andi %add3A_477, %and3A_481 : vector<16xi32>
        %or3A_483 = arith.ori %shift_right_logical3A_480, %and3A_482 : vector<16xi32>
        %swap3A_484 = arith.index_cast %scan3A_383 : i32 to index
        %swap3A_485 = arith.constant 32 : index
        %swap3A_486 = tpu.vector_load %arg18[%swap3A_484, %swap3A_485] {strides = array<i32>} : memref<80x64xi32, #tpu.memory_space<vmem>>, vector<1x16xi32>,
        %swap3A_487 = vector.shape_cast %swap3A_486 : vector<1x16xi32> to vector<16xi32>
        %swap3A_488 = vector.shape_cast %or3A_483 : vector<16xi32> to vector<1x16xi32>
        tpu.vector_store %arg18[%swap3A_484, %swap3A_485], %swap3A_488 {strides = array<i32>} : memref<80x64xi32, #tpu.memory_space<vmem>>, vector<1x16xi32>,
        %get3A_489 = arith.index_cast %scan3A_383 : i32 to index
        %get3A_490 = arith.constant 96 : index
        %get3A_491 = tpu.vector_load %arg10[%get3A_489, %get3A_490] {strides = array<i32>} : memref<80x128xf32, #tpu.memory_space<vmem>>, vector<1x16xf32>,
        %get3A_492 = vector.shape_cast %get3A_491 : vector<1x16xf32> to vector<16xf32>
        %get3A_493 = arith.index_cast %scan3A_383 : i32 to index
        %get3A_494 = arith.constant 96 : index
        %get3A_495 = tpu.vector_load %arg14[%get3A_493, %get3A_494] {strides = array<i32>} : memref<80x128xf32, #tpu.memory_space<vmem>>, vector<1x16xf32>,
        %get3A_496 = vector.shape_cast %get3A_495 : vector<1x16xf32> to vector<16xf32>
        %add3A_497 = arith.addf %get3A_492, %get3A_496 : vector<16xf32>
        %get3A_498 = arith.index_cast %scan3A_383 : i32 to index
        %get3A_499 = arith.constant 112 : index
        %get3A_500 = tpu.vector_load %arg10[%get3A_498, %get3A_499] {strides = array<i32>} : memref<80x128xf32, #tpu.memory_space<vmem>>, vector<1x16xf32>,
        %get3A_501 = vector.shape_cast %get3A_500 : vector<1x16xf32> to vector<16xf32>
        %get3A_502 = arith.index_cast %scan3A_383 : i32 to index
        %get3A_503 = arith.constant 112 : index
        %get3A_504 = tpu.vector_load %arg14[%get3A_502, %get3A_503] {strides = array<i32>} : memref<80x128xf32, #tpu.memory_space<vmem>>, vector<1x16xf32>,
        %get3A_505 = vector.shape_cast %get3A_504 : vector<1x16xf32> to vector<16xf32>
        %add3A_506 = arith.addf %get3A_501, %get3A_505 : vector<16xf32>
        %bitcast_convert_type3A_507 = tpu.bitcast %add3A_497 : vector<16xf32> -> vector<16xi32>
        %add3A_508 = vector.broadcast %scan3A_42 : i32 to vector<16xi32>
        %add3A_509 = arith.addi %bitcast_convert_type3A_507, %add3A_508 : vector<16xi32>
        %bitcast_convert_type3A_510 = tpu.bitcast %add3A_506 : vector<16xf32> -> vector<16xi32>
        %add3A_511 = vector.broadcast %scan3A_42 : i32 to vector<16xi32>
        %add3A_512 = arith.addi %bitcast_convert_type3A_510, %add3A_511 : vector<16xi32>
        %shift_right_logical3A_513 = arith.constant 16 : i32
        %shift_right_logical3A_514 = vector.broadcast %shift_right_logical3A_513 : i32 to vector<16xi32>
        %shift_right_logical3A_515 = arith.shrui %add3A_509, %shift_right_logical3A_514 : vector<16xi32>
        %and3A_516 = vector.broadcast %scan3A_43 : i32 to vector<16xi32>
        %and3A_517 = arith.andi %add3A_512, %and3A_516 : vector<16xi32>
        %or3A_518 = arith.ori %shift_right_logical3A_515, %and3A_517 : vector<16xi32>
        %swap3A_519 = arith.index_cast %scan3A_383 : i32 to index
        %swap3A_520 = arith.constant 48 : index
        %swap3A_521 = tpu.vector_load %arg18[%swap3A_519, %swap3A_520] {strides = array<i32>} : memref<80x64xi32, #tpu.memory_space<vmem>>, vector<1x16xi32>,
        %swap3A_522 = vector.shape_cast %swap3A_521 : vector<1x16xi32> to vector<16xi32>
        %swap3A_523 = vector.shape_cast %or3A_518 : vector<16xi32> to vector<1x16xi32>
        tpu.vector_store %arg18[%swap3A_519, %swap3A_520], %swap3A_523 {strides = array<i32>} : memref<80x64xi32, #tpu.memory_space<vmem>>, vector<1x16xi32>,
        %scan3A_524 = arith.constant 2 : i32
        %scan3A_525 = arith.addi %scan3A_247, %scan3A_524 : i32
        %get3A_526 = arith.index_cast %scan3A_525 : i32 to index
        %get3A_527 = arith.constant 0 : index
        %get3A_528 = tpu.vector_load %arg10[%get3A_526, %get3A_527] {strides = array<i32>} : memref<80x128xf32, #tpu.memory_space<vmem>>, vector<1x16xf32>,
        %get3A_529 = vector.shape_cast %get3A_528 : vector<1x16xf32> to vector<16xf32>
        %get3A_530 = arith.index_cast %scan3A_525 : i32 to index
        %get3A_531 = arith.constant 0 : index
        %get3A_532 = tpu.vector_load %arg14[%get3A_530, %get3A_531] {strides = array<i32>} : memref<80x128xf32, #tpu.memory_space<vmem>>, vector<1x16xf32>,
        %get3A_533 = vector.shape_cast %get3A_532 : vector<1x16xf32> to vector<16xf32>
        %add3A_534 = arith.addf %get3A_529, %get3A_533 : vector<16xf32>
        %get3A_535 = arith.index_cast %scan3A_525 : i32 to index
        %get3A_536 = arith.constant 16 : index
        %get3A_537 = tpu.vector_load %arg10[%get3A_535, %get3A_536] {strides = array<i32>} : memref<80x128xf32, #tpu.memory_space<vmem>>, vector<1x16xf32>,
        %get3A_538 = vector.shape_cast %get3A_537 : vector<1x16xf32> to vector<16xf32>
        %get3A_539 = arith.index_cast %scan3A_525 : i32 to index
        %get3A_540 = arith.constant 16 : index
        %get3A_541 = tpu.vector_load %arg14[%get3A_539, %get3A_540] {strides = array<i32>} : memref<80x128xf32, #tpu.memory_space<vmem>>, vector<1x16xf32>,
        %get3A_542 = vector.shape_cast %get3A_541 : vector<1x16xf32> to vector<16xf32>
        %add3A_543 = arith.addf %get3A_538, %get3A_542 : vector<16xf32>
        %bitcast_convert_type3A_544 = tpu.bitcast %add3A_534 : vector<16xf32> -> vector<16xi32>
        %add3A_545 = vector.broadcast %scan3A_42 : i32 to vector<16xi32>
        %add3A_546 = arith.addi %bitcast_convert_type3A_544, %add3A_545 : vector<16xi32>
        %bitcast_convert_type3A_547 = tpu.bitcast %add3A_543 : vector<16xf32> -> vector<16xi32>
        %add3A_548 = vector.broadcast %scan3A_42 : i32 to vector<16xi32>
        %add3A_549 = arith.addi %bitcast_convert_type3A_547, %add3A_548 : vector<16xi32>
        %shift_right_logical3A_550 = arith.constant 16 : i32
        %shift_right_logical3A_551 = vector.broadcast %shift_right_logical3A_550 : i32 to vector<16xi32>
        %shift_right_logical3A_552 = arith.shrui %add3A_546, %shift_right_logical3A_551 : vector<16xi32>
        %and3A_553 = vector.broadcast %scan3A_43 : i32 to vector<16xi32>
        %and3A_554 = arith.andi %add3A_549, %and3A_553 : vector<16xi32>
        %or3A_555 = arith.ori %shift_right_logical3A_552, %and3A_554 : vector<16xi32>
        %swap3A_556 = arith.index_cast %scan3A_525 : i32 to index
        %swap3A_557 = arith.constant 0 : index
        %swap3A_558 = tpu.vector_load %arg18[%swap3A_556, %swap3A_557] {strides = array<i32>} : memref<80x64xi32, #tpu.memory_space<vmem>>, vector<1x16xi32>,
        %swap3A_559 = vector.shape_cast %swap3A_558 : vector<1x16xi32> to vector<16xi32>
        %swap3A_560 = vector.shape_cast %or3A_555 : vector<16xi32> to vector<1x16xi32>
        tpu.vector_store %arg18[%swap3A_556, %swap3A_557], %swap3A_560 {strides = array<i32>} : memref<80x64xi32, #tpu.memory_space<vmem>>, vector<1x16xi32>,
        %get3A_561 = arith.index_cast %scan3A_525 : i32 to index
        %get3A_562 = arith.constant 32 : index
        %get3A_563 = tpu.vector_load %arg10[%get3A_561, %get3A_562] {strides = array<i32>} : memref<80x128xf32, #tpu.memory_space<vmem>>, vector<1x16xf32>,
        %get3A_564 = vector.shape_cast %get3A_563 : vector<1x16xf32> to vector<16xf32>
        %get3A_565 = arith.index_cast %scan3A_525 : i32 to index
        %get3A_566 = arith.constant 32 : index
        %get3A_567 = tpu.vector_load %arg14[%get3A_565, %get3A_566] {strides = array<i32>} : memref<80x128xf32, #tpu.memory_space<vmem>>, vector<1x16xf32>,
        %get3A_568 = vector.shape_cast %get3A_567 : vector<1x16xf32> to vector<16xf32>
        %add3A_569 = arith.addf %get3A_564, %get3A_568 : vector<16xf32>
        %get3A_570 = arith.index_cast %scan3A_525 : i32 to index
        %get3A_571 = arith.constant 48 : index
        %get3A_572 = tpu.vector_load %arg10[%get3A_570, %get3A_571] {strides = array<i32>} : memref<80x128xf32, #tpu.memory_space<vmem>>, vector<1x16xf32>,
        %get3A_573 = vector.shape_cast %get3A_572 : vector<1x16xf32> to vector<16xf32>
        %get3A_574 = arith.index_cast %scan3A_525 : i32 to index
        %get3A_575 = arith.constant 48 : index
        %get3A_576 = tpu.vector_load %arg14[%get3A_574, %get3A_575] {strides = array<i32>} : memref<80x128xf32, #tpu.memory_space<vmem>>, vector<1x16xf32>,
        %get3A_577 = vector.shape_cast %get3A_576 : vector<1x16xf32> to vector<16xf32>
        %add3A_578 = arith.addf %get3A_573, %get3A_577 : vector<16xf32>
        %bitcast_convert_type3A_579 = tpu.bitcast %add3A_569 : vector<16xf32> -> vector<16xi32>
        %add3A_580 = vector.broadcast %scan3A_42 : i32 to vector<16xi32>
        %add3A_581 = arith.addi %bitcast_convert_type3A_579, %add3A_580 : vector<16xi32>
        %bitcast_convert_type3A_582 = tpu.bitcast %add3A_578 : vector<16xf32> -> vector<16xi32>
        %add3A_583 = vector.broadcast %scan3A_42 : i32 to vector<16xi32>
        %add3A_584 = arith.addi %bitcast_convert_type3A_582, %add3A_583 : vector<16xi32>
        %shift_right_logical3A_585 = arith.constant 16 : i32
        %shift_right_logical3A_586 = vector.broadcast %shift_right_logical3A_585 : i32 to vector<16xi32>
        %shift_right_logical3A_587 = arith.shrui %add3A_581, %shift_right_logical3A_586 : vector<16xi32>
        %and3A_588 = vector.broadcast %scan3A_43 : i32 to vector<16xi32>
        %and3A_589 = arith.andi %add3A_584, %and3A_588 : vector<16xi32>
        %or3A_590 = arith.ori %shift_right_logical3A_587, %and3A_589 : vector<16xi32>
        %swap3A_591 = arith.index_cast %scan3A_525 : i32 to index
        %swap3A_592 = arith.constant 16 : index
        %swap3A_593 = tpu.vector_load %arg18[%swap3A_591, %swap3A_592] {strides = array<i32>} : memref<80x64xi32, #tpu.memory_space<vmem>>, vector<1x16xi32>,
        %swap3A_594 = vector.shape_cast %swap3A_593 : vector<1x16xi32> to vector<16xi32>
        %swap3A_595 = vector.shape_cast %or3A_590 : vector<16xi32> to vector<1x16xi32>
        tpu.vector_store %arg18[%swap3A_591, %swap3A_592], %swap3A_595 {strides = array<i32>} : memref<80x64xi32, #tpu.memory_space<vmem>>, vector<1x16xi32>,
        %get3A_596 = arith.index_cast %scan3A_525 : i32 to index
        %get3A_597 = arith.constant 64 : index
        %get3A_598 = tpu.vector_load %arg10[%get3A_596, %get3A_597] {strides = array<i32>} : memref<80x128xf32, #tpu.memory_space<vmem>>, vector<1x16xf32>,
        %get3A_599 = vector.shape_cast %get3A_598 : vector<1x16xf32> to vector<16xf32>
        %get3A_600 = arith.index_cast %scan3A_525 : i32 to index
        %get3A_601 = arith.constant 64 : index
        %get3A_602 = tpu.vector_load %arg14[%get3A_600, %get3A_601] {strides = array<i32>} : memref<80x128xf32, #tpu.memory_space<vmem>>, vector<1x16xf32>,
        %get3A_603 = vector.shape_cast %get3A_602 : vector<1x16xf32> to vector<16xf32>
        %add3A_604 = arith.addf %get3A_599, %get3A_603 : vector<16xf32>
        %get3A_605 = arith.index_cast %scan3A_525 : i32 to index
        %get3A_606 = arith.constant 80 : index
        %get3A_607 = tpu.vector_load %arg10[%get3A_605, %get3A_606] {strides = array<i32>} : memref<80x128xf32, #tpu.memory_space<vmem>>, vector<1x16xf32>,
        %get3A_608 = vector.shape_cast %get3A_607 : vector<1x16xf32> to vector<16xf32>
        %get3A_609 = arith.index_cast %scan3A_525 : i32 to index
        %get3A_610 = arith.constant 80 : index
        %get3A_611 = tpu.vector_load %arg14[%get3A_609, %get3A_610] {strides = array<i32>} : memref<80x128xf32, #tpu.memory_space<vmem>>, vector<1x16xf32>,
        %get3A_612 = vector.shape_cast %get3A_611 : vector<1x16xf32> to vector<16xf32>
        %add3A_613 = arith.addf %get3A_608, %get3A_612 : vector<16xf32>
        %bitcast_convert_type3A_614 = tpu.bitcast %add3A_604 : vector<16xf32> -> vector<16xi32>
        %add3A_615 = vector.broadcast %scan3A_42 : i32 to vector<16xi32>
        %add3A_616 = arith.addi %bitcast_convert_type3A_614, %add3A_615 : vector<16xi32>
        %bitcast_convert_type3A_617 = tpu.bitcast %add3A_613 : vector<16xf32> -> vector<16xi32>
        %add3A_618 = vector.broadcast %scan3A_42 : i32 to vector<16xi32>
        %add3A_619 = arith.addi %bitcast_convert_type3A_617, %add3A_618 : vector<16xi32>
        %shift_right_logical3A_620 = arith.constant 16 : i32
        %shift_right_logical3A_621 = vector.broadcast %shift_right_logical3A_620 : i32 to vector<16xi32>
        %shift_right_logical3A_622 = arith.shrui %add3A_616, %shift_right_logical3A_621 : vector<16xi32>
        %and3A_623 = vector.broadcast %scan3A_43 : i32 to vector<16xi32>
        %and3A_624 = arith.andi %add3A_619, %and3A_623 : vector<16xi32>
        %or3A_625 = arith.ori %shift_right_logical3A_622, %and3A_624 : vector<16xi32>
        %swap3A_626 = arith.index_cast %scan3A_525 : i32 to index
        %swap3A_627 = arith.constant 32 : index
        %swap3A_628 = tpu.vector_load %arg18[%swap3A_626, %swap3A_627] {strides = array<i32>} : memref<80x64xi32, #tpu.memory_space<vmem>>, vector<1x16xi32>,
        %swap3A_629 = vector.shape_cast %swap3A_628 : vector<1x16xi32> to vector<16xi32>
        %swap3A_630 = vector.shape_cast %or3A_625 : vector<16xi32> to vector<1x16xi32>
        tpu.vector_store %arg18[%swap3A_626, %swap3A_627], %swap3A_630 {strides = array<i32>} : memref<80x64xi32, #tpu.memory_space<vmem>>, vector<1x16xi32>,
        %get3A_631 = arith.index_cast %scan3A_525 : i32 to index
        %get3A_632 = arith.constant 96 : index
        %get3A_633 = tpu.vector_load %arg10[%get3A_631, %get3A_632] {strides = array<i32>} : memref<80x128xf32, #tpu.memory_space<vmem>>, vector<1x16xf32>,
        %get3A_634 = vector.shape_cast %get3A_633 : vector<1x16xf32> to vector<16xf32>
        %get3A_635 = arith.index_cast %scan3A_525 : i32 to index
        %get3A_636 = arith.constant 96 : index
        %get3A_637 = tpu.vector_load %arg14[%get3A_635, %get3A_636] {strides = array<i32>} : memref<80x128xf32, #tpu.memory_space<vmem>>, vector<1x16xf32>,
        %get3A_638 = vector.shape_cast %get3A_637 : vector<1x16xf32> to vector<16xf32>
        %add3A_639 = arith.addf %get3A_634, %get3A_638 : vector<16xf32>
        %get3A_640 = arith.index_cast %scan3A_525 : i32 to index
        %get3A_641 = arith.constant 112 : index
        %get3A_642 = tpu.vector_load %arg10[%get3A_640, %get3A_641] {strides = array<i32>} : memref<80x128xf32, #tpu.memory_space<vmem>>, vector<1x16xf32>,
        %get3A_643 = vector.shape_cast %get3A_642 : vector<1x16xf32> to vector<16xf32>
        %get3A_644 = arith.index_cast %scan3A_525 : i32 to index
        %get3A_645 = arith.constant 112 : index
        %get3A_646 = tpu.vector_load %arg14[%get3A_644, %get3A_645] {strides = array<i32>} : memref<80x128xf32, #tpu.memory_space<vmem>>, vector<1x16xf32>,
        %get3A_647 = vector.shape_cast %get3A_646 : vector<1x16xf32> to vector<16xf32>
        %add3A_648 = arith.addf %get3A_643, %get3A_647 : vector<16xf32>
        %bitcast_convert_type3A_649 = tpu.bitcast %add3A_639 : vector<16xf32> -> vector<16xi32>
        %add3A_650 = vector.broadcast %scan3A_42 : i32 to vector<16xi32>
        %add3A_651 = arith.addi %bitcast_convert_type3A_649, %add3A_650 : vector<16xi32>
        %bitcast_convert_type3A_652 = tpu.bitcast %add3A_648 : vector<16xf32> -> vector<16xi32>
        %add3A_653 = vector.broadcast %scan3A_42 : i32 to vector<16xi32>
        %add3A_654 = arith.addi %bitcast_convert_type3A_652, %add3A_653 : vector<16xi32>
        %shift_right_logical3A_655 = arith.constant 16 : i32
        %shift_right_logical3A_656 = vector.broadcast %shift_right_logical3A_655 : i32 to vector<16xi32>
        %shift_right_logical3A_657 = arith.shrui %add3A_651, %shift_right_logical3A_656 : vector<16xi32>
        %and3A_658 = vector.broadcast %scan3A_43 : i32 to vector<16xi32>
        %and3A_659 = arith.andi %add3A_654, %and3A_658 : vector<16xi32>
        %or3A_660 = arith.ori %shift_right_logical3A_657, %and3A_659 : vector<16xi32>
        %swap3A_661 = arith.index_cast %scan3A_525 : i32 to index
        %swap3A_662 = arith.constant 48 : index
        %swap3A_663 = tpu.vector_load %arg18[%swap3A_661, %swap3A_662] {strides = array<i32>} : memref<80x64xi32, #tpu.memory_space<vmem>>, vector<1x16xi32>,
        %swap3A_664 = vector.shape_cast %swap3A_663 : vector<1x16xi32> to vector<16xi32>
        %swap3A_665 = vector.shape_cast %or3A_660 : vector<16xi32> to vector<1x16xi32>
        tpu.vector_store %arg18[%swap3A_661, %swap3A_662], %swap3A_665 {strides = array<i32>} : memref<80x64xi32, #tpu.memory_space<vmem>>, vector<1x16xi32>,
        %scan3A_666 = arith.constant 3 : i32
        %scan3A_667 = arith.addi %scan3A_247, %scan3A_666 : i32
        %get3A_668 = arith.index_cast %scan3A_667 : i32 to index
        %get3A_669 = arith.constant 0 : index
        %get3A_670 = tpu.vector_load %arg10[%get3A_668, %get3A_669] {strides = array<i32>} : memref<80x128xf32, #tpu.memory_space<vmem>>, vector<1x16xf32>,
        %get3A_671 = vector.shape_cast %get3A_670 : vector<1x16xf32> to vector<16xf32>
        %get3A_672 = arith.index_cast %scan3A_667 : i32 to index
        %get3A_673 = arith.constant 0 : index
        %get3A_674 = tpu.vector_load %arg14[%get3A_672, %get3A_673] {strides = array<i32>} : memref<80x128xf32, #tpu.memory_space<vmem>>, vector<1x16xf32>,
        %get3A_675 = vector.shape_cast %get3A_674 : vector<1x16xf32> to vector<16xf32>
        %add3A_676 = arith.addf %get3A_671, %get3A_675 : vector<16xf32>
        %get3A_677 = arith.index_cast %scan3A_667 : i32 to index
        %get3A_678 = arith.constant 16 : index
        %get3A_679 = tpu.vector_load %arg10[%get3A_677, %get3A_678] {strides = array<i32>} : memref<80x128xf32, #tpu.memory_space<vmem>>, vector<1x16xf32>,
        %get3A_680 = vector.shape_cast %get3A_679 : vector<1x16xf32> to vector<16xf32>
        %get3A_681 = arith.index_cast %scan3A_667 : i32 to index
        %get3A_682 = arith.constant 16 : index
        %get3A_683 = tpu.vector_load %arg14[%get3A_681, %get3A_682] {strides = array<i32>} : memref<80x128xf32, #tpu.memory_space<vmem>>, vector<1x16xf32>,
        %get3A_684 = vector.shape_cast %get3A_683 : vector<1x16xf32> to vector<16xf32>
        %add3A_685 = arith.addf %get3A_680, %get3A_684 : vector<16xf32>
        %bitcast_convert_type3A_686 = tpu.bitcast %add3A_676 : vector<16xf32> -> vector<16xi32>
        %add3A_687 = vector.broadcast %scan3A_42 : i32 to vector<16xi32>
        %add3A_688 = arith.addi %bitcast_convert_type3A_686, %add3A_687 : vector<16xi32>
        %bitcast_convert_type3A_689 = tpu.bitcast %add3A_685 : vector<16xf32> -> vector<16xi32>
        %add3A_690 = vector.broadcast %scan3A_42 : i32 to vector<16xi32>
        %add3A_691 = arith.addi %bitcast_convert_type3A_689, %add3A_690 : vector<16xi32>
        %shift_right_logical3A_692 = arith.constant 16 : i32
        %shift_right_logical3A_693 = vector.broadcast %shift_right_logical3A_692 : i32 to vector<16xi32>
        %shift_right_logical3A_694 = arith.shrui %add3A_688, %shift_right_logical3A_693 : vector<16xi32>
        %and3A_695 = vector.broadcast %scan3A_43 : i32 to vector<16xi32>
        %and3A_696 = arith.andi %add3A_691, %and3A_695 : vector<16xi32>
        %or3A_697 = arith.ori %shift_right_logical3A_694, %and3A_696 : vector<16xi32>
        %swap3A_698 = arith.index_cast %scan3A_667 : i32 to index
        %swap3A_699 = arith.constant 0 : index
        %swap3A_700 = tpu.vector_load %arg18[%swap3A_698, %swap3A_699] {strides = array<i32>} : memref<80x64xi32, #tpu.memory_space<vmem>>, vector<1x16xi32>,
        %swap3A_701 = vector.shape_cast %swap3A_700 : vector<1x16xi32> to vector<16xi32>
        %swap3A_702 = vector.shape_cast %or3A_697 : vector<16xi32> to vector<1x16xi32>
        tpu.vector_store %arg18[%swap3A_698, %swap3A_699], %swap3A_702 {strides = array<i32>} : memref<80x64xi32, #tpu.memory_space<vmem>>, vector<1x16xi32>,
        %get3A_703 = arith.index_cast %scan3A_667 : i32 to index
        %get3A_704 = arith.constant 32 : index
        %get3A_705 = tpu.vector_load %arg10[%get3A_703, %get3A_704] {strides = array<i32>} : memref<80x128xf32, #tpu.memory_space<vmem>>, vector<1x16xf32>,
        %get3A_706 = vector.shape_cast %get3A_705 : vector<1x16xf32> to vector<16xf32>
        %get3A_707 = arith.index_cast %scan3A_667 : i32 to index
        %get3A_708 = arith.constant 32 : index
        %get3A_709 = tpu.vector_load %arg14[%get3A_707, %get3A_708] {strides = array<i32>} : memref<80x128xf32, #tpu.memory_space<vmem>>, vector<1x16xf32>,
        %get3A_710 = vector.shape_cast %get3A_709 : vector<1x16xf32> to vector<16xf32>
        %add3A_711 = arith.addf %get3A_706, %get3A_710 : vector<16xf32>
        %get3A_712 = arith.index_cast %scan3A_667 : i32 to index
        %get3A_713 = arith.constant 48 : index
        %get3A_714 = tpu.vector_load %arg10[%get3A_712, %get3A_713] {strides = array<i32>} : memref<80x128xf32, #tpu.memory_space<vmem>>, vector<1x16xf32>,
        %get3A_715 = vector.shape_cast %get3A_714 : vector<1x16xf32> to vector<16xf32>
        %get3A_716 = arith.index_cast %scan3A_667 : i32 to index
        %get3A_717 = arith.constant 48 : index
        %get3A_718 = tpu.vector_load %arg14[%get3A_716, %get3A_717] {strides = array<i32>} : memref<80x128xf32, #tpu.memory_space<vmem>>, vector<1x16xf32>,
        %get3A_719 = vector.shape_cast %get3A_718 : vector<1x16xf32> to vector<16xf32>
        %add3A_720 = arith.addf %get3A_715, %get3A_719 : vector<16xf32>
        %bitcast_convert_type3A_721 = tpu.bitcast %add3A_711 : vector<16xf32> -> vector<16xi32>
        %add3A_722 = vector.broadcast %scan3A_42 : i32 to vector<16xi32>
        %add3A_723 = arith.addi %bitcast_convert_type3A_721, %add3A_722 : vector<16xi32>
        %bitcast_convert_type3A_724 = tpu.bitcast %add3A_720 : vector<16xf32> -> vector<16xi32>
        %add3A_725 = vector.broadcast %scan3A_42 : i32 to vector<16xi32>
        %add3A_726 = arith.addi %bitcast_convert_type3A_724, %add3A_725 : vector<16xi32>
        %shift_right_logical3A_727 = arith.constant 16 : i32
        %shift_right_logical3A_728 = vector.broadcast %shift_right_logical3A_727 : i32 to vector<16xi32>
        %shift_right_logical3A_729 = arith.shrui %add3A_723, %shift_right_logical3A_728 : vector<16xi32>
        %and3A_730 = vector.broadcast %scan3A_43 : i32 to vector<16xi32>
        %and3A_731 = arith.andi %add3A_726, %and3A_730 : vector<16xi32>
        %or3A_732 = arith.ori %shift_right_logical3A_729, %and3A_731 : vector<16xi32>
        %swap3A_733 = arith.index_cast %scan3A_667 : i32 to index
        %swap3A_734 = arith.constant 16 : index
        %swap3A_735 = tpu.vector_load %arg18[%swap3A_733, %swap3A_734] {strides = array<i32>} : memref<80x64xi32, #tpu.memory_space<vmem>>, vector<1x16xi32>,
        %swap3A_736 = vector.shape_cast %swap3A_735 : vector<1x16xi32> to vector<16xi32>
        %swap3A_737 = vector.shape_cast %or3A_732 : vector<16xi32> to vector<1x16xi32>
        tpu.vector_store %arg18[%swap3A_733, %swap3A_734], %swap3A_737 {strides = array<i32>} : memref<80x64xi32, #tpu.memory_space<vmem>>, vector<1x16xi32>,
        %get3A_738 = arith.index_cast %scan3A_667 : i32 to index
        %get3A_739 = arith.constant 64 : index
        %get3A_740 = tpu.vector_load %arg10[%get3A_738, %get3A_739] {strides = array<i32>} : memref<80x128xf32, #tpu.memory_space<vmem>>, vector<1x16xf32>,
        %get3A_741 = vector.shape_cast %get3A_740 : vector<1x16xf32> to vector<16xf32>
        %get3A_742 = arith.index_cast %scan3A_667 : i32 to index
        %get3A_743 = arith.constant 64 : index
        %get3A_744 = tpu.vector_load %arg14[%get3A_742, %get3A_743] {strides = array<i32>} : memref<80x128xf32, #tpu.memory_space<vmem>>, vector<1x16xf32>,
        %get3A_745 = vector.shape_cast %get3A_744 : vector<1x16xf32> to vector<16xf32>
        %add3A_746 = arith.addf %get3A_741, %get3A_745 : vector<16xf32>
        %get3A_747 = arith.index_cast %scan3A_667 : i32 to index
        %get3A_748 = arith.constant 80 : index
        %get3A_749 = tpu.vector_load %arg10[%get3A_747, %get3A_748] {strides = array<i32>} : memref<80x128xf32, #tpu.memory_space<vmem>>, vector<1x16xf32>,
        %get3A_750 = vector.shape_cast %get3A_749 : vector<1x16xf32> to vector<16xf32>
        %get3A_751 = arith.index_cast %scan3A_667 : i32 to index
        %get3A_752 = arith.constant 80 : index
        %get3A_753 = tpu.vector_load %arg14[%get3A_751, %get3A_752] {strides = array<i32>} : memref<80x128xf32, #tpu.memory_space<vmem>>, vector<1x16xf32>,
        %get3A_754 = vector.shape_cast %get3A_753 : vector<1x16xf32> to vector<16xf32>
        %add3A_755 = arith.addf %get3A_750, %get3A_754 : vector<16xf32>
        %bitcast_convert_type3A_756 = tpu.bitcast %add3A_746 : vector<16xf32> -> vector<16xi32>
        %add3A_757 = vector.broadcast %scan3A_42 : i32 to vector<16xi32>
        %add3A_758 = arith.addi %bitcast_convert_type3A_756, %add3A_757 : vector<16xi32>
        %bitcast_convert_type3A_759 = tpu.bitcast %add3A_755 : vector<16xf32> -> vector<16xi32>
        %add3A_760 = vector.broadcast %scan3A_42 : i32 to vector<16xi32>
        %add3A_761 = arith.addi %bitcast_convert_type3A_759, %add3A_760 : vector<16xi32>
        %shift_right_logical3A_762 = arith.constant 16 : i32
        %shift_right_logical3A_763 = vector.broadcast %shift_right_logical3A_762 : i32 to vector<16xi32>
        %shift_right_logical3A_764 = arith.shrui %add3A_758, %shift_right_logical3A_763 : vector<16xi32>
        %and3A_765 = vector.broadcast %scan3A_43 : i32 to vector<16xi32>
        %and3A_766 = arith.andi %add3A_761, %and3A_765 : vector<16xi32>
        %or3A_767 = arith.ori %shift_right_logical3A_764, %and3A_766 : vector<16xi32>
        %swap3A_768 = arith.index_cast %scan3A_667 : i32 to index
        %swap3A_769 = arith.constant 32 : index
        %swap3A_770 = tpu.vector_load %arg18[%swap3A_768, %swap3A_769] {strides = array<i32>} : memref<80x64xi32, #tpu.memory_space<vmem>>, vector<1x16xi32>,
        %swap3A_771 = vector.shape_cast %swap3A_770 : vector<1x16xi32> to vector<16xi32>
        %swap3A_772 = vector.shape_cast %or3A_767 : vector<16xi32> to vector<1x16xi32>
        tpu.vector_store %arg18[%swap3A_768, %swap3A_769], %swap3A_772 {strides = array<i32>} : memref<80x64xi32, #tpu.memory_space<vmem>>, vector<1x16xi32>,
        %get3A_773 = arith.index_cast %scan3A_667 : i32 to index
        %get3A_774 = arith.constant 96 : index
        %get3A_775 = tpu.vector_load %arg10[%get3A_773, %get3A_774] {strides = array<i32>} : memref<80x128xf32, #tpu.memory_space<vmem>>, vector<1x16xf32>,
        %get3A_776 = vector.shape_cast %get3A_775 : vector<1x16xf32> to vector<16xf32>
        %get3A_777 = arith.index_cast %scan3A_667 : i32 to index
        %get3A_778 = arith.constant 96 : index
        %get3A_779 = tpu.vector_load %arg14[%get3A_777, %get3A_778] {strides = array<i32>} : memref<80x128xf32, #tpu.memory_space<vmem>>, vector<1x16xf32>,
        %get3A_780 = vector.shape_cast %get3A_779 : vector<1x16xf32> to vector<16xf32>
        %add3A_781 = arith.addf %get3A_776, %get3A_780 : vector<16xf32>
        %get3A_782 = arith.index_cast %scan3A_667 : i32 to index
        %get3A_783 = arith.constant 112 : index
        %get3A_784 = tpu.vector_load %arg10[%get3A_782, %get3A_783] {strides = array<i32>} : memref<80x128xf32, #tpu.memory_space<vmem>>, vector<1x16xf32>,
        %get3A_785 = vector.shape_cast %get3A_784 : vector<1x16xf32> to vector<16xf32>
        %get3A_786 = arith.index_cast %scan3A_667 : i32 to index
        %get3A_787 = arith.constant 112 : index
        %get3A_788 = tpu.vector_load %arg14[%get3A_786, %get3A_787] {strides = array<i32>} : memref<80x128xf32, #tpu.memory_space<vmem>>, vector<1x16xf32>,
        %get3A_789 = vector.shape_cast %get3A_788 : vector<1x16xf32> to vector<16xf32>
        %add3A_790 = arith.addf %get3A_785, %get3A_789 : vector<16xf32>
        %bitcast_convert_type3A_791 = tpu.bitcast %add3A_781 : vector<16xf32> -> vector<16xi32>
        %add3A_792 = vector.broadcast %scan3A_42 : i32 to vector<16xi32>
        %add3A_793 = arith.addi %bitcast_convert_type3A_791, %add3A_792 : vector<16xi32>
        %bitcast_convert_type3A_794 = tpu.bitcast %add3A_790 : vector<16xf32> -> vector<16xi32>
        %add3A_795 = vector.broadcast %scan3A_42 : i32 to vector<16xi32>
        %add3A_796 = arith.addi %bitcast_convert_type3A_794, %add3A_795 : vector<16xi32>
        %shift_right_logical3A_797 = arith.constant 16 : i32
        %shift_right_logical3A_798 = vector.broadcast %shift_right_logical3A_797 : i32 to vector<16xi32>
        %shift_right_logical3A_799 = arith.shrui %add3A_793, %shift_right_logical3A_798 : vector<16xi32>
        %and3A_800 = vector.broadcast %scan3A_43 : i32 to vector<16xi32>
        %and3A_801 = arith.andi %add3A_796, %and3A_800 : vector<16xi32>
        %or3A_802 = arith.ori %shift_right_logical3A_799, %and3A_801 : vector<16xi32>
        %swap3A_803 = arith.index_cast %scan3A_667 : i32 to index
        %swap3A_804 = arith.constant 48 : index
        %swap3A_805 = tpu.vector_load %arg18[%swap3A_803, %swap3A_804] {strides = array<i32>} : memref<80x64xi32, #tpu.memory_space<vmem>>, vector<1x16xi32>,
        %swap3A_806 = vector.shape_cast %swap3A_805 : vector<1x16xi32> to vector<16xi32>
        %swap3A_807 = vector.shape_cast %or3A_802 : vector<16xi32> to vector<1x16xi32>
        tpu.vector_store %arg18[%swap3A_803, %swap3A_804], %swap3A_807 {strides = array<i32>} : memref<80x64xi32, #tpu.memory_space<vmem>>, vector<1x16xi32>,
      }
      %scan3A_150 = arith.constant 80 : i32
      %mul3A_151 = arith.constant 80 : i32
      %mul3A_152 = arith.muli %add3A_127, %mul3A_151 : i32
      %add3A_153 = arith.addi %mul3A_2, %mul3A_152 : i32
      %dma_start3A_154 = arith.constant 0 : i32
      %dma_start3A_155 = tpu.memref_slice %arg6[%add3A_153, %dma_start3A_154] : memref<320000x64xi32, #tpu.memory_space<hbm>> -> memref<80x64xi32, #tpu.memory_space<hbm>>
      %dma_start3A_156 = arith.constant 0 : i32
      %dma_start3A_157 = tpu.memref_slice %arg6[%add3A_153, %dma_start3A_156] : memref<320000x64xi32, #tpu.memory_space<hbm>> -> memref<80x64xi32, #tpu.memory_space<hbm>>
      tpu.enqueue_dma source(%arg18 : memref<80x64xi32, #tpu.memory_space<vmem>>) target(%dma_start3A_157 : memref<80x64xi32, #tpu.memory_space<hbm>>) target_semaphore(%arg24 : memref<!tpu.dma_semaphore, #tpu.memory_space<semaphore_mem>>)
      %add3A_158 = arith.constant 4 : i32
      %add3A_159 = arith.addi %add3A_127, %add3A_158 : i32
      %le3A_160 = arith.constant 124 : i32
      %le3A_161 = arith.cmpi sle, %add3A_159, %le3A_160 : i32
      %convert_element_type3A_162 = arith.extui %le3A_161 : i1 to i32
      %cond3A_163 = arith.constant 0 : i32
      %cond3A_164 = arith.cmpi ne, %convert_element_type3A_162, %cond3A_163 : i32
      scf.if %cond3A_164 {
        %add3A_247 = arith.constant 4 : i32
        %add3A_248 = arith.addi %add3A_127, %add3A_247 : i32
        %mul3A_249 = arith.constant 80 : i32
        %mul3A_250 = arith.muli %add3A_248, %mul3A_249 : i32
        %dma_start3A_251 = tpu.memref_slice %arg7[%mul3A_250] : memref<10000xi32, #tpu.memory_space<vmem>> -> memref<80xi32, #tpu.memory_space<vmem>>
        %dma_start3A_252 = arith.constant 0 : i32
        %dma_start3A_253 = arith.constant 0 : i32
        %dma_start3A_254 = tpu.memref_slice %arg2[%dma_start3A_252, %dma_start3A_253] : memref<10000x128xf32, #tpu.memory_space<hbm>> -> memref<10000x128xf32, #tpu.memory_space<hbm>>
        tpu.enqueue_indirect_dma source(%dma_start3A_254 : memref<10000x128xf32, #tpu.memory_space<hbm>>) target(%arg10 : memref<80x128xf32, #tpu.memory_space<vmem>>) offsets(%dma_start3A_251 : memref<80xi32, #tpu.memory_space<vmem>>) semaphore(%arg20 : memref<!tpu.dma_semaphore, #tpu.memory_space<semaphore_mem>>)
        %dma_start3A_255 = tpu.memref_slice %arg8[%mul3A_250] : memref<10000xi32, #tpu.memory_space<vmem>> -> memref<80xi32, #tpu.memory_space<vmem>>
        %dma_start3A_256 = arith.constant 0 : i32
        %dma_start3A_257 = arith.constant 0 : i32
        %dma_start3A_258 = tpu.memref_slice %arg3[%dma_start3A_256, %dma_start3A_257] : memref<10000x128xf32, #tpu.memory_space<hbm>> -> memref<10000x128xf32, #tpu.memory_space<hbm>>
        tpu.enqueue_indirect_dma source(%dma_start3A_258 : memref<10000x128xf32, #tpu.memory_space<hbm>>) target(%arg14 : memref<80x128xf32, #tpu.memory_space<vmem>>) offsets(%dma_start3A_255 : memref<80xi32, #tpu.memory_space<vmem>>) semaphore(%arg20 : memref<!tpu.dma_semaphore, #tpu.memory_space<semaphore_mem>>)
      } else {
      }
      %mul3A_165 = arith.constant 4 : i32
      %mul3A_166 = arith.muli %mul3A_165, %scan3A_86 : i32
      %add3A_167 = arith.constant 2 : i32
      %add3A_168 = arith.addi %mul3A_166, %add3A_167 : i32
      %dma_wait3A_169 = arith.constant 0 : i32
      %dma_wait3A_170 = arith.constant 0 : i32
      %dma_wait3A_171 = tpu.memref_slice %arg2[%dma_wait3A_169, %dma_wait3A_170] : memref<10000x128xf32, #tpu.memory_space<hbm>> -> memref<80x128xf32, #tpu.memory_space<hbm>>
      %dma_wait3A_172 = arith.constant 0 : i32
      %dma_wait3A_173 = arith.constant 0 : i32
      %dma_wait3A_174 = tpu.memref_slice %arg2[%dma_wait3A_172, %dma_wait3A_173] : memref<10000x128xf32, #tpu.memory_space<hbm>> -> memref<80x128xf32, #tpu.memory_space<hbm>>
      tpu.wait_dma2 semaphore(%arg21 : memref<!tpu.dma_semaphore, #tpu.memory_space<semaphore_mem>>) src(%dma_wait3A_174 : memref<80x128xf32, #tpu.memory_space<hbm>>) dst(%arg11 : memref<80x128xf32, #tpu.memory_space<vmem>>)
      %dma_wait3A_175 = arith.constant 0 : i32
      %dma_wait3A_176 = arith.constant 0 : i32
      %dma_wait3A_177 = tpu.memref_slice %arg3[%dma_wait3A_175, %dma_wait3A_176] : memref<10000x128xf32, #tpu.memory_space<hbm>> -> memref<80x128xf32, #tpu.memory_space<hbm>>
      %dma_wait3A_178 = arith.constant 0 : i32
      %dma_wait3A_179 = arith.constant 0 : i32
      %dma_wait3A_180 = tpu.memref_slice %arg3[%dma_wait3A_178, %dma_wait3A_179] : memref<10000x128xf32, #tpu.memory_space<hbm>> -> memref<80x128xf32, #tpu.memory_space<hbm>>
      tpu.wait_dma2 semaphore(%arg21 : memref<!tpu.dma_semaphore, #tpu.memory_space<semaphore_mem>>) src(%dma_wait3A_180 : memref<80x128xf32, #tpu.memory_space<hbm>>) dst(%arg15 : memref<80x128xf32, #tpu.memory_space<vmem>>)
      %ge3A_181 = arith.constant 2 : i32
      %ge3A_182 = arith.cmpi sge, %add3A_168, %ge3A_181 : i32
      %convert_element_type3A_183 = arith.extui %ge3A_182 : i1 to i32
      %cond3A_184 = arith.constant 0 : i32
      %cond3A_185 = arith.cmpi ne, %convert_element_type3A_183, %cond3A_184 : i32
      scf.if %cond3A_185 {
        %dma_wait3A_247 = arith.constant 0 : i32
        %dma_wait3A_248 = tpu.memref_slice %arg6[%mul3A_2, %dma_wait3A_247] : memref<320000x64xi32, #tpu.memory_space<hbm>> -> memref<80x64xi32, #tpu.memory_space<hbm>>
        %dma_wait3A_249 = arith.constant 0 : i32
        %dma_wait3A_250 = tpu.memref_slice %arg6[%mul3A_2, %dma_wait3A_249] : memref<320000x64xi32, #tpu.memory_space<hbm>> -> memref<80x64xi32, #tpu.memory_space<hbm>>
        tpu.wait_dma2 semaphore(%arg23 : memref<!tpu.dma_semaphore, #tpu.memory_space<semaphore_mem>>) src(%arg17 : memref<80x64xi32, #tpu.memory_space<vmem>>) dst(%dma_wait3A_250 : memref<80x64xi32, #tpu.memory_space<hbm>>)
      } else {
      }
      %scan3A_186 = arith.constant 0 : i32
      %scan3A_187 = arith.constant 0 : i32
      %scan3A_188 = arith.constant 80 : i32
      %scan3A_189 = arith.addi %scan3A_187, %scan3A_188 : i32
      %scan3A_190 = arith.constant 4 : i32
      scf.for %scan3A_247 = %scan3A_187 to %scan3A_189 step %scan3A_190  : i32 {
        %get3A = arith.index_cast %scan3A_247 : i32 to index
        %get3A_248 = arith.constant 0 : index
        %get3A_249 = tpu.vector_load %arg11[%get3A, %get3A_248] {strides = array<i32>} : memref<80x128xf32, #tpu.memory_space<vmem>>, vector<1x16xf32>,
        %get3A_250 = vector.shape_cast %get3A_249 : vector<1x16xf32> to vector<16xf32>
        %get3A_251 = arith.index_cast %scan3A_247 : i32 to index
        %get3A_252 = arith.constant 0 : index
        %get3A_253 = tpu.vector_load %arg15[%get3A_251, %get3A_252] {strides = array<i32>} : memref<80x128xf32, #tpu.memory_space<vmem>>, vector<1x16xf32>,
        %get3A_254 = vector.shape_cast %get3A_253 : vector<1x16xf32> to vector<16xf32>
        %add3A_255 = arith.addf %get3A_250, %get3A_254 : vector<16xf32>
        %get3A_256 = arith.index_cast %scan3A_247 : i32 to index
        %get3A_257 = arith.constant 16 : index
        %get3A_258 = tpu.vector_load %arg11[%get3A_256, %get3A_257] {strides = array<i32>} : memref<80x128xf32, #tpu.memory_space<vmem>>, vector<1x16xf32>,
        %get3A_259 = vector.shape_cast %get3A_258 : vector<1x16xf32> to vector<16xf32>
        %get3A_260 = arith.index_cast %scan3A_247 : i32 to index
        %get3A_261 = arith.constant 16 : index
        %get3A_262 = tpu.vector_load %arg15[%get3A_260, %get3A_261] {strides = array<i32>} : memref<80x128xf32, #tpu.memory_space<vmem>>, vector<1x16xf32>,
        %get3A_263 = vector.shape_cast %get3A_262 : vector<1x16xf32> to vector<16xf32>
        %add3A_264 = arith.addf %get3A_259, %get3A_263 : vector<16xf32>
        %bitcast_convert_type3A = tpu.bitcast %add3A_255 : vector<16xf32> -> vector<16xi32>
        %add3A_265 = vector.broadcast %scan3A_42 : i32 to vector<16xi32>
        %add3A_266 = arith.addi %bitcast_convert_type3A, %add3A_265 : vector<16xi32>
        %bitcast_convert_type3A_267 = tpu.bitcast %add3A_264 : vector<16xf32> -> vector<16xi32>
        %add3A_268 = vector.broadcast %scan3A_42 : i32 to vector<16xi32>
        %add3A_269 = arith.addi %bitcast_convert_type3A_267, %add3A_268 : vector<16xi32>
        %shift_right_logical3A = arith.constant 16 : i32
        %shift_right_logical3A_270 = vector.broadcast %shift_right_logical3A : i32 to vector<16xi32>
        %shift_right_logical3A_271 = arith.shrui %add3A_266, %shift_right_logical3A_270 : vector<16xi32>
        %and3A = vector.broadcast %scan3A_43 : i32 to vector<16xi32>
        %and3A_272 = arith.andi %add3A_269, %and3A : vector<16xi32>
        %or3A = arith.ori %shift_right_logical3A_271, %and3A_272 : vector<16xi32>
        %swap3A = arith.index_cast %scan3A_247 : i32 to index
        %swap3A_273 = arith.constant 0 : index
        %swap3A_274 = tpu.vector_load %arg17[%swap3A, %swap3A_273] {strides = array<i32>} : memref<80x64xi32, #tpu.memory_space<vmem>>, vector<1x16xi32>,
        %swap3A_275 = vector.shape_cast %swap3A_274 : vector<1x16xi32> to vector<16xi32>
        %swap3A_276 = vector.shape_cast %or3A : vector<16xi32> to vector<1x16xi32>
        tpu.vector_store %arg17[%swap3A, %swap3A_273], %swap3A_276 {strides = array<i32>} : memref<80x64xi32, #tpu.memory_space<vmem>>, vector<1x16xi32>,
        %get3A_277 = arith.index_cast %scan3A_247 : i32 to index
        %get3A_278 = arith.constant 32 : index
        %get3A_279 = tpu.vector_load %arg11[%get3A_277, %get3A_278] {strides = array<i32>} : memref<80x128xf32, #tpu.memory_space<vmem>>, vector<1x16xf32>,
        %get3A_280 = vector.shape_cast %get3A_279 : vector<1x16xf32> to vector<16xf32>
        %get3A_281 = arith.index_cast %scan3A_247 : i32 to index
        %get3A_282 = arith.constant 32 : index
        %get3A_283 = tpu.vector_load %arg15[%get3A_281, %get3A_282] {strides = array<i32>} : memref<80x128xf32, #tpu.memory_space<vmem>>, vector<1x16xf32>,
        %get3A_284 = vector.shape_cast %get3A_283 : vector<1x16xf32> to vector<16xf32>
        %add3A_285 = arith.addf %get3A_280, %get3A_284 : vector<16xf32>
        %get3A_286 = arith.index_cast %scan3A_247 : i32 to index
        %get3A_287 = arith.constant 48 : index
        %get3A_288 = tpu.vector_load %arg11[%get3A_286, %get3A_287] {strides = array<i32>} : memref<80x128xf32, #tpu.memory_space<vmem>>, vector<1x16xf32>,
        %get3A_289 = vector.shape_cast %get3A_288 : vector<1x16xf32> to vector<16xf32>
        %get3A_290 = arith.index_cast %scan3A_247 : i32 to index
        %get3A_291 = arith.constant 48 : index
        %get3A_292 = tpu.vector_load %arg15[%get3A_290, %get3A_291] {strides = array<i32>} : memref<80x128xf32, #tpu.memory_space<vmem>>, vector<1x16xf32>,
        %get3A_293 = vector.shape_cast %get3A_292 : vector<1x16xf32> to vector<16xf32>
        %add3A_294 = arith.addf %get3A_289, %get3A_293 : vector<16xf32>
        %bitcast_convert_type3A_295 = tpu.bitcast %add3A_285 : vector<16xf32> -> vector<16xi32>
        %add3A_296 = vector.broadcast %scan3A_42 : i32 to vector<16xi32>
        %add3A_297 = arith.addi %bitcast_convert_type3A_295, %add3A_296 : vector<16xi32>
        %bitcast_convert_type3A_298 = tpu.bitcast %add3A_294 : vector<16xf32> -> vector<16xi32>
        %add3A_299 = vector.broadcast %scan3A_42 : i32 to vector<16xi32>
        %add3A_300 = arith.addi %bitcast_convert_type3A_298, %add3A_299 : vector<16xi32>
        %shift_right_logical3A_301 = arith.constant 16 : i32
        %shift_right_logical3A_302 = vector.broadcast %shift_right_logical3A_301 : i32 to vector<16xi32>
        %shift_right_logical3A_303 = arith.shrui %add3A_297, %shift_right_logical3A_302 : vector<16xi32>
        %and3A_304 = vector.broadcast %scan3A_43 : i32 to vector<16xi32>
        %and3A_305 = arith.andi %add3A_300, %and3A_304 : vector<16xi32>
        %or3A_306 = arith.ori %shift_right_logical3A_303, %and3A_305 : vector<16xi32>
        %swap3A_307 = arith.index_cast %scan3A_247 : i32 to index
        %swap3A_308 = arith.constant 16 : index
        %swap3A_309 = tpu.vector_load %arg17[%swap3A_307, %swap3A_308] {strides = array<i32>} : memref<80x64xi32, #tpu.memory_space<vmem>>, vector<1x16xi32>,
        %swap3A_310 = vector.shape_cast %swap3A_309 : vector<1x16xi32> to vector<16xi32>
        %swap3A_311 = vector.shape_cast %or3A_306 : vector<16xi32> to vector<1x16xi32>
        tpu.vector_store %arg17[%swap3A_307, %swap3A_308], %swap3A_311 {strides = array<i32>} : memref<80x64xi32, #tpu.memory_space<vmem>>, vector<1x16xi32>,
        %get3A_312 = arith.index_cast %scan3A_247 : i32 to index
        %get3A_313 = arith.constant 64 : index
        %get3A_314 = tpu.vector_load %arg11[%get3A_312, %get3A_313] {strides = array<i32>} : memref<80x128xf32, #tpu.memory_space<vmem>>, vector<1x16xf32>,
        %get3A_315 = vector.shape_cast %get3A_314 : vector<1x16xf32> to vector<16xf32>
        %get3A_316 = arith.index_cast %scan3A_247 : i32 to index
        %get3A_317 = arith.constant 64 : index
        %get3A_318 = tpu.vector_load %arg15[%get3A_316, %get3A_317] {strides = array<i32>} : memref<80x128xf32, #tpu.memory_space<vmem>>, vector<1x16xf32>,
        %get3A_319 = vector.shape_cast %get3A_318 : vector<1x16xf32> to vector<16xf32>
        %add3A_320 = arith.addf %get3A_315, %get3A_319 : vector<16xf32>
        %get3A_321 = arith.index_cast %scan3A_247 : i32 to index
        %get3A_322 = arith.constant 80 : index
        %get3A_323 = tpu.vector_load %arg11[%get3A_321, %get3A_322] {strides = array<i32>} : memref<80x128xf32, #tpu.memory_space<vmem>>, vector<1x16xf32>,
        %get3A_324 = vector.shape_cast %get3A_323 : vector<1x16xf32> to vector<16xf32>
        %get3A_325 = arith.index_cast %scan3A_247 : i32 to index
        %get3A_326 = arith.constant 80 : index
        %get3A_327 = tpu.vector_load %arg15[%get3A_325, %get3A_326] {strides = array<i32>} : memref<80x128xf32, #tpu.memory_space<vmem>>, vector<1x16xf32>,
        %get3A_328 = vector.shape_cast %get3A_327 : vector<1x16xf32> to vector<16xf32>
        %add3A_329 = arith.addf %get3A_324, %get3A_328 : vector<16xf32>
        %bitcast_convert_type3A_330 = tpu.bitcast %add3A_320 : vector<16xf32> -> vector<16xi32>
        %add3A_331 = vector.broadcast %scan3A_42 : i32 to vector<16xi32>
        %add3A_332 = arith.addi %bitcast_convert_type3A_330, %add3A_331 : vector<16xi32>
        %bitcast_convert_type3A_333 = tpu.bitcast %add3A_329 : vector<16xf32> -> vector<16xi32>
        %add3A_334 = vector.broadcast %scan3A_42 : i32 to vector<16xi32>
        %add3A_335 = arith.addi %bitcast_convert_type3A_333, %add3A_334 : vector<16xi32>
        %shift_right_logical3A_336 = arith.constant 16 : i32
        %shift_right_logical3A_337 = vector.broadcast %shift_right_logical3A_336 : i32 to vector<16xi32>
        %shift_right_logical3A_338 = arith.shrui %add3A_332, %shift_right_logical3A_337 : vector<16xi32>
        %and3A_339 = vector.broadcast %scan3A_43 : i32 to vector<16xi32>
        %and3A_340 = arith.andi %add3A_335, %and3A_339 : vector<16xi32>
        %or3A_341 = arith.ori %shift_right_logical3A_338, %and3A_340 : vector<16xi32>
        %swap3A_342 = arith.index_cast %scan3A_247 : i32 to index
        %swap3A_343 = arith.constant 32 : index
        %swap3A_344 = tpu.vector_load %arg17[%swap3A_342, %swap3A_343] {strides = array<i32>} : memref<80x64xi32, #tpu.memory_space<vmem>>, vector<1x16xi32>,
        %swap3A_345 = vector.shape_cast %swap3A_344 : vector<1x16xi32> to vector<16xi32>
        %swap3A_346 = vector.shape_cast %or3A_341 : vector<16xi32> to vector<1x16xi32>
        tpu.vector_store %arg17[%swap3A_342, %swap3A_343], %swap3A_346 {strides = array<i32>} : memref<80x64xi32, #tpu.memory_space<vmem>>, vector<1x16xi32>,
        %get3A_347 = arith.index_cast %scan3A_247 : i32 to index
        %get3A_348 = arith.constant 96 : index
        %get3A_349 = tpu.vector_load %arg11[%get3A_347, %get3A_348] {strides = array<i32>} : memref<80x128xf32, #tpu.memory_space<vmem>>, vector<1x16xf32>,
        %get3A_350 = vector.shape_cast %get3A_349 : vector<1x16xf32> to vector<16xf32>
        %get3A_351 = arith.index_cast %scan3A_247 : i32 to index
        %get3A_352 = arith.constant 96 : index
        %get3A_353 = tpu.vector_load %arg15[%get3A_351, %get3A_352] {strides = array<i32>} : memref<80x128xf32, #tpu.memory_space<vmem>>, vector<1x16xf32>,
        %get3A_354 = vector.shape_cast %get3A_353 : vector<1x16xf32> to vector<16xf32>
        %add3A_355 = arith.addf %get3A_350, %get3A_354 : vector<16xf32>
        %get3A_356 = arith.index_cast %scan3A_247 : i32 to index
        %get3A_357 = arith.constant 112 : index
        %get3A_358 = tpu.vector_load %arg11[%get3A_356, %get3A_357] {strides = array<i32>} : memref<80x128xf32, #tpu.memory_space<vmem>>, vector<1x16xf32>,
        %get3A_359 = vector.shape_cast %get3A_358 : vector<1x16xf32> to vector<16xf32>
        %get3A_360 = arith.index_cast %scan3A_247 : i32 to index
        %get3A_361 = arith.constant 112 : index
        %get3A_362 = tpu.vector_load %arg15[%get3A_360, %get3A_361] {strides = array<i32>} : memref<80x128xf32, #tpu.memory_space<vmem>>, vector<1x16xf32>,
        %get3A_363 = vector.shape_cast %get3A_362 : vector<1x16xf32> to vector<16xf32>
        %add3A_364 = arith.addf %get3A_359, %get3A_363 : vector<16xf32>
        %bitcast_convert_type3A_365 = tpu.bitcast %add3A_355 : vector<16xf32> -> vector<16xi32>
        %add3A_366 = vector.broadcast %scan3A_42 : i32 to vector<16xi32>
        %add3A_367 = arith.addi %bitcast_convert_type3A_365, %add3A_366 : vector<16xi32>
        %bitcast_convert_type3A_368 = tpu.bitcast %add3A_364 : vector<16xf32> -> vector<16xi32>
        %add3A_369 = vector.broadcast %scan3A_42 : i32 to vector<16xi32>
        %add3A_370 = arith.addi %bitcast_convert_type3A_368, %add3A_369 : vector<16xi32>
        %shift_right_logical3A_371 = arith.constant 16 : i32
        %shift_right_logical3A_372 = vector.broadcast %shift_right_logical3A_371 : i32 to vector<16xi32>
        %shift_right_logical3A_373 = arith.shrui %add3A_367, %shift_right_logical3A_372 : vector<16xi32>
        %and3A_374 = vector.broadcast %scan3A_43 : i32 to vector<16xi32>
        %and3A_375 = arith.andi %add3A_370, %and3A_374 : vector<16xi32>
        %or3A_376 = arith.ori %shift_right_logical3A_373, %and3A_375 : vector<16xi32>
        %swap3A_377 = arith.index_cast %scan3A_247 : i32 to index
        %swap3A_378 = arith.constant 48 : index
        %swap3A_379 = tpu.vector_load %arg17[%swap3A_377, %swap3A_378] {strides = array<i32>} : memref<80x64xi32, #tpu.memory_space<vmem>>, vector<1x16xi32>,
        %swap3A_380 = vector.shape_cast %swap3A_379 : vector<1x16xi32> to vector<16xi32>
        %swap3A_381 = vector.shape_cast %or3A_376 : vector<16xi32> to vector<1x16xi32>
        tpu.vector_store %arg17[%swap3A_377, %swap3A_378], %swap3A_381 {strides = array<i32>} : memref<80x64xi32, #tpu.memory_space<vmem>>, vector<1x16xi32>,
        %scan3A_382 = arith.constant 1 : i32
        %scan3A_383 = arith.addi %scan3A_247, %scan3A_382 : i32
        %get3A_384 = arith.index_cast %scan3A_383 : i32 to index
        %get3A_385 = arith.constant 0 : index
        %get3A_386 = tpu.vector_load %arg11[%get3A_384, %get3A_385] {strides = array<i32>} : memref<80x128xf32, #tpu.memory_space<vmem>>, vector<1x16xf32>,
        %get3A_387 = vector.shape_cast %get3A_386 : vector<1x16xf32> to vector<16xf32>
        %get3A_388 = arith.index_cast %scan3A_383 : i32 to index
        %get3A_389 = arith.constant 0 : index
        %get3A_390 = tpu.vector_load %arg15[%get3A_388, %get3A_389] {strides = array<i32>} : memref<80x128xf32, #tpu.memory_space<vmem>>, vector<1x16xf32>,
        %get3A_391 = vector.shape_cast %get3A_390 : vector<1x16xf32> to vector<16xf32>
        %add3A_392 = arith.addf %get3A_387, %get3A_391 : vector<16xf32>
        %get3A_393 = arith.index_cast %scan3A_383 : i32 to index
        %get3A_394 = arith.constant 16 : index
        %get3A_395 = tpu.vector_load %arg11[%get3A_393, %get3A_394] {strides = array<i32>} : memref<80x128xf32, #tpu.memory_space<vmem>>, vector<1x16xf32>,
        %get3A_396 = vector.shape_cast %get3A_395 : vector<1x16xf32> to vector<16xf32>
        %get3A_397 = arith.index_cast %scan3A_383 : i32 to index
        %get3A_398 = arith.constant 16 : index
        %get3A_399 = tpu.vector_load %arg15[%get3A_397, %get3A_398] {strides = array<i32>} : memref<80x128xf32, #tpu.memory_space<vmem>>, vector<1x16xf32>,
        %get3A_400 = vector.shape_cast %get3A_399 : vector<1x16xf32> to vector<16xf32>
        %add3A_401 = arith.addf %get3A_396, %get3A_400 : vector<16xf32>
        %bitcast_convert_type3A_402 = tpu.bitcast %add3A_392 : vector<16xf32> -> vector<16xi32>
        %add3A_403 = vector.broadcast %scan3A_42 : i32 to vector<16xi32>
        %add3A_404 = arith.addi %bitcast_convert_type3A_402, %add3A_403 : vector<16xi32>
        %bitcast_convert_type3A_405 = tpu.bitcast %add3A_401 : vector<16xf32> -> vector<16xi32>
        %add3A_406 = vector.broadcast %scan3A_42 : i32 to vector<16xi32>
        %add3A_407 = arith.addi %bitcast_convert_type3A_405, %add3A_406 : vector<16xi32>
        %shift_right_logical3A_408 = arith.constant 16 : i32
        %shift_right_logical3A_409 = vector.broadcast %shift_right_logical3A_408 : i32 to vector<16xi32>
        %shift_right_logical3A_410 = arith.shrui %add3A_404, %shift_right_logical3A_409 : vector<16xi32>
        %and3A_411 = vector.broadcast %scan3A_43 : i32 to vector<16xi32>
        %and3A_412 = arith.andi %add3A_407, %and3A_411 : vector<16xi32>
        %or3A_413 = arith.ori %shift_right_logical3A_410, %and3A_412 : vector<16xi32>
        %swap3A_414 = arith.index_cast %scan3A_383 : i32 to index
        %swap3A_415 = arith.constant 0 : index
        %swap3A_416 = tpu.vector_load %arg17[%swap3A_414, %swap3A_415] {strides = array<i32>} : memref<80x64xi32, #tpu.memory_space<vmem>>, vector<1x16xi32>,
        %swap3A_417 = vector.shape_cast %swap3A_416 : vector<1x16xi32> to vector<16xi32>
        %swap3A_418 = vector.shape_cast %or3A_413 : vector<16xi32> to vector<1x16xi32>
        tpu.vector_store %arg17[%swap3A_414, %swap3A_415], %swap3A_418 {strides = array<i32>} : memref<80x64xi32, #tpu.memory_space<vmem>>, vector<1x16xi32>,
        %get3A_419 = arith.index_cast %scan3A_383 : i32 to index
        %get3A_420 = arith.constant 32 : index
        %get3A_421 = tpu.vector_load %arg11[%get3A_419, %get3A_420] {strides = array<i32>} : memref<80x128xf32, #tpu.memory_space<vmem>>, vector<1x16xf32>,
        %get3A_422 = vector.shape_cast %get3A_421 : vector<1x16xf32> to vector<16xf32>
        %get3A_423 = arith.index_cast %scan3A_383 : i32 to index
        %get3A_424 = arith.constant 32 : index
        %get3A_425 = tpu.vector_load %arg15[%get3A_423, %get3A_424] {strides = array<i32>} : memref<80x128xf32, #tpu.memory_space<vmem>>, vector<1x16xf32>,
        %get3A_426 = vector.shape_cast %get3A_425 : vector<1x16xf32> to vector<16xf32>
        %add3A_427 = arith.addf %get3A_422, %get3A_426 : vector<16xf32>
        %get3A_428 = arith.index_cast %scan3A_383 : i32 to index
        %get3A_429 = arith.constant 48 : index
        %get3A_430 = tpu.vector_load %arg11[%get3A_428, %get3A_429] {strides = array<i32>} : memref<80x128xf32, #tpu.memory_space<vmem>>, vector<1x16xf32>,
        %get3A_431 = vector.shape_cast %get3A_430 : vector<1x16xf32> to vector<16xf32>
        %get3A_432 = arith.index_cast %scan3A_383 : i32 to index
        %get3A_433 = arith.constant 48 : index
        %get3A_434 = tpu.vector_load %arg15[%get3A_432, %get3A_433] {strides = array<i32>} : memref<80x128xf32, #tpu.memory_space<vmem>>, vector<1x16xf32>,
        %get3A_435 = vector.shape_cast %get3A_434 : vector<1x16xf32> to vector<16xf32>
        %add3A_436 = arith.addf %get3A_431, %get3A_435 : vector<16xf32>
        %bitcast_convert_type3A_437 = tpu.bitcast %add3A_427 : vector<16xf32> -> vector<16xi32>
        %add3A_438 = vector.broadcast %scan3A_42 : i32 to vector<16xi32>
        %add3A_439 = arith.addi %bitcast_convert_type3A_437, %add3A_438 : vector<16xi32>
        %bitcast_convert_type3A_440 = tpu.bitcast %add3A_436 : vector<16xf32> -> vector<16xi32>
        %add3A_441 = vector.broadcast %scan3A_42 : i32 to vector<16xi32>
        %add3A_442 = arith.addi %bitcast_convert_type3A_440, %add3A_441 : vector<16xi32>
        %shift_right_logical3A_443 = arith.constant 16 : i32
        %shift_right_logical3A_444 = vector.broadcast %shift_right_logical3A_443 : i32 to vector<16xi32>
        %shift_right_logical3A_445 = arith.shrui %add3A_439, %shift_right_logical3A_444 : vector<16xi32>
        %and3A_446 = vector.broadcast %scan3A_43 : i32 to vector<16xi32>
        %and3A_447 = arith.andi %add3A_442, %and3A_446 : vector<16xi32>
        %or3A_448 = arith.ori %shift_right_logical3A_445, %and3A_447 : vector<16xi32>
        %swap3A_449 = arith.index_cast %scan3A_383 : i32 to index
        %swap3A_450 = arith.constant 16 : index
        %swap3A_451 = tpu.vector_load %arg17[%swap3A_449, %swap3A_450] {strides = array<i32>} : memref<80x64xi32, #tpu.memory_space<vmem>>, vector<1x16xi32>,
        %swap3A_452 = vector.shape_cast %swap3A_451 : vector<1x16xi32> to vector<16xi32>
        %swap3A_453 = vector.shape_cast %or3A_448 : vector<16xi32> to vector<1x16xi32>
        tpu.vector_store %arg17[%swap3A_449, %swap3A_450], %swap3A_453 {strides = array<i32>} : memref<80x64xi32, #tpu.memory_space<vmem>>, vector<1x16xi32>,
        %get3A_454 = arith.index_cast %scan3A_383 : i32 to index
        %get3A_455 = arith.constant 64 : index
        %get3A_456 = tpu.vector_load %arg11[%get3A_454, %get3A_455] {strides = array<i32>} : memref<80x128xf32, #tpu.memory_space<vmem>>, vector<1x16xf32>,
        %get3A_457 = vector.shape_cast %get3A_456 : vector<1x16xf32> to vector<16xf32>
        %get3A_458 = arith.index_cast %scan3A_383 : i32 to index
        %get3A_459 = arith.constant 64 : index
        %get3A_460 = tpu.vector_load %arg15[%get3A_458, %get3A_459] {strides = array<i32>} : memref<80x128xf32, #tpu.memory_space<vmem>>, vector<1x16xf32>,
        %get3A_461 = vector.shape_cast %get3A_460 : vector<1x16xf32> to vector<16xf32>
        %add3A_462 = arith.addf %get3A_457, %get3A_461 : vector<16xf32>
        %get3A_463 = arith.index_cast %scan3A_383 : i32 to index
        %get3A_464 = arith.constant 80 : index
        %get3A_465 = tpu.vector_load %arg11[%get3A_463, %get3A_464] {strides = array<i32>} : memref<80x128xf32, #tpu.memory_space<vmem>>, vector<1x16xf32>,
        %get3A_466 = vector.shape_cast %get3A_465 : vector<1x16xf32> to vector<16xf32>
        %get3A_467 = arith.index_cast %scan3A_383 : i32 to index
        %get3A_468 = arith.constant 80 : index
        %get3A_469 = tpu.vector_load %arg15[%get3A_467, %get3A_468] {strides = array<i32>} : memref<80x128xf32, #tpu.memory_space<vmem>>, vector<1x16xf32>,
        %get3A_470 = vector.shape_cast %get3A_469 : vector<1x16xf32> to vector<16xf32>
        %add3A_471 = arith.addf %get3A_466, %get3A_470 : vector<16xf32>
        %bitcast_convert_type3A_472 = tpu.bitcast %add3A_462 : vector<16xf32> -> vector<16xi32>
        %add3A_473 = vector.broadcast %scan3A_42 : i32 to vector<16xi32>
        %add3A_474 = arith.addi %bitcast_convert_type3A_472, %add3A_473 : vector<16xi32>
        %bitcast_convert_type3A_475 = tpu.bitcast %add3A_471 : vector<16xf32> -> vector<16xi32>
        %add3A_476 = vector.broadcast %scan3A_42 : i32 to vector<16xi32>
        %add3A_477 = arith.addi %bitcast_convert_type3A_475, %add3A_476 : vector<16xi32>
        %shift_right_logical3A_478 = arith.constant 16 : i32
        %shift_right_logical3A_479 = vector.broadcast %shift_right_logical3A_478 : i32 to vector<16xi32>
        %shift_right_logical3A_480 = arith.shrui %add3A_474, %shift_right_logical3A_479 : vector<16xi32>
        %and3A_481 = vector.broadcast %scan3A_43 : i32 to vector<16xi32>
        %and3A_482 = arith.andi %add3A_477, %and3A_481 : vector<16xi32>
        %or3A_483 = arith.ori %shift_right_logical3A_480, %and3A_482 : vector<16xi32>
        %swap3A_484 = arith.index_cast %scan3A_383 : i32 to index
        %swap3A_485 = arith.constant 32 : index
        %swap3A_486 = tpu.vector_load %arg17[%swap3A_484, %swap3A_485] {strides = array<i32>} : memref<80x64xi32, #tpu.memory_space<vmem>>, vector<1x16xi32>,
        %swap3A_487 = vector.shape_cast %swap3A_486 : vector<1x16xi32> to vector<16xi32>
        %swap3A_488 = vector.shape_cast %or3A_483 : vector<16xi32> to vector<1x16xi32>
        tpu.vector_store %arg17[%swap3A_484, %swap3A_485], %swap3A_488 {strides = array<i32>} : memref<80x64xi32, #tpu.memory_space<vmem>>, vector<1x16xi32>,
        %get3A_489 = arith.index_cast %scan3A_383 : i32 to index
        %get3A_490 = arith.constant 96 : index
        %get3A_491 = tpu.vector_load %arg11[%get3A_489, %get3A_490] {strides = array<i32>} : memref<80x128xf32, #tpu.memory_space<vmem>>, vector<1x16xf32>,
        %get3A_492 = vector.shape_cast %get3A_491 : vector<1x16xf32> to vector<16xf32>
        %get3A_493 = arith.index_cast %scan3A_383 : i32 to index
        %get3A_494 = arith.constant 96 : index
        %get3A_495 = tpu.vector_load %arg15[%get3A_493, %get3A_494] {strides = array<i32>} : memref<80x128xf32, #tpu.memory_space<vmem>>, vector<1x16xf32>,
        %get3A_496 = vector.shape_cast %get3A_495 : vector<1x16xf32> to vector<16xf32>
        %add3A_497 = arith.addf %get3A_492, %get3A_496 : vector<16xf32>
        %get3A_498 = arith.index_cast %scan3A_383 : i32 to index
        %get3A_499 = arith.constant 112 : index
        %get3A_500 = tpu.vector_load %arg11[%get3A_498, %get3A_499] {strides = array<i32>} : memref<80x128xf32, #tpu.memory_space<vmem>>, vector<1x16xf32>,
        %get3A_501 = vector.shape_cast %get3A_500 : vector<1x16xf32> to vector<16xf32>
        %get3A_502 = arith.index_cast %scan3A_383 : i32 to index
        %get3A_503 = arith.constant 112 : index
        %get3A_504 = tpu.vector_load %arg15[%get3A_502, %get3A_503] {strides = array<i32>} : memref<80x128xf32, #tpu.memory_space<vmem>>, vector<1x16xf32>,
        %get3A_505 = vector.shape_cast %get3A_504 : vector<1x16xf32> to vector<16xf32>
        %add3A_506 = arith.addf %get3A_501, %get3A_505 : vector<16xf32>
        %bitcast_convert_type3A_507 = tpu.bitcast %add3A_497 : vector<16xf32> -> vector<16xi32>
        %add3A_508 = vector.broadcast %scan3A_42 : i32 to vector<16xi32>
        %add3A_509 = arith.addi %bitcast_convert_type3A_507, %add3A_508 : vector<16xi32>
        %bitcast_convert_type3A_510 = tpu.bitcast %add3A_506 : vector<16xf32> -> vector<16xi32>
        %add3A_511 = vector.broadcast %scan3A_42 : i32 to vector<16xi32>
        %add3A_512 = arith.addi %bitcast_convert_type3A_510, %add3A_511 : vector<16xi32>
        %shift_right_logical3A_513 = arith.constant 16 : i32
        %shift_right_logical3A_514 = vector.broadcast %shift_right_logical3A_513 : i32 to vector<16xi32>
        %shift_right_logical3A_515 = arith.shrui %add3A_509, %shift_right_logical3A_514 : vector<16xi32>
        %and3A_516 = vector.broadcast %scan3A_43 : i32 to vector<16xi32>
        %and3A_517 = arith.andi %add3A_512, %and3A_516 : vector<16xi32>
        %or3A_518 = arith.ori %shift_right_logical3A_515, %and3A_517 : vector<16xi32>
        %swap3A_519 = arith.index_cast %scan3A_383 : i32 to index
        %swap3A_520 = arith.constant 48 : index
        %swap3A_521 = tpu.vector_load %arg17[%swap3A_519, %swap3A_520] {strides = array<i32>} : memref<80x64xi32, #tpu.memory_space<vmem>>, vector<1x16xi32>,
        %swap3A_522 = vector.shape_cast %swap3A_521 : vector<1x16xi32> to vector<16xi32>
        %swap3A_523 = vector.shape_cast %or3A_518 : vector<16xi32> to vector<1x16xi32>
        tpu.vector_store %arg17[%swap3A_519, %swap3A_520], %swap3A_523 {strides = array<i32>} : memref<80x64xi32, #tpu.memory_space<vmem>>, vector<1x16xi32>,
        %scan3A_524 = arith.constant 2 : i32
        %scan3A_525 = arith.addi %scan3A_247, %scan3A_524 : i32
        %get3A_526 = arith.index_cast %scan3A_525 : i32 to index
        %get3A_527 = arith.constant 0 : index
        %get3A_528 = tpu.vector_load %arg11[%get3A_526, %get3A_527] {strides = array<i32>} : memref<80x128xf32, #tpu.memory_space<vmem>>, vector<1x16xf32>,
        %get3A_529 = vector.shape_cast %get3A_528 : vector<1x16xf32> to vector<16xf32>
        %get3A_530 = arith.index_cast %scan3A_525 : i32 to index
        %get3A_531 = arith.constant 0 : index
        %get3A_532 = tpu.vector_load %arg15[%get3A_530, %get3A_531] {strides = array<i32>} : memref<80x128xf32, #tpu.memory_space<vmem>>, vector<1x16xf32>,
        %get3A_533 = vector.shape_cast %get3A_532 : vector<1x16xf32> to vector<16xf32>
        %add3A_534 = arith.addf %get3A_529, %get3A_533 : vector<16xf32>
        %get3A_535 = arith.index_cast %scan3A_525 : i32 to index
        %get3A_536 = arith.constant 16 : index
        %get3A_537 = tpu.vector_load %arg11[%get3A_535, %get3A_536] {strides = array<i32>} : memref<80x128xf32, #tpu.memory_space<vmem>>, vector<1x16xf32>,
        %get3A_538 = vector.shape_cast %get3A_537 : vector<1x16xf32> to vector<16xf32>
        %get3A_539 = arith.index_cast %scan3A_525 : i32 to index
        %get3A_540 = arith.constant 16 : index
        %get3A_541 = tpu.vector_load %arg15[%get3A_539, %get3A_540] {strides = array<i32>} : memref<80x128xf32, #tpu.memory_space<vmem>>, vector<1x16xf32>,
        %get3A_542 = vector.shape_cast %get3A_541 : vector<1x16xf32> to vector<16xf32>
        %add3A_543 = arith.addf %get3A_538, %get3A_542 : vector<16xf32>
        %bitcast_convert_type3A_544 = tpu.bitcast %add3A_534 : vector<16xf32> -> vector<16xi32>
        %add3A_545 = vector.broadcast %scan3A_42 : i32 to vector<16xi32>
        %add3A_546 = arith.addi %bitcast_convert_type3A_544, %add3A_545 : vector<16xi32>
        %bitcast_convert_type3A_547 = tpu.bitcast %add3A_543 : vector<16xf32> -> vector<16xi32>
        %add3A_548 = vector.broadcast %scan3A_42 : i32 to vector<16xi32>
        %add3A_549 = arith.addi %bitcast_convert_type3A_547, %add3A_548 : vector<16xi32>
        %shift_right_logical3A_550 = arith.constant 16 : i32
        %shift_right_logical3A_551 = vector.broadcast %shift_right_logical3A_550 : i32 to vector<16xi32>
        %shift_right_logical3A_552 = arith.shrui %add3A_546, %shift_right_logical3A_551 : vector<16xi32>
        %and3A_553 = vector.broadcast %scan3A_43 : i32 to vector<16xi32>
        %and3A_554 = arith.andi %add3A_549, %and3A_553 : vector<16xi32>
        %or3A_555 = arith.ori %shift_right_logical3A_552, %and3A_554 : vector<16xi32>
        %swap3A_556 = arith.index_cast %scan3A_525 : i32 to index
        %swap3A_557 = arith.constant 0 : index
        %swap3A_558 = tpu.vector_load %arg17[%swap3A_556, %swap3A_557] {strides = array<i32>} : memref<80x64xi32, #tpu.memory_space<vmem>>, vector<1x16xi32>,
        %swap3A_559 = vector.shape_cast %swap3A_558 : vector<1x16xi32> to vector<16xi32>
        %swap3A_560 = vector.shape_cast %or3A_555 : vector<16xi32> to vector<1x16xi32>
        tpu.vector_store %arg17[%swap3A_556, %swap3A_557], %swap3A_560 {strides = array<i32>} : memref<80x64xi32, #tpu.memory_space<vmem>>, vector<1x16xi32>,
        %get3A_561 = arith.index_cast %scan3A_525 : i32 to index
        %get3A_562 = arith.constant 32 : index
        %get3A_563 = tpu.vector_load %arg11[%get3A_561, %get3A_562] {strides = array<i32>} : memref<80x128xf32, #tpu.memory_space<vmem>>, vector<1x16xf32>,
        %get3A_564 = vector.shape_cast %get3A_563 : vector<1x16xf32> to vector<16xf32>
        %get3A_565 = arith.index_cast %scan3A_525 : i32 to index
        %get3A_566 = arith.constant 32 : index
        %get3A_567 = tpu.vector_load %arg15[%get3A_565, %get3A_566] {strides = array<i32>} : memref<80x128xf32, #tpu.memory_space<vmem>>, vector<1x16xf32>,
        %get3A_568 = vector.shape_cast %get3A_567 : vector<1x16xf32> to vector<16xf32>
        %add3A_569 = arith.addf %get3A_564, %get3A_568 : vector<16xf32>
        %get3A_570 = arith.index_cast %scan3A_525 : i32 to index
        %get3A_571 = arith.constant 48 : index
        %get3A_572 = tpu.vector_load %arg11[%get3A_570, %get3A_571] {strides = array<i32>} : memref<80x128xf32, #tpu.memory_space<vmem>>, vector<1x16xf32>,
        %get3A_573 = vector.shape_cast %get3A_572 : vector<1x16xf32> to vector<16xf32>
        %get3A_574 = arith.index_cast %scan3A_525 : i32 to index
        %get3A_575 = arith.constant 48 : index
        %get3A_576 = tpu.vector_load %arg15[%get3A_574, %get3A_575] {strides = array<i32>} : memref<80x128xf32, #tpu.memory_space<vmem>>, vector<1x16xf32>,
        %get3A_577 = vector.shape_cast %get3A_576 : vector<1x16xf32> to vector<16xf32>
        %add3A_578 = arith.addf %get3A_573, %get3A_577 : vector<16xf32>
        %bitcast_convert_type3A_579 = tpu.bitcast %add3A_569 : vector<16xf32> -> vector<16xi32>
        %add3A_580 = vector.broadcast %scan3A_42 : i32 to vector<16xi32>
        %add3A_581 = arith.addi %bitcast_convert_type3A_579, %add3A_580 : vector<16xi32>
        %bitcast_convert_type3A_582 = tpu.bitcast %add3A_578 : vector<16xf32> -> vector<16xi32>
        %add3A_583 = vector.broadcast %scan3A_42 : i32 to vector<16xi32>
        %add3A_584 = arith.addi %bitcast_convert_type3A_582, %add3A_583 : vector<16xi32>
        %shift_right_logical3A_585 = arith.constant 16 : i32
        %shift_right_logical3A_586 = vector.broadcast %shift_right_logical3A_585 : i32 to vector<16xi32>
        %shift_right_logical3A_587 = arith.shrui %add3A_581, %shift_right_logical3A_586 : vector<16xi32>
        %and3A_588 = vector.broadcast %scan3A_43 : i32 to vector<16xi32>
        %and3A_589 = arith.andi %add3A_584, %and3A_588 : vector<16xi32>
        %or3A_590 = arith.ori %shift_right_logical3A_587, %and3A_589 : vector<16xi32>
        %swap3A_591 = arith.index_cast %scan3A_525 : i32 to index
        %swap3A_592 = arith.constant 16 : index
        %swap3A_593 = tpu.vector_load %arg17[%swap3A_591, %swap3A_592] {strides = array<i32>} : memref<80x64xi32, #tpu.memory_space<vmem>>, vector<1x16xi32>,
        %swap3A_594 = vector.shape_cast %swap3A_593 : vector<1x16xi32> to vector<16xi32>
        %swap3A_595 = vector.shape_cast %or3A_590 : vector<16xi32> to vector<1x16xi32>
        tpu.vector_store %arg17[%swap3A_591, %swap3A_592], %swap3A_595 {strides = array<i32>} : memref<80x64xi32, #tpu.memory_space<vmem>>, vector<1x16xi32>,
        %get3A_596 = arith.index_cast %scan3A_525 : i32 to index
        %get3A_597 = arith.constant 64 : index
        %get3A_598 = tpu.vector_load %arg11[%get3A_596, %get3A_597] {strides = array<i32>} : memref<80x128xf32, #tpu.memory_space<vmem>>, vector<1x16xf32>,
        %get3A_599 = vector.shape_cast %get3A_598 : vector<1x16xf32> to vector<16xf32>
        %get3A_600 = arith.index_cast %scan3A_525 : i32 to index
        %get3A_601 = arith.constant 64 : index
        %get3A_602 = tpu.vector_load %arg15[%get3A_600, %get3A_601] {strides = array<i32>} : memref<80x128xf32, #tpu.memory_space<vmem>>, vector<1x16xf32>,
        %get3A_603 = vector.shape_cast %get3A_602 : vector<1x16xf32> to vector<16xf32>
        %add3A_604 = arith.addf %get3A_599, %get3A_603 : vector<16xf32>
        %get3A_605 = arith.index_cast %scan3A_525 : i32 to index
        %get3A_606 = arith.constant 80 : index
        %get3A_607 = tpu.vector_load %arg11[%get3A_605, %get3A_606] {strides = array<i32>} : memref<80x128xf32, #tpu.memory_space<vmem>>, vector<1x16xf32>,
        %get3A_608 = vector.shape_cast %get3A_607 : vector<1x16xf32> to vector<16xf32>
        %get3A_609 = arith.index_cast %scan3A_525 : i32 to index
        %get3A_610 = arith.constant 80 : index
        %get3A_611 = tpu.vector_load %arg15[%get3A_609, %get3A_610] {strides = array<i32>} : memref<80x128xf32, #tpu.memory_space<vmem>>, vector<1x16xf32>,
        %get3A_612 = vector.shape_cast %get3A_611 : vector<1x16xf32> to vector<16xf32>
        %add3A_613 = arith.addf %get3A_608, %get3A_612 : vector<16xf32>
        %bitcast_convert_type3A_614 = tpu.bitcast %add3A_604 : vector<16xf32> -> vector<16xi32>
        %add3A_615 = vector.broadcast %scan3A_42 : i32 to vector<16xi32>
        %add3A_616 = arith.addi %bitcast_convert_type3A_614, %add3A_615 : vector<16xi32>
        %bitcast_convert_type3A_617 = tpu.bitcast %add3A_613 : vector<16xf32> -> vector<16xi32>
        %add3A_618 = vector.broadcast %scan3A_42 : i32 to vector<16xi32>
        %add3A_619 = arith.addi %bitcast_convert_type3A_617, %add3A_618 : vector<16xi32>
        %shift_right_logical3A_620 = arith.constant 16 : i32
        %shift_right_logical3A_621 = vector.broadcast %shift_right_logical3A_620 : i32 to vector<16xi32>
        %shift_right_logical3A_622 = arith.shrui %add3A_616, %shift_right_logical3A_621 : vector<16xi32>
        %and3A_623 = vector.broadcast %scan3A_43 : i32 to vector<16xi32>
        %and3A_624 = arith.andi %add3A_619, %and3A_623 : vector<16xi32>
        %or3A_625 = arith.ori %shift_right_logical3A_622, %and3A_624 : vector<16xi32>
        %swap3A_626 = arith.index_cast %scan3A_525 : i32 to index
        %swap3A_627 = arith.constant 32 : index
        %swap3A_628 = tpu.vector_load %arg17[%swap3A_626, %swap3A_627] {strides = array<i32>} : memref<80x64xi32, #tpu.memory_space<vmem>>, vector<1x16xi32>,
        %swap3A_629 = vector.shape_cast %swap3A_628 : vector<1x16xi32> to vector<16xi32>
        %swap3A_630 = vector.shape_cast %or3A_625 : vector<16xi32> to vector<1x16xi32>
        tpu.vector_store %arg17[%swap3A_626, %swap3A_627], %swap3A_630 {strides = array<i32>} : memref<80x64xi32, #tpu.memory_space<vmem>>, vector<1x16xi32>,
        %get3A_631 = arith.index_cast %scan3A_525 : i32 to index
        %get3A_632 = arith.constant 96 : index
        %get3A_633 = tpu.vector_load %arg11[%get3A_631, %get3A_632] {strides = array<i32>} : memref<80x128xf32, #tpu.memory_space<vmem>>, vector<1x16xf32>,
        %get3A_634 = vector.shape_cast %get3A_633 : vector<1x16xf32> to vector<16xf32>
        %get3A_635 = arith.index_cast %scan3A_525 : i32 to index
        %get3A_636 = arith.constant 96 : index
        %get3A_637 = tpu.vector_load %arg15[%get3A_635, %get3A_636] {strides = array<i32>} : memref<80x128xf32, #tpu.memory_space<vmem>>, vector<1x16xf32>,
        %get3A_638 = vector.shape_cast %get3A_637 : vector<1x16xf32> to vector<16xf32>
        %add3A_639 = arith.addf %get3A_634, %get3A_638 : vector<16xf32>
        %get3A_640 = arith.index_cast %scan3A_525 : i32 to index
        %get3A_641 = arith.constant 112 : index
        %get3A_642 = tpu.vector_load %arg11[%get3A_640, %get3A_641] {strides = array<i32>} : memref<80x128xf32, #tpu.memory_space<vmem>>, vector<1x16xf32>,
        %get3A_643 = vector.shape_cast %get3A_642 : vector<1x16xf32> to vector<16xf32>
        %get3A_644 = arith.index_cast %scan3A_525 : i32 to index
        %get3A_645 = arith.constant 112 : index
        %get3A_646 = tpu.vector_load %arg15[%get3A_644, %get3A_645] {strides = array<i32>} : memref<80x128xf32, #tpu.memory_space<vmem>>, vector<1x16xf32>,
        %get3A_647 = vector.shape_cast %get3A_646 : vector<1x16xf32> to vector<16xf32>
        %add3A_648 = arith.addf %get3A_643, %get3A_647 : vector<16xf32>
        %bitcast_convert_type3A_649 = tpu.bitcast %add3A_639 : vector<16xf32> -> vector<16xi32>
        %add3A_650 = vector.broadcast %scan3A_42 : i32 to vector<16xi32>
        %add3A_651 = arith.addi %bitcast_convert_type3A_649, %add3A_650 : vector<16xi32>
        %bitcast_convert_type3A_652 = tpu.bitcast %add3A_648 : vector<16xf32> -> vector<16xi32>
        %add3A_653 = vector.broadcast %scan3A_42 : i32 to vector<16xi32>
        %add3A_654 = arith.addi %bitcast_convert_type3A_652, %add3A_653 : vector<16xi32>
        %shift_right_logical3A_655 = arith.constant 16 : i32
        %shift_right_logical3A_656 = vector.broadcast %shift_right_logical3A_655 : i32 to vector<16xi32>
        %shift_right_logical3A_657 = arith.shrui %add3A_651, %shift_right_logical3A_656 : vector<16xi32>
        %and3A_658 = vector.broadcast %scan3A_43 : i32 to vector<16xi32>
        %and3A_659 = arith.andi %add3A_654, %and3A_658 : vector<16xi32>
        %or3A_660 = arith.ori %shift_right_logical3A_657, %and3A_659 : vector<16xi32>
        %swap3A_661 = arith.index_cast %scan3A_525 : i32 to index
        %swap3A_662 = arith.constant 48 : index
        %swap3A_663 = tpu.vector_load %arg17[%swap3A_661, %swap3A_662] {strides = array<i32>} : memref<80x64xi32, #tpu.memory_space<vmem>>, vector<1x16xi32>,
        %swap3A_664 = vector.shape_cast %swap3A_663 : vector<1x16xi32> to vector<16xi32>
        %swap3A_665 = vector.shape_cast %or3A_660 : vector<16xi32> to vector<1x16xi32>
        tpu.vector_store %arg17[%swap3A_661, %swap3A_662], %swap3A_665 {strides = array<i32>} : memref<80x64xi32, #tpu.memory_space<vmem>>, vector<1x16xi32>,
        %scan3A_666 = arith.constant 3 : i32
        %scan3A_667 = arith.addi %scan3A_247, %scan3A_666 : i32
        %get3A_668 = arith.index_cast %scan3A_667 : i32 to index
        %get3A_669 = arith.constant 0 : index
        %get3A_670 = tpu.vector_load %arg11[%get3A_668, %get3A_669] {strides = array<i32>} : memref<80x128xf32, #tpu.memory_space<vmem>>, vector<1x16xf32>,
        %get3A_671 = vector.shape_cast %get3A_670 : vector<1x16xf32> to vector<16xf32>
        %get3A_672 = arith.index_cast %scan3A_667 : i32 to index
        %get3A_673 = arith.constant 0 : index
        %get3A_674 = tpu.vector_load %arg15[%get3A_672, %get3A_673] {strides = array<i32>} : memref<80x128xf32, #tpu.memory_space<vmem>>, vector<1x16xf32>,
        %get3A_675 = vector.shape_cast %get3A_674 : vector<1x16xf32> to vector<16xf32>
        %add3A_676 = arith.addf %get3A_671, %get3A_675 : vector<16xf32>
        %get3A_677 = arith.index_cast %scan3A_667 : i32 to index
        %get3A_678 = arith.constant 16 : index
        %get3A_679 = tpu.vector_load %arg11[%get3A_677, %get3A_678] {strides = array<i32>} : memref<80x128xf32, #tpu.memory_space<vmem>>, vector<1x16xf32>,
        %get3A_680 = vector.shape_cast %get3A_679 : vector<1x16xf32> to vector<16xf32>
        %get3A_681 = arith.index_cast %scan3A_667 : i32 to index
        %get3A_682 = arith.constant 16 : index
        %get3A_683 = tpu.vector_load %arg15[%get3A_681, %get3A_682] {strides = array<i32>} : memref<80x128xf32, #tpu.memory_space<vmem>>, vector<1x16xf32>,
        %get3A_684 = vector.shape_cast %get3A_683 : vector<1x16xf32> to vector<16xf32>
        %add3A_685 = arith.addf %get3A_680, %get3A_684 : vector<16xf32>
        %bitcast_convert_type3A_686 = tpu.bitcast %add3A_676 : vector<16xf32> -> vector<16xi32>
        %add3A_687 = vector.broadcast %scan3A_42 : i32 to vector<16xi32>
        %add3A_688 = arith.addi %bitcast_convert_type3A_686, %add3A_687 : vector<16xi32>
        %bitcast_convert_type3A_689 = tpu.bitcast %add3A_685 : vector<16xf32> -> vector<16xi32>
        %add3A_690 = vector.broadcast %scan3A_42 : i32 to vector<16xi32>
        %add3A_691 = arith.addi %bitcast_convert_type3A_689, %add3A_690 : vector<16xi32>
        %shift_right_logical3A_692 = arith.constant 16 : i32
        %shift_right_logical3A_693 = vector.broadcast %shift_right_logical3A_692 : i32 to vector<16xi32>
        %shift_right_logical3A_694 = arith.shrui %add3A_688, %shift_right_logical3A_693 : vector<16xi32>
        %and3A_695 = vector.broadcast %scan3A_43 : i32 to vector<16xi32>
        %and3A_696 = arith.andi %add3A_691, %and3A_695 : vector<16xi32>
        %or3A_697 = arith.ori %shift_right_logical3A_694, %and3A_696 : vector<16xi32>
        %swap3A_698 = arith.index_cast %scan3A_667 : i32 to index
        %swap3A_699 = arith.constant 0 : index
        %swap3A_700 = tpu.vector_load %arg17[%swap3A_698, %swap3A_699] {strides = array<i32>} : memref<80x64xi32, #tpu.memory_space<vmem>>, vector<1x16xi32>,
        %swap3A_701 = vector.shape_cast %swap3A_700 : vector<1x16xi32> to vector<16xi32>
        %swap3A_702 = vector.shape_cast %or3A_697 : vector<16xi32> to vector<1x16xi32>
        tpu.vector_store %arg17[%swap3A_698, %swap3A_699], %swap3A_702 {strides = array<i32>} : memref<80x64xi32, #tpu.memory_space<vmem>>, vector<1x16xi32>,
        %get3A_703 = arith.index_cast %scan3A_667 : i32 to index
        %get3A_704 = arith.constant 32 : index
        %get3A_705 = tpu.vector_load %arg11[%get3A_703, %get3A_704] {strides = array<i32>} : memref<80x128xf32, #tpu.memory_space<vmem>>, vector<1x16xf32>,
        %get3A_706 = vector.shape_cast %get3A_705 : vector<1x16xf32> to vector<16xf32>
        %get3A_707 = arith.index_cast %scan3A_667 : i32 to index
        %get3A_708 = arith.constant 32 : index
        %get3A_709 = tpu.vector_load %arg15[%get3A_707, %get3A_708] {strides = array<i32>} : memref<80x128xf32, #tpu.memory_space<vmem>>, vector<1x16xf32>,
        %get3A_710 = vector.shape_cast %get3A_709 : vector<1x16xf32> to vector<16xf32>
        %add3A_711 = arith.addf %get3A_706, %get3A_710 : vector<16xf32>
        %get3A_712 = arith.index_cast %scan3A_667 : i32 to index
        %get3A_713 = arith.constant 48 : index
        %get3A_714 = tpu.vector_load %arg11[%get3A_712, %get3A_713] {strides = array<i32>} : memref<80x128xf32, #tpu.memory_space<vmem>>, vector<1x16xf32>,
        %get3A_715 = vector.shape_cast %get3A_714 : vector<1x16xf32> to vector<16xf32>
        %get3A_716 = arith.index_cast %scan3A_667 : i32 to index
        %get3A_717 = arith.constant 48 : index
        %get3A_718 = tpu.vector_load %arg15[%get3A_716, %get3A_717] {strides = array<i32>} : memref<80x128xf32, #tpu.memory_space<vmem>>, vector<1x16xf32>,
        %get3A_719 = vector.shape_cast %get3A_718 : vector<1x16xf32> to vector<16xf32>
        %add3A_720 = arith.addf %get3A_715, %get3A_719 : vector<16xf32>
        %bitcast_convert_type3A_721 = tpu.bitcast %add3A_711 : vector<16xf32> -> vector<16xi32>
        %add3A_722 = vector.broadcast %scan3A_42 : i32 to vector<16xi32>
        %add3A_723 = arith.addi %bitcast_convert_type3A_721, %add3A_722 : vector<16xi32>
        %bitcast_convert_type3A_724 = tpu.bitcast %add3A_720 : vector<16xf32> -> vector<16xi32>
        %add3A_725 = vector.broadcast %scan3A_42 : i32 to vector<16xi32>
        %add3A_726 = arith.addi %bitcast_convert_type3A_724, %add3A_725 : vector<16xi32>
        %shift_right_logical3A_727 = arith.constant 16 : i32
        %shift_right_logical3A_728 = vector.broadcast %shift_right_logical3A_727 : i32 to vector<16xi32>
        %shift_right_logical3A_729 = arith.shrui %add3A_723, %shift_right_logical3A_728 : vector<16xi32>
        %and3A_730 = vector.broadcast %scan3A_43 : i32 to vector<16xi32>
        %and3A_731 = arith.andi %add3A_726, %and3A_730 : vector<16xi32>
        %or3A_732 = arith.ori %shift_right_logical3A_729, %and3A_731 : vector<16xi32>
        %swap3A_733 = arith.index_cast %scan3A_667 : i32 to index
        %swap3A_734 = arith.constant 16 : index
        %swap3A_735 = tpu.vector_load %arg17[%swap3A_733, %swap3A_734] {strides = array<i32>} : memref<80x64xi32, #tpu.memory_space<vmem>>, vector<1x16xi32>,
        %swap3A_736 = vector.shape_cast %swap3A_735 : vector<1x16xi32> to vector<16xi32>
        %swap3A_737 = vector.shape_cast %or3A_732 : vector<16xi32> to vector<1x16xi32>
        tpu.vector_store %arg17[%swap3A_733, %swap3A_734], %swap3A_737 {strides = array<i32>} : memref<80x64xi32, #tpu.memory_space<vmem>>, vector<1x16xi32>,
        %get3A_738 = arith.index_cast %scan3A_667 : i32 to index
        %get3A_739 = arith.constant 64 : index
        %get3A_740 = tpu.vector_load %arg11[%get3A_738, %get3A_739] {strides = array<i32>} : memref<80x128xf32, #tpu.memory_space<vmem>>, vector<1x16xf32>,
        %get3A_741 = vector.shape_cast %get3A_740 : vector<1x16xf32> to vector<16xf32>
        %get3A_742 = arith.index_cast %scan3A_667 : i32 to index
        %get3A_743 = arith.constant 64 : index
        %get3A_744 = tpu.vector_load %arg15[%get3A_742, %get3A_743] {strides = array<i32>} : memref<80x128xf32, #tpu.memory_space<vmem>>, vector<1x16xf32>,
        %get3A_745 = vector.shape_cast %get3A_744 : vector<1x16xf32> to vector<16xf32>
        %add3A_746 = arith.addf %get3A_741, %get3A_745 : vector<16xf32>
        %get3A_747 = arith.index_cast %scan3A_667 : i32 to index
        %get3A_748 = arith.constant 80 : index
        %get3A_749 = tpu.vector_load %arg11[%get3A_747, %get3A_748] {strides = array<i32>} : memref<80x128xf32, #tpu.memory_space<vmem>>, vector<1x16xf32>,
        %get3A_750 = vector.shape_cast %get3A_749 : vector<1x16xf32> to vector<16xf32>
        %get3A_751 = arith.index_cast %scan3A_667 : i32 to index
        %get3A_752 = arith.constant 80 : index
        %get3A_753 = tpu.vector_load %arg15[%get3A_751, %get3A_752] {strides = array<i32>} : memref<80x128xf32, #tpu.memory_space<vmem>>, vector<1x16xf32>,
        %get3A_754 = vector.shape_cast %get3A_753 : vector<1x16xf32> to vector<16xf32>
        %add3A_755 = arith.addf %get3A_750, %get3A_754 : vector<16xf32>
        %bitcast_convert_type3A_756 = tpu.bitcast %add3A_746 : vector<16xf32> -> vector<16xi32>
        %add3A_757 = vector.broadcast %scan3A_42 : i32 to vector<16xi32>
        %add3A_758 = arith.addi %bitcast_convert_type3A_756, %add3A_757 : vector<16xi32>
        %bitcast_convert_type3A_759 = tpu.bitcast %add3A_755 : vector<16xf32> -> vector<16xi32>
        %add3A_760 = vector.broadcast %scan3A_42 : i32 to vector<16xi32>
        %add3A_761 = arith.addi %bitcast_convert_type3A_759, %add3A_760 : vector<16xi32>
        %shift_right_logical3A_762 = arith.constant 16 : i32
        %shift_right_logical3A_763 = vector.broadcast %shift_right_logical3A_762 : i32 to vector<16xi32>
        %shift_right_logical3A_764 = arith.shrui %add3A_758, %shift_right_logical3A_763 : vector<16xi32>
        %and3A_765 = vector.broadcast %scan3A_43 : i32 to vector<16xi32>
        %and3A_766 = arith.andi %add3A_761, %and3A_765 : vector<16xi32>
        %or3A_767 = arith.ori %shift_right_logical3A_764, %and3A_766 : vector<16xi32>
        %swap3A_768 = arith.index_cast %scan3A_667 : i32 to index
        %swap3A_769 = arith.constant 32 : index
        %swap3A_770 = tpu.vector_load %arg17[%swap3A_768, %swap3A_769] {strides = array<i32>} : memref<80x64xi32, #tpu.memory_space<vmem>>, vector<1x16xi32>,
        %swap3A_771 = vector.shape_cast %swap3A_770 : vector<1x16xi32> to vector<16xi32>
        %swap3A_772 = vector.shape_cast %or3A_767 : vector<16xi32> to vector<1x16xi32>
        tpu.vector_store %arg17[%swap3A_768, %swap3A_769], %swap3A_772 {strides = array<i32>} : memref<80x64xi32, #tpu.memory_space<vmem>>, vector<1x16xi32>,
        %get3A_773 = arith.index_cast %scan3A_667 : i32 to index
        %get3A_774 = arith.constant 96 : index
        %get3A_775 = tpu.vector_load %arg11[%get3A_773, %get3A_774] {strides = array<i32>} : memref<80x128xf32, #tpu.memory_space<vmem>>, vector<1x16xf32>,
        %get3A_776 = vector.shape_cast %get3A_775 : vector<1x16xf32> to vector<16xf32>
        %get3A_777 = arith.index_cast %scan3A_667 : i32 to index
        %get3A_778 = arith.constant 96 : index
        %get3A_779 = tpu.vector_load %arg15[%get3A_777, %get3A_778] {strides = array<i32>} : memref<80x128xf32, #tpu.memory_space<vmem>>, vector<1x16xf32>,
        %get3A_780 = vector.shape_cast %get3A_779 : vector<1x16xf32> to vector<16xf32>
        %add3A_781 = arith.addf %get3A_776, %get3A_780 : vector<16xf32>
        %get3A_782 = arith.index_cast %scan3A_667 : i32 to index
        %get3A_783 = arith.constant 112 : index
        %get3A_784 = tpu.vector_load %arg11[%get3A_782, %get3A_783] {strides = array<i32>} : memref<80x128xf32, #tpu.memory_space<vmem>>, vector<1x16xf32>,
        %get3A_785 = vector.shape_cast %get3A_784 : vector<1x16xf32> to vector<16xf32>
        %get3A_786 = arith.index_cast %scan3A_667 : i32 to index
        %get3A_787 = arith.constant 112 : index
        %get3A_788 = tpu.vector_load %arg15[%get3A_786, %get3A_787] {strides = array<i32>} : memref<80x128xf32, #tpu.memory_space<vmem>>, vector<1x16xf32>,
        %get3A_789 = vector.shape_cast %get3A_788 : vector<1x16xf32> to vector<16xf32>
        %add3A_790 = arith.addf %get3A_785, %get3A_789 : vector<16xf32>
        %bitcast_convert_type3A_791 = tpu.bitcast %add3A_781 : vector<16xf32> -> vector<16xi32>
        %add3A_792 = vector.broadcast %scan3A_42 : i32 to vector<16xi32>
        %add3A_793 = arith.addi %bitcast_convert_type3A_791, %add3A_792 : vector<16xi32>
        %bitcast_convert_type3A_794 = tpu.bitcast %add3A_790 : vector<16xf32> -> vector<16xi32>
        %add3A_795 = vector.broadcast %scan3A_42 : i32 to vector<16xi32>
        %add3A_796 = arith.addi %bitcast_convert_type3A_794, %add3A_795 : vector<16xi32>
        %shift_right_logical3A_797 = arith.constant 16 : i32
        %shift_right_logical3A_798 = vector.broadcast %shift_right_logical3A_797 : i32 to vector<16xi32>
        %shift_right_logical3A_799 = arith.shrui %add3A_793, %shift_right_logical3A_798 : vector<16xi32>
        %and3A_800 = vector.broadcast %scan3A_43 : i32 to vector<16xi32>
        %and3A_801 = arith.andi %add3A_796, %and3A_800 : vector<16xi32>
        %or3A_802 = arith.ori %shift_right_logical3A_799, %and3A_801 : vector<16xi32>
        %swap3A_803 = arith.index_cast %scan3A_667 : i32 to index
        %swap3A_804 = arith.constant 48 : index
        %swap3A_805 = tpu.vector_load %arg17[%swap3A_803, %swap3A_804] {strides = array<i32>} : memref<80x64xi32, #tpu.memory_space<vmem>>, vector<1x16xi32>,
        %swap3A_806 = vector.shape_cast %swap3A_805 : vector<1x16xi32> to vector<16xi32>
        %swap3A_807 = vector.shape_cast %or3A_802 : vector<16xi32> to vector<1x16xi32>
        tpu.vector_store %arg17[%swap3A_803, %swap3A_804], %swap3A_807 {strides = array<i32>} : memref<80x64xi32, #tpu.memory_space<vmem>>, vector<1x16xi32>,
      }
      %scan3A_191 = arith.constant 80 : i32
      %mul3A_192 = arith.constant 80 : i32
      %mul3A_193 = arith.muli %add3A_168, %mul3A_192 : i32
      %add3A_194 = arith.addi %mul3A_2, %mul3A_193 : i32
      %dma_start3A_195 = arith.constant 0 : i32
      %dma_start3A_196 = tpu.memref_slice %arg6[%add3A_194, %dma_start3A_195] : memref<320000x64xi32, #tpu.memory_space<hbm>> -> memref<80x64xi32, #tpu.memory_space<hbm>>
      %dma_start3A_197 = arith.constant 0 : i32
      %dma_start3A_198 = tpu.memref_slice %arg6[%add3A_194, %dma_start3A_197] : memref<320000x64xi32, #tpu.memory_space<hbm>> -> memref<80x64xi32, #tpu.memory_space<hbm>>
      tpu.enqueue_dma source(%arg17 : memref<80x64xi32, #tpu.memory_space<vmem>>) target(%dma_start3A_198 : memref<80x64xi32, #tpu.memory_space<hbm>>) target_semaphore(%arg23 : memref<!tpu.dma_semaphore, #tpu.memory_space<semaphore_mem>>)
      %add3A_199 = arith.constant 4 : i32
      %add3A_200 = arith.addi %add3A_168, %add3A_199 : i32
      %le3A_201 = arith.constant 124 : i32
      %le3A_202 = arith.cmpi sle, %add3A_200, %le3A_201 : i32
      %convert_element_type3A_203 = arith.extui %le3A_202 : i1 to i32
      %cond3A_204 = arith.constant 0 : i32
      %cond3A_205 = arith.cmpi ne, %convert_element_type3A_203, %cond3A_204 : i32
      scf.if %cond3A_205 {
        %add3A_247 = arith.constant 4 : i32
        %add3A_248 = arith.addi %add3A_168, %add3A_247 : i32
        %mul3A_249 = arith.constant 80 : i32
        %mul3A_250 = arith.muli %add3A_248, %mul3A_249 : i32
        %dma_start3A_251 = tpu.memref_slice %arg7[%mul3A_250] : memref<10000xi32, #tpu.memory_space<vmem>> -> memref<80xi32, #tpu.memory_space<vmem>>
        %dma_start3A_252 = arith.constant 0 : i32
        %dma_start3A_253 = arith.constant 0 : i32
        %dma_start3A_254 = tpu.memref_slice %arg2[%dma_start3A_252, %dma_start3A_253] : memref<10000x128xf32, #tpu.memory_space<hbm>> -> memref<10000x128xf32, #tpu.memory_space<hbm>>
        tpu.enqueue_indirect_dma source(%dma_start3A_254 : memref<10000x128xf32, #tpu.memory_space<hbm>>) target(%arg11 : memref<80x128xf32, #tpu.memory_space<vmem>>) offsets(%dma_start3A_251 : memref<80xi32, #tpu.memory_space<vmem>>) semaphore(%arg21 : memref<!tpu.dma_semaphore, #tpu.memory_space<semaphore_mem>>)
        %dma_start3A_255 = tpu.memref_slice %arg8[%mul3A_250] : memref<10000xi32, #tpu.memory_space<vmem>> -> memref<80xi32, #tpu.memory_space<vmem>>
        %dma_start3A_256 = arith.constant 0 : i32
        %dma_start3A_257 = arith.constant 0 : i32
        %dma_start3A_258 = tpu.memref_slice %arg3[%dma_start3A_256, %dma_start3A_257] : memref<10000x128xf32, #tpu.memory_space<hbm>> -> memref<10000x128xf32, #tpu.memory_space<hbm>>
        tpu.enqueue_indirect_dma source(%dma_start3A_258 : memref<10000x128xf32, #tpu.memory_space<hbm>>) target(%arg15 : memref<80x128xf32, #tpu.memory_space<vmem>>) offsets(%dma_start3A_255 : memref<80xi32, #tpu.memory_space<vmem>>) semaphore(%arg21 : memref<!tpu.dma_semaphore, #tpu.memory_space<semaphore_mem>>)
      } else {
      }
      %mul3A_206 = arith.constant 4 : i32
      %mul3A_207 = arith.muli %mul3A_206, %scan3A_86 : i32
      %add3A_208 = arith.constant 3 : i32
      %add3A_209 = arith.addi %mul3A_207, %add3A_208 : i32
      %dma_wait3A_210 = arith.constant 0 : i32
      %dma_wait3A_211 = arith.constant 0 : i32
      %dma_wait3A_212 = tpu.memref_slice %arg2[%dma_wait3A_210, %dma_wait3A_211] : memref<10000x128xf32, #tpu.memory_space<hbm>> -> memref<80x128xf32, #tpu.memory_space<hbm>>
      %dma_wait3A_213 = arith.constant 0 : i32
      %dma_wait3A_214 = arith.constant 0 : i32
      %dma_wait3A_215 = tpu.memref_slice %arg2[%dma_wait3A_213, %dma_wait3A_214] : memref<10000x128xf32, #tpu.memory_space<hbm>> -> memref<80x128xf32, #tpu.memory_space<hbm>>
      tpu.wait_dma2 semaphore(%arg22 : memref<!tpu.dma_semaphore, #tpu.memory_space<semaphore_mem>>) src(%dma_wait3A_215 : memref<80x128xf32, #tpu.memory_space<hbm>>) dst(%arg12 : memref<80x128xf32, #tpu.memory_space<vmem>>)
      %dma_wait3A_216 = arith.constant 0 : i32
      %dma_wait3A_217 = arith.constant 0 : i32
      %dma_wait3A_218 = tpu.memref_slice %arg3[%dma_wait3A_216, %dma_wait3A_217] : memref<10000x128xf32, #tpu.memory_space<hbm>> -> memref<80x128xf32, #tpu.memory_space<hbm>>
      %dma_wait3A_219 = arith.constant 0 : i32
      %dma_wait3A_220 = arith.constant 0 : i32
      %dma_wait3A_221 = tpu.memref_slice %arg3[%dma_wait3A_219, %dma_wait3A_220] : memref<10000x128xf32, #tpu.memory_space<hbm>> -> memref<80x128xf32, #tpu.memory_space<hbm>>
      tpu.wait_dma2 semaphore(%arg22 : memref<!tpu.dma_semaphore, #tpu.memory_space<semaphore_mem>>) src(%dma_wait3A_221 : memref<80x128xf32, #tpu.memory_space<hbm>>) dst(%arg16 : memref<80x128xf32, #tpu.memory_space<vmem>>)
      %ge3A_222 = arith.constant 2 : i32
      %ge3A_223 = arith.cmpi sge, %add3A_209, %ge3A_222 : i32
      %convert_element_type3A_224 = arith.extui %ge3A_223 : i1 to i32
      %cond3A_225 = arith.constant 0 : i32
      %cond3A_226 = arith.cmpi ne, %convert_element_type3A_224, %cond3A_225 : i32
      scf.if %cond3A_226 {
        %dma_wait3A_247 = arith.constant 0 : i32
        %dma_wait3A_248 = tpu.memref_slice %arg6[%mul3A_2, %dma_wait3A_247] : memref<320000x64xi32, #tpu.memory_space<hbm>> -> memref<80x64xi32, #tpu.memory_space<hbm>>
        %dma_wait3A_249 = arith.constant 0 : i32
        %dma_wait3A_250 = tpu.memref_slice %arg6[%mul3A_2, %dma_wait3A_249] : memref<320000x64xi32, #tpu.memory_space<hbm>> -> memref<80x64xi32, #tpu.memory_space<hbm>>
        tpu.wait_dma2 semaphore(%arg24 : memref<!tpu.dma_semaphore, #tpu.memory_space<semaphore_mem>>) src(%arg18 : memref<80x64xi32, #tpu.memory_space<vmem>>) dst(%dma_wait3A_250 : memref<80x64xi32, #tpu.memory_space<hbm>>)
      } else {
      }
      %scan3A_227 = arith.constant 0 : i32
      %scan3A_228 = arith.constant 0 : i32
      %scan3A_229 = arith.constant 80 : i32
      %scan3A_230 = arith.addi %scan3A_228, %scan3A_229 : i32
      %scan3A_231 = arith.constant 4 : i32
      scf.for %scan3A_247 = %scan3A_228 to %scan3A_230 step %scan3A_231  : i32 {
        %get3A = arith.index_cast %scan3A_247 : i32 to index
        %get3A_248 = arith.constant 0 : index
        %get3A_249 = tpu.vector_load %arg12[%get3A, %get3A_248] {strides = array<i32>} : memref<80x128xf32, #tpu.memory_space<vmem>>, vector<1x16xf32>,
        %get3A_250 = vector.shape_cast %get3A_249 : vector<1x16xf32> to vector<16xf32>
        %get3A_251 = arith.index_cast %scan3A_247 : i32 to index
        %get3A_252 = arith.constant 0 : index
        %get3A_253 = tpu.vector_load %arg16[%get3A_251, %get3A_252] {strides = array<i32>} : memref<80x128xf32, #tpu.memory_space<vmem>>, vector<1x16xf32>,
        %get3A_254 = vector.shape_cast %get3A_253 : vector<1x16xf32> to vector<16xf32>
        %add3A_255 = arith.addf %get3A_250, %get3A_254 : vector<16xf32>
        %get3A_256 = arith.index_cast %scan3A_247 : i32 to index
        %get3A_257 = arith.constant 16 : index
        %get3A_258 = tpu.vector_load %arg12[%get3A_256, %get3A_257] {strides = array<i32>} : memref<80x128xf32, #tpu.memory_space<vmem>>, vector<1x16xf32>,
        %get3A_259 = vector.shape_cast %get3A_258 : vector<1x16xf32> to vector<16xf32>
        %get3A_260 = arith.index_cast %scan3A_247 : i32 to index
        %get3A_261 = arith.constant 16 : index
        %get3A_262 = tpu.vector_load %arg16[%get3A_260, %get3A_261] {strides = array<i32>} : memref<80x128xf32, #tpu.memory_space<vmem>>, vector<1x16xf32>,
        %get3A_263 = vector.shape_cast %get3A_262 : vector<1x16xf32> to vector<16xf32>
        %add3A_264 = arith.addf %get3A_259, %get3A_263 : vector<16xf32>
        %bitcast_convert_type3A = tpu.bitcast %add3A_255 : vector<16xf32> -> vector<16xi32>
        %add3A_265 = vector.broadcast %scan3A_42 : i32 to vector<16xi32>
        %add3A_266 = arith.addi %bitcast_convert_type3A, %add3A_265 : vector<16xi32>
        %bitcast_convert_type3A_267 = tpu.bitcast %add3A_264 : vector<16xf32> -> vector<16xi32>
        %add3A_268 = vector.broadcast %scan3A_42 : i32 to vector<16xi32>
        %add3A_269 = arith.addi %bitcast_convert_type3A_267, %add3A_268 : vector<16xi32>
        %shift_right_logical3A = arith.constant 16 : i32
        %shift_right_logical3A_270 = vector.broadcast %shift_right_logical3A : i32 to vector<16xi32>
        %shift_right_logical3A_271 = arith.shrui %add3A_266, %shift_right_logical3A_270 : vector<16xi32>
        %and3A = vector.broadcast %scan3A_43 : i32 to vector<16xi32>
        %and3A_272 = arith.andi %add3A_269, %and3A : vector<16xi32>
        %or3A = arith.ori %shift_right_logical3A_271, %and3A_272 : vector<16xi32>
        %swap3A = arith.index_cast %scan3A_247 : i32 to index
        %swap3A_273 = arith.constant 0 : index
        %swap3A_274 = tpu.vector_load %arg18[%swap3A, %swap3A_273] {strides = array<i32>} : memref<80x64xi32, #tpu.memory_space<vmem>>, vector<1x16xi32>,
        %swap3A_275 = vector.shape_cast %swap3A_274 : vector<1x16xi32> to vector<16xi32>
        %swap3A_276 = vector.shape_cast %or3A : vector<16xi32> to vector<1x16xi32>
        tpu.vector_store %arg18[%swap3A, %swap3A_273], %swap3A_276 {strides = array<i32>} : memref<80x64xi32, #tpu.memory_space<vmem>>, vector<1x16xi32>,
        %get3A_277 = arith.index_cast %scan3A_247 : i32 to index
        %get3A_278 = arith.constant 32 : index
        %get3A_279 = tpu.vector_load %arg12[%get3A_277, %get3A_278] {strides = array<i32>} : memref<80x128xf32, #tpu.memory_space<vmem>>, vector<1x16xf32>,
        %get3A_280 = vector.shape_cast %get3A_279 : vector<1x16xf32> to vector<16xf32>
        %get3A_281 = arith.index_cast %scan3A_247 : i32 to index
        %get3A_282 = arith.constant 32 : index
        %get3A_283 = tpu.vector_load %arg16[%get3A_281, %get3A_282] {strides = array<i32>} : memref<80x128xf32, #tpu.memory_space<vmem>>, vector<1x16xf32>,
        %get3A_284 = vector.shape_cast %get3A_283 : vector<1x16xf32> to vector<16xf32>
        %add3A_285 = arith.addf %get3A_280, %get3A_284 : vector<16xf32>
        %get3A_286 = arith.index_cast %scan3A_247 : i32 to index
        %get3A_287 = arith.constant 48 : index
        %get3A_288 = tpu.vector_load %arg12[%get3A_286, %get3A_287] {strides = array<i32>} : memref<80x128xf32, #tpu.memory_space<vmem>>, vector<1x16xf32>,
        %get3A_289 = vector.shape_cast %get3A_288 : vector<1x16xf32> to vector<16xf32>
        %get3A_290 = arith.index_cast %scan3A_247 : i32 to index
        %get3A_291 = arith.constant 48 : index
        %get3A_292 = tpu.vector_load %arg16[%get3A_290, %get3A_291] {strides = array<i32>} : memref<80x128xf32, #tpu.memory_space<vmem>>, vector<1x16xf32>,
        %get3A_293 = vector.shape_cast %get3A_292 : vector<1x16xf32> to vector<16xf32>
        %add3A_294 = arith.addf %get3A_289, %get3A_293 : vector<16xf32>
        %bitcast_convert_type3A_295 = tpu.bitcast %add3A_285 : vector<16xf32> -> vector<16xi32>
        %add3A_296 = vector.broadcast %scan3A_42 : i32 to vector<16xi32>
        %add3A_297 = arith.addi %bitcast_convert_type3A_295, %add3A_296 : vector<16xi32>
        %bitcast_convert_type3A_298 = tpu.bitcast %add3A_294 : vector<16xf32> -> vector<16xi32>
        %add3A_299 = vector.broadcast %scan3A_42 : i32 to vector<16xi32>
        %add3A_300 = arith.addi %bitcast_convert_type3A_298, %add3A_299 : vector<16xi32>
        %shift_right_logical3A_301 = arith.constant 16 : i32
        %shift_right_logical3A_302 = vector.broadcast %shift_right_logical3A_301 : i32 to vector<16xi32>
        %shift_right_logical3A_303 = arith.shrui %add3A_297, %shift_right_logical3A_302 : vector<16xi32>
        %and3A_304 = vector.broadcast %scan3A_43 : i32 to vector<16xi32>
        %and3A_305 = arith.andi %add3A_300, %and3A_304 : vector<16xi32>
        %or3A_306 = arith.ori %shift_right_logical3A_303, %and3A_305 : vector<16xi32>
        %swap3A_307 = arith.index_cast %scan3A_247 : i32 to index
        %swap3A_308 = arith.constant 16 : index
        %swap3A_309 = tpu.vector_load %arg18[%swap3A_307, %swap3A_308] {strides = array<i32>} : memref<80x64xi32, #tpu.memory_space<vmem>>, vector<1x16xi32>,
        %swap3A_310 = vector.shape_cast %swap3A_309 : vector<1x16xi32> to vector<16xi32>
        %swap3A_311 = vector.shape_cast %or3A_306 : vector<16xi32> to vector<1x16xi32>
        tpu.vector_store %arg18[%swap3A_307, %swap3A_308], %swap3A_311 {strides = array<i32>} : memref<80x64xi32, #tpu.memory_space<vmem>>, vector<1x16xi32>,
        %get3A_312 = arith.index_cast %scan3A_247 : i32 to index
        %get3A_313 = arith.constant 64 : index
        %get3A_314 = tpu.vector_load %arg12[%get3A_312, %get3A_313] {strides = array<i32>} : memref<80x128xf32, #tpu.memory_space<vmem>>, vector<1x16xf32>,
        %get3A_315 = vector.shape_cast %get3A_314 : vector<1x16xf32> to vector<16xf32>
        %get3A_316 = arith.index_cast %scan3A_247 : i32 to index
        %get3A_317 = arith.constant 64 : index
        %get3A_318 = tpu.vector_load %arg16[%get3A_316, %get3A_317] {strides = array<i32>} : memref<80x128xf32, #tpu.memory_space<vmem>>, vector<1x16xf32>,
        %get3A_319 = vector.shape_cast %get3A_318 : vector<1x16xf32> to vector<16xf32>
        %add3A_320 = arith.addf %get3A_315, %get3A_319 : vector<16xf32>
        %get3A_321 = arith.index_cast %scan3A_247 : i32 to index
        %get3A_322 = arith.constant 80 : index
        %get3A_323 = tpu.vector_load %arg12[%get3A_321, %get3A_322] {strides = array<i32>} : memref<80x128xf32, #tpu.memory_space<vmem>>, vector<1x16xf32>,
        %get3A_324 = vector.shape_cast %get3A_323 : vector<1x16xf32> to vector<16xf32>
        %get3A_325 = arith.index_cast %scan3A_247 : i32 to index
        %get3A_326 = arith.constant 80 : index
        %get3A_327 = tpu.vector_load %arg16[%get3A_325, %get3A_326] {strides = array<i32>} : memref<80x128xf32, #tpu.memory_space<vmem>>, vector<1x16xf32>,
        %get3A_328 = vector.shape_cast %get3A_327 : vector<1x16xf32> to vector<16xf32>
        %add3A_329 = arith.addf %get3A_324, %get3A_328 : vector<16xf32>
        %bitcast_convert_type3A_330 = tpu.bitcast %add3A_320 : vector<16xf32> -> vector<16xi32>
        %add3A_331 = vector.broadcast %scan3A_42 : i32 to vector<16xi32>
        %add3A_332 = arith.addi %bitcast_convert_type3A_330, %add3A_331 : vector<16xi32>
        %bitcast_convert_type3A_333 = tpu.bitcast %add3A_329 : vector<16xf32> -> vector<16xi32>
        %add3A_334 = vector.broadcast %scan3A_42 : i32 to vector<16xi32>
        %add3A_335 = arith.addi %bitcast_convert_type3A_333, %add3A_334 : vector<16xi32>
        %shift_right_logical3A_336 = arith.constant 16 : i32
        %shift_right_logical3A_337 = vector.broadcast %shift_right_logical3A_336 : i32 to vector<16xi32>
        %shift_right_logical3A_338 = arith.shrui %add3A_332, %shift_right_logical3A_337 : vector<16xi32>
        %and3A_339 = vector.broadcast %scan3A_43 : i32 to vector<16xi32>
        %and3A_340 = arith.andi %add3A_335, %and3A_339 : vector<16xi32>
        %or3A_341 = arith.ori %shift_right_logical3A_338, %and3A_340 : vector<16xi32>
        %swap3A_342 = arith.index_cast %scan3A_247 : i32 to index
        %swap3A_343 = arith.constant 32 : index
        %swap3A_344 = tpu.vector_load %arg18[%swap3A_342, %swap3A_343] {strides = array<i32>} : memref<80x64xi32, #tpu.memory_space<vmem>>, vector<1x16xi32>,
        %swap3A_345 = vector.shape_cast %swap3A_344 : vector<1x16xi32> to vector<16xi32>
        %swap3A_346 = vector.shape_cast %or3A_341 : vector<16xi32> to vector<1x16xi32>
        tpu.vector_store %arg18[%swap3A_342, %swap3A_343], %swap3A_346 {strides = array<i32>} : memref<80x64xi32, #tpu.memory_space<vmem>>, vector<1x16xi32>,
        %get3A_347 = arith.index_cast %scan3A_247 : i32 to index
        %get3A_348 = arith.constant 96 : index
        %get3A_349 = tpu.vector_load %arg12[%get3A_347, %get3A_348] {strides = array<i32>} : memref<80x128xf32, #tpu.memory_space<vmem>>, vector<1x16xf32>,
        %get3A_350 = vector.shape_cast %get3A_349 : vector<1x16xf32> to vector<16xf32>
        %get3A_351 = arith.index_cast %scan3A_247 : i32 to index
        %get3A_352 = arith.constant 96 : index
        %get3A_353 = tpu.vector_load %arg16[%get3A_351, %get3A_352] {strides = array<i32>} : memref<80x128xf32, #tpu.memory_space<vmem>>, vector<1x16xf32>,
        %get3A_354 = vector.shape_cast %get3A_353 : vector<1x16xf32> to vector<16xf32>
        %add3A_355 = arith.addf %get3A_350, %get3A_354 : vector<16xf32>
        %get3A_356 = arith.index_cast %scan3A_247 : i32 to index
        %get3A_357 = arith.constant 112 : index
        %get3A_358 = tpu.vector_load %arg12[%get3A_356, %get3A_357] {strides = array<i32>} : memref<80x128xf32, #tpu.memory_space<vmem>>, vector<1x16xf32>,
        %get3A_359 = vector.shape_cast %get3A_358 : vector<1x16xf32> to vector<16xf32>
        %get3A_360 = arith.index_cast %scan3A_247 : i32 to index
        %get3A_361 = arith.constant 112 : index
        %get3A_362 = tpu.vector_load %arg16[%get3A_360, %get3A_361] {strides = array<i32>} : memref<80x128xf32, #tpu.memory_space<vmem>>, vector<1x16xf32>,
        %get3A_363 = vector.shape_cast %get3A_362 : vector<1x16xf32> to vector<16xf32>
        %add3A_364 = arith.addf %get3A_359, %get3A_363 : vector<16xf32>
        %bitcast_convert_type3A_365 = tpu.bitcast %add3A_355 : vector<16xf32> -> vector<16xi32>
        %add3A_366 = vector.broadcast %scan3A_42 : i32 to vector<16xi32>
        %add3A_367 = arith.addi %bitcast_convert_type3A_365, %add3A_366 : vector<16xi32>
        %bitcast_convert_type3A_368 = tpu.bitcast %add3A_364 : vector<16xf32> -> vector<16xi32>
        %add3A_369 = vector.broadcast %scan3A_42 : i32 to vector<16xi32>
        %add3A_370 = arith.addi %bitcast_convert_type3A_368, %add3A_369 : vector<16xi32>
        %shift_right_logical3A_371 = arith.constant 16 : i32
        %shift_right_logical3A_372 = vector.broadcast %shift_right_logical3A_371 : i32 to vector<16xi32>
        %shift_right_logical3A_373 = arith.shrui %add3A_367, %shift_right_logical3A_372 : vector<16xi32>
        %and3A_374 = vector.broadcast %scan3A_43 : i32 to vector<16xi32>
        %and3A_375 = arith.andi %add3A_370, %and3A_374 : vector<16xi32>
        %or3A_376 = arith.ori %shift_right_logical3A_373, %and3A_375 : vector<16xi32>
        %swap3A_377 = arith.index_cast %scan3A_247 : i32 to index
        %swap3A_378 = arith.constant 48 : index
        %swap3A_379 = tpu.vector_load %arg18[%swap3A_377, %swap3A_378] {strides = array<i32>} : memref<80x64xi32, #tpu.memory_space<vmem>>, vector<1x16xi32>,
        %swap3A_380 = vector.shape_cast %swap3A_379 : vector<1x16xi32> to vector<16xi32>
        %swap3A_381 = vector.shape_cast %or3A_376 : vector<16xi32> to vector<1x16xi32>
        tpu.vector_store %arg18[%swap3A_377, %swap3A_378], %swap3A_381 {strides = array<i32>} : memref<80x64xi32, #tpu.memory_space<vmem>>, vector<1x16xi32>,
        %scan3A_382 = arith.constant 1 : i32
        %scan3A_383 = arith.addi %scan3A_247, %scan3A_382 : i32
        %get3A_384 = arith.index_cast %scan3A_383 : i32 to index
        %get3A_385 = arith.constant 0 : index
        %get3A_386 = tpu.vector_load %arg12[%get3A_384, %get3A_385] {strides = array<i32>} : memref<80x128xf32, #tpu.memory_space<vmem>>, vector<1x16xf32>,
        %get3A_387 = vector.shape_cast %get3A_386 : vector<1x16xf32> to vector<16xf32>
        %get3A_388 = arith.index_cast %scan3A_383 : i32 to index
        %get3A_389 = arith.constant 0 : index
        %get3A_390 = tpu.vector_load %arg16[%get3A_388, %get3A_389] {strides = array<i32>} : memref<80x128xf32, #tpu.memory_space<vmem>>, vector<1x16xf32>,
        %get3A_391 = vector.shape_cast %get3A_390 : vector<1x16xf32> to vector<16xf32>
        %add3A_392 = arith.addf %get3A_387, %get3A_391 : vector<16xf32>
        %get3A_393 = arith.index_cast %scan3A_383 : i32 to index
        %get3A_394 = arith.constant 16 : index
        %get3A_395 = tpu.vector_load %arg12[%get3A_393, %get3A_394] {strides = array<i32>} : memref<80x128xf32, #tpu.memory_space<vmem>>, vector<1x16xf32>,
        %get3A_396 = vector.shape_cast %get3A_395 : vector<1x16xf32> to vector<16xf32>
        %get3A_397 = arith.index_cast %scan3A_383 : i32 to index
        %get3A_398 = arith.constant 16 : index
        %get3A_399 = tpu.vector_load %arg16[%get3A_397, %get3A_398] {strides = array<i32>} : memref<80x128xf32, #tpu.memory_space<vmem>>, vector<1x16xf32>,
        %get3A_400 = vector.shape_cast %get3A_399 : vector<1x16xf32> to vector<16xf32>
        %add3A_401 = arith.addf %get3A_396, %get3A_400 : vector<16xf32>
        %bitcast_convert_type3A_402 = tpu.bitcast %add3A_392 : vector<16xf32> -> vector<16xi32>
        %add3A_403 = vector.broadcast %scan3A_42 : i32 to vector<16xi32>
        %add3A_404 = arith.addi %bitcast_convert_type3A_402, %add3A_403 : vector<16xi32>
        %bitcast_convert_type3A_405 = tpu.bitcast %add3A_401 : vector<16xf32> -> vector<16xi32>
        %add3A_406 = vector.broadcast %scan3A_42 : i32 to vector<16xi32>
        %add3A_407 = arith.addi %bitcast_convert_type3A_405, %add3A_406 : vector<16xi32>
        %shift_right_logical3A_408 = arith.constant 16 : i32
        %shift_right_logical3A_409 = vector.broadcast %shift_right_logical3A_408 : i32 to vector<16xi32>
        %shift_right_logical3A_410 = arith.shrui %add3A_404, %shift_right_logical3A_409 : vector<16xi32>
        %and3A_411 = vector.broadcast %scan3A_43 : i32 to vector<16xi32>
        %and3A_412 = arith.andi %add3A_407, %and3A_411 : vector<16xi32>
        %or3A_413 = arith.ori %shift_right_logical3A_410, %and3A_412 : vector<16xi32>
        %swap3A_414 = arith.index_cast %scan3A_383 : i32 to index
        %swap3A_415 = arith.constant 0 : index
        %swap3A_416 = tpu.vector_load %arg18[%swap3A_414, %swap3A_415] {strides = array<i32>} : memref<80x64xi32, #tpu.memory_space<vmem>>, vector<1x16xi32>,
        %swap3A_417 = vector.shape_cast %swap3A_416 : vector<1x16xi32> to vector<16xi32>
        %swap3A_418 = vector.shape_cast %or3A_413 : vector<16xi32> to vector<1x16xi32>
        tpu.vector_store %arg18[%swap3A_414, %swap3A_415], %swap3A_418 {strides = array<i32>} : memref<80x64xi32, #tpu.memory_space<vmem>>, vector<1x16xi32>,
        %get3A_419 = arith.index_cast %scan3A_383 : i32 to index
        %get3A_420 = arith.constant 32 : index
        %get3A_421 = tpu.vector_load %arg12[%get3A_419, %get3A_420] {strides = array<i32>} : memref<80x128xf32, #tpu.memory_space<vmem>>, vector<1x16xf32>,
        %get3A_422 = vector.shape_cast %get3A_421 : vector<1x16xf32> to vector<16xf32>
        %get3A_423 = arith.index_cast %scan3A_383 : i32 to index
        %get3A_424 = arith.constant 32 : index
        %get3A_425 = tpu.vector_load %arg16[%get3A_423, %get3A_424] {strides = array<i32>} : memref<80x128xf32, #tpu.memory_space<vmem>>, vector<1x16xf32>,
        %get3A_426 = vector.shape_cast %get3A_425 : vector<1x16xf32> to vector<16xf32>
        %add3A_427 = arith.addf %get3A_422, %get3A_426 : vector<16xf32>
        %get3A_428 = arith.index_cast %scan3A_383 : i32 to index
        %get3A_429 = arith.constant 48 : index
        %get3A_430 = tpu.vector_load %arg12[%get3A_428, %get3A_429] {strides = array<i32>} : memref<80x128xf32, #tpu.memory_space<vmem>>, vector<1x16xf32>,
        %get3A_431 = vector.shape_cast %get3A_430 : vector<1x16xf32> to vector<16xf32>
        %get3A_432 = arith.index_cast %scan3A_383 : i32 to index
        %get3A_433 = arith.constant 48 : index
        %get3A_434 = tpu.vector_load %arg16[%get3A_432, %get3A_433] {strides = array<i32>} : memref<80x128xf32, #tpu.memory_space<vmem>>, vector<1x16xf32>,
        %get3A_435 = vector.shape_cast %get3A_434 : vector<1x16xf32> to vector<16xf32>
        %add3A_436 = arith.addf %get3A_431, %get3A_435 : vector<16xf32>
        %bitcast_convert_type3A_437 = tpu.bitcast %add3A_427 : vector<16xf32> -> vector<16xi32>
        %add3A_438 = vector.broadcast %scan3A_42 : i32 to vector<16xi32>
        %add3A_439 = arith.addi %bitcast_convert_type3A_437, %add3A_438 : vector<16xi32>
        %bitcast_convert_type3A_440 = tpu.bitcast %add3A_436 : vector<16xf32> -> vector<16xi32>
        %add3A_441 = vector.broadcast %scan3A_42 : i32 to vector<16xi32>
        %add3A_442 = arith.addi %bitcast_convert_type3A_440, %add3A_441 : vector<16xi32>
        %shift_right_logical3A_443 = arith.constant 16 : i32
        %shift_right_logical3A_444 = vector.broadcast %shift_right_logical3A_443 : i32 to vector<16xi32>
        %shift_right_logical3A_445 = arith.shrui %add3A_439, %shift_right_logical3A_444 : vector<16xi32>
        %and3A_446 = vector.broadcast %scan3A_43 : i32 to vector<16xi32>
        %and3A_447 = arith.andi %add3A_442, %and3A_446 : vector<16xi32>
        %or3A_448 = arith.ori %shift_right_logical3A_445, %and3A_447 : vector<16xi32>
        %swap3A_449 = arith.index_cast %scan3A_383 : i32 to index
        %swap3A_450 = arith.constant 16 : index
        %swap3A_451 = tpu.vector_load %arg18[%swap3A_449, %swap3A_450] {strides = array<i32>} : memref<80x64xi32, #tpu.memory_space<vmem>>, vector<1x16xi32>,
        %swap3A_452 = vector.shape_cast %swap3A_451 : vector<1x16xi32> to vector<16xi32>
        %swap3A_453 = vector.shape_cast %or3A_448 : vector<16xi32> to vector<1x16xi32>
        tpu.vector_store %arg18[%swap3A_449, %swap3A_450], %swap3A_453 {strides = array<i32>} : memref<80x64xi32, #tpu.memory_space<vmem>>, vector<1x16xi32>,
        %get3A_454 = arith.index_cast %scan3A_383 : i32 to index
        %get3A_455 = arith.constant 64 : index
        %get3A_456 = tpu.vector_load %arg12[%get3A_454, %get3A_455] {strides = array<i32>} : memref<80x128xf32, #tpu.memory_space<vmem>>, vector<1x16xf32>,
        %get3A_457 = vector.shape_cast %get3A_456 : vector<1x16xf32> to vector<16xf32>
        %get3A_458 = arith.index_cast %scan3A_383 : i32 to index
        %get3A_459 = arith.constant 64 : index
        %get3A_460 = tpu.vector_load %arg16[%get3A_458, %get3A_459] {strides = array<i32>} : memref<80x128xf32, #tpu.memory_space<vmem>>, vector<1x16xf32>,
        %get3A_461 = vector.shape_cast %get3A_460 : vector<1x16xf32> to vector<16xf32>
        %add3A_462 = arith.addf %get3A_457, %get3A_461 : vector<16xf32>
        %get3A_463 = arith.index_cast %scan3A_383 : i32 to index
        %get3A_464 = arith.constant 80 : index
        %get3A_465 = tpu.vector_load %arg12[%get3A_463, %get3A_464] {strides = array<i32>} : memref<80x128xf32, #tpu.memory_space<vmem>>, vector<1x16xf32>,
        %get3A_466 = vector.shape_cast %get3A_465 : vector<1x16xf32> to vector<16xf32>
        %get3A_467 = arith.index_cast %scan3A_383 : i32 to index
        %get3A_468 = arith.constant 80 : index
        %get3A_469 = tpu.vector_load %arg16[%get3A_467, %get3A_468] {strides = array<i32>} : memref<80x128xf32, #tpu.memory_space<vmem>>, vector<1x16xf32>,
        %get3A_470 = vector.shape_cast %get3A_469 : vector<1x16xf32> to vector<16xf32>
        %add3A_471 = arith.addf %get3A_466, %get3A_470 : vector<16xf32>
        %bitcast_convert_type3A_472 = tpu.bitcast %add3A_462 : vector<16xf32> -> vector<16xi32>
        %add3A_473 = vector.broadcast %scan3A_42 : i32 to vector<16xi32>
        %add3A_474 = arith.addi %bitcast_convert_type3A_472, %add3A_473 : vector<16xi32>
        %bitcast_convert_type3A_475 = tpu.bitcast %add3A_471 : vector<16xf32> -> vector<16xi32>
        %add3A_476 = vector.broadcast %scan3A_42 : i32 to vector<16xi32>
        %add3A_477 = arith.addi %bitcast_convert_type3A_475, %add3A_476 : vector<16xi32>
        %shift_right_logical3A_478 = arith.constant 16 : i32
        %shift_right_logical3A_479 = vector.broadcast %shift_right_logical3A_478 : i32 to vector<16xi32>
        %shift_right_logical3A_480 = arith.shrui %add3A_474, %shift_right_logical3A_479 : vector<16xi32>
        %and3A_481 = vector.broadcast %scan3A_43 : i32 to vector<16xi32>
        %and3A_482 = arith.andi %add3A_477, %and3A_481 : vector<16xi32>
        %or3A_483 = arith.ori %shift_right_logical3A_480, %and3A_482 : vector<16xi32>
        %swap3A_484 = arith.index_cast %scan3A_383 : i32 to index
        %swap3A_485 = arith.constant 32 : index
        %swap3A_486 = tpu.vector_load %arg18[%swap3A_484, %swap3A_485] {strides = array<i32>} : memref<80x64xi32, #tpu.memory_space<vmem>>, vector<1x16xi32>,
        %swap3A_487 = vector.shape_cast %swap3A_486 : vector<1x16xi32> to vector<16xi32>
        %swap3A_488 = vector.shape_cast %or3A_483 : vector<16xi32> to vector<1x16xi32>
        tpu.vector_store %arg18[%swap3A_484, %swap3A_485], %swap3A_488 {strides = array<i32>} : memref<80x64xi32, #tpu.memory_space<vmem>>, vector<1x16xi32>,
        %get3A_489 = arith.index_cast %scan3A_383 : i32 to index
        %get3A_490 = arith.constant 96 : index
        %get3A_491 = tpu.vector_load %arg12[%get3A_489, %get3A_490] {strides = array<i32>} : memref<80x128xf32, #tpu.memory_space<vmem>>, vector<1x16xf32>,
        %get3A_492 = vector.shape_cast %get3A_491 : vector<1x16xf32> to vector<16xf32>
        %get3A_493 = arith.index_cast %scan3A_383 : i32 to index
        %get3A_494 = arith.constant 96 : index
        %get3A_495 = tpu.vector_load %arg16[%get3A_493, %get3A_494] {strides = array<i32>} : memref<80x128xf32, #tpu.memory_space<vmem>>, vector<1x16xf32>,
        %get3A_496 = vector.shape_cast %get3A_495 : vector<1x16xf32> to vector<16xf32>
        %add3A_497 = arith.addf %get3A_492, %get3A_496 : vector<16xf32>
        %get3A_498 = arith.index_cast %scan3A_383 : i32 to index
        %get3A_499 = arith.constant 112 : index
        %get3A_500 = tpu.vector_load %arg12[%get3A_498, %get3A_499] {strides = array<i32>} : memref<80x128xf32, #tpu.memory_space<vmem>>, vector<1x16xf32>,
        %get3A_501 = vector.shape_cast %get3A_500 : vector<1x16xf32> to vector<16xf32>
        %get3A_502 = arith.index_cast %scan3A_383 : i32 to index
        %get3A_503 = arith.constant 112 : index
        %get3A_504 = tpu.vector_load %arg16[%get3A_502, %get3A_503] {strides = array<i32>} : memref<80x128xf32, #tpu.memory_space<vmem>>, vector<1x16xf32>,
        %get3A_505 = vector.shape_cast %get3A_504 : vector<1x16xf32> to vector<16xf32>
        %add3A_506 = arith.addf %get3A_501, %get3A_505 : vector<16xf32>
        %bitcast_convert_type3A_507 = tpu.bitcast %add3A_497 : vector<16xf32> -> vector<16xi32>
        %add3A_508 = vector.broadcast %scan3A_42 : i32 to vector<16xi32>
        %add3A_509 = arith.addi %bitcast_convert_type3A_507, %add3A_508 : vector<16xi32>
        %bitcast_convert_type3A_510 = tpu.bitcast %add3A_506 : vector<16xf32> -> vector<16xi32>
        %add3A_511 = vector.broadcast %scan3A_42 : i32 to vector<16xi32>
        %add3A_512 = arith.addi %bitcast_convert_type3A_510, %add3A_511 : vector<16xi32>
        %shift_right_logical3A_513 = arith.constant 16 : i32
        %shift_right_logical3A_514 = vector.broadcast %shift_right_logical3A_513 : i32 to vector<16xi32>
        %shift_right_logical3A_515 = arith.shrui %add3A_509, %shift_right_logical3A_514 : vector<16xi32>
        %and3A_516 = vector.broadcast %scan3A_43 : i32 to vector<16xi32>
        %and3A_517 = arith.andi %add3A_512, %and3A_516 : vector<16xi32>
        %or3A_518 = arith.ori %shift_right_logical3A_515, %and3A_517 : vector<16xi32>
        %swap3A_519 = arith.index_cast %scan3A_383 : i32 to index
        %swap3A_520 = arith.constant 48 : index
        %swap3A_521 = tpu.vector_load %arg18[%swap3A_519, %swap3A_520] {strides = array<i32>} : memref<80x64xi32, #tpu.memory_space<vmem>>, vector<1x16xi32>,
        %swap3A_522 = vector.shape_cast %swap3A_521 : vector<1x16xi32> to vector<16xi32>
        %swap3A_523 = vector.shape_cast %or3A_518 : vector<16xi32> to vector<1x16xi32>
        tpu.vector_store %arg18[%swap3A_519, %swap3A_520], %swap3A_523 {strides = array<i32>} : memref<80x64xi32, #tpu.memory_space<vmem>>, vector<1x16xi32>,
        %scan3A_524 = arith.constant 2 : i32
        %scan3A_525 = arith.addi %scan3A_247, %scan3A_524 : i32
        %get3A_526 = arith.index_cast %scan3A_525 : i32 to index
        %get3A_527 = arith.constant 0 : index
        %get3A_528 = tpu.vector_load %arg12[%get3A_526, %get3A_527] {strides = array<i32>} : memref<80x128xf32, #tpu.memory_space<vmem>>, vector<1x16xf32>,
        %get3A_529 = vector.shape_cast %get3A_528 : vector<1x16xf32> to vector<16xf32>
        %get3A_530 = arith.index_cast %scan3A_525 : i32 to index
        %get3A_531 = arith.constant 0 : index
        %get3A_532 = tpu.vector_load %arg16[%get3A_530, %get3A_531] {strides = array<i32>} : memref<80x128xf32, #tpu.memory_space<vmem>>, vector<1x16xf32>,
        %get3A_533 = vector.shape_cast %get3A_532 : vector<1x16xf32> to vector<16xf32>
        %add3A_534 = arith.addf %get3A_529, %get3A_533 : vector<16xf32>
        %get3A_535 = arith.index_cast %scan3A_525 : i32 to index
        %get3A_536 = arith.constant 16 : index
        %get3A_537 = tpu.vector_load %arg12[%get3A_535, %get3A_536] {strides = array<i32>} : memref<80x128xf32, #tpu.memory_space<vmem>>, vector<1x16xf32>,
        %get3A_538 = vector.shape_cast %get3A_537 : vector<1x16xf32> to vector<16xf32>
        %get3A_539 = arith.index_cast %scan3A_525 : i32 to index
        %get3A_540 = arith.constant 16 : index
        %get3A_541 = tpu.vector_load %arg16[%get3A_539, %get3A_540] {strides = array<i32>} : memref<80x128xf32, #tpu.memory_space<vmem>>, vector<1x16xf32>,
        %get3A_542 = vector.shape_cast %get3A_541 : vector<1x16xf32> to vector<16xf32>
        %add3A_543 = arith.addf %get3A_538, %get3A_542 : vector<16xf32>
        %bitcast_convert_type3A_544 = tpu.bitcast %add3A_534 : vector<16xf32> -> vector<16xi32>
        %add3A_545 = vector.broadcast %scan3A_42 : i32 to vector<16xi32>
        %add3A_546 = arith.addi %bitcast_convert_type3A_544, %add3A_545 : vector<16xi32>
        %bitcast_convert_type3A_547 = tpu.bitcast %add3A_543 : vector<16xf32> -> vector<16xi32>
        %add3A_548 = vector.broadcast %scan3A_42 : i32 to vector<16xi32>
        %add3A_549 = arith.addi %bitcast_convert_type3A_547, %add3A_548 : vector<16xi32>
        %shift_right_logical3A_550 = arith.constant 16 : i32
        %shift_right_logical3A_551 = vector.broadcast %shift_right_logical3A_550 : i32 to vector<16xi32>
        %shift_right_logical3A_552 = arith.shrui %add3A_546, %shift_right_logical3A_551 : vector<16xi32>
        %and3A_553 = vector.broadcast %scan3A_43 : i32 to vector<16xi32>
        %and3A_554 = arith.andi %add3A_549, %and3A_553 : vector<16xi32>
        %or3A_555 = arith.ori %shift_right_logical3A_552, %and3A_554 : vector<16xi32>
        %swap3A_556 = arith.index_cast %scan3A_525 : i32 to index
        %swap3A_557 = arith.constant 0 : index
        %swap3A_558 = tpu.vector_load %arg18[%swap3A_556, %swap3A_557] {strides = array<i32>} : memref<80x64xi32, #tpu.memory_space<vmem>>, vector<1x16xi32>,
        %swap3A_559 = vector.shape_cast %swap3A_558 : vector<1x16xi32> to vector<16xi32>
        %swap3A_560 = vector.shape_cast %or3A_555 : vector<16xi32> to vector<1x16xi32>
        tpu.vector_store %arg18[%swap3A_556, %swap3A_557], %swap3A_560 {strides = array<i32>} : memref<80x64xi32, #tpu.memory_space<vmem>>, vector<1x16xi32>,
        %get3A_561 = arith.index_cast %scan3A_525 : i32 to index
        %get3A_562 = arith.constant 32 : index
        %get3A_563 = tpu.vector_load %arg12[%get3A_561, %get3A_562] {strides = array<i32>} : memref<80x128xf32, #tpu.memory_space<vmem>>, vector<1x16xf32>,
        %get3A_564 = vector.shape_cast %get3A_563 : vector<1x16xf32> to vector<16xf32>
        %get3A_565 = arith.index_cast %scan3A_525 : i32 to index
        %get3A_566 = arith.constant 32 : index
        %get3A_567 = tpu.vector_load %arg16[%get3A_565, %get3A_566] {strides = array<i32>} : memref<80x128xf32, #tpu.memory_space<vmem>>, vector<1x16xf32>,
        %get3A_568 = vector.shape_cast %get3A_567 : vector<1x16xf32> to vector<16xf32>
        %add3A_569 = arith.addf %get3A_564, %get3A_568 : vector<16xf32>
        %get3A_570 = arith.index_cast %scan3A_525 : i32 to index
        %get3A_571 = arith.constant 48 : index
        %get3A_572 = tpu.vector_load %arg12[%get3A_570, %get3A_571] {strides = array<i32>} : memref<80x128xf32, #tpu.memory_space<vmem>>, vector<1x16xf32>,
        %get3A_573 = vector.shape_cast %get3A_572 : vector<1x16xf32> to vector<16xf32>
        %get3A_574 = arith.index_cast %scan3A_525 : i32 to index
        %get3A_575 = arith.constant 48 : index
        %get3A_576 = tpu.vector_load %arg16[%get3A_574, %get3A_575] {strides = array<i32>} : memref<80x128xf32, #tpu.memory_space<vmem>>, vector<1x16xf32>,
        %get3A_577 = vector.shape_cast %get3A_576 : vector<1x16xf32> to vector<16xf32>
        %add3A_578 = arith.addf %get3A_573, %get3A_577 : vector<16xf32>
        %bitcast_convert_type3A_579 = tpu.bitcast %add3A_569 : vector<16xf32> -> vector<16xi32>
        %add3A_580 = vector.broadcast %scan3A_42 : i32 to vector<16xi32>
        %add3A_581 = arith.addi %bitcast_convert_type3A_579, %add3A_580 : vector<16xi32>
        %bitcast_convert_type3A_582 = tpu.bitcast %add3A_578 : vector<16xf32> -> vector<16xi32>
        %add3A_583 = vector.broadcast %scan3A_42 : i32 to vector<16xi32>
        %add3A_584 = arith.addi %bitcast_convert_type3A_582, %add3A_583 : vector<16xi32>
        %shift_right_logical3A_585 = arith.constant 16 : i32
        %shift_right_logical3A_586 = vector.broadcast %shift_right_logical3A_585 : i32 to vector<16xi32>
        %shift_right_logical3A_587 = arith.shrui %add3A_581, %shift_right_logical3A_586 : vector<16xi32>
        %and3A_588 = vector.broadcast %scan3A_43 : i32 to vector<16xi32>
        %and3A_589 = arith.andi %add3A_584, %and3A_588 : vector<16xi32>
        %or3A_590 = arith.ori %shift_right_logical3A_587, %and3A_589 : vector<16xi32>
        %swap3A_591 = arith.index_cast %scan3A_525 : i32 to index
        %swap3A_592 = arith.constant 16 : index
        %swap3A_593 = tpu.vector_load %arg18[%swap3A_591, %swap3A_592] {strides = array<i32>} : memref<80x64xi32, #tpu.memory_space<vmem>>, vector<1x16xi32>,
        %swap3A_594 = vector.shape_cast %swap3A_593 : vector<1x16xi32> to vector<16xi32>
        %swap3A_595 = vector.shape_cast %or3A_590 : vector<16xi32> to vector<1x16xi32>
        tpu.vector_store %arg18[%swap3A_591, %swap3A_592], %swap3A_595 {strides = array<i32>} : memref<80x64xi32, #tpu.memory_space<vmem>>, vector<1x16xi32>,
        %get3A_596 = arith.index_cast %scan3A_525 : i32 to index
        %get3A_597 = arith.constant 64 : index
        %get3A_598 = tpu.vector_load %arg12[%get3A_596, %get3A_597] {strides = array<i32>} : memref<80x128xf32, #tpu.memory_space<vmem>>, vector<1x16xf32>,
        %get3A_599 = vector.shape_cast %get3A_598 : vector<1x16xf32> to vector<16xf32>
        %get3A_600 = arith.index_cast %scan3A_525 : i32 to index
        %get3A_601 = arith.constant 64 : index
        %get3A_602 = tpu.vector_load %arg16[%get3A_600, %get3A_601] {strides = array<i32>} : memref<80x128xf32, #tpu.memory_space<vmem>>, vector<1x16xf32>,
        %get3A_603 = vector.shape_cast %get3A_602 : vector<1x16xf32> to vector<16xf32>
        %add3A_604 = arith.addf %get3A_599, %get3A_603 : vector<16xf32>
        %get3A_605 = arith.index_cast %scan3A_525 : i32 to index
        %get3A_606 = arith.constant 80 : index
        %get3A_607 = tpu.vector_load %arg12[%get3A_605, %get3A_606] {strides = array<i32>} : memref<80x128xf32, #tpu.memory_space<vmem>>, vector<1x16xf32>,
        %get3A_608 = vector.shape_cast %get3A_607 : vector<1x16xf32> to vector<16xf32>
        %get3A_609 = arith.index_cast %scan3A_525 : i32 to index
        %get3A_610 = arith.constant 80 : index
        %get3A_611 = tpu.vector_load %arg16[%get3A_609, %get3A_610] {strides = array<i32>} : memref<80x128xf32, #tpu.memory_space<vmem>>, vector<1x16xf32>,
        %get3A_612 = vector.shape_cast %get3A_611 : vector<1x16xf32> to vector<16xf32>
        %add3A_613 = arith.addf %get3A_608, %get3A_612 : vector<16xf32>
        %bitcast_convert_type3A_614 = tpu.bitcast %add3A_604 : vector<16xf32> -> vector<16xi32>
        %add3A_615 = vector.broadcast %scan3A_42 : i32 to vector<16xi32>
        %add3A_616 = arith.addi %bitcast_convert_type3A_614, %add3A_615 : vector<16xi32>
        %bitcast_convert_type3A_617 = tpu.bitcast %add3A_613 : vector<16xf32> -> vector<16xi32>
        %add3A_618 = vector.broadcast %scan3A_42 : i32 to vector<16xi32>
        %add3A_619 = arith.addi %bitcast_convert_type3A_617, %add3A_618 : vector<16xi32>
        %shift_right_logical3A_620 = arith.constant 16 : i32
        %shift_right_logical3A_621 = vector.broadcast %shift_right_logical3A_620 : i32 to vector<16xi32>
        %shift_right_logical3A_622 = arith.shrui %add3A_616, %shift_right_logical3A_621 : vector<16xi32>
        %and3A_623 = vector.broadcast %scan3A_43 : i32 to vector<16xi32>
        %and3A_624 = arith.andi %add3A_619, %and3A_623 : vector<16xi32>
        %or3A_625 = arith.ori %shift_right_logical3A_622, %and3A_624 : vector<16xi32>
        %swap3A_626 = arith.index_cast %scan3A_525 : i32 to index
        %swap3A_627 = arith.constant 32 : index
        %swap3A_628 = tpu.vector_load %arg18[%swap3A_626, %swap3A_627] {strides = array<i32>} : memref<80x64xi32, #tpu.memory_space<vmem>>, vector<1x16xi32>,
        %swap3A_629 = vector.shape_cast %swap3A_628 : vector<1x16xi32> to vector<16xi32>
        %swap3A_630 = vector.shape_cast %or3A_625 : vector<16xi32> to vector<1x16xi32>
        tpu.vector_store %arg18[%swap3A_626, %swap3A_627], %swap3A_630 {strides = array<i32>} : memref<80x64xi32, #tpu.memory_space<vmem>>, vector<1x16xi32>,
        %get3A_631 = arith.index_cast %scan3A_525 : i32 to index
        %get3A_632 = arith.constant 96 : index
        %get3A_633 = tpu.vector_load %arg12[%get3A_631, %get3A_632] {strides = array<i32>} : memref<80x128xf32, #tpu.memory_space<vmem>>, vector<1x16xf32>,
        %get3A_634 = vector.shape_cast %get3A_633 : vector<1x16xf32> to vector<16xf32>
        %get3A_635 = arith.index_cast %scan3A_525 : i32 to index
        %get3A_636 = arith.constant 96 : index
        %get3A_637 = tpu.vector_load %arg16[%get3A_635, %get3A_636] {strides = array<i32>} : memref<80x128xf32, #tpu.memory_space<vmem>>, vector<1x16xf32>,
        %get3A_638 = vector.shape_cast %get3A_637 : vector<1x16xf32> to vector<16xf32>
        %add3A_639 = arith.addf %get3A_634, %get3A_638 : vector<16xf32>
        %get3A_640 = arith.index_cast %scan3A_525 : i32 to index
        %get3A_641 = arith.constant 112 : index
        %get3A_642 = tpu.vector_load %arg12[%get3A_640, %get3A_641] {strides = array<i32>} : memref<80x128xf32, #tpu.memory_space<vmem>>, vector<1x16xf32>,
        %get3A_643 = vector.shape_cast %get3A_642 : vector<1x16xf32> to vector<16xf32>
        %get3A_644 = arith.index_cast %scan3A_525 : i32 to index
        %get3A_645 = arith.constant 112 : index
        %get3A_646 = tpu.vector_load %arg16[%get3A_644, %get3A_645] {strides = array<i32>} : memref<80x128xf32, #tpu.memory_space<vmem>>, vector<1x16xf32>,
        %get3A_647 = vector.shape_cast %get3A_646 : vector<1x16xf32> to vector<16xf32>
        %add3A_648 = arith.addf %get3A_643, %get3A_647 : vector<16xf32>
        %bitcast_convert_type3A_649 = tpu.bitcast %add3A_639 : vector<16xf32> -> vector<16xi32>
        %add3A_650 = vector.broadcast %scan3A_42 : i32 to vector<16xi32>
        %add3A_651 = arith.addi %bitcast_convert_type3A_649, %add3A_650 : vector<16xi32>
        %bitcast_convert_type3A_652 = tpu.bitcast %add3A_648 : vector<16xf32> -> vector<16xi32>
        %add3A_653 = vector.broadcast %scan3A_42 : i32 to vector<16xi32>
        %add3A_654 = arith.addi %bitcast_convert_type3A_652, %add3A_653 : vector<16xi32>
        %shift_right_logical3A_655 = arith.constant 16 : i32
        %shift_right_logical3A_656 = vector.broadcast %shift_right_logical3A_655 : i32 to vector<16xi32>
        %shift_right_logical3A_657 = arith.shrui %add3A_651, %shift_right_logical3A_656 : vector<16xi32>
        %and3A_658 = vector.broadcast %scan3A_43 : i32 to vector<16xi32>
        %and3A_659 = arith.andi %add3A_654, %and3A_658 : vector<16xi32>
        %or3A_660 = arith.ori %shift_right_logical3A_657, %and3A_659 : vector<16xi32>
        %swap3A_661 = arith.index_cast %scan3A_525 : i32 to index
        %swap3A_662 = arith.constant 48 : index
        %swap3A_663 = tpu.vector_load %arg18[%swap3A_661, %swap3A_662] {strides = array<i32>} : memref<80x64xi32, #tpu.memory_space<vmem>>, vector<1x16xi32>,
        %swap3A_664 = vector.shape_cast %swap3A_663 : vector<1x16xi32> to vector<16xi32>
        %swap3A_665 = vector.shape_cast %or3A_660 : vector<16xi32> to vector<1x16xi32>
        tpu.vector_store %arg18[%swap3A_661, %swap3A_662], %swap3A_665 {strides = array<i32>} : memref<80x64xi32, #tpu.memory_space<vmem>>, vector<1x16xi32>,
        %scan3A_666 = arith.constant 3 : i32
        %scan3A_667 = arith.addi %scan3A_247, %scan3A_666 : i32
        %get3A_668 = arith.index_cast %scan3A_667 : i32 to index
        %get3A_669 = arith.constant 0 : index
        %get3A_670 = tpu.vector_load %arg12[%get3A_668, %get3A_669] {strides = array<i32>} : memref<80x128xf32, #tpu.memory_space<vmem>>, vector<1x16xf32>,
        %get3A_671 = vector.shape_cast %get3A_670 : vector<1x16xf32> to vector<16xf32>
        %get3A_672 = arith.index_cast %scan3A_667 : i32 to index
        %get3A_673 = arith.constant 0 : index
        %get3A_674 = tpu.vector_load %arg16[%get3A_672, %get3A_673] {strides = array<i32>} : memref<80x128xf32, #tpu.memory_space<vmem>>, vector<1x16xf32>,
        %get3A_675 = vector.shape_cast %get3A_674 : vector<1x16xf32> to vector<16xf32>
        %add3A_676 = arith.addf %get3A_671, %get3A_675 : vector<16xf32>
        %get3A_677 = arith.index_cast %scan3A_667 : i32 to index
        %get3A_678 = arith.constant 16 : index
        %get3A_679 = tpu.vector_load %arg12[%get3A_677, %get3A_678] {strides = array<i32>} : memref<80x128xf32, #tpu.memory_space<vmem>>, vector<1x16xf32>,
        %get3A_680 = vector.shape_cast %get3A_679 : vector<1x16xf32> to vector<16xf32>
        %get3A_681 = arith.index_cast %scan3A_667 : i32 to index
        %get3A_682 = arith.constant 16 : index
        %get3A_683 = tpu.vector_load %arg16[%get3A_681, %get3A_682] {strides = array<i32>} : memref<80x128xf32, #tpu.memory_space<vmem>>, vector<1x16xf32>,
        %get3A_684 = vector.shape_cast %get3A_683 : vector<1x16xf32> to vector<16xf32>
        %add3A_685 = arith.addf %get3A_680, %get3A_684 : vector<16xf32>
        %bitcast_convert_type3A_686 = tpu.bitcast %add3A_676 : vector<16xf32> -> vector<16xi32>
        %add3A_687 = vector.broadcast %scan3A_42 : i32 to vector<16xi32>
        %add3A_688 = arith.addi %bitcast_convert_type3A_686, %add3A_687 : vector<16xi32>
        %bitcast_convert_type3A_689 = tpu.bitcast %add3A_685 : vector<16xf32> -> vector<16xi32>
        %add3A_690 = vector.broadcast %scan3A_42 : i32 to vector<16xi32>
        %add3A_691 = arith.addi %bitcast_convert_type3A_689, %add3A_690 : vector<16xi32>
        %shift_right_logical3A_692 = arith.constant 16 : i32
        %shift_right_logical3A_693 = vector.broadcast %shift_right_logical3A_692 : i32 to vector<16xi32>
        %shift_right_logical3A_694 = arith.shrui %add3A_688, %shift_right_logical3A_693 : vector<16xi32>
        %and3A_695 = vector.broadcast %scan3A_43 : i32 to vector<16xi32>
        %and3A_696 = arith.andi %add3A_691, %and3A_695 : vector<16xi32>
        %or3A_697 = arith.ori %shift_right_logical3A_694, %and3A_696 : vector<16xi32>
        %swap3A_698 = arith.index_cast %scan3A_667 : i32 to index
        %swap3A_699 = arith.constant 0 : index
        %swap3A_700 = tpu.vector_load %arg18[%swap3A_698, %swap3A_699] {strides = array<i32>} : memref<80x64xi32, #tpu.memory_space<vmem>>, vector<1x16xi32>,
        %swap3A_701 = vector.shape_cast %swap3A_700 : vector<1x16xi32> to vector<16xi32>
        %swap3A_702 = vector.shape_cast %or3A_697 : vector<16xi32> to vector<1x16xi32>
        tpu.vector_store %arg18[%swap3A_698, %swap3A_699], %swap3A_702 {strides = array<i32>} : memref<80x64xi32, #tpu.memory_space<vmem>>, vector<1x16xi32>,
        %get3A_703 = arith.index_cast %scan3A_667 : i32 to index
        %get3A_704 = arith.constant 32 : index
        %get3A_705 = tpu.vector_load %arg12[%get3A_703, %get3A_704] {strides = array<i32>} : memref<80x128xf32, #tpu.memory_space<vmem>>, vector<1x16xf32>,
        %get3A_706 = vector.shape_cast %get3A_705 : vector<1x16xf32> to vector<16xf32>
        %get3A_707 = arith.index_cast %scan3A_667 : i32 to index
        %get3A_708 = arith.constant 32 : index
        %get3A_709 = tpu.vector_load %arg16[%get3A_707, %get3A_708] {strides = array<i32>} : memref<80x128xf32, #tpu.memory_space<vmem>>, vector<1x16xf32>,
        %get3A_710 = vector.shape_cast %get3A_709 : vector<1x16xf32> to vector<16xf32>
        %add3A_711 = arith.addf %get3A_706, %get3A_710 : vector<16xf32>
        %get3A_712 = arith.index_cast %scan3A_667 : i32 to index
        %get3A_713 = arith.constant 48 : index
        %get3A_714 = tpu.vector_load %arg12[%get3A_712, %get3A_713] {strides = array<i32>} : memref<80x128xf32, #tpu.memory_space<vmem>>, vector<1x16xf32>,
        %get3A_715 = vector.shape_cast %get3A_714 : vector<1x16xf32> to vector<16xf32>
        %get3A_716 = arith.index_cast %scan3A_667 : i32 to index
        %get3A_717 = arith.constant 48 : index
        %get3A_718 = tpu.vector_load %arg16[%get3A_716, %get3A_717] {strides = array<i32>} : memref<80x128xf32, #tpu.memory_space<vmem>>, vector<1x16xf32>,
        %get3A_719 = vector.shape_cast %get3A_718 : vector<1x16xf32> to vector<16xf32>
        %add3A_720 = arith.addf %get3A_715, %get3A_719 : vector<16xf32>
        %bitcast_convert_type3A_721 = tpu.bitcast %add3A_711 : vector<16xf32> -> vector<16xi32>
        %add3A_722 = vector.broadcast %scan3A_42 : i32 to vector<16xi32>
        %add3A_723 = arith.addi %bitcast_convert_type3A_721, %add3A_722 : vector<16xi32>
        %bitcast_convert_type3A_724 = tpu.bitcast %add3A_720 : vector<16xf32> -> vector<16xi32>
        %add3A_725 = vector.broadcast %scan3A_42 : i32 to vector<16xi32>
        %add3A_726 = arith.addi %bitcast_convert_type3A_724, %add3A_725 : vector<16xi32>
        %shift_right_logical3A_727 = arith.constant 16 : i32
        %shift_right_logical3A_728 = vector.broadcast %shift_right_logical3A_727 : i32 to vector<16xi32>
        %shift_right_logical3A_729 = arith.shrui %add3A_723, %shift_right_logical3A_728 : vector<16xi32>
        %and3A_730 = vector.broadcast %scan3A_43 : i32 to vector<16xi32>
        %and3A_731 = arith.andi %add3A_726, %and3A_730 : vector<16xi32>
        %or3A_732 = arith.ori %shift_right_logical3A_729, %and3A_731 : vector<16xi32>
        %swap3A_733 = arith.index_cast %scan3A_667 : i32 to index
        %swap3A_734 = arith.constant 16 : index
        %swap3A_735 = tpu.vector_load %arg18[%swap3A_733, %swap3A_734] {strides = array<i32>} : memref<80x64xi32, #tpu.memory_space<vmem>>, vector<1x16xi32>,
        %swap3A_736 = vector.shape_cast %swap3A_735 : vector<1x16xi32> to vector<16xi32>
        %swap3A_737 = vector.shape_cast %or3A_732 : vector<16xi32> to vector<1x16xi32>
        tpu.vector_store %arg18[%swap3A_733, %swap3A_734], %swap3A_737 {strides = array<i32>} : memref<80x64xi32, #tpu.memory_space<vmem>>, vector<1x16xi32>,
        %get3A_738 = arith.index_cast %scan3A_667 : i32 to index
        %get3A_739 = arith.constant 64 : index
        %get3A_740 = tpu.vector_load %arg12[%get3A_738, %get3A_739] {strides = array<i32>} : memref<80x128xf32, #tpu.memory_space<vmem>>, vector<1x16xf32>,
        %get3A_741 = vector.shape_cast %get3A_740 : vector<1x16xf32> to vector<16xf32>
        %get3A_742 = arith.index_cast %scan3A_667 : i32 to index
        %get3A_743 = arith.constant 64 : index
        %get3A_744 = tpu.vector_load %arg16[%get3A_742, %get3A_743] {strides = array<i32>} : memref<80x128xf32, #tpu.memory_space<vmem>>, vector<1x16xf32>,
        %get3A_745 = vector.shape_cast %get3A_744 : vector<1x16xf32> to vector<16xf32>
        %add3A_746 = arith.addf %get3A_741, %get3A_745 : vector<16xf32>
        %get3A_747 = arith.index_cast %scan3A_667 : i32 to index
        %get3A_748 = arith.constant 80 : index
        %get3A_749 = tpu.vector_load %arg12[%get3A_747, %get3A_748] {strides = array<i32>} : memref<80x128xf32, #tpu.memory_space<vmem>>, vector<1x16xf32>,
        %get3A_750 = vector.shape_cast %get3A_749 : vector<1x16xf32> to vector<16xf32>
        %get3A_751 = arith.index_cast %scan3A_667 : i32 to index
        %get3A_752 = arith.constant 80 : index
        %get3A_753 = tpu.vector_load %arg16[%get3A_751, %get3A_752] {strides = array<i32>} : memref<80x128xf32, #tpu.memory_space<vmem>>, vector<1x16xf32>,
        %get3A_754 = vector.shape_cast %get3A_753 : vector<1x16xf32> to vector<16xf32>
        %add3A_755 = arith.addf %get3A_750, %get3A_754 : vector<16xf32>
        %bitcast_convert_type3A_756 = tpu.bitcast %add3A_746 : vector<16xf32> -> vector<16xi32>
        %add3A_757 = vector.broadcast %scan3A_42 : i32 to vector<16xi32>
        %add3A_758 = arith.addi %bitcast_convert_type3A_756, %add3A_757 : vector<16xi32>
        %bitcast_convert_type3A_759 = tpu.bitcast %add3A_755 : vector<16xf32> -> vector<16xi32>
        %add3A_760 = vector.broadcast %scan3A_42 : i32 to vector<16xi32>
        %add3A_761 = arith.addi %bitcast_convert_type3A_759, %add3A_760 : vector<16xi32>
        %shift_right_logical3A_762 = arith.constant 16 : i32
        %shift_right_logical3A_763 = vector.broadcast %shift_right_logical3A_762 : i32 to vector<16xi32>
        %shift_right_logical3A_764 = arith.shrui %add3A_758, %shift_right_logical3A_763 : vector<16xi32>
        %and3A_765 = vector.broadcast %scan3A_43 : i32 to vector<16xi32>
        %and3A_766 = arith.andi %add3A_761, %and3A_765 : vector<16xi32>
        %or3A_767 = arith.ori %shift_right_logical3A_764, %and3A_766 : vector<16xi32>
        %swap3A_768 = arith.index_cast %scan3A_667 : i32 to index
        %swap3A_769 = arith.constant 32 : index
        %swap3A_770 = tpu.vector_load %arg18[%swap3A_768, %swap3A_769] {strides = array<i32>} : memref<80x64xi32, #tpu.memory_space<vmem>>, vector<1x16xi32>,
        %swap3A_771 = vector.shape_cast %swap3A_770 : vector<1x16xi32> to vector<16xi32>
        %swap3A_772 = vector.shape_cast %or3A_767 : vector<16xi32> to vector<1x16xi32>
        tpu.vector_store %arg18[%swap3A_768, %swap3A_769], %swap3A_772 {strides = array<i32>} : memref<80x64xi32, #tpu.memory_space<vmem>>, vector<1x16xi32>,
        %get3A_773 = arith.index_cast %scan3A_667 : i32 to index
        %get3A_774 = arith.constant 96 : index
        %get3A_775 = tpu.vector_load %arg12[%get3A_773, %get3A_774] {strides = array<i32>} : memref<80x128xf32, #tpu.memory_space<vmem>>, vector<1x16xf32>,
        %get3A_776 = vector.shape_cast %get3A_775 : vector<1x16xf32> to vector<16xf32>
        %get3A_777 = arith.index_cast %scan3A_667 : i32 to index
        %get3A_778 = arith.constant 96 : index
        %get3A_779 = tpu.vector_load %arg16[%get3A_777, %get3A_778] {strides = array<i32>} : memref<80x128xf32, #tpu.memory_space<vmem>>, vector<1x16xf32>,
        %get3A_780 = vector.shape_cast %get3A_779 : vector<1x16xf32> to vector<16xf32>
        %add3A_781 = arith.addf %get3A_776, %get3A_780 : vector<16xf32>
        %get3A_782 = arith.index_cast %scan3A_667 : i32 to index
        %get3A_783 = arith.constant 112 : index
        %get3A_784 = tpu.vector_load %arg12[%get3A_782, %get3A_783] {strides = array<i32>} : memref<80x128xf32, #tpu.memory_space<vmem>>, vector<1x16xf32>,
        %get3A_785 = vector.shape_cast %get3A_784 : vector<1x16xf32> to vector<16xf32>
        %get3A_786 = arith.index_cast %scan3A_667 : i32 to index
        %get3A_787 = arith.constant 112 : index
        %get3A_788 = tpu.vector_load %arg16[%get3A_786, %get3A_787] {strides = array<i32>} : memref<80x128xf32, #tpu.memory_space<vmem>>, vector<1x16xf32>,
        %get3A_789 = vector.shape_cast %get3A_788 : vector<1x16xf32> to vector<16xf32>
        %add3A_790 = arith.addf %get3A_785, %get3A_789 : vector<16xf32>
        %bitcast_convert_type3A_791 = tpu.bitcast %add3A_781 : vector<16xf32> -> vector<16xi32>
        %add3A_792 = vector.broadcast %scan3A_42 : i32 to vector<16xi32>
        %add3A_793 = arith.addi %bitcast_convert_type3A_791, %add3A_792 : vector<16xi32>
        %bitcast_convert_type3A_794 = tpu.bitcast %add3A_790 : vector<16xf32> -> vector<16xi32>
        %add3A_795 = vector.broadcast %scan3A_42 : i32 to vector<16xi32>
        %add3A_796 = arith.addi %bitcast_convert_type3A_794, %add3A_795 : vector<16xi32>
        %shift_right_logical3A_797 = arith.constant 16 : i32
        %shift_right_logical3A_798 = vector.broadcast %shift_right_logical3A_797 : i32 to vector<16xi32>
        %shift_right_logical3A_799 = arith.shrui %add3A_793, %shift_right_logical3A_798 : vector<16xi32>
        %and3A_800 = vector.broadcast %scan3A_43 : i32 to vector<16xi32>
        %and3A_801 = arith.andi %add3A_796, %and3A_800 : vector<16xi32>
        %or3A_802 = arith.ori %shift_right_logical3A_799, %and3A_801 : vector<16xi32>
        %swap3A_803 = arith.index_cast %scan3A_667 : i32 to index
        %swap3A_804 = arith.constant 48 : index
        %swap3A_805 = tpu.vector_load %arg18[%swap3A_803, %swap3A_804] {strides = array<i32>} : memref<80x64xi32, #tpu.memory_space<vmem>>, vector<1x16xi32>,
        %swap3A_806 = vector.shape_cast %swap3A_805 : vector<1x16xi32> to vector<16xi32>
        %swap3A_807 = vector.shape_cast %or3A_802 : vector<16xi32> to vector<1x16xi32>
        tpu.vector_store %arg18[%swap3A_803, %swap3A_804], %swap3A_807 {strides = array<i32>} : memref<80x64xi32, #tpu.memory_space<vmem>>, vector<1x16xi32>,
      }
      %scan3A_232 = arith.constant 80 : i32
      %mul3A_233 = arith.constant 80 : i32
      %mul3A_234 = arith.muli %add3A_209, %mul3A_233 : i32
      %add3A_235 = arith.addi %mul3A_2, %mul3A_234 : i32
      %dma_start3A_236 = arith.constant 0 : i32
      %dma_start3A_237 = tpu.memref_slice %arg6[%add3A_235, %dma_start3A_236] : memref<320000x64xi32, #tpu.memory_space<hbm>> -> memref<80x64xi32, #tpu.memory_space<hbm>>
      %dma_start3A_238 = arith.constant 0 : i32
      %dma_start3A_239 = tpu.memref_slice %arg6[%add3A_235, %dma_start3A_238] : memref<320000x64xi32, #tpu.memory_space<hbm>> -> memref<80x64xi32, #tpu.memory_space<hbm>>
      tpu.enqueue_dma source(%arg18 : memref<80x64xi32, #tpu.memory_space<vmem>>) target(%dma_start3A_239 : memref<80x64xi32, #tpu.memory_space<hbm>>) target_semaphore(%arg24 : memref<!tpu.dma_semaphore, #tpu.memory_space<semaphore_mem>>)
      %add3A_240 = arith.constant 4 : i32
      %add3A_241 = arith.addi %add3A_209, %add3A_240 : i32
      %le3A_242 = arith.constant 124 : i32
      %le3A_243 = arith.cmpi sle, %add3A_241, %le3A_242 : i32
      %convert_element_type3A_244 = arith.extui %le3A_243 : i1 to i32
      %cond3A_245 = arith.constant 0 : i32
      %cond3A_246 = arith.cmpi ne, %convert_element_type3A_244, %cond3A_245 : i32
      scf.if %cond3A_246 {
        %add3A_247 = arith.constant 4 : i32
        %add3A_248 = arith.addi %add3A_209, %add3A_247 : i32
        %mul3A_249 = arith.constant 80 : i32
        %mul3A_250 = arith.muli %add3A_248, %mul3A_249 : i32
        %dma_start3A_251 = tpu.memref_slice %arg7[%mul3A_250] : memref<10000xi32, #tpu.memory_space<vmem>> -> memref<80xi32, #tpu.memory_space<vmem>>
        %dma_start3A_252 = arith.constant 0 : i32
        %dma_start3A_253 = arith.constant 0 : i32
        %dma_start3A_254 = tpu.memref_slice %arg2[%dma_start3A_252, %dma_start3A_253] : memref<10000x128xf32, #tpu.memory_space<hbm>> -> memref<10000x128xf32, #tpu.memory_space<hbm>>
        tpu.enqueue_indirect_dma source(%dma_start3A_254 : memref<10000x128xf32, #tpu.memory_space<hbm>>) target(%arg12 : memref<80x128xf32, #tpu.memory_space<vmem>>) offsets(%dma_start3A_251 : memref<80xi32, #tpu.memory_space<vmem>>) semaphore(%arg22 : memref<!tpu.dma_semaphore, #tpu.memory_space<semaphore_mem>>)
        %dma_start3A_255 = tpu.memref_slice %arg8[%mul3A_250] : memref<10000xi32, #tpu.memory_space<vmem>> -> memref<80xi32, #tpu.memory_space<vmem>>
        %dma_start3A_256 = arith.constant 0 : i32
        %dma_start3A_257 = arith.constant 0 : i32
        %dma_start3A_258 = tpu.memref_slice %arg3[%dma_start3A_256, %dma_start3A_257] : memref<10000x128xf32, #tpu.memory_space<hbm>> -> memref<10000x128xf32, #tpu.memory_space<hbm>>
        tpu.enqueue_indirect_dma source(%dma_start3A_258 : memref<10000x128xf32, #tpu.memory_space<hbm>>) target(%arg16 : memref<80x128xf32, #tpu.memory_space<vmem>>) offsets(%dma_start3A_255 : memref<80xi32, #tpu.memory_space<vmem>>) semaphore(%arg22 : memref<!tpu.dma_semaphore, #tpu.memory_space<semaphore_mem>>)
      } else {
      }
    }
    %scan3A_48 = arith.constant 31 : i32
    %dma_wait3A = arith.constant 0 : i32
    %dma_wait3A_49 = arith.constant 0 : i32
    %dma_wait3A_50 = tpu.memref_slice %arg2[%dma_wait3A, %dma_wait3A_49] : memref<10000x128xf32, #tpu.memory_space<hbm>> -> memref<80x128xf32, #tpu.memory_space<hbm>>
    %dma_wait3A_51 = arith.constant 0 : i32
    %dma_wait3A_52 = arith.constant 0 : i32
    %dma_wait3A_53 = tpu.memref_slice %arg2[%dma_wait3A_51, %dma_wait3A_52] : memref<10000x128xf32, #tpu.memory_space<hbm>> -> memref<80x128xf32, #tpu.memory_space<hbm>>
    tpu.wait_dma2 semaphore(%arg19 : memref<!tpu.dma_semaphore, #tpu.memory_space<semaphore_mem>>) src(%dma_wait3A_53 : memref<80x128xf32, #tpu.memory_space<hbm>>) dst(%arg9 : memref<80x128xf32, #tpu.memory_space<vmem>>)
    %dma_wait3A_54 = arith.constant 0 : i32
    %dma_wait3A_55 = arith.constant 0 : i32
    %dma_wait3A_56 = tpu.memref_slice %arg3[%dma_wait3A_54, %dma_wait3A_55] : memref<10000x128xf32, #tpu.memory_space<hbm>> -> memref<80x128xf32, #tpu.memory_space<hbm>>
    %dma_wait3A_57 = arith.constant 0 : i32
    %dma_wait3A_58 = arith.constant 0 : i32
    %dma_wait3A_59 = tpu.memref_slice %arg3[%dma_wait3A_57, %dma_wait3A_58] : memref<10000x128xf32, #tpu.memory_space<hbm>> -> memref<80x128xf32, #tpu.memory_space<hbm>>
    tpu.wait_dma2 semaphore(%arg19 : memref<!tpu.dma_semaphore, #tpu.memory_space<semaphore_mem>>) src(%dma_wait3A_59 : memref<80x128xf32, #tpu.memory_space<hbm>>) dst(%arg13 : memref<80x128xf32, #tpu.memory_space<vmem>>)
    %dma_wait3A_60 = arith.constant 0 : i32
    %dma_wait3A_61 = tpu.memref_slice %arg6[%mul3A_2, %dma_wait3A_60] : memref<320000x64xi32, #tpu.memory_space<hbm>> -> memref<80x64xi32, #tpu.memory_space<hbm>>
    %dma_wait3A_62 = arith.constant 0 : i32
    %dma_wait3A_63 = tpu.memref_slice %arg6[%mul3A_2, %dma_wait3A_62] : memref<320000x64xi32, #tpu.memory_space<hbm>> -> memref<80x64xi32, #tpu.memory_space<hbm>>
    tpu.wait_dma2 semaphore(%arg23 : memref<!tpu.dma_semaphore, #tpu.memory_space<semaphore_mem>>) src(%arg17 : memref<80x64xi32, #tpu.memory_space<vmem>>) dst(%dma_wait3A_63 : memref<80x64xi32, #tpu.memory_space<hbm>>)
    %scan3A_64 = arith.constant 0 : i32
    %scan3A_65 = arith.constant 32768 : i32
    %scan3A_66 = arith.constant -65536 : i32
    %scan3A_67 = arith.constant 0 : i32
    %scan3A_68 = arith.constant 80 : i32
    %scan3A_69 = arith.addi %scan3A_67, %scan3A_68 : i32
    %scan3A_70 = arith.constant 4 : i32
    scf.for %scan3A_86 = %scan3A_67 to %scan3A_69 step %scan3A_70  : i32 {
      %get3A = arith.index_cast %scan3A_86 : i32 to index
      %get3A_87 = arith.constant 0 : index
      %get3A_88 = tpu.vector_load %arg9[%get3A, %get3A_87] {strides = array<i32>} : memref<80x128xf32, #tpu.memory_space<vmem>>, vector<1x16xf32>,
      %get3A_89 = vector.shape_cast %get3A_88 : vector<1x16xf32> to vector<16xf32>
      %get3A_90 = arith.index_cast %scan3A_86 : i32 to index
      %get3A_91 = arith.constant 0 : index
      %get3A_92 = tpu.vector_load %arg13[%get3A_90, %get3A_91] {strides = array<i32>} : memref<80x128xf32, #tpu.memory_space<vmem>>, vector<1x16xf32>,
      %get3A_93 = vector.shape_cast %get3A_92 : vector<1x16xf32> to vector<16xf32>
      %add3A_94 = arith.addf %get3A_89, %get3A_93 : vector<16xf32>
      %get3A_95 = arith.index_cast %scan3A_86 : i32 to index
      %get3A_96 = arith.constant 16 : index
      %get3A_97 = tpu.vector_load %arg9[%get3A_95, %get3A_96] {strides = array<i32>} : memref<80x128xf32, #tpu.memory_space<vmem>>, vector<1x16xf32>,
      %get3A_98 = vector.shape_cast %get3A_97 : vector<1x16xf32> to vector<16xf32>
      %get3A_99 = arith.index_cast %scan3A_86 : i32 to index
      %get3A_100 = arith.constant 16 : index
      %get3A_101 = tpu.vector_load %arg13[%get3A_99, %get3A_100] {strides = array<i32>} : memref<80x128xf32, #tpu.memory_space<vmem>>, vector<1x16xf32>,
      %get3A_102 = vector.shape_cast %get3A_101 : vector<1x16xf32> to vector<16xf32>
      %add3A_103 = arith.addf %get3A_98, %get3A_102 : vector<16xf32>
      %bitcast_convert_type3A = tpu.bitcast %add3A_94 : vector<16xf32> -> vector<16xi32>
      %add3A_104 = vector.broadcast %scan3A_65 : i32 to vector<16xi32>
      %add3A_105 = arith.addi %bitcast_convert_type3A, %add3A_104 : vector<16xi32>
      %bitcast_convert_type3A_106 = tpu.bitcast %add3A_103 : vector<16xf32> -> vector<16xi32>
      %add3A_107 = vector.broadcast %scan3A_65 : i32 to vector<16xi32>
      %add3A_108 = arith.addi %bitcast_convert_type3A_106, %add3A_107 : vector<16xi32>
      %shift_right_logical3A = arith.constant 16 : i32
      %shift_right_logical3A_109 = vector.broadcast %shift_right_logical3A : i32 to vector<16xi32>
      %shift_right_logical3A_110 = arith.shrui %add3A_105, %shift_right_logical3A_109 : vector<16xi32>
      %and3A = vector.broadcast %scan3A_66 : i32 to vector<16xi32>
      %and3A_111 = arith.andi %add3A_108, %and3A : vector<16xi32>
      %or3A = arith.ori %shift_right_logical3A_110, %and3A_111 : vector<16xi32>
      %swap3A = arith.index_cast %scan3A_86 : i32 to index
      %swap3A_112 = arith.constant 0 : index
      %swap3A_113 = tpu.vector_load %arg17[%swap3A, %swap3A_112] {strides = array<i32>} : memref<80x64xi32, #tpu.memory_space<vmem>>, vector<1x16xi32>,
      %swap3A_114 = vector.shape_cast %swap3A_113 : vector<1x16xi32> to vector<16xi32>
      %swap3A_115 = vector.shape_cast %or3A : vector<16xi32> to vector<1x16xi32>
      tpu.vector_store %arg17[%swap3A, %swap3A_112], %swap3A_115 {strides = array<i32>} : memref<80x64xi32, #tpu.memory_space<vmem>>, vector<1x16xi32>,
      %get3A_116 = arith.index_cast %scan3A_86 : i32 to index
      %get3A_117 = arith.constant 32 : index
      %get3A_118 = tpu.vector_load %arg9[%get3A_116, %get3A_117] {strides = array<i32>} : memref<80x128xf32, #tpu.memory_space<vmem>>, vector<1x16xf32>,
      %get3A_119 = vector.shape_cast %get3A_118 : vector<1x16xf32> to vector<16xf32>
      %get3A_120 = arith.index_cast %scan3A_86 : i32 to index
      %get3A_121 = arith.constant 32 : index
      %get3A_122 = tpu.vector_load %arg13[%get3A_120, %get3A_121] {strides = array<i32>} : memref<80x128xf32, #tpu.memory_space<vmem>>, vector<1x16xf32>,
      %get3A_123 = vector.shape_cast %get3A_122 : vector<1x16xf32> to vector<16xf32>
      %add3A_124 = arith.addf %get3A_119, %get3A_123 : vector<16xf32>
      %get3A_125 = arith.index_cast %scan3A_86 : i32 to index
      %get3A_126 = arith.constant 48 : index
      %get3A_127 = tpu.vector_load %arg9[%get3A_125, %get3A_126] {strides = array<i32>} : memref<80x128xf32, #tpu.memory_space<vmem>>, vector<1x16xf32>,
      %get3A_128 = vector.shape_cast %get3A_127 : vector<1x16xf32> to vector<16xf32>
      %get3A_129 = arith.index_cast %scan3A_86 : i32 to index
      %get3A_130 = arith.constant 48 : index
      %get3A_131 = tpu.vector_load %arg13[%get3A_129, %get3A_130] {strides = array<i32>} : memref<80x128xf32, #tpu.memory_space<vmem>>, vector<1x16xf32>,
      %get3A_132 = vector.shape_cast %get3A_131 : vector<1x16xf32> to vector<16xf32>
      %add3A_133 = arith.addf %get3A_128, %get3A_132 : vector<16xf32>
      %bitcast_convert_type3A_134 = tpu.bitcast %add3A_124 : vector<16xf32> -> vector<16xi32>
      %add3A_135 = vector.broadcast %scan3A_65 : i32 to vector<16xi32>
      %add3A_136 = arith.addi %bitcast_convert_type3A_134, %add3A_135 : vector<16xi32>
      %bitcast_convert_type3A_137 = tpu.bitcast %add3A_133 : vector<16xf32> -> vector<16xi32>
      %add3A_138 = vector.broadcast %scan3A_65 : i32 to vector<16xi32>
      %add3A_139 = arith.addi %bitcast_convert_type3A_137, %add3A_138 : vector<16xi32>
      %shift_right_logical3A_140 = arith.constant 16 : i32
      %shift_right_logical3A_141 = vector.broadcast %shift_right_logical3A_140 : i32 to vector<16xi32>
      %shift_right_logical3A_142 = arith.shrui %add3A_136, %shift_right_logical3A_141 : vector<16xi32>
      %and3A_143 = vector.broadcast %scan3A_66 : i32 to vector<16xi32>
      %and3A_144 = arith.andi %add3A_139, %and3A_143 : vector<16xi32>
      %or3A_145 = arith.ori %shift_right_logical3A_142, %and3A_144 : vector<16xi32>
      %swap3A_146 = arith.index_cast %scan3A_86 : i32 to index
      %swap3A_147 = arith.constant 16 : index
      %swap3A_148 = tpu.vector_load %arg17[%swap3A_146, %swap3A_147] {strides = array<i32>} : memref<80x64xi32, #tpu.memory_space<vmem>>, vector<1x16xi32>,
      %swap3A_149 = vector.shape_cast %swap3A_148 : vector<1x16xi32> to vector<16xi32>
      %swap3A_150 = vector.shape_cast %or3A_145 : vector<16xi32> to vector<1x16xi32>
      tpu.vector_store %arg17[%swap3A_146, %swap3A_147], %swap3A_150 {strides = array<i32>} : memref<80x64xi32, #tpu.memory_space<vmem>>, vector<1x16xi32>,
      %get3A_151 = arith.index_cast %scan3A_86 : i32 to index
      %get3A_152 = arith.constant 64 : index
      %get3A_153 = tpu.vector_load %arg9[%get3A_151, %get3A_152] {strides = array<i32>} : memref<80x128xf32, #tpu.memory_space<vmem>>, vector<1x16xf32>,
      %get3A_154 = vector.shape_cast %get3A_153 : vector<1x16xf32> to vector<16xf32>
      %get3A_155 = arith.index_cast %scan3A_86 : i32 to index
      %get3A_156 = arith.constant 64 : index
      %get3A_157 = tpu.vector_load %arg13[%get3A_155, %get3A_156] {strides = array<i32>} : memref<80x128xf32, #tpu.memory_space<vmem>>, vector<1x16xf32>,
      %get3A_158 = vector.shape_cast %get3A_157 : vector<1x16xf32> to vector<16xf32>
      %add3A_159 = arith.addf %get3A_154, %get3A_158 : vector<16xf32>
      %get3A_160 = arith.index_cast %scan3A_86 : i32 to index
      %get3A_161 = arith.constant 80 : index
      %get3A_162 = tpu.vector_load %arg9[%get3A_160, %get3A_161] {strides = array<i32>} : memref<80x128xf32, #tpu.memory_space<vmem>>, vector<1x16xf32>,
      %get3A_163 = vector.shape_cast %get3A_162 : vector<1x16xf32> to vector<16xf32>
      %get3A_164 = arith.index_cast %scan3A_86 : i32 to index
      %get3A_165 = arith.constant 80 : index
      %get3A_166 = tpu.vector_load %arg13[%get3A_164, %get3A_165] {strides = array<i32>} : memref<80x128xf32, #tpu.memory_space<vmem>>, vector<1x16xf32>,
      %get3A_167 = vector.shape_cast %get3A_166 : vector<1x16xf32> to vector<16xf32>
      %add3A_168 = arith.addf %get3A_163, %get3A_167 : vector<16xf32>
      %bitcast_convert_type3A_169 = tpu.bitcast %add3A_159 : vector<16xf32> -> vector<16xi32>
      %add3A_170 = vector.broadcast %scan3A_65 : i32 to vector<16xi32>
      %add3A_171 = arith.addi %bitcast_convert_type3A_169, %add3A_170 : vector<16xi32>
      %bitcast_convert_type3A_172 = tpu.bitcast %add3A_168 : vector<16xf32> -> vector<16xi32>
      %add3A_173 = vector.broadcast %scan3A_65 : i32 to vector<16xi32>
      %add3A_174 = arith.addi %bitcast_convert_type3A_172, %add3A_173 : vector<16xi32>
      %shift_right_logical3A_175 = arith.constant 16 : i32
      %shift_right_logical3A_176 = vector.broadcast %shift_right_logical3A_175 : i32 to vector<16xi32>
      %shift_right_logical3A_177 = arith.shrui %add3A_171, %shift_right_logical3A_176 : vector<16xi32>
      %and3A_178 = vector.broadcast %scan3A_66 : i32 to vector<16xi32>
      %and3A_179 = arith.andi %add3A_174, %and3A_178 : vector<16xi32>
      %or3A_180 = arith.ori %shift_right_logical3A_177, %and3A_179 : vector<16xi32>
      %swap3A_181 = arith.index_cast %scan3A_86 : i32 to index
      %swap3A_182 = arith.constant 32 : index
      %swap3A_183 = tpu.vector_load %arg17[%swap3A_181, %swap3A_182] {strides = array<i32>} : memref<80x64xi32, #tpu.memory_space<vmem>>, vector<1x16xi32>,
      %swap3A_184 = vector.shape_cast %swap3A_183 : vector<1x16xi32> to vector<16xi32>
      %swap3A_185 = vector.shape_cast %or3A_180 : vector<16xi32> to vector<1x16xi32>
      tpu.vector_store %arg17[%swap3A_181, %swap3A_182], %swap3A_185 {strides = array<i32>} : memref<80x64xi32, #tpu.memory_space<vmem>>, vector<1x16xi32>,
      %get3A_186 = arith.index_cast %scan3A_86 : i32 to index
      %get3A_187 = arith.constant 96 : index
      %get3A_188 = tpu.vector_load %arg9[%get3A_186, %get3A_187] {strides = array<i32>} : memref<80x128xf32, #tpu.memory_space<vmem>>, vector<1x16xf32>,
      %get3A_189 = vector.shape_cast %get3A_188 : vector<1x16xf32> to vector<16xf32>
      %get3A_190 = arith.index_cast %scan3A_86 : i32 to index
      %get3A_191 = arith.constant 96 : index
      %get3A_192 = tpu.vector_load %arg13[%get3A_190, %get3A_191] {strides = array<i32>} : memref<80x128xf32, #tpu.memory_space<vmem>>, vector<1x16xf32>,
      %get3A_193 = vector.shape_cast %get3A_192 : vector<1x16xf32> to vector<16xf32>
      %add3A_194 = arith.addf %get3A_189, %get3A_193 : vector<16xf32>
      %get3A_195 = arith.index_cast %scan3A_86 : i32 to index
      %get3A_196 = arith.constant 112 : index
      %get3A_197 = tpu.vector_load %arg9[%get3A_195, %get3A_196] {strides = array<i32>} : memref<80x128xf32, #tpu.memory_space<vmem>>, vector<1x16xf32>,
      %get3A_198 = vector.shape_cast %get3A_197 : vector<1x16xf32> to vector<16xf32>
      %get3A_199 = arith.index_cast %scan3A_86 : i32 to index
      %get3A_200 = arith.constant 112 : index
      %get3A_201 = tpu.vector_load %arg13[%get3A_199, %get3A_200] {strides = array<i32>} : memref<80x128xf32, #tpu.memory_space<vmem>>, vector<1x16xf32>,
      %get3A_202 = vector.shape_cast %get3A_201 : vector<1x16xf32> to vector<16xf32>
      %add3A_203 = arith.addf %get3A_198, %get3A_202 : vector<16xf32>
      %bitcast_convert_type3A_204 = tpu.bitcast %add3A_194 : vector<16xf32> -> vector<16xi32>
      %add3A_205 = vector.broadcast %scan3A_65 : i32 to vector<16xi32>
      %add3A_206 = arith.addi %bitcast_convert_type3A_204, %add3A_205 : vector<16xi32>
      %bitcast_convert_type3A_207 = tpu.bitcast %add3A_203 : vector<16xf32> -> vector<16xi32>
      %add3A_208 = vector.broadcast %scan3A_65 : i32 to vector<16xi32>
      %add3A_209 = arith.addi %bitcast_convert_type3A_207, %add3A_208 : vector<16xi32>
      %shift_right_logical3A_210 = arith.constant 16 : i32
      %shift_right_logical3A_211 = vector.broadcast %shift_right_logical3A_210 : i32 to vector<16xi32>
      %shift_right_logical3A_212 = arith.shrui %add3A_206, %shift_right_logical3A_211 : vector<16xi32>
      %and3A_213 = vector.broadcast %scan3A_66 : i32 to vector<16xi32>
      %and3A_214 = arith.andi %add3A_209, %and3A_213 : vector<16xi32>
      %or3A_215 = arith.ori %shift_right_logical3A_212, %and3A_214 : vector<16xi32>
      %swap3A_216 = arith.index_cast %scan3A_86 : i32 to index
      %swap3A_217 = arith.constant 48 : index
      %swap3A_218 = tpu.vector_load %arg17[%swap3A_216, %swap3A_217] {strides = array<i32>} : memref<80x64xi32, #tpu.memory_space<vmem>>, vector<1x16xi32>,
      %swap3A_219 = vector.shape_cast %swap3A_218 : vector<1x16xi32> to vector<16xi32>
      %swap3A_220 = vector.shape_cast %or3A_215 : vector<16xi32> to vector<1x16xi32>
      tpu.vector_store %arg17[%swap3A_216, %swap3A_217], %swap3A_220 {strides = array<i32>} : memref<80x64xi32, #tpu.memory_space<vmem>>, vector<1x16xi32>,
      %scan3A_221 = arith.constant 1 : i32
      %scan3A_222 = arith.addi %scan3A_86, %scan3A_221 : i32
      %get3A_223 = arith.index_cast %scan3A_222 : i32 to index
      %get3A_224 = arith.constant 0 : index
      %get3A_225 = tpu.vector_load %arg9[%get3A_223, %get3A_224] {strides = array<i32>} : memref<80x128xf32, #tpu.memory_space<vmem>>, vector<1x16xf32>,
      %get3A_226 = vector.shape_cast %get3A_225 : vector<1x16xf32> to vector<16xf32>
      %get3A_227 = arith.index_cast %scan3A_222 : i32 to index
      %get3A_228 = arith.constant 0 : index
      %get3A_229 = tpu.vector_load %arg13[%get3A_227, %get3A_228] {strides = array<i32>} : memref<80x128xf32, #tpu.memory_space<vmem>>, vector<1x16xf32>,
      %get3A_230 = vector.shape_cast %get3A_229 : vector<1x16xf32> to vector<16xf32>
      %add3A_231 = arith.addf %get3A_226, %get3A_230 : vector<16xf32>
      %get3A_232 = arith.index_cast %scan3A_222 : i32 to index
      %get3A_233 = arith.constant 16 : index
      %get3A_234 = tpu.vector_load %arg9[%get3A_232, %get3A_233] {strides = array<i32>} : memref<80x128xf32, #tpu.memory_space<vmem>>, vector<1x16xf32>,
      %get3A_235 = vector.shape_cast %get3A_234 : vector<1x16xf32> to vector<16xf32>
      %get3A_236 = arith.index_cast %scan3A_222 : i32 to index
      %get3A_237 = arith.constant 16 : index
      %get3A_238 = tpu.vector_load %arg13[%get3A_236, %get3A_237] {strides = array<i32>} : memref<80x128xf32, #tpu.memory_space<vmem>>, vector<1x16xf32>,
      %get3A_239 = vector.shape_cast %get3A_238 : vector<1x16xf32> to vector<16xf32>
      %add3A_240 = arith.addf %get3A_235, %get3A_239 : vector<16xf32>
      %bitcast_convert_type3A_241 = tpu.bitcast %add3A_231 : vector<16xf32> -> vector<16xi32>
      %add3A_242 = vector.broadcast %scan3A_65 : i32 to vector<16xi32>
      %add3A_243 = arith.addi %bitcast_convert_type3A_241, %add3A_242 : vector<16xi32>
      %bitcast_convert_type3A_244 = tpu.bitcast %add3A_240 : vector<16xf32> -> vector<16xi32>
      %add3A_245 = vector.broadcast %scan3A_65 : i32 to vector<16xi32>
      %add3A_246 = arith.addi %bitcast_convert_type3A_244, %add3A_245 : vector<16xi32>
      %shift_right_logical3A_247 = arith.constant 16 : i32
      %shift_right_logical3A_248 = vector.broadcast %shift_right_logical3A_247 : i32 to vector<16xi32>
      %shift_right_logical3A_249 = arith.shrui %add3A_243, %shift_right_logical3A_248 : vector<16xi32>
      %and3A_250 = vector.broadcast %scan3A_66 : i32 to vector<16xi32>
      %and3A_251 = arith.andi %add3A_246, %and3A_250 : vector<16xi32>
      %or3A_252 = arith.ori %shift_right_logical3A_249, %and3A_251 : vector<16xi32>
      %swap3A_253 = arith.index_cast %scan3A_222 : i32 to index
      %swap3A_254 = arith.constant 0 : index
      %swap3A_255 = tpu.vector_load %arg17[%swap3A_253, %swap3A_254] {strides = array<i32>} : memref<80x64xi32, #tpu.memory_space<vmem>>, vector<1x16xi32>,
      %swap3A_256 = vector.shape_cast %swap3A_255 : vector<1x16xi32> to vector<16xi32>
      %swap3A_257 = vector.shape_cast %or3A_252 : vector<16xi32> to vector<1x16xi32>
      tpu.vector_store %arg17[%swap3A_253, %swap3A_254], %swap3A_257 {strides = array<i32>} : memref<80x64xi32, #tpu.memory_space<vmem>>, vector<1x16xi32>,
      %get3A_258 = arith.index_cast %scan3A_222 : i32 to index
      %get3A_259 = arith.constant 32 : index
      %get3A_260 = tpu.vector_load %arg9[%get3A_258, %get3A_259] {strides = array<i32>} : memref<80x128xf32, #tpu.memory_space<vmem>>, vector<1x16xf32>,
      %get3A_261 = vector.shape_cast %get3A_260 : vector<1x16xf32> to vector<16xf32>
      %get3A_262 = arith.index_cast %scan3A_222 : i32 to index
      %get3A_263 = arith.constant 32 : index
      %get3A_264 = tpu.vector_load %arg13[%get3A_262, %get3A_263] {strides = array<i32>} : memref<80x128xf32, #tpu.memory_space<vmem>>, vector<1x16xf32>,
      %get3A_265 = vector.shape_cast %get3A_264 : vector<1x16xf32> to vector<16xf32>
      %add3A_266 = arith.addf %get3A_261, %get3A_265 : vector<16xf32>
      %get3A_267 = arith.index_cast %scan3A_222 : i32 to index
      %get3A_268 = arith.constant 48 : index
      %get3A_269 = tpu.vector_load %arg9[%get3A_267, %get3A_268] {strides = array<i32>} : memref<80x128xf32, #tpu.memory_space<vmem>>, vector<1x16xf32>,
      %get3A_270 = vector.shape_cast %get3A_269 : vector<1x16xf32> to vector<16xf32>
      %get3A_271 = arith.index_cast %scan3A_222 : i32 to index
      %get3A_272 = arith.constant 48 : index
      %get3A_273 = tpu.vector_load %arg13[%get3A_271, %get3A_272] {strides = array<i32>} : memref<80x128xf32, #tpu.memory_space<vmem>>, vector<1x16xf32>,
      %get3A_274 = vector.shape_cast %get3A_273 : vector<1x16xf32> to vector<16xf32>
      %add3A_275 = arith.addf %get3A_270, %get3A_274 : vector<16xf32>
      %bitcast_convert_type3A_276 = tpu.bitcast %add3A_266 : vector<16xf32> -> vector<16xi32>
      %add3A_277 = vector.broadcast %scan3A_65 : i32 to vector<16xi32>
      %add3A_278 = arith.addi %bitcast_convert_type3A_276, %add3A_277 : vector<16xi32>
      %bitcast_convert_type3A_279 = tpu.bitcast %add3A_275 : vector<16xf32> -> vector<16xi32>
      %add3A_280 = vector.broadcast %scan3A_65 : i32 to vector<16xi32>
      %add3A_281 = arith.addi %bitcast_convert_type3A_279, %add3A_280 : vector<16xi32>
      %shift_right_logical3A_282 = arith.constant 16 : i32
      %shift_right_logical3A_283 = vector.broadcast %shift_right_logical3A_282 : i32 to vector<16xi32>
      %shift_right_logical3A_284 = arith.shrui %add3A_278, %shift_right_logical3A_283 : vector<16xi32>
      %and3A_285 = vector.broadcast %scan3A_66 : i32 to vector<16xi32>
      %and3A_286 = arith.andi %add3A_281, %and3A_285 : vector<16xi32>
      %or3A_287 = arith.ori %shift_right_logical3A_284, %and3A_286 : vector<16xi32>
      %swap3A_288 = arith.index_cast %scan3A_222 : i32 to index
      %swap3A_289 = arith.constant 16 : index
      %swap3A_290 = tpu.vector_load %arg17[%swap3A_288, %swap3A_289] {strides = array<i32>} : memref<80x64xi32, #tpu.memory_space<vmem>>, vector<1x16xi32>,
      %swap3A_291 = vector.shape_cast %swap3A_290 : vector<1x16xi32> to vector<16xi32>
      %swap3A_292 = vector.shape_cast %or3A_287 : vector<16xi32> to vector<1x16xi32>
      tpu.vector_store %arg17[%swap3A_288, %swap3A_289], %swap3A_292 {strides = array<i32>} : memref<80x64xi32, #tpu.memory_space<vmem>>, vector<1x16xi32>,
      %get3A_293 = arith.index_cast %scan3A_222 : i32 to index
      %get3A_294 = arith.constant 64 : index
      %get3A_295 = tpu.vector_load %arg9[%get3A_293, %get3A_294] {strides = array<i32>} : memref<80x128xf32, #tpu.memory_space<vmem>>, vector<1x16xf32>,
      %get3A_296 = vector.shape_cast %get3A_295 : vector<1x16xf32> to vector<16xf32>
      %get3A_297 = arith.index_cast %scan3A_222 : i32 to index
      %get3A_298 = arith.constant 64 : index
      %get3A_299 = tpu.vector_load %arg13[%get3A_297, %get3A_298] {strides = array<i32>} : memref<80x128xf32, #tpu.memory_space<vmem>>, vector<1x16xf32>,
      %get3A_300 = vector.shape_cast %get3A_299 : vector<1x16xf32> to vector<16xf32>
      %add3A_301 = arith.addf %get3A_296, %get3A_300 : vector<16xf32>
      %get3A_302 = arith.index_cast %scan3A_222 : i32 to index
      %get3A_303 = arith.constant 80 : index
      %get3A_304 = tpu.vector_load %arg9[%get3A_302, %get3A_303] {strides = array<i32>} : memref<80x128xf32, #tpu.memory_space<vmem>>, vector<1x16xf32>,
      %get3A_305 = vector.shape_cast %get3A_304 : vector<1x16xf32> to vector<16xf32>
      %get3A_306 = arith.index_cast %scan3A_222 : i32 to index
      %get3A_307 = arith.constant 80 : index
      %get3A_308 = tpu.vector_load %arg13[%get3A_306, %get3A_307] {strides = array<i32>} : memref<80x128xf32, #tpu.memory_space<vmem>>, vector<1x16xf32>,
      %get3A_309 = vector.shape_cast %get3A_308 : vector<1x16xf32> to vector<16xf32>
      %add3A_310 = arith.addf %get3A_305, %get3A_309 : vector<16xf32>
      %bitcast_convert_type3A_311 = tpu.bitcast %add3A_301 : vector<16xf32> -> vector<16xi32>
      %add3A_312 = vector.broadcast %scan3A_65 : i32 to vector<16xi32>
      %add3A_313 = arith.addi %bitcast_convert_type3A_311, %add3A_312 : vector<16xi32>
      %bitcast_convert_type3A_314 = tpu.bitcast %add3A_310 : vector<16xf32> -> vector<16xi32>
      %add3A_315 = vector.broadcast %scan3A_65 : i32 to vector<16xi32>
      %add3A_316 = arith.addi %bitcast_convert_type3A_314, %add3A_315 : vector<16xi32>
      %shift_right_logical3A_317 = arith.constant 16 : i32
      %shift_right_logical3A_318 = vector.broadcast %shift_right_logical3A_317 : i32 to vector<16xi32>
      %shift_right_logical3A_319 = arith.shrui %add3A_313, %shift_right_logical3A_318 : vector<16xi32>
      %and3A_320 = vector.broadcast %scan3A_66 : i32 to vector<16xi32>
      %and3A_321 = arith.andi %add3A_316, %and3A_320 : vector<16xi32>
      %or3A_322 = arith.ori %shift_right_logical3A_319, %and3A_321 : vector<16xi32>
      %swap3A_323 = arith.index_cast %scan3A_222 : i32 to index
      %swap3A_324 = arith.constant 32 : index
      %swap3A_325 = tpu.vector_load %arg17[%swap3A_323, %swap3A_324] {strides = array<i32>} : memref<80x64xi32, #tpu.memory_space<vmem>>, vector<1x16xi32>,
      %swap3A_326 = vector.shape_cast %swap3A_325 : vector<1x16xi32> to vector<16xi32>
      %swap3A_327 = vector.shape_cast %or3A_322 : vector<16xi32> to vector<1x16xi32>
      tpu.vector_store %arg17[%swap3A_323, %swap3A_324], %swap3A_327 {strides = array<i32>} : memref<80x64xi32, #tpu.memory_space<vmem>>, vector<1x16xi32>,
      %get3A_328 = arith.index_cast %scan3A_222 : i32 to index
      %get3A_329 = arith.constant 96 : index
      %get3A_330 = tpu.vector_load %arg9[%get3A_328, %get3A_329] {strides = array<i32>} : memref<80x128xf32, #tpu.memory_space<vmem>>, vector<1x16xf32>,
      %get3A_331 = vector.shape_cast %get3A_330 : vector<1x16xf32> to vector<16xf32>
      %get3A_332 = arith.index_cast %scan3A_222 : i32 to index
      %get3A_333 = arith.constant 96 : index
      %get3A_334 = tpu.vector_load %arg13[%get3A_332, %get3A_333] {strides = array<i32>} : memref<80x128xf32, #tpu.memory_space<vmem>>, vector<1x16xf32>,
      %get3A_335 = vector.shape_cast %get3A_334 : vector<1x16xf32> to vector<16xf32>
      %add3A_336 = arith.addf %get3A_331, %get3A_335 : vector<16xf32>
      %get3A_337 = arith.index_cast %scan3A_222 : i32 to index
      %get3A_338 = arith.constant 112 : index
      %get3A_339 = tpu.vector_load %arg9[%get3A_337, %get3A_338] {strides = array<i32>} : memref<80x128xf32, #tpu.memory_space<vmem>>, vector<1x16xf32>,
      %get3A_340 = vector.shape_cast %get3A_339 : vector<1x16xf32> to vector<16xf32>
      %get3A_341 = arith.index_cast %scan3A_222 : i32 to index
      %get3A_342 = arith.constant 112 : index
      %get3A_343 = tpu.vector_load %arg13[%get3A_341, %get3A_342] {strides = array<i32>} : memref<80x128xf32, #tpu.memory_space<vmem>>, vector<1x16xf32>,
      %get3A_344 = vector.shape_cast %get3A_343 : vector<1x16xf32> to vector<16xf32>
      %add3A_345 = arith.addf %get3A_340, %get3A_344 : vector<16xf32>
      %bitcast_convert_type3A_346 = tpu.bitcast %add3A_336 : vector<16xf32> -> vector<16xi32>
      %add3A_347 = vector.broadcast %scan3A_65 : i32 to vector<16xi32>
      %add3A_348 = arith.addi %bitcast_convert_type3A_346, %add3A_347 : vector<16xi32>
      %bitcast_convert_type3A_349 = tpu.bitcast %add3A_345 : vector<16xf32> -> vector<16xi32>
      %add3A_350 = vector.broadcast %scan3A_65 : i32 to vector<16xi32>
      %add3A_351 = arith.addi %bitcast_convert_type3A_349, %add3A_350 : vector<16xi32>
      %shift_right_logical3A_352 = arith.constant 16 : i32
      %shift_right_logical3A_353 = vector.broadcast %shift_right_logical3A_352 : i32 to vector<16xi32>
      %shift_right_logical3A_354 = arith.shrui %add3A_348, %shift_right_logical3A_353 : vector<16xi32>
      %and3A_355 = vector.broadcast %scan3A_66 : i32 to vector<16xi32>
      %and3A_356 = arith.andi %add3A_351, %and3A_355 : vector<16xi32>
      %or3A_357 = arith.ori %shift_right_logical3A_354, %and3A_356 : vector<16xi32>
      %swap3A_358 = arith.index_cast %scan3A_222 : i32 to index
      %swap3A_359 = arith.constant 48 : index
      %swap3A_360 = tpu.vector_load %arg17[%swap3A_358, %swap3A_359] {strides = array<i32>} : memref<80x64xi32, #tpu.memory_space<vmem>>, vector<1x16xi32>,
      %swap3A_361 = vector.shape_cast %swap3A_360 : vector<1x16xi32> to vector<16xi32>
      %swap3A_362 = vector.shape_cast %or3A_357 : vector<16xi32> to vector<1x16xi32>
      tpu.vector_store %arg17[%swap3A_358, %swap3A_359], %swap3A_362 {strides = array<i32>} : memref<80x64xi32, #tpu.memory_space<vmem>>, vector<1x16xi32>,
      %scan3A_363 = arith.constant 2 : i32
      %scan3A_364 = arith.addi %scan3A_86, %scan3A_363 : i32
      %get3A_365 = arith.index_cast %scan3A_364 : i32 to index
      %get3A_366 = arith.constant 0 : index
      %get3A_367 = tpu.vector_load %arg9[%get3A_365, %get3A_366] {strides = array<i32>} : memref<80x128xf32, #tpu.memory_space<vmem>>, vector<1x16xf32>,
      %get3A_368 = vector.shape_cast %get3A_367 : vector<1x16xf32> to vector<16xf32>
      %get3A_369 = arith.index_cast %scan3A_364 : i32 to index
      %get3A_370 = arith.constant 0 : index
      %get3A_371 = tpu.vector_load %arg13[%get3A_369, %get3A_370] {strides = array<i32>} : memref<80x128xf32, #tpu.memory_space<vmem>>, vector<1x16xf32>,
      %get3A_372 = vector.shape_cast %get3A_371 : vector<1x16xf32> to vector<16xf32>
      %add3A_373 = arith.addf %get3A_368, %get3A_372 : vector<16xf32>
      %get3A_374 = arith.index_cast %scan3A_364 : i32 to index
      %get3A_375 = arith.constant 16 : index
      %get3A_376 = tpu.vector_load %arg9[%get3A_374, %get3A_375] {strides = array<i32>} : memref<80x128xf32, #tpu.memory_space<vmem>>, vector<1x16xf32>,
      %get3A_377 = vector.shape_cast %get3A_376 : vector<1x16xf32> to vector<16xf32>
      %get3A_378 = arith.index_cast %scan3A_364 : i32 to index
      %get3A_379 = arith.constant 16 : index
      %get3A_380 = tpu.vector_load %arg13[%get3A_378, %get3A_379] {strides = array<i32>} : memref<80x128xf32, #tpu.memory_space<vmem>>, vector<1x16xf32>,
      %get3A_381 = vector.shape_cast %get3A_380 : vector<1x16xf32> to vector<16xf32>
      %add3A_382 = arith.addf %get3A_377, %get3A_381 : vector<16xf32>
      %bitcast_convert_type3A_383 = tpu.bitcast %add3A_373 : vector<16xf32> -> vector<16xi32>
      %add3A_384 = vector.broadcast %scan3A_65 : i32 to vector<16xi32>
      %add3A_385 = arith.addi %bitcast_convert_type3A_383, %add3A_384 : vector<16xi32>
      %bitcast_convert_type3A_386 = tpu.bitcast %add3A_382 : vector<16xf32> -> vector<16xi32>
      %add3A_387 = vector.broadcast %scan3A_65 : i32 to vector<16xi32>
      %add3A_388 = arith.addi %bitcast_convert_type3A_386, %add3A_387 : vector<16xi32>
      %shift_right_logical3A_389 = arith.constant 16 : i32
      %shift_right_logical3A_390 = vector.broadcast %shift_right_logical3A_389 : i32 to vector<16xi32>
      %shift_right_logical3A_391 = arith.shrui %add3A_385, %shift_right_logical3A_390 : vector<16xi32>
      %and3A_392 = vector.broadcast %scan3A_66 : i32 to vector<16xi32>
      %and3A_393 = arith.andi %add3A_388, %and3A_392 : vector<16xi32>
      %or3A_394 = arith.ori %shift_right_logical3A_391, %and3A_393 : vector<16xi32>
      %swap3A_395 = arith.index_cast %scan3A_364 : i32 to index
      %swap3A_396 = arith.constant 0 : index
      %swap3A_397 = tpu.vector_load %arg17[%swap3A_395, %swap3A_396] {strides = array<i32>} : memref<80x64xi32, #tpu.memory_space<vmem>>, vector<1x16xi32>,
      %swap3A_398 = vector.shape_cast %swap3A_397 : vector<1x16xi32> to vector<16xi32>
      %swap3A_399 = vector.shape_cast %or3A_394 : vector<16xi32> to vector<1x16xi32>
      tpu.vector_store %arg17[%swap3A_395, %swap3A_396], %swap3A_399 {strides = array<i32>} : memref<80x64xi32, #tpu.memory_space<vmem>>, vector<1x16xi32>,
      %get3A_400 = arith.index_cast %scan3A_364 : i32 to index
      %get3A_401 = arith.constant 32 : index
      %get3A_402 = tpu.vector_load %arg9[%get3A_400, %get3A_401] {strides = array<i32>} : memref<80x128xf32, #tpu.memory_space<vmem>>, vector<1x16xf32>,
      %get3A_403 = vector.shape_cast %get3A_402 : vector<1x16xf32> to vector<16xf32>
      %get3A_404 = arith.index_cast %scan3A_364 : i32 to index
      %get3A_405 = arith.constant 32 : index
      %get3A_406 = tpu.vector_load %arg13[%get3A_404, %get3A_405] {strides = array<i32>} : memref<80x128xf32, #tpu.memory_space<vmem>>, vector<1x16xf32>,
      %get3A_407 = vector.shape_cast %get3A_406 : vector<1x16xf32> to vector<16xf32>
      %add3A_408 = arith.addf %get3A_403, %get3A_407 : vector<16xf32>
      %get3A_409 = arith.index_cast %scan3A_364 : i32 to index
      %get3A_410 = arith.constant 48 : index
      %get3A_411 = tpu.vector_load %arg9[%get3A_409, %get3A_410] {strides = array<i32>} : memref<80x128xf32, #tpu.memory_space<vmem>>, vector<1x16xf32>,
      %get3A_412 = vector.shape_cast %get3A_411 : vector<1x16xf32> to vector<16xf32>
      %get3A_413 = arith.index_cast %scan3A_364 : i32 to index
      %get3A_414 = arith.constant 48 : index
      %get3A_415 = tpu.vector_load %arg13[%get3A_413, %get3A_414] {strides = array<i32>} : memref<80x128xf32, #tpu.memory_space<vmem>>, vector<1x16xf32>,
      %get3A_416 = vector.shape_cast %get3A_415 : vector<1x16xf32> to vector<16xf32>
      %add3A_417 = arith.addf %get3A_412, %get3A_416 : vector<16xf32>
      %bitcast_convert_type3A_418 = tpu.bitcast %add3A_408 : vector<16xf32> -> vector<16xi32>
      %add3A_419 = vector.broadcast %scan3A_65 : i32 to vector<16xi32>
      %add3A_420 = arith.addi %bitcast_convert_type3A_418, %add3A_419 : vector<16xi32>
      %bitcast_convert_type3A_421 = tpu.bitcast %add3A_417 : vector<16xf32> -> vector<16xi32>
      %add3A_422 = vector.broadcast %scan3A_65 : i32 to vector<16xi32>
      %add3A_423 = arith.addi %bitcast_convert_type3A_421, %add3A_422 : vector<16xi32>
      %shift_right_logical3A_424 = arith.constant 16 : i32
      %shift_right_logical3A_425 = vector.broadcast %shift_right_logical3A_424 : i32 to vector<16xi32>
      %shift_right_logical3A_426 = arith.shrui %add3A_420, %shift_right_logical3A_425 : vector<16xi32>
      %and3A_427 = vector.broadcast %scan3A_66 : i32 to vector<16xi32>
      %and3A_428 = arith.andi %add3A_423, %and3A_427 : vector<16xi32>
      %or3A_429 = arith.ori %shift_right_logical3A_426, %and3A_428 : vector<16xi32>
      %swap3A_430 = arith.index_cast %scan3A_364 : i32 to index
      %swap3A_431 = arith.constant 16 : index
      %swap3A_432 = tpu.vector_load %arg17[%swap3A_430, %swap3A_431] {strides = array<i32>} : memref<80x64xi32, #tpu.memory_space<vmem>>, vector<1x16xi32>,
      %swap3A_433 = vector.shape_cast %swap3A_432 : vector<1x16xi32> to vector<16xi32>
      %swap3A_434 = vector.shape_cast %or3A_429 : vector<16xi32> to vector<1x16xi32>
      tpu.vector_store %arg17[%swap3A_430, %swap3A_431], %swap3A_434 {strides = array<i32>} : memref<80x64xi32, #tpu.memory_space<vmem>>, vector<1x16xi32>,
      %get3A_435 = arith.index_cast %scan3A_364 : i32 to index
      %get3A_436 = arith.constant 64 : index
      %get3A_437 = tpu.vector_load %arg9[%get3A_435, %get3A_436] {strides = array<i32>} : memref<80x128xf32, #tpu.memory_space<vmem>>, vector<1x16xf32>,
      %get3A_438 = vector.shape_cast %get3A_437 : vector<1x16xf32> to vector<16xf32>
      %get3A_439 = arith.index_cast %scan3A_364 : i32 to index
      %get3A_440 = arith.constant 64 : index
      %get3A_441 = tpu.vector_load %arg13[%get3A_439, %get3A_440] {strides = array<i32>} : memref<80x128xf32, #tpu.memory_space<vmem>>, vector<1x16xf32>,
      %get3A_442 = vector.shape_cast %get3A_441 : vector<1x16xf32> to vector<16xf32>
      %add3A_443 = arith.addf %get3A_438, %get3A_442 : vector<16xf32>
      %get3A_444 = arith.index_cast %scan3A_364 : i32 to index
      %get3A_445 = arith.constant 80 : index
      %get3A_446 = tpu.vector_load %arg9[%get3A_444, %get3A_445] {strides = array<i32>} : memref<80x128xf32, #tpu.memory_space<vmem>>, vector<1x16xf32>,
      %get3A_447 = vector.shape_cast %get3A_446 : vector<1x16xf32> to vector<16xf32>
      %get3A_448 = arith.index_cast %scan3A_364 : i32 to index
      %get3A_449 = arith.constant 80 : index
      %get3A_450 = tpu.vector_load %arg13[%get3A_448, %get3A_449] {strides = array<i32>} : memref<80x128xf32, #tpu.memory_space<vmem>>, vector<1x16xf32>,
      %get3A_451 = vector.shape_cast %get3A_450 : vector<1x16xf32> to vector<16xf32>
      %add3A_452 = arith.addf %get3A_447, %get3A_451 : vector<16xf32>
      %bitcast_convert_type3A_453 = tpu.bitcast %add3A_443 : vector<16xf32> -> vector<16xi32>
      %add3A_454 = vector.broadcast %scan3A_65 : i32 to vector<16xi32>
      %add3A_455 = arith.addi %bitcast_convert_type3A_453, %add3A_454 : vector<16xi32>
      %bitcast_convert_type3A_456 = tpu.bitcast %add3A_452 : vector<16xf32> -> vector<16xi32>
      %add3A_457 = vector.broadcast %scan3A_65 : i32 to vector<16xi32>
      %add3A_458 = arith.addi %bitcast_convert_type3A_456, %add3A_457 : vector<16xi32>
      %shift_right_logical3A_459 = arith.constant 16 : i32
      %shift_right_logical3A_460 = vector.broadcast %shift_right_logical3A_459 : i32 to vector<16xi32>
      %shift_right_logical3A_461 = arith.shrui %add3A_455, %shift_right_logical3A_460 : vector<16xi32>
      %and3A_462 = vector.broadcast %scan3A_66 : i32 to vector<16xi32>
      %and3A_463 = arith.andi %add3A_458, %and3A_462 : vector<16xi32>
      %or3A_464 = arith.ori %shift_right_logical3A_461, %and3A_463 : vector<16xi32>
      %swap3A_465 = arith.index_cast %scan3A_364 : i32 to index
      %swap3A_466 = arith.constant 32 : index
      %swap3A_467 = tpu.vector_load %arg17[%swap3A_465, %swap3A_466] {strides = array<i32>} : memref<80x64xi32, #tpu.memory_space<vmem>>, vector<1x16xi32>,
      %swap3A_468 = vector.shape_cast %swap3A_467 : vector<1x16xi32> to vector<16xi32>
      %swap3A_469 = vector.shape_cast %or3A_464 : vector<16xi32> to vector<1x16xi32>
      tpu.vector_store %arg17[%swap3A_465, %swap3A_466], %swap3A_469 {strides = array<i32>} : memref<80x64xi32, #tpu.memory_space<vmem>>, vector<1x16xi32>,
      %get3A_470 = arith.index_cast %scan3A_364 : i32 to index
      %get3A_471 = arith.constant 96 : index
      %get3A_472 = tpu.vector_load %arg9[%get3A_470, %get3A_471] {strides = array<i32>} : memref<80x128xf32, #tpu.memory_space<vmem>>, vector<1x16xf32>,
      %get3A_473 = vector.shape_cast %get3A_472 : vector<1x16xf32> to vector<16xf32>
      %get3A_474 = arith.index_cast %scan3A_364 : i32 to index
      %get3A_475 = arith.constant 96 : index
      %get3A_476 = tpu.vector_load %arg13[%get3A_474, %get3A_475] {strides = array<i32>} : memref<80x128xf32, #tpu.memory_space<vmem>>, vector<1x16xf32>,
      %get3A_477 = vector.shape_cast %get3A_476 : vector<1x16xf32> to vector<16xf32>
      %add3A_478 = arith.addf %get3A_473, %get3A_477 : vector<16xf32>
      %get3A_479 = arith.index_cast %scan3A_364 : i32 to index
      %get3A_480 = arith.constant 112 : index
      %get3A_481 = tpu.vector_load %arg9[%get3A_479, %get3A_480] {strides = array<i32>} : memref<80x128xf32, #tpu.memory_space<vmem>>, vector<1x16xf32>,
      %get3A_482 = vector.shape_cast %get3A_481 : vector<1x16xf32> to vector<16xf32>
      %get3A_483 = arith.index_cast %scan3A_364 : i32 to index
      %get3A_484 = arith.constant 112 : index
      %get3A_485 = tpu.vector_load %arg13[%get3A_483, %get3A_484] {strides = array<i32>} : memref<80x128xf32, #tpu.memory_space<vmem>>, vector<1x16xf32>,
      %get3A_486 = vector.shape_cast %get3A_485 : vector<1x16xf32> to vector<16xf32>
      %add3A_487 = arith.addf %get3A_482, %get3A_486 : vector<16xf32>
      %bitcast_convert_type3A_488 = tpu.bitcast %add3A_478 : vector<16xf32> -> vector<16xi32>
      %add3A_489 = vector.broadcast %scan3A_65 : i32 to vector<16xi32>
      %add3A_490 = arith.addi %bitcast_convert_type3A_488, %add3A_489 : vector<16xi32>
      %bitcast_convert_type3A_491 = tpu.bitcast %add3A_487 : vector<16xf32> -> vector<16xi32>
      %add3A_492 = vector.broadcast %scan3A_65 : i32 to vector<16xi32>
      %add3A_493 = arith.addi %bitcast_convert_type3A_491, %add3A_492 : vector<16xi32>
      %shift_right_logical3A_494 = arith.constant 16 : i32
      %shift_right_logical3A_495 = vector.broadcast %shift_right_logical3A_494 : i32 to vector<16xi32>
      %shift_right_logical3A_496 = arith.shrui %add3A_490, %shift_right_logical3A_495 : vector<16xi32>
      %and3A_497 = vector.broadcast %scan3A_66 : i32 to vector<16xi32>
      %and3A_498 = arith.andi %add3A_493, %and3A_497 : vector<16xi32>
      %or3A_499 = arith.ori %shift_right_logical3A_496, %and3A_498 : vector<16xi32>
      %swap3A_500 = arith.index_cast %scan3A_364 : i32 to index
      %swap3A_501 = arith.constant 48 : index
      %swap3A_502 = tpu.vector_load %arg17[%swap3A_500, %swap3A_501] {strides = array<i32>} : memref<80x64xi32, #tpu.memory_space<vmem>>, vector<1x16xi32>,
      %swap3A_503 = vector.shape_cast %swap3A_502 : vector<1x16xi32> to vector<16xi32>
      %swap3A_504 = vector.shape_cast %or3A_499 : vector<16xi32> to vector<1x16xi32>
      tpu.vector_store %arg17[%swap3A_500, %swap3A_501], %swap3A_504 {strides = array<i32>} : memref<80x64xi32, #tpu.memory_space<vmem>>, vector<1x16xi32>,
      %scan3A_505 = arith.constant 3 : i32
      %scan3A_506 = arith.addi %scan3A_86, %scan3A_505 : i32
      %get3A_507 = arith.index_cast %scan3A_506 : i32 to index
      %get3A_508 = arith.constant 0 : index
      %get3A_509 = tpu.vector_load %arg9[%get3A_507, %get3A_508] {strides = array<i32>} : memref<80x128xf32, #tpu.memory_space<vmem>>, vector<1x16xf32>,
      %get3A_510 = vector.shape_cast %get3A_509 : vector<1x16xf32> to vector<16xf32>
      %get3A_511 = arith.index_cast %scan3A_506 : i32 to index
      %get3A_512 = arith.constant 0 : index
      %get3A_513 = tpu.vector_load %arg13[%get3A_511, %get3A_512] {strides = array<i32>} : memref<80x128xf32, #tpu.memory_space<vmem>>, vector<1x16xf32>,
      %get3A_514 = vector.shape_cast %get3A_513 : vector<1x16xf32> to vector<16xf32>
      %add3A_515 = arith.addf %get3A_510, %get3A_514 : vector<16xf32>
      %get3A_516 = arith.index_cast %scan3A_506 : i32 to index
      %get3A_517 = arith.constant 16 : index
      %get3A_518 = tpu.vector_load %arg9[%get3A_516, %get3A_517] {strides = array<i32>} : memref<80x128xf32, #tpu.memory_space<vmem>>, vector<1x16xf32>,
      %get3A_519 = vector.shape_cast %get3A_518 : vector<1x16xf32> to vector<16xf32>
      %get3A_520 = arith.index_cast %scan3A_506 : i32 to index
      %get3A_521 = arith.constant 16 : index
      %get3A_522 = tpu.vector_load %arg13[%get3A_520, %get3A_521] {strides = array<i32>} : memref<80x128xf32, #tpu.memory_space<vmem>>, vector<1x16xf32>,
      %get3A_523 = vector.shape_cast %get3A_522 : vector<1x16xf32> to vector<16xf32>
      %add3A_524 = arith.addf %get3A_519, %get3A_523 : vector<16xf32>
      %bitcast_convert_type3A_525 = tpu.bitcast %add3A_515 : vector<16xf32> -> vector<16xi32>
      %add3A_526 = vector.broadcast %scan3A_65 : i32 to vector<16xi32>
      %add3A_527 = arith.addi %bitcast_convert_type3A_525, %add3A_526 : vector<16xi32>
      %bitcast_convert_type3A_528 = tpu.bitcast %add3A_524 : vector<16xf32> -> vector<16xi32>
      %add3A_529 = vector.broadcast %scan3A_65 : i32 to vector<16xi32>
      %add3A_530 = arith.addi %bitcast_convert_type3A_528, %add3A_529 : vector<16xi32>
      %shift_right_logical3A_531 = arith.constant 16 : i32
      %shift_right_logical3A_532 = vector.broadcast %shift_right_logical3A_531 : i32 to vector<16xi32>
      %shift_right_logical3A_533 = arith.shrui %add3A_527, %shift_right_logical3A_532 : vector<16xi32>
      %and3A_534 = vector.broadcast %scan3A_66 : i32 to vector<16xi32>
      %and3A_535 = arith.andi %add3A_530, %and3A_534 : vector<16xi32>
      %or3A_536 = arith.ori %shift_right_logical3A_533, %and3A_535 : vector<16xi32>
      %swap3A_537 = arith.index_cast %scan3A_506 : i32 to index
      %swap3A_538 = arith.constant 0 : index
      %swap3A_539 = tpu.vector_load %arg17[%swap3A_537, %swap3A_538] {strides = array<i32>} : memref<80x64xi32, #tpu.memory_space<vmem>>, vector<1x16xi32>,
      %swap3A_540 = vector.shape_cast %swap3A_539 : vector<1x16xi32> to vector<16xi32>
      %swap3A_541 = vector.shape_cast %or3A_536 : vector<16xi32> to vector<1x16xi32>
      tpu.vector_store %arg17[%swap3A_537, %swap3A_538], %swap3A_541 {strides = array<i32>} : memref<80x64xi32, #tpu.memory_space<vmem>>, vector<1x16xi32>,
      %get3A_542 = arith.index_cast %scan3A_506 : i32 to index
      %get3A_543 = arith.constant 32 : index
      %get3A_544 = tpu.vector_load %arg9[%get3A_542, %get3A_543] {strides = array<i32>} : memref<80x128xf32, #tpu.memory_space<vmem>>, vector<1x16xf32>,
      %get3A_545 = vector.shape_cast %get3A_544 : vector<1x16xf32> to vector<16xf32>
      %get3A_546 = arith.index_cast %scan3A_506 : i32 to index
      %get3A_547 = arith.constant 32 : index
      %get3A_548 = tpu.vector_load %arg13[%get3A_546, %get3A_547] {strides = array<i32>} : memref<80x128xf32, #tpu.memory_space<vmem>>, vector<1x16xf32>,
      %get3A_549 = vector.shape_cast %get3A_548 : vector<1x16xf32> to vector<16xf32>
      %add3A_550 = arith.addf %get3A_545, %get3A_549 : vector<16xf32>
      %get3A_551 = arith.index_cast %scan3A_506 : i32 to index
      %get3A_552 = arith.constant 48 : index
      %get3A_553 = tpu.vector_load %arg9[%get3A_551, %get3A_552] {strides = array<i32>} : memref<80x128xf32, #tpu.memory_space<vmem>>, vector<1x16xf32>,
      %get3A_554 = vector.shape_cast %get3A_553 : vector<1x16xf32> to vector<16xf32>
      %get3A_555 = arith.index_cast %scan3A_506 : i32 to index
      %get3A_556 = arith.constant 48 : index
      %get3A_557 = tpu.vector_load %arg13[%get3A_555, %get3A_556] {strides = array<i32>} : memref<80x128xf32, #tpu.memory_space<vmem>>, vector<1x16xf32>,
      %get3A_558 = vector.shape_cast %get3A_557 : vector<1x16xf32> to vector<16xf32>
      %add3A_559 = arith.addf %get3A_554, %get3A_558 : vector<16xf32>
      %bitcast_convert_type3A_560 = tpu.bitcast %add3A_550 : vector<16xf32> -> vector<16xi32>
      %add3A_561 = vector.broadcast %scan3A_65 : i32 to vector<16xi32>
      %add3A_562 = arith.addi %bitcast_convert_type3A_560, %add3A_561 : vector<16xi32>
      %bitcast_convert_type3A_563 = tpu.bitcast %add3A_559 : vector<16xf32> -> vector<16xi32>
      %add3A_564 = vector.broadcast %scan3A_65 : i32 to vector<16xi32>
      %add3A_565 = arith.addi %bitcast_convert_type3A_563, %add3A_564 : vector<16xi32>
      %shift_right_logical3A_566 = arith.constant 16 : i32
      %shift_right_logical3A_567 = vector.broadcast %shift_right_logical3A_566 : i32 to vector<16xi32>
      %shift_right_logical3A_568 = arith.shrui %add3A_562, %shift_right_logical3A_567 : vector<16xi32>
      %and3A_569 = vector.broadcast %scan3A_66 : i32 to vector<16xi32>
      %and3A_570 = arith.andi %add3A_565, %and3A_569 : vector<16xi32>
      %or3A_571 = arith.ori %shift_right_logical3A_568, %and3A_570 : vector<16xi32>
      %swap3A_572 = arith.index_cast %scan3A_506 : i32 to index
      %swap3A_573 = arith.constant 16 : index
      %swap3A_574 = tpu.vector_load %arg17[%swap3A_572, %swap3A_573] {strides = array<i32>} : memref<80x64xi32, #tpu.memory_space<vmem>>, vector<1x16xi32>,
      %swap3A_575 = vector.shape_cast %swap3A_574 : vector<1x16xi32> to vector<16xi32>
      %swap3A_576 = vector.shape_cast %or3A_571 : vector<16xi32> to vector<1x16xi32>
      tpu.vector_store %arg17[%swap3A_572, %swap3A_573], %swap3A_576 {strides = array<i32>} : memref<80x64xi32, #tpu.memory_space<vmem>>, vector<1x16xi32>,
      %get3A_577 = arith.index_cast %scan3A_506 : i32 to index
      %get3A_578 = arith.constant 64 : index
      %get3A_579 = tpu.vector_load %arg9[%get3A_577, %get3A_578] {strides = array<i32>} : memref<80x128xf32, #tpu.memory_space<vmem>>, vector<1x16xf32>,
      %get3A_580 = vector.shape_cast %get3A_579 : vector<1x16xf32> to vector<16xf32>
      %get3A_581 = arith.index_cast %scan3A_506 : i32 to index
      %get3A_582 = arith.constant 64 : index
      %get3A_583 = tpu.vector_load %arg13[%get3A_581, %get3A_582] {strides = array<i32>} : memref<80x128xf32, #tpu.memory_space<vmem>>, vector<1x16xf32>,
      %get3A_584 = vector.shape_cast %get3A_583 : vector<1x16xf32> to vector<16xf32>
      %add3A_585 = arith.addf %get3A_580, %get3A_584 : vector<16xf32>
      %get3A_586 = arith.index_cast %scan3A_506 : i32 to index
      %get3A_587 = arith.constant 80 : index
      %get3A_588 = tpu.vector_load %arg9[%get3A_586, %get3A_587] {strides = array<i32>} : memref<80x128xf32, #tpu.memory_space<vmem>>, vector<1x16xf32>,
      %get3A_589 = vector.shape_cast %get3A_588 : vector<1x16xf32> to vector<16xf32>
      %get3A_590 = arith.index_cast %scan3A_506 : i32 to index
      %get3A_591 = arith.constant 80 : index
      %get3A_592 = tpu.vector_load %arg13[%get3A_590, %get3A_591] {strides = array<i32>} : memref<80x128xf32, #tpu.memory_space<vmem>>, vector<1x16xf32>,
      %get3A_593 = vector.shape_cast %get3A_592 : vector<1x16xf32> to vector<16xf32>
      %add3A_594 = arith.addf %get3A_589, %get3A_593 : vector<16xf32>
      %bitcast_convert_type3A_595 = tpu.bitcast %add3A_585 : vector<16xf32> -> vector<16xi32>
      %add3A_596 = vector.broadcast %scan3A_65 : i32 to vector<16xi32>
      %add3A_597 = arith.addi %bitcast_convert_type3A_595, %add3A_596 : vector<16xi32>
      %bitcast_convert_type3A_598 = tpu.bitcast %add3A_594 : vector<16xf32> -> vector<16xi32>
      %add3A_599 = vector.broadcast %scan3A_65 : i32 to vector<16xi32>
      %add3A_600 = arith.addi %bitcast_convert_type3A_598, %add3A_599 : vector<16xi32>
      %shift_right_logical3A_601 = arith.constant 16 : i32
      %shift_right_logical3A_602 = vector.broadcast %shift_right_logical3A_601 : i32 to vector<16xi32>
      %shift_right_logical3A_603 = arith.shrui %add3A_597, %shift_right_logical3A_602 : vector<16xi32>
      %and3A_604 = vector.broadcast %scan3A_66 : i32 to vector<16xi32>
      %and3A_605 = arith.andi %add3A_600, %and3A_604 : vector<16xi32>
      %or3A_606 = arith.ori %shift_right_logical3A_603, %and3A_605 : vector<16xi32>
      %swap3A_607 = arith.index_cast %scan3A_506 : i32 to index
      %swap3A_608 = arith.constant 32 : index
      %swap3A_609 = tpu.vector_load %arg17[%swap3A_607, %swap3A_608] {strides = array<i32>} : memref<80x64xi32, #tpu.memory_space<vmem>>, vector<1x16xi32>,
      %swap3A_610 = vector.shape_cast %swap3A_609 : vector<1x16xi32> to vector<16xi32>
      %swap3A_611 = vector.shape_cast %or3A_606 : vector<16xi32> to vector<1x16xi32>
      tpu.vector_store %arg17[%swap3A_607, %swap3A_608], %swap3A_611 {strides = array<i32>} : memref<80x64xi32, #tpu.memory_space<vmem>>, vector<1x16xi32>,
      %get3A_612 = arith.index_cast %scan3A_506 : i32 to index
      %get3A_613 = arith.constant 96 : index
      %get3A_614 = tpu.vector_load %arg9[%get3A_612, %get3A_613] {strides = array<i32>} : memref<80x128xf32, #tpu.memory_space<vmem>>, vector<1x16xf32>,
      %get3A_615 = vector.shape_cast %get3A_614 : vector<1x16xf32> to vector<16xf32>
      %get3A_616 = arith.index_cast %scan3A_506 : i32 to index
      %get3A_617 = arith.constant 96 : index
      %get3A_618 = tpu.vector_load %arg13[%get3A_616, %get3A_617] {strides = array<i32>} : memref<80x128xf32, #tpu.memory_space<vmem>>, vector<1x16xf32>,
      %get3A_619 = vector.shape_cast %get3A_618 : vector<1x16xf32> to vector<16xf32>
      %add3A_620 = arith.addf %get3A_615, %get3A_619 : vector<16xf32>
      %get3A_621 = arith.index_cast %scan3A_506 : i32 to index
      %get3A_622 = arith.constant 112 : index
      %get3A_623 = tpu.vector_load %arg9[%get3A_621, %get3A_622] {strides = array<i32>} : memref<80x128xf32, #tpu.memory_space<vmem>>, vector<1x16xf32>,
      %get3A_624 = vector.shape_cast %get3A_623 : vector<1x16xf32> to vector<16xf32>
      %get3A_625 = arith.index_cast %scan3A_506 : i32 to index
      %get3A_626 = arith.constant 112 : index
      %get3A_627 = tpu.vector_load %arg13[%get3A_625, %get3A_626] {strides = array<i32>} : memref<80x128xf32, #tpu.memory_space<vmem>>, vector<1x16xf32>,
      %get3A_628 = vector.shape_cast %get3A_627 : vector<1x16xf32> to vector<16xf32>
      %add3A_629 = arith.addf %get3A_624, %get3A_628 : vector<16xf32>
      %bitcast_convert_type3A_630 = tpu.bitcast %add3A_620 : vector<16xf32> -> vector<16xi32>
      %add3A_631 = vector.broadcast %scan3A_65 : i32 to vector<16xi32>
      %add3A_632 = arith.addi %bitcast_convert_type3A_630, %add3A_631 : vector<16xi32>
      %bitcast_convert_type3A_633 = tpu.bitcast %add3A_629 : vector<16xf32> -> vector<16xi32>
      %add3A_634 = vector.broadcast %scan3A_65 : i32 to vector<16xi32>
      %add3A_635 = arith.addi %bitcast_convert_type3A_633, %add3A_634 : vector<16xi32>
      %shift_right_logical3A_636 = arith.constant 16 : i32
      %shift_right_logical3A_637 = vector.broadcast %shift_right_logical3A_636 : i32 to vector<16xi32>
      %shift_right_logical3A_638 = arith.shrui %add3A_632, %shift_right_logical3A_637 : vector<16xi32>
      %and3A_639 = vector.broadcast %scan3A_66 : i32 to vector<16xi32>
      %and3A_640 = arith.andi %add3A_635, %and3A_639 : vector<16xi32>
      %or3A_641 = arith.ori %shift_right_logical3A_638, %and3A_640 : vector<16xi32>
      %swap3A_642 = arith.index_cast %scan3A_506 : i32 to index
      %swap3A_643 = arith.constant 48 : index
      %swap3A_644 = tpu.vector_load %arg17[%swap3A_642, %swap3A_643] {strides = array<i32>} : memref<80x64xi32, #tpu.memory_space<vmem>>, vector<1x16xi32>,
      %swap3A_645 = vector.shape_cast %swap3A_644 : vector<1x16xi32> to vector<16xi32>
      %swap3A_646 = vector.shape_cast %or3A_641 : vector<16xi32> to vector<1x16xi32>
      tpu.vector_store %arg17[%swap3A_642, %swap3A_643], %swap3A_646 {strides = array<i32>} : memref<80x64xi32, #tpu.memory_space<vmem>>, vector<1x16xi32>,
    }
    %scan3A_71 = arith.constant 80 : i32
    %add3A_72 = arith.constant 9920 : i32
    %add3A_73 = arith.addi %mul3A_2, %add3A_72 : i32
    %dma_start3A_74 = arith.constant 0 : i32
    %dma_start3A_75 = tpu.memref_slice %arg6[%add3A_73, %dma_start3A_74] : memref<320000x64xi32, #tpu.memory_space<hbm>> -> memref<80x64xi32, #tpu.memory_space<hbm>>
    %dma_start3A_76 = arith.constant 0 : i32
    %dma_start3A_77 = tpu.memref_slice %arg6[%add3A_73, %dma_start3A_76] : memref<320000x64xi32, #tpu.memory_space<hbm>> -> memref<80x64xi32, #tpu.memory_space<hbm>>
    tpu.enqueue_dma source(%arg17 : memref<80x64xi32, #tpu.memory_space<vmem>>) target(%dma_start3A_77 : memref<80x64xi32, #tpu.memory_space<hbm>>) target_semaphore(%arg23 : memref<!tpu.dma_semaphore, #tpu.memory_space<semaphore_mem>>)
    %dma_wait3A_78 = arith.constant 0 : i32
    %dma_wait3A_79 = tpu.memref_slice %arg6[%mul3A_2, %dma_wait3A_78] : memref<320000x64xi32, #tpu.memory_space<hbm>> -> memref<80x64xi32, #tpu.memory_space<hbm>>
    %dma_wait3A_80 = arith.constant 0 : i32
    %dma_wait3A_81 = tpu.memref_slice %arg6[%mul3A_2, %dma_wait3A_80] : memref<320000x64xi32, #tpu.memory_space<hbm>> -> memref<80x64xi32, #tpu.memory_space<hbm>>
    tpu.wait_dma2 semaphore(%arg24 : memref<!tpu.dma_semaphore, #tpu.memory_space<semaphore_mem>>) src(%arg18 : memref<80x64xi32, #tpu.memory_space<vmem>>) dst(%dma_wait3A_81 : memref<80x64xi32, #tpu.memory_space<hbm>>)
    %dma_wait3A_82 = arith.constant 0 : i32
    %dma_wait3A_83 = tpu.memref_slice %arg6[%mul3A_2, %dma_wait3A_82] : memref<320000x64xi32, #tpu.memory_space<hbm>> -> memref<80x64xi32, #tpu.memory_space<hbm>>
    %dma_wait3A_84 = arith.constant 0 : i32
    %dma_wait3A_85 = tpu.memref_slice %arg6[%mul3A_2, %dma_wait3A_84] : memref<320000x64xi32, #tpu.memory_space<hbm>> -> memref<80x64xi32, #tpu.memory_space<hbm>>
    tpu.wait_dma2 semaphore(%arg23 : memref<!tpu.dma_semaphore, #tpu.memory_space<semaphore_mem>>) src(%arg17 : memref<80x64xi32, #tpu.memory_space<vmem>>) dst(%dma_wait3A_85 : memref<80x64xi32, #tpu.memory_space<hbm>>)
    return
  }
}

module attributes {stable_mosaic.version = 14 : i64} {
  func.func @_pre_body(%arg0: memref<10000x128xf32, #tpu.memory_space<vmem>>, %arg1: memref<128x128xf32, #tpu.memory_space<vmem>>, %arg2: memref<128x128xf32, #tpu.memory_space<vmem>>, %arg3: memref<128x128xf32, #tpu.memory_space<vmem>>, %arg4: memref<10000x128xf32, #tpu.memory_space<vmem>>, %arg5: memref<10000x128xf32, #tpu.memory_space<vmem>>, %arg6: memref<10000x128xf32, #tpu.memory_space<vmem>>) attributes {dimension_semantics = [], scalar_prefetch = 0 : i64, scratch_operands = 0 : i64, tpu.core_type = #tpu.core_type<tc>} {
    %get3A = arith.constant 0 : index
    %get3A_0 = arith.constant 0 : index
    %get3A_1 = vector.load %arg0[%get3A, %get3A_0] : memref<10000x128xf32, #tpu.memory_space<vmem>>, vector<10000x128xf32>
    %get3A_2 = arith.constant 0 : index
    %get3A_3 = arith.constant 0 : index
    %get3A_4 = vector.load %arg1[%get3A_2, %get3A_3] : memref<128x128xf32, #tpu.memory_space<vmem>>, vector<128x128xf32>
    %dot_general3A = arith.constant dense<0.000000e+00> : vector<10000x128xf32>
    %dot_general3A_5 = tpu.matmul %get3A_1, %get3A_4, %dot_general3A {dimension_numbers = #tpu.dot_dimension_numbers<[1], [0], [0], [1], [0, 0, 1, 1], [], []>, transpose_lhs_hint = false} : vector<10000x128xf32>, vector<128x128xf32>, vector<10000x128xf32> -> vector<10000x128xf32>
    %swap3A = arith.constant 0 : index
    %swap3A_6 = arith.constant 0 : index
    %swap3A_7 = vector.load %arg4[%swap3A, %swap3A_6] : memref<10000x128xf32, #tpu.memory_space<vmem>>, vector<10000x128xf32>
    tpu.vector_store %arg4[%swap3A, %swap3A_6], %dot_general3A_5 {strides = array<i32>} : memref<10000x128xf32, #tpu.memory_space<vmem>>, vector<10000x128xf32>,
    %get3A_8 = arith.constant 0 : index
    %get3A_9 = arith.constant 0 : index
    %get3A_10 = vector.load %arg2[%get3A_8, %get3A_9] : memref<128x128xf32, #tpu.memory_space<vmem>>, vector<128x128xf32>
    %dot_general3A_11 = arith.constant dense<0.000000e+00> : vector<10000x128xf32>
    %dot_general3A_12 = tpu.matmul %get3A_1, %get3A_10, %dot_general3A_11 {dimension_numbers = #tpu.dot_dimension_numbers<[1], [0], [0], [1], [0, 0, 1, 1], [], []>, transpose_lhs_hint = false} : vector<10000x128xf32>, vector<128x128xf32>, vector<10000x128xf32> -> vector<10000x128xf32>
    %swap3A_13 = arith.constant 0 : index
    %swap3A_14 = arith.constant 0 : index
    %swap3A_15 = vector.load %arg5[%swap3A_13, %swap3A_14] : memref<10000x128xf32, #tpu.memory_space<vmem>>, vector<10000x128xf32>
    tpu.vector_store %arg5[%swap3A_13, %swap3A_14], %dot_general3A_12 {strides = array<i32>} : memref<10000x128xf32, #tpu.memory_space<vmem>>, vector<10000x128xf32>,
    %get3A_16 = arith.constant 0 : index
    %get3A_17 = arith.constant 0 : index
    %get3A_18 = vector.load %arg3[%get3A_16, %get3A_17] : memref<128x128xf32, #tpu.memory_space<vmem>>, vector<128x128xf32>
    %dot_general3A_19 = arith.constant dense<0.000000e+00> : vector<10000x128xf32>
    %dot_general3A_20 = tpu.matmul %get3A_1, %get3A_18, %dot_general3A_19 {dimension_numbers = #tpu.dot_dimension_numbers<[1], [0], [0], [1], [0, 0, 1, 1], [], []>, transpose_lhs_hint = false} : vector<10000x128xf32>, vector<128x128xf32>, vector<10000x128xf32> -> vector<10000x128xf32>
    %swap3A_21 = arith.constant 0 : index
    %swap3A_22 = arith.constant 0 : index
    %swap3A_23 = vector.load %arg6[%swap3A_21, %swap3A_22] : memref<10000x128xf32, #tpu.memory_space<vmem>>, vector<10000x128xf32>
    tpu.vector_store %arg6[%swap3A_21, %swap3A_22], %dot_general3A_20 {strides = array<i32>} : memref<10000x128xf32, #tpu.memory_space<vmem>>, vector<10000x128xf32>,
    return
  }
}

module attributes {stable_mosaic.version = 14 : i64} {
  func.func @_edge_body(%arg0: i32, %arg1: memref<2000x64xi32, #tpu.memory_space<vmem>>, %arg2: memref<2000x128xf32, #tpu.memory_space<vmem>>, %arg3: memref<128x64xf32, #tpu.memory_space<vmem>>, %arg4: memref<128x64xf32, #tpu.memory_space<vmem>>, %arg5: memref<1x64xf32, #tpu.memory_space<vmem>>, %arg6: memref<1x64xf32, #tpu.memory_space<vmem>>, %arg7: memref<64x128xf32, #tpu.memory_space<vmem>>, %arg8: memref<64x128xf32, #tpu.memory_space<vmem>>, %arg9: memref<1x128xf32, #tpu.memory_space<vmem>>, %arg10: memref<1x128xf32, #tpu.memory_space<vmem>>, %arg11: memref<1x128xf32, #tpu.memory_space<vmem>>, %arg12: memref<2000x128xf32, #tpu.memory_space<vmem>>, %arg13: memref<2000x128xf32, #tpu.memory_space<vmem>>) attributes {dimension_semantics = [#tpu.dimension_semantics<arbitrary>], iteration_bounds = array<i64: 160>, scalar_prefetch = 0 : i64, scratch_operands = 0 : i64, tpu.core_type = #tpu.core_type<tc>, window_params = [{transform_indices = @transform_0, window_bounds = array<i64: 2000, 64>}, {transform_indices = @transform_1, window_bounds = array<i64: 2000, 128>}, {pipeline_mode = #tpu.pipeline_mode<synchronous>, transform_indices = @transform_2, window_bounds = array<i64: 128, 64>}, {pipeline_mode = #tpu.pipeline_mode<synchronous>, transform_indices = @transform_3, window_bounds = array<i64: 128, 64>}, {pipeline_mode = #tpu.pipeline_mode<synchronous>, transform_indices = @transform_4, window_bounds = array<i64: 1, 64>}, {pipeline_mode = #tpu.pipeline_mode<synchronous>, transform_indices = @transform_5, window_bounds = array<i64: 1, 64>}, {pipeline_mode = #tpu.pipeline_mode<synchronous>, transform_indices = @transform_6, window_bounds = array<i64: 64, 128>}, {pipeline_mode = #tpu.pipeline_mode<synchronous>, transform_indices = @transform_7, window_bounds = array<i64: 64, 128>}, {pipeline_mode = #tpu.pipeline_mode<synchronous>, transform_indices = @transform_8, window_bounds = array<i64: 1, 128>}, {pipeline_mode = #tpu.pipeline_mode<synchronous>, transform_indices = @transform_9, window_bounds = array<i64: 1, 128>}, {pipeline_mode = #tpu.pipeline_mode<synchronous>, transform_indices = @transform_10, window_bounds = array<i64: 1, 128>}, {transform_indices = @transform_11, window_bounds = array<i64: 2000, 128>}, {transform_indices = @transform_12, window_bounds = array<i64: 2000, 128>}]} {
    %get3A = arith.constant 0 : index
    %get3A_0 = arith.constant 0 : index
    %get3A_1 = vector.load %arg2[%get3A, %get3A_0] : memref<2000x128xf32, #tpu.memory_space<vmem>>, vector<2000x128xf32>
    %get3A_2 = arith.constant 0 : index
    %get3A_3 = arith.constant 0 : index
    %get3A_4 = vector.load %arg1[%get3A_2, %get3A_3] : memref<2000x64xi32, #tpu.memory_space<vmem>>, vector<2000x64xi32>
    %shift_left3A = arith.constant 16 : i32
    %shift_left3A_5 = vector.broadcast %shift_left3A : i32 to vector<2000x64xi32>
    %shift_left3A_6 = arith.shli %get3A_4, %shift_left3A_5 : vector<2000x64xi32>
    %bitcast_convert_type3A = tpu.bitcast %shift_left3A_6 : vector<2000x64xi32> -> vector<2000x64xf32>
    %get3A_7 = arith.constant 0 : index
    %get3A_8 = arith.constant 0 : index
    %get3A_9 = vector.load %arg3[%get3A_7, %get3A_8] : memref<128x64xf32, #tpu.memory_space<vmem>>, vector<128x64xf32>
    %dot_general3A = arith.constant dense<0.000000e+00> : vector<2000x64xf32>
    %dot_general3A_10 = tpu.matmul %get3A_1, %get3A_9, %dot_general3A {dimension_numbers = #tpu.dot_dimension_numbers<[1], [0], [0], [1], [0, 0, 1, 1], [], []>, transpose_lhs_hint = false} : vector<2000x128xf32>, vector<128x64xf32>, vector<2000x64xf32> -> vector<2000x64xf32>
    %add3A = arith.addf %bitcast_convert_type3A, %dot_general3A_10 : vector<2000x64xf32>
    %get3A_11 = arith.constant 0 : index
    %get3A_12 = arith.constant 0 : index
    %get3A_13 = vector.load %arg5[%get3A_11, %get3A_12] : memref<1x64xf32, #tpu.memory_space<vmem>>, vector<1x64xf32>
    %add3A_14 = vector.broadcast %get3A_13 : vector<1x64xf32> to vector<2000x64xf32>
    %add3A_15 = arith.addf %add3A, %add3A_14 : vector<2000x64xf32>
    %and3A = arith.constant -65536 : i32
    %and3A_16 = vector.broadcast %and3A : i32 to vector<2000x64xi32>
    %and3A_17 = arith.andi %get3A_4, %and3A_16 : vector<2000x64xi32>
    %bitcast_convert_type3A_18 = tpu.bitcast %and3A_17 : vector<2000x64xi32> -> vector<2000x64xf32>
    %get3A_19 = arith.constant 0 : index
    %get3A_20 = arith.constant 0 : index
    %get3A_21 = vector.load %arg4[%get3A_19, %get3A_20] : memref<128x64xf32, #tpu.memory_space<vmem>>, vector<128x64xf32>
    %dot_general3A_22 = arith.constant dense<0.000000e+00> : vector<2000x64xf32>
    %dot_general3A_23 = tpu.matmul %get3A_1, %get3A_21, %dot_general3A_22 {dimension_numbers = #tpu.dot_dimension_numbers<[1], [0], [0], [1], [0, 0, 1, 1], [], []>, transpose_lhs_hint = false} : vector<2000x128xf32>, vector<128x64xf32>, vector<2000x64xf32> -> vector<2000x64xf32>
    %add3A_24 = arith.addf %bitcast_convert_type3A_18, %dot_general3A_23 : vector<2000x64xf32>
    %get3A_25 = arith.constant 0 : index
    %get3A_26 = arith.constant 0 : index
    %get3A_27 = vector.load %arg6[%get3A_25, %get3A_26] : memref<1x64xf32, #tpu.memory_space<vmem>>, vector<1x64xf32>
    %add3A_28 = vector.broadcast %get3A_27 : vector<1x64xf32> to vector<2000x64xf32>
    %add3A_29 = arith.addf %add3A_24, %add3A_28 : vector<2000x64xf32>
    %max3A = arith.constant 0.000000e+00 : f32
    %max3A_30 = vector.broadcast %max3A : f32 to vector<2000x64xf32>
    %max3A_31 = arith.maximumf %add3A_15, %max3A_30 : vector<2000x64xf32>
    %get3A_32 = arith.constant 0 : index
    %get3A_33 = arith.constant 0 : index
    %get3A_34 = vector.load %arg7[%get3A_32, %get3A_33] : memref<64x128xf32, #tpu.memory_space<vmem>>, vector<64x128xf32>
    %dot_general3A_35 = arith.constant dense<0.000000e+00> : vector<2000x128xf32>
    %dot_general3A_36 = tpu.matmul %max3A_31, %get3A_34, %dot_general3A_35 {dimension_numbers = #tpu.dot_dimension_numbers<[1], [0], [0], [1], [0, 0, 1, 1], [], []>, transpose_lhs_hint = false} : vector<2000x64xf32>, vector<64x128xf32>, vector<2000x128xf32> -> vector<2000x128xf32>
    %max3A_37 = arith.constant 0.000000e+00 : f32
    %max3A_38 = vector.broadcast %max3A_37 : f32 to vector<2000x64xf32>
    %max3A_39 = arith.maximumf %add3A_29, %max3A_38 : vector<2000x64xf32>
    %get3A_40 = arith.constant 0 : index
    %get3A_41 = arith.constant 0 : index
    %get3A_42 = vector.load %arg8[%get3A_40, %get3A_41] : memref<64x128xf32, #tpu.memory_space<vmem>>, vector<64x128xf32>
    %dot_general3A_43 = arith.constant dense<0.000000e+00> : vector<2000x128xf32>
    %dot_general3A_44 = tpu.matmul %max3A_39, %get3A_42, %dot_general3A_43 {dimension_numbers = #tpu.dot_dimension_numbers<[1], [0], [0], [1], [0, 0, 1, 1], [], []>, transpose_lhs_hint = false} : vector<2000x64xf32>, vector<64x128xf32>, vector<2000x128xf32> -> vector<2000x128xf32>
    %add3A_45 = arith.addf %dot_general3A_36, %dot_general3A_44 : vector<2000x128xf32>
    %get3A_46 = arith.constant 0 : index
    %get3A_47 = arith.constant 0 : index
    %get3A_48 = vector.load %arg9[%get3A_46, %get3A_47] : memref<1x128xf32, #tpu.memory_space<vmem>>, vector<1x128xf32>
    %add3A_49 = vector.broadcast %get3A_48 : vector<1x128xf32> to vector<2000x128xf32>
    %add3A_50 = arith.addf %add3A_45, %add3A_49 : vector<2000x128xf32>
    %reduce_sum3A = arith.constant dense<0.000000e+00> : vector<2000xf32>
    %reduce_sum3A_51 = vector.multi_reduction <add>, %add3A_50, %reduce_sum3A [1] : vector<2000x128xf32> to vector<2000xf32>
    %broadcast_in_dim3A = vector.shape_cast %reduce_sum3A_51 : vector<2000xf32> to vector<2000x1xf32>
    %div3A = arith.constant 1.280000e+02 : f32
    %div3A_52 = vector.broadcast %div3A : f32 to vector<2000x1xf32>
    %div3A_53 = arith.divf %broadcast_in_dim3A, %div3A_52 : vector<2000x1xf32>
    %sub3A = vector.broadcast %div3A_53 : vector<2000x1xf32> to vector<2000x128xf32>
    %sub3A_54 = arith.subf %add3A_50, %sub3A : vector<2000x128xf32>
    %sub3A_55 = vector.broadcast %div3A_53 : vector<2000x1xf32> to vector<2000x128xf32>
    %sub3A_56 = arith.subf %add3A_50, %sub3A_55 : vector<2000x128xf32>
    %mul3A = arith.mulf %sub3A_54, %sub3A_56 : vector<2000x128xf32>
    %reduce_sum3A_57 = arith.constant dense<0.000000e+00> : vector<2000xf32>
    %reduce_sum3A_58 = vector.multi_reduction <add>, %mul3A, %reduce_sum3A_57 [1] : vector<2000x128xf32> to vector<2000xf32>
    %broadcast_in_dim3A_59 = vector.shape_cast %reduce_sum3A_58 : vector<2000xf32> to vector<2000x1xf32>
    %div3A_60 = arith.constant 1.280000e+02 : f32
    %div3A_61 = vector.broadcast %div3A_60 : f32 to vector<2000x1xf32>
    %div3A_62 = arith.divf %broadcast_in_dim3A_59, %div3A_61 : vector<2000x1xf32>
    %sub3A_63 = vector.broadcast %div3A_53 : vector<2000x1xf32> to vector<2000x128xf32>
    %sub3A_64 = arith.subf %add3A_50, %sub3A_63 : vector<2000x128xf32>
    %add3A_65 = arith.constant 9.99999974E-6 : f32
    %add3A_66 = vector.broadcast %add3A_65 : f32 to vector<2000x1xf32>
    %add3A_67 = arith.addf %div3A_62, %add3A_66 : vector<2000x1xf32>
    %rsqrt3A = math.rsqrt %add3A_67 : vector<2000x1xf32>
    %mul3A_68 = vector.broadcast %rsqrt3A : vector<2000x1xf32> to vector<2000x128xf32>
    %mul3A_69 = arith.mulf %sub3A_64, %mul3A_68 : vector<2000x128xf32>
    %get3A_70 = arith.constant 0 : index
    %get3A_71 = arith.constant 0 : index
    %get3A_72 = vector.load %arg10[%get3A_70, %get3A_71] : memref<1x128xf32, #tpu.memory_space<vmem>>, vector<1x128xf32>
    %mul3A_73 = vector.broadcast %get3A_72 : vector<1x128xf32> to vector<2000x128xf32>
    %mul3A_74 = arith.mulf %mul3A_69, %mul3A_73 : vector<2000x128xf32>
    %get3A_75 = arith.constant 0 : index
    %get3A_76 = arith.constant 0 : index
    %get3A_77 = vector.load %arg11[%get3A_75, %get3A_76] : memref<1x128xf32, #tpu.memory_space<vmem>>, vector<1x128xf32>
    %add3A_78 = vector.broadcast %get3A_77 : vector<1x128xf32> to vector<2000x128xf32>
    %add3A_79 = arith.addf %mul3A_74, %add3A_78 : vector<2000x128xf32>
    %swap3A = arith.constant 0 : index
    %swap3A_80 = arith.constant 0 : index
    %swap3A_81 = vector.load %arg13[%swap3A, %swap3A_80] : memref<2000x128xf32, #tpu.memory_space<vmem>>, vector<2000x128xf32>
    tpu.vector_store %arg13[%swap3A, %swap3A_80], %add3A_79 {strides = array<i32>} : memref<2000x128xf32, #tpu.memory_space<vmem>>, vector<2000x128xf32>,
    %add3A_82 = arith.addf %get3A_1, %add3A_79 : vector<2000x128xf32>
    %swap3A_83 = arith.constant 0 : index
    %swap3A_84 = arith.constant 0 : index
    %swap3A_85 = vector.load %arg12[%swap3A_83, %swap3A_84] : memref<2000x128xf32, #tpu.memory_space<vmem>>, vector<2000x128xf32>
    tpu.vector_store %arg12[%swap3A_83, %swap3A_84], %add3A_82 {strides = array<i32>} : memref<2000x128xf32, #tpu.memory_space<vmem>>, vector<2000x128xf32>,
    return
  }
  func.func @transform_0(%arg0: i32) -> (i32, i32) {
    %c0_i32 = arith.constant 0 : i32
    %c0_i32_0 = arith.constant 0 : i32
    return %arg0, %c0_i32 : i32, i32
  }
  func.func @transform_1(%arg0: i32) -> (i32, i32) {
    %c0_i32 = arith.constant 0 : i32
    %c0_i32_0 = arith.constant 0 : i32
    return %arg0, %c0_i32 : i32, i32
  }
  func.func @transform_2(%arg0: i32) -> (i32, i32) {
    %c0_i32 = arith.constant 0 : i32
    %c0_i32_0 = arith.constant 0 : i32
    %c0_i32_1 = arith.constant 0 : i32
    return %c0_i32, %c0_i32_0 : i32, i32
  }
  func.func @transform_3(%arg0: i32) -> (i32, i32) {
    %c0_i32 = arith.constant 0 : i32
    %c0_i32_0 = arith.constant 0 : i32
    %c0_i32_1 = arith.constant 0 : i32
    return %c0_i32, %c0_i32_0 : i32, i32
  }
  func.func @transform_4(%arg0: i32) -> (i32, i32) {
    %c0_i32 = arith.constant 0 : i32
    %c0_i32_0 = arith.constant 0 : i32
    %c0_i32_1 = arith.constant 0 : i32
    return %c0_i32, %c0_i32_0 : i32, i32
  }
  func.func @transform_5(%arg0: i32) -> (i32, i32) {
    %c0_i32 = arith.constant 0 : i32
    %c0_i32_0 = arith.constant 0 : i32
    %c0_i32_1 = arith.constant 0 : i32
    return %c0_i32, %c0_i32_0 : i32, i32
  }
  func.func @transform_6(%arg0: i32) -> (i32, i32) {
    %c0_i32 = arith.constant 0 : i32
    %c0_i32_0 = arith.constant 0 : i32
    %c0_i32_1 = arith.constant 0 : i32
    return %c0_i32, %c0_i32_0 : i32, i32
  }
  func.func @transform_7(%arg0: i32) -> (i32, i32) {
    %c0_i32 = arith.constant 0 : i32
    %c0_i32_0 = arith.constant 0 : i32
    %c0_i32_1 = arith.constant 0 : i32
    return %c0_i32, %c0_i32_0 : i32, i32
  }
  func.func @transform_8(%arg0: i32) -> (i32, i32) {
    %c0_i32 = arith.constant 0 : i32
    %c0_i32_0 = arith.constant 0 : i32
    %c0_i32_1 = arith.constant 0 : i32
    return %c0_i32, %c0_i32_0 : i32, i32
  }
  func.func @transform_9(%arg0: i32) -> (i32, i32) {
    %c0_i32 = arith.constant 0 : i32
    %c0_i32_0 = arith.constant 0 : i32
    %c0_i32_1 = arith.constant 0 : i32
    return %c0_i32, %c0_i32_0 : i32, i32
  }
  func.func @transform_10(%arg0: i32) -> (i32, i32) {
    %c0_i32 = arith.constant 0 : i32
    %c0_i32_0 = arith.constant 0 : i32
    %c0_i32_1 = arith.constant 0 : i32
    return %c0_i32, %c0_i32_0 : i32, i32
  }
  func.func @transform_11(%arg0: i32) -> (i32, i32) {
    %c0_i32 = arith.constant 0 : i32
    %c0_i32_0 = arith.constant 0 : i32
    return %arg0, %c0_i32 : i32, i32
  }
  func.func @transform_12(%arg0: i32) -> (i32, i32) {
    %c0_i32 = arith.constant 0 : i32
    %c0_i32_0 = arith.constant 0 : i32
    return %arg0, %c0_i32 : i32, i32
  }
}

module attributes {stable_mosaic.version = 14 : i64} {
  func.func @_node_body(%arg0: i32, %arg1: memref<2000x128xf32, #tpu.memory_space<vmem>>, %arg2: memref<2000x128xf32, #tpu.memory_space<vmem>>, %arg3: memref<2000x128xf32, #tpu.memory_space<vmem>>, %arg4: memref<2000x128xf32, #tpu.memory_space<vmem>>, %arg5: memref<128x128xf32, #tpu.memory_space<vmem>>, %arg6: memref<1x128xf32, #tpu.memory_space<vmem>>, %arg7: memref<128x128xf32, #tpu.memory_space<vmem>>, %arg8: memref<1x128xf32, #tpu.memory_space<vmem>>, %arg9: memref<1x128xf32, #tpu.memory_space<vmem>>, %arg10: memref<1x128xf32, #tpu.memory_space<vmem>>, %arg11: memref<2000x128xf32, #tpu.memory_space<vmem>>) attributes {dimension_semantics = [#tpu.dimension_semantics<arbitrary>], iteration_bounds = array<i64: 5>, scalar_prefetch = 0 : i64, scratch_operands = 0 : i64, tpu.core_type = #tpu.core_type<tc>, window_params = [{transform_indices = @transform_0, window_bounds = array<i64: 2000, 128>}, {transform_indices = @transform_1, window_bounds = array<i64: 2000, 128>}, {transform_indices = @transform_2, window_bounds = array<i64: 2000, 128>}, {transform_indices = @transform_3, window_bounds = array<i64: 2000, 128>}, {pipeline_mode = #tpu.pipeline_mode<synchronous>, transform_indices = @transform_4, window_bounds = array<i64: 128, 128>}, {pipeline_mode = #tpu.pipeline_mode<synchronous>, transform_indices = @transform_5, window_bounds = array<i64: 1, 128>}, {pipeline_mode = #tpu.pipeline_mode<synchronous>, transform_indices = @transform_6, window_bounds = array<i64: 128, 128>}, {pipeline_mode = #tpu.pipeline_mode<synchronous>, transform_indices = @transform_7, window_bounds = array<i64: 1, 128>}, {pipeline_mode = #tpu.pipeline_mode<synchronous>, transform_indices = @transform_8, window_bounds = array<i64: 1, 128>}, {pipeline_mode = #tpu.pipeline_mode<synchronous>, transform_indices = @transform_9, window_bounds = array<i64: 1, 128>}, {transform_indices = @transform_10, window_bounds = array<i64: 2000, 128>}]} {
    %get3A = arith.constant 0 : index
    %get3A_0 = arith.constant 0 : index
    %get3A_1 = vector.load %arg3[%get3A, %get3A_0] : memref<2000x128xf32, #tpu.memory_space<vmem>>, vector<2000x128xf32>
    %get3A_2 = arith.constant 0 : index
    %get3A_3 = arith.constant 0 : index
    %get3A_4 = vector.load %arg4[%get3A_2, %get3A_3] : memref<2000x128xf32, #tpu.memory_space<vmem>>, vector<2000x128xf32>
    %add3A = arith.addf %get3A_1, %get3A_4 : vector<2000x128xf32>
    %get3A_5 = arith.constant 0 : index
    %get3A_6 = arith.constant 0 : index
    %get3A_7 = vector.load %arg2[%get3A_5, %get3A_6] : memref<2000x128xf32, #tpu.memory_space<vmem>>, vector<2000x128xf32>
    %get3A_8 = arith.constant 0 : index
    %get3A_9 = arith.constant 0 : index
    %get3A_10 = vector.load %arg5[%get3A_8, %get3A_9] : memref<128x128xf32, #tpu.memory_space<vmem>>, vector<128x128xf32>
    %dot_general3A = arith.constant dense<0.000000e+00> : vector<2000x128xf32>
    %dot_general3A_11 = tpu.matmul %add3A, %get3A_10, %dot_general3A {dimension_numbers = #tpu.dot_dimension_numbers<[1], [0], [0], [1], [0, 0, 1, 1], [], []>, transpose_lhs_hint = false} : vector<2000x128xf32>, vector<128x128xf32>, vector<2000x128xf32> -> vector<2000x128xf32>
    %add3A_12 = arith.addf %get3A_7, %dot_general3A_11 : vector<2000x128xf32>
    %get3A_13 = arith.constant 0 : index
    %get3A_14 = arith.constant 0 : index
    %get3A_15 = vector.load %arg6[%get3A_13, %get3A_14] : memref<1x128xf32, #tpu.memory_space<vmem>>, vector<1x128xf32>
    %add3A_16 = vector.broadcast %get3A_15 : vector<1x128xf32> to vector<2000x128xf32>
    %add3A_17 = arith.addf %add3A_12, %add3A_16 : vector<2000x128xf32>
    %max3A = arith.constant 0.000000e+00 : f32
    %max3A_18 = vector.broadcast %max3A : f32 to vector<2000x128xf32>
    %max3A_19 = arith.maximumf %add3A_17, %max3A_18 : vector<2000x128xf32>
    %get3A_20 = arith.constant 0 : index
    %get3A_21 = arith.constant 0 : index
    %get3A_22 = vector.load %arg7[%get3A_20, %get3A_21] : memref<128x128xf32, #tpu.memory_space<vmem>>, vector<128x128xf32>
    %dot_general3A_23 = arith.constant dense<0.000000e+00> : vector<2000x128xf32>
    %dot_general3A_24 = tpu.matmul %max3A_19, %get3A_22, %dot_general3A_23 {dimension_numbers = #tpu.dot_dimension_numbers<[1], [0], [0], [1], [0, 0, 1, 1], [], []>, transpose_lhs_hint = false} : vector<2000x128xf32>, vector<128x128xf32>, vector<2000x128xf32> -> vector<2000x128xf32>
    %get3A_25 = arith.constant 0 : index
    %get3A_26 = arith.constant 0 : index
    %get3A_27 = vector.load %arg8[%get3A_25, %get3A_26] : memref<1x128xf32, #tpu.memory_space<vmem>>, vector<1x128xf32>
    %add3A_28 = vector.broadcast %get3A_27 : vector<1x128xf32> to vector<2000x128xf32>
    %add3A_29 = arith.addf %dot_general3A_24, %add3A_28 : vector<2000x128xf32>
    %reduce_sum3A = arith.constant dense<0.000000e+00> : vector<2000xf32>
    %reduce_sum3A_30 = vector.multi_reduction <add>, %add3A_29, %reduce_sum3A [1] : vector<2000x128xf32> to vector<2000xf32>
    %broadcast_in_dim3A = vector.shape_cast %reduce_sum3A_30 : vector<2000xf32> to vector<2000x1xf32>
    %div3A = arith.constant 1.280000e+02 : f32
    %div3A_31 = vector.broadcast %div3A : f32 to vector<2000x1xf32>
    %div3A_32 = arith.divf %broadcast_in_dim3A, %div3A_31 : vector<2000x1xf32>
    %sub3A = vector.broadcast %div3A_32 : vector<2000x1xf32> to vector<2000x128xf32>
    %sub3A_33 = arith.subf %add3A_29, %sub3A : vector<2000x128xf32>
    %sub3A_34 = vector.broadcast %div3A_32 : vector<2000x1xf32> to vector<2000x128xf32>
    %sub3A_35 = arith.subf %add3A_29, %sub3A_34 : vector<2000x128xf32>
    %mul3A = arith.mulf %sub3A_33, %sub3A_35 : vector<2000x128xf32>
    %reduce_sum3A_36 = arith.constant dense<0.000000e+00> : vector<2000xf32>
    %reduce_sum3A_37 = vector.multi_reduction <add>, %mul3A, %reduce_sum3A_36 [1] : vector<2000x128xf32> to vector<2000xf32>
    %broadcast_in_dim3A_38 = vector.shape_cast %reduce_sum3A_37 : vector<2000xf32> to vector<2000x1xf32>
    %div3A_39 = arith.constant 1.280000e+02 : f32
    %div3A_40 = vector.broadcast %div3A_39 : f32 to vector<2000x1xf32>
    %div3A_41 = arith.divf %broadcast_in_dim3A_38, %div3A_40 : vector<2000x1xf32>
    %sub3A_42 = vector.broadcast %div3A_32 : vector<2000x1xf32> to vector<2000x128xf32>
    %sub3A_43 = arith.subf %add3A_29, %sub3A_42 : vector<2000x128xf32>
    %add3A_44 = arith.constant 9.99999974E-6 : f32
    %add3A_45 = vector.broadcast %add3A_44 : f32 to vector<2000x1xf32>
    %add3A_46 = arith.addf %div3A_41, %add3A_45 : vector<2000x1xf32>
    %rsqrt3A = math.rsqrt %add3A_46 : vector<2000x1xf32>
    %mul3A_47 = vector.broadcast %rsqrt3A : vector<2000x1xf32> to vector<2000x128xf32>
    %mul3A_48 = arith.mulf %sub3A_43, %mul3A_47 : vector<2000x128xf32>
    %get3A_49 = arith.constant 0 : index
    %get3A_50 = arith.constant 0 : index
    %get3A_51 = vector.load %arg9[%get3A_49, %get3A_50] : memref<1x128xf32, #tpu.memory_space<vmem>>, vector<1x128xf32>
    %mul3A_52 = vector.broadcast %get3A_51 : vector<1x128xf32> to vector<2000x128xf32>
    %mul3A_53 = arith.mulf %mul3A_48, %mul3A_52 : vector<2000x128xf32>
    %get3A_54 = arith.constant 0 : index
    %get3A_55 = arith.constant 0 : index
    %get3A_56 = vector.load %arg10[%get3A_54, %get3A_55] : memref<1x128xf32, #tpu.memory_space<vmem>>, vector<1x128xf32>
    %add3A_57 = vector.broadcast %get3A_56 : vector<1x128xf32> to vector<2000x128xf32>
    %add3A_58 = arith.addf %mul3A_53, %add3A_57 : vector<2000x128xf32>
    %get3A_59 = arith.constant 0 : index
    %get3A_60 = arith.constant 0 : index
    %get3A_61 = vector.load %arg1[%get3A_59, %get3A_60] : memref<2000x128xf32, #tpu.memory_space<vmem>>, vector<2000x128xf32>
    %add3A_62 = arith.addf %get3A_61, %add3A_58 : vector<2000x128xf32>
    %swap3A = arith.constant 0 : index
    %swap3A_63 = arith.constant 0 : index
    %swap3A_64 = vector.load %arg11[%swap3A, %swap3A_63] : memref<2000x128xf32, #tpu.memory_space<vmem>>, vector<2000x128xf32>
    tpu.vector_store %arg11[%swap3A, %swap3A_63], %add3A_62 {strides = array<i32>} : memref<2000x128xf32, #tpu.memory_space<vmem>>, vector<2000x128xf32>,
    return
  }
  func.func @transform_0(%arg0: i32) -> (i32, i32) {
    %c0_i32 = arith.constant 0 : i32
    %c0_i32_0 = arith.constant 0 : i32
    return %arg0, %c0_i32 : i32, i32
  }
  func.func @transform_1(%arg0: i32) -> (i32, i32) {
    %c0_i32 = arith.constant 0 : i32
    %c0_i32_0 = arith.constant 0 : i32
    return %arg0, %c0_i32 : i32, i32
  }
  func.func @transform_2(%arg0: i32) -> (i32, i32) {
    %c0_i32 = arith.constant 0 : i32
    %c0_i32_0 = arith.constant 0 : i32
    return %arg0, %c0_i32 : i32, i32
  }
  func.func @transform_3(%arg0: i32) -> (i32, i32) {
    %c0_i32 = arith.constant 0 : i32
    %c0_i32_0 = arith.constant 0 : i32
    return %arg0, %c0_i32 : i32, i32
  }
  func.func @transform_4(%arg0: i32) -> (i32, i32) {
    %c0_i32 = arith.constant 0 : i32
    %c0_i32_0 = arith.constant 0 : i32
    %c0_i32_1 = arith.constant 0 : i32
    return %c0_i32, %c0_i32_0 : i32, i32
  }
  func.func @transform_5(%arg0: i32) -> (i32, i32) {
    %c0_i32 = arith.constant 0 : i32
    %c0_i32_0 = arith.constant 0 : i32
    %c0_i32_1 = arith.constant 0 : i32
    return %c0_i32, %c0_i32_0 : i32, i32
  }
  func.func @transform_6(%arg0: i32) -> (i32, i32) {
    %c0_i32 = arith.constant 0 : i32
    %c0_i32_0 = arith.constant 0 : i32
    %c0_i32_1 = arith.constant 0 : i32
    return %c0_i32, %c0_i32_0 : i32, i32
  }
  func.func @transform_7(%arg0: i32) -> (i32, i32) {
    %c0_i32 = arith.constant 0 : i32
    %c0_i32_0 = arith.constant 0 : i32
    %c0_i32_1 = arith.constant 0 : i32
    return %c0_i32, %c0_i32_0 : i32, i32
  }
  func.func @transform_8(%arg0: i32) -> (i32, i32) {
    %c0_i32 = arith.constant 0 : i32
    %c0_i32_0 = arith.constant 0 : i32
    %c0_i32_1 = arith.constant 0 : i32
    return %c0_i32, %c0_i32_0 : i32, i32
  }
  func.func @transform_9(%arg0: i32) -> (i32, i32) {
    %c0_i32 = arith.constant 0 : i32
    %c0_i32_0 = arith.constant 0 : i32
    %c0_i32_1 = arith.constant 0 : i32
    return %c0_i32, %c0_i32_0 : i32, i32
  }
  func.func @transform_10(%arg0: i32) -> (i32, i32) {
    %c0_i32 = arith.constant 0 : i32
    %c0_i32_0 = arith.constant 0 : i32
    return %arg0, %c0_i32 : i32, i32
  }
}

</mosaic_0001>

<sc_bundles>
// kernel: kernel.10.cloned.1.call-start
scs
__scs_entry_jumppad:
0x0: {  	(pc) =	sbr.rel $0x88, $3  }
0x1: {  	(tag) =	ssettag $0x0;
	lr =	simm.s32 $0x1  }
0x2: {  	[smem:$0x3F91] =	sst lr;
	_ =	strace $0xD0000000  }
0x3: {  	_ = 	snop  }
0x4: {  	_ = 	snop  }
0x5: {  	_ = 	snop  }
0x6: {  	_ = 	snop  }
0x7: {  	_ = 	snop  }
__scs_overlays_trampoline_lowered:
0x8: {  	[smem:$0x3FA0] =	sst s0  }
0x9: {  	[smem:$0x3FA1] =	sst s1  }
0xa: {  	[smem:$0x3FA2] =	sst s2  }
0xb: {  	[smem:$0x3FA3] =	sst s3  }
0xc: {  	[smem:$0x3FA4] =	sst s4  }
0xd: {  	[smem:$0x3FA5] =	sst s5  }
0xe: {  	[smem:$0x3FA6] =	sst s6  }
0xf: {  	[smem:$0x3FA7] =	sst s7  }
0x10: {  	[smem:$0x3FA8] =	sst s8  }
0x11: {  	[smem:$0x3FA9] =	sst s9;
	s0 =	simm.s32 @!p0 $0x0  }
0x12: {  	s1 =	sld [smem:$0x3F8F];
	s0 =	simm.s32 @p0 $0x1  }
0x13: {  	[smem:$0x3FAA] =	sst s0;
	s0 =	simm.s32 @!p1 $0x0  }
0x14: {  	s2 =	sld [smem:$0x3F8E];
	s0 =	simm.s32 @p1 $0x1  }
0x15: {  	[smem:$0x3FAB] =	sst s0;
	s0 =	simm.s32 @!p2 $0x0  }
0x16: {  	s3 =	sld [smem:$0x3FDB];
	s0 =	simm.s32 @p2 $0x1  }
0x17: {  	s4 =	simm.s32 $0x1BF5;
	[smem:$0x3FAD] =	sst s0  }
0x18: {  	s0 =	sld [smem:$0x3F90];
	_ =	swait.ge [sflag:s4], $0x0  }
0x19: {  	s7 =	sld [smem:$0x3F91]  }
0x1a: {  	s8 =	sadd.s32 $0xFFFFE003, lr  }
0x1b: {  	s9 =	sadd.s32 $0xFFFFFEF7, lr;
	s5 =	simm.s32 $0xFFFFFFFF;
	p2 =	slt.u32 s8, $0xFFFFF086  }
0x1c: {  	p1 =	slt.u32 s9, $0xF7A;
	s5 =	simm.s32 @!p2 $0x0  }
0x1d: {  	s5 =	simm.s32 @p1 $0x1;
	p0 =	seq.s32 s7, s2  }
0x1e: {  	s7 =	smul.u32 @!p0 $0xF7A, s2;
	p2 =	seq.s32 @!p0 s5, $0x0  }
0x1f: {  	s9 =	smul.u32 $0xF7A, s1;
	s8 =	simm.s32 @!p0 $0x1BF5;
	p2 =	por !p2, p0  }
0x20: {  	[sflag:s8] =	ssyncset.s32 @!p0 $0xFFFFF086;
	s6 =	sadd.s32 @!p0 s3, s7;
	s7 =	simm.s32 @!p0 $0x108  }
0x21: {  	s3 =	sadd.s32 s3, s9;
	s6 =	sadd.s32 @!p0 $0x88, s6;
	s7 =	simm.s32 @p2 $0x1082  }
0x22: {  	[simem:s7], [sflag:s8] =	dma.local @!p0 [hbm:s6], $0xF7A  }
0x23: {  	s9 =	sor.u32 $0xD0000000, s2;
	s6 =	simm.s32 $0x108;
	_ =	swait.ge @!p0 [sflag:s8], $0x0  }
0x24: {  	s3 =	sadd.s32 $0x88, s3;
	s6 =	simm.s32 @!p1 $0x1082;
	[sflag:s4] =	ssyncset.s32 $0xFFFFF086  }
0x25: {  	[simem:s6], [sflag:s4] =	dma.local [hbm:s3], $0xF7A  }
0x26: {  	[smem:$0x3F91] =	sst s1;
	(tag) =	ssettag s2;
	_ =	strace s9  }
0x27: {  	s1 =	sld [smem:$0x3FA1]  }
0x28: {  	s2 =	sld [smem:$0x3FA2]  }
0x29: {  	s4 =	sld [smem:$0x3FA4]  }
0x2a: {  	p0 =	seq.s32 s5, $0x0;
	s5 =	sld [smem:$0x3FA5]  }
0x2b: {  	s6 =	sld [smem:$0x3FA6]  }
0x2c: {  	s7 =	sld [smem:$0x3FA7]  }
0x2d: {  	s3 =	simm.s32 $0x108;
	s8 =	sld [smem:$0x3FA8]  }
0x2e: {  	s3 =	simm.s32 @!p0 $0x1082;
	s9 =	sld [smem:$0x3FA9]  }
0x2f: {  	lr =	sadd.s32 s0, s3;
	s0 =	sld [smem:$0x3FA0]  }
0x30: {  	s3 =	sld [smem:$0x3FA3]  }
0x31: {  	[smem:$0x3FAC] =	sst s10  }
0x32: {  	s10 =	sld [smem:$0x3FAA];
	_ =	sdelay $0x3  }
0x33: {  	p0 =	seq.s32 s10, $0x1;
	s10 =	sld [smem:$0x3FAC];
	_ =	sdelay $0x3  }
0x34: {  	[smem:$0x3FAC] =	sst s10  }
0x35: {  	s10 =	sld [smem:$0x3FAB];
	_ =	sdelay $0x3  }
0x36: {  	p1 =	seq.s32 s10, $0x1;
	s10 =	sld [smem:$0x3FAC];
	_ =	sdelay $0x3  }
0x37: {  	[smem:$0x3FAC] =	sst s10  }
0x38: {  	s10 =	sld [smem:$0x3FAD]  }
0x39: {  	_ = 	snop;
	(pc) =	sbr.ind lr, $3  }
0x3a: {  	_ = 	snop  }
0x3b: {  	_ = 	snop  }
0x3c: {  	p2 =	seq.s32 s10, $0x1;
	s10 =	sld [smem:$0x3FAC]  }
0x3d: {  	_ =	shalt  }
0x3e: {  	_ =	shalt  }
0x3f: {  	_ =	shalt  }
0x40: {  	_ =	shalt  }
0x41: {  	_ =	shalt  }
0x42: {  	_ =	shalt  }
0x43: {  	_ =	shalt  }
0x44: {  	_ =	shalt  }
0x45: {  	_ =	shalt  }
0x46: {  	_ =	shalt  }
0x47: {  	_ =	shalt  }
0x48: {  	_ =	shalt  }
0x49: {  	_ =	shalt  }
0x4a: {  	_ =	shalt  }
0x4b: {  	_ =	shalt  }
0x4c: {  	_ =	shalt  }
0x4d: {  	_ =	shalt  }
0x4e: {  	_ =	shalt  }
0x4f: {  	_ =	shalt  }
0x50: {  	_ =	shalt  }
0x51: {  	_ =	shalt  }
0x52: {  	_ =	shalt  }
0x53: {  	_ =	shalt  }
0x54: {  	_ =	shalt  }
0x55: {  	_ =	shalt  }
0x56: {  	_ =	shalt  }
0x57: {  	_ =	shalt  }
0x58: {  	_ =	shalt  }
0x59: {  	_ =	shalt  }
0x5a: {  	_ =	shalt  }
0x5b: {  	_ =	shalt  }
0x5c: {  	_ =	shalt  }
0x5d: {  	_ =	shalt  }
0x5e: {  	_ =	shalt  }
0x5f: {  	_ =	shalt  }
0x60: {  	_ =	shalt  }
0x61: {  	_ =	shalt  }
0x62: {  	_ =	shalt  }
0x63: {  	_ =	shalt  }
0x64: {  	_ =	shalt  }
0x65: {  	_ =	shalt  }
0x66: {  	_ =	shalt  }
0x67: {  	_ =	shalt  }
0x68: {  	_ =	shalt  }
0x69: {  	_ =	shalt  }
0x6a: {  	_ =	shalt  }
0x6b: {  	_ =	shalt  }
0x6c: {  	_ =	shalt  }
0x6d: {  	_ =	shalt  }
0x6e: {  	_ =	shalt  }
0x6f: {  	_ =	shalt  }
0x70: {  	_ =	shalt  }
0x71: {  	_ =	shalt  }
0x72: {  	_ =	shalt  }
0x73: {  	_ =	shalt  }
0x74: {  	_ =	shalt  }
0x75: {  	_ =	shalt  }
0x76: {  	_ =	shalt  }
0x77: {  	_ =	shalt  }
0x78: {  	_ =	shalt  }
0x79: {  	_ =	shalt  }
0x7a: {  	_ =	shalt  }
0x7b: {  	_ =	shalt  }
0x7c: {  	_ =	shalt  }
0x7d: {  	_ =	shalt  }
0x7e: {  	_ =	shalt  }
0x7f: {  	_ =	shalt  }
0x80: {  	_ =	shalt  }
0x81: {  	_ =	shalt  }
0x82: {  	_ =	shalt  }
0x83: {  	_ =	shalt  }
0x84: {  	_ =	shalt  }
0x85: {  	_ =	shalt  }
0x86: {  	_ =	shalt  }
0x87: {  	_ =	shalt  }
.Lfunc_end0:
.L_simem_size_0:
called_computation.1_lowered:
.L_overlay_start_0:
0x88: {  	s2 =	sld [smem:$0x3FD9]  }
0x89: {  	s3 =	sld [smem:$0x3FFE];
	_ =	sdelay $0x1  }
0x8a: {  	s1 =	srdreg.scid  }
0x8b: {  	s0 =	sand.u32 $0x1, s1  }
0x8c: {  	s16 =	sshll.u32 s0, $0xA;
	s2 =	sadd.s32 s3, s2  }
0x8d: {  	s2 =	sadd.s32 s2, s16  }
0x8e: {  	[smem:$0x3FB8] =	sst s2  }
0x8f: {  	_ = 	snop  }
0x90: {  	(tm) =	ssettm $0x1  }
0x91: {  	s17 =	sld [smem:$0x3FFB];
	_ =	sdelay $0x3  }
0x92: {  	_ =	strace s17  }
0x93: {  	s2 =	sld [smem:$0x3FFC];
	_ =	sdelay $0x3  }
0x94: {  	_ =	strace s2  }
0x95: {  	s2 =	sld [smem:$0x3FFD];
	_ =	sdelay $0x3  }
0x96: {  	_ =	strace s2  }
0x97: {  	_ =	strace $0x8FFFFFFF  }
0x98: {  	s18 =	sld [smem:$0x3FDB];
	_ =	sdelay $0x1  }
0x99: {  	s19 =	simm.s32 $_scs_section_size  }
0x9a: {  	s4 =	simm.s32 $_size__tile_overlayer_lowered;
	s5 =	simm.s32 $_tile_overlayer_lowered  }
0x9b: {  	s22 =	simm.s32 $0x1BFF;
	s21 =	sshll.u32 s5, $0x1;
	s2 =	sadd.s32 s19, s18  }
0x9c: {  	s6 =	simm.s32 $0x0;
	s20 =	sshll.u32 s4, $0x1;
	s4 =	sadd.s32 s21, s2  }
0x9d: {  	[timem:s6], [sflag:s22] =	dma.local [hbm:s4], s20  }
0x9e: {  	_ =	swait.ge [sflag:s22], s20  }
0x9f: {  	s3 =	ssub.s32 $0x0, s20;
	[sflag:s22] =	ssyncset.done $0x0  }
0xa0: {  	[sflag:s22] =	ssyncadd.s32 s3;
	_ =	sdelay $0x1  }
0xa1: {  	s23 =	simm.s32 $0x1B8B  }
0xa2: {  	_ =	swait.ge [sflag:s23], $0x1  }
0xa3: {  	[sflag:s23] =	ssyncset.done $0x0  }
0xa4: {  	s25 =	simm.s32 $0x1B8E;
	s24 =	sld [smem:$0x3FFE];
	[sflag:s23] =	ssyncadd.s32 $0xFFFFFFFF  }
0xa5: {  	s26 =	simm.s32 $execute0_lowered;
	[smem:$0x3FD2] =	sst s25  }
0xa6: {  	s4 =	sshll.u32 s26, $0x1;
	_ =	strace $0x80000049;
	[dreg:$0x1] =	wrdreg $0xFFFFFFFF  }
0xa7: {  	s28 =	simm.s32 $_size_execute0_lowered;
	s2 =	sadd.s32 s2, s4;
	[dreg:$0x0] =	wrdreg $0x0  }
0xa8: {  	s4 =	sshll.u32 s28, $0x1;
	[dreg:$0x2] =	wrdreg s2  }
0xa9: {  	[dreg:$0x3] =	wrdreg s4  }
0xaa: {  	[dreg:$0x4] =	wrdreg $0xC0  }
0xab: {  	_ =	task [dreg:s6], $0x5FFFF  }
0xac: {  	[dreg:$0x1] =	wrdreg $0xFFFFFFFF  }
0xad: {  	[dreg:$0x0] =	wrdreg $0x60  }
0xae: {  	[dreg:$0x2] =	wrdreg s24  }
0xaf: {  	[dreg:$0x3] =	wrdreg $0x90000  }
0xb0: {  	[dreg:$0x4] =	wrdreg $0x9  }
0xb1: {  	_ =	task.clear_ibuf [dreg:s6], $0x5FFFF;
	_ =	strace $0x90000049  }
0xb2: {  	s29 =	simm.s32 $0x9;
	_ =	strace $0x8000004B  }
0xb3: {  	_ =	swait.ge [sflag:s29], $0x1  }
0xb4: {  	[sflag:s29] =	ssyncadd.s32 $0xFFFFFFFF  }
0xb5: {  	_ =	strace $0x9000004B  }
0xb6: {  	_ =	sfence  }
0xb7: {  	s30 =	sld [smem:$0x0];
	_ =	sdelay $0x2  }
0xb8: {  	s31 =	sshll.u32 s1, $0xD;
	s1 =	sshrl.u32 s1, $0x2  }
0xb9: {  	s3 =	sand.u32 $0x4000, s31;
	s1 =	sadd.s32 s1, s30  }
0xba: {  	s0 =	sor.u32 s3, s0;
	s1 =	sshll.u32 s1, $0x11  }
0xbb: {  	s0 =	sor.u32 s1, s0  }
0xbc: {  	s0 =	sadd.s32 $0x8F2B, s0  }
0xbd: {  	[sflag:s0] =	ssyncadd.remote.s32 $0x1  }
0xbe: {  	_ =	sfence.sel $0xFFFF  }
0xbf: {  	[dreg:$0x0] =	wrdreg $0xFFFFFFFF;
	(pc) =	sbr.abs _section_cstart, $3  }
0xc0: {  	[dreg:$0x1] =	wrdreg $0xFFFFFFFF  }
0xc1: {  	_ =	task.clear_ibuf [dreg:s6], $0x2FFFF;
	_ =	strace $0x9FFFFFFF  }
0xc2: {  	(tm) =	ssettm $0x7FFFFFFF  }
0xc3: {  	_ =	shalt  }
tec
execute0_lowered:
.L_overlay_start_1:
0x0: {  	(tag) =	ssettag $0x1  }
0x1: {  	s6 =	rddreg [dreg:$0x0]  }
0x2: {  	s1 =	rddreg [dreg:$0x1]  }
0x3: {  	s0 =	rddreg [dreg:$0x2];
	s2 =	simm.s32 $0x0  }
0x4: {  	s3 =	srdreg.scid;
	s13 =	stileid.u32;
	s17 =	simm.s32 $0x4000  }
0x5: {  	s18 =	simm.s32 $0x6800;
	s19 =	simm.s32 $0x1;
	s20 =	simm.s32 $0x50  }
0x6: {  	s21 =	simm.s32 $0x3;
	s22 =	simm.s32 $0x2;
	s23 =	simm.s32 $0x80  }
0x7: {  	s24 =	simm.s32 $0x4;
	[smem:$0x7FF] =	sst s2;
	s7 =	sand.u32 $0x1, s3  }
0x8: {  	s9 =	sadd.s32 $0x531C00, s6;
	s12 =	smul.u32 $0x4E000, s13;
	s16 =	sadd.s32 $0x138000, s1  }
0x9: {  	s29 =	smul.u32 $0x27100, s13;
	s31 =	sshll.u32 s13, $0x6;
	p0 =	sne.s32 s13, $0x0  }
0xa: {  	_ =	strace $0x8000004A;
	s3 =	sshll.u32 s7, $0x4;
	s8 =	smul.u32 $0x27100, s7  }
0xb: {  	s10 =	ssub.s32 $0x2, s7;
	s28 =	smul.u32 $0x271000, s7;
	s16 =	sshrl.u32 @!p0 s16, $0x3  }
0xc: {  	s5 =	sor.u32 s13, s3;
	s3 =	smul.u32 $0x2700, s13;
	s11 =	sshrl.u32 s10, $0x1  }
0xd: {  	s25 =	sshrl.u32 s12, $0x2;
	s13 =	simm.s32 $0x5;
	s4 =	sshll.u32 s5, $0xB  }
0xe: {  	s8 =	sadd.s32 s8, s6;
	s10 =	ssub.s32 s10, s11;
	s26 =	smul.u32 $0x27100, s5  }
0xf: {  	s15 =	sadd.s32 s25, s1;
	s11 =	sadd.s32 s28, s9;
	s25 =	simm.s32 $0x3E00  }
0x10: {  	s4 =	sadd.s32 s4, s6;
	s14 =	sadd.s32 s3, s6;
	s6 =	sadd.s32 $0x3FA00, s6  }
0x11: {  	s8 =	sadd.s32 $0x3FC00, s8;
	s30 =	sadd.s32 s29, s11;
	s15 =	sshrl.u32 s15, $0x3  }
0x12: {  	s4 =	sadd.s32 $0x521C00, s4;
	s5 =	sadd.s32 $0x18A00, s14;
	s7 =	sadd.s32 s9, s26  }
0x13: {  	s9 =	smax.u32 s10, $0x1;
	s12 =	sadd.s32 $0xF00, s30;
	s14 =	sor.u32 $0x1C05, s31  }
0x14: {  	s26 =	simm.s32 $0x0;
	s10 =	sadd.s32 $0x500, s7;
	s11 =	sadd.s32 $0xA00, s7  }
.LBB2_1:
0x15: {  	[tilespmem:s2], [sflag:$0x5] =	stream.linear.gather [hbm4b:s4+s2], $0x3E80, $0x38;
	[tilespmem:$0x1C880] =	vst v63  }
0x16: {  	_ =	swait.ge [sflag:s13], $0x3E80  }
0x17: {  	[sflag:s13] =	ssyncset.done $0x0  }
0x18: {  	[sflag:s13] =	ssyncadd.s32 $0xFFFFC180  }
0x19: {  	[spmem:s15], [sflag:s14] =	dma.local [hbm:s5], $0x2700  }
0x1a: {  	_ =	swait.ge [sflag:s13], $0x2700  }
0x1b: {  	[sflag:s13] =	ssyncset.done $0x0  }
0x1c: {  	s28 =	simm.s32 @!p0 $0x5;
	[sflag:s13] =	ssyncadd.s32 $0xFFFFD900  }
0x1d: {  	[spmem:s16], [sflag:s14] =	dma.local @!p0 [hbm:s6], $0x100  }
0x1e: {  	_ =	swait.ge @!p0 [sflag:s28], $0x100  }
0x1f: {  	[sflag:s28] =	ssyncset.done @!p0 $0x0  }
0x20: {  	[sflag:s28] =	ssyncadd.s32 @!p0 $0xFFFFFF00  }
0x21: {  	[bflag:$0x0] =	sbarrier.arrive $0xFFFF  }
0x22: {  	[tilespmem:s17], [sflag:$0x1] =	stream.linear.gather [hbm4b:s7+s2], $0x2800, $0x38;
	[tilespmem:$0x1C880] =	vst v63  }
0x23: {  	_ = 	snop  }
0x24: {  	[tilespmem:s18], [sflag:$0x2] =	stream.linear.gather [hbm4b:s10+s2], $0x2800, $0x38;
	[tilespmem:$0x1C880] =	vst v63  }
0x25: {  	_ =	swait.ge [sflag:s19], $0x2800  }
0x26: {  	[sflag:s19] =	ssyncset.done $0x0  }
0x27: {  	[sflag:s19] =	ssyncadd.s32 $0xFFFFD800  }
0x28: {  	[spmem:s1] =	stream.indirect.scatter.add.f32 [tilespmem:s17], [sflag:$0x3], $0x80, s2, s20, $0xb8;
	[tilespmem:$0x1C880] =	vst v63  }
0x29: {  	_ =	swait.ge [sflag:s21], $0x2800  }
0x2a: {  	[sflag:s21] =	ssyncset.done $0x0  }
0x2b: {  	[sflag:s21] =	ssyncadd.s32 $0xFFFFD800  }
0x2c: {  	[tilespmem:s17], [sflag:$0x1] =	stream.linear.gather [hbm4b:s11+s2], $0x2800, $0x38;
	[tilespmem:$0x1C880] =	vst v63  }
0x2d: {  	_ =	swait.ge [sflag:s22], $0x2800  }
0x2e: {  	[sflag:s22] =	ssyncset.done $0x0  }
0x2f: {  	[sflag:s22] =	ssyncadd.s32 $0xFFFFD800  }
0x30: {  	[spmem:s1] =	stream.indirect.scatter.add.f32 [tilespmem:s18], [sflag:$0x4], $0x80, s23, s20, $0xb8;
	[tilespmem:$0x1C880] =	vst v63  }
0x31: {  	_ =	swait.ge [sflag:s24], $0x2800  }
0x32: {  	[sflag:s24] =	ssyncset.done $0x0  }
0x33: {  	[sflag:s24] =	ssyncadd.s32 $0xFFFFD800  }
0x34: {  	[tilespmem:s18], [sflag:$0x2] =	stream.linear.gather [hbm4b:s12+s2], $0x2800, $0x38;
	[tilespmem:$0x1C880] =	vst v63  }
0x35: {  	_ =	swait.ge [sflag:s19], $0x2800  }
0x36: {  	[sflag:s19] =	ssyncset.done $0x0  }
0x37: {  	s28 =	simm.s32 $0x100;
	[sflag:s19] =	ssyncadd.s32 $0xFFFFD800  }
0x38: {  	[spmem:s1] =	stream.indirect.scatter.add.f32 [tilespmem:s17], [sflag:$0x3], $0x80, s28, s20, $0xb8;
	[tilespmem:$0x1C880] =	vst v63  }
0x39: {  	_ =	swait.ge [sflag:s21], $0x2800  }
0x3a: {  	[sflag:s21] =	ssyncset.done $0x0  }
0x3b: {  	s28 =	sadd.s32 $0x500, s12;
	[sflag:s21] =	ssyncadd.s32 $0xFFFFD800  }
0x3c: {  	[tilespmem:s17], [sflag:$0x1] =	stream.linear.gather [hbm4b:s28+s2], $0x2800, $0x38;
	[tilespmem:$0x1C880] =	vst v63  }
0x3d: {  	_ =	swait.ge [sflag:s22], $0x2800  }
0x3e: {  	s30 =	simm.s32 $0x180;
	[sflag:s22] =	ssyncset.done $0x0  }
0x3f: {  	s29 =	sadd.s32 $0xA00, s12;
	s28 =	simm.s32 $0x400;
	[sflag:s22] =	ssyncadd.s32 $0xFFFFD800  }
.LBB2_2:
0x40: {  	[spmem:s1] =	stream.indirect.scatter.add.f32 [tilespmem:s18], [sflag:$0x4], $0x80, s30, s20, $0xb8;
	[tilespmem:$0x1C880] =	vst v63  }
0x41: {  	s30 =	smov.u32 s28  }
0x42: {  	p1 =	sne.s32 s28, $0xF000;
	s28 =	sadd.s32 $0x400, s28;
	_ =	swait.ge [sflag:s24], $0x2800  }
0x43: {  	[sflag:s24] =	ssyncset.done $0x0  }
0x44: {  	[sflag:s24] =	ssyncadd.s32 $0xFFFFD800  }
0x45: {  	[tilespmem:s18], [sflag:$0x2] =	stream.linear.gather [hbm4b:s29+s2], $0x2800, $0x38;
	[tilespmem:$0x1C880] =	vst v63  }
0x46: {  	_ =	swait.ge [sflag:s19], $0x2800  }
0x47: {  	s30 =	sshra.s32 s30, $0x2;
	[sflag:s19] =	ssyncset.done $0x0  }
0x48: {  	s31 =	sadd.s32 $0x100, s30;
	[sflag:s19] =	ssyncadd.s32 $0xFFFFD800  }
0x49: {  	[spmem:s1] =	stream.indirect.scatter.add.f32 [tilespmem:s17], [sflag:$0x3], $0x80, s31, s20, $0xb8;
	[tilespmem:$0x1C880] =	vst v63  }
0x4a: {  	_ =	swait.ge [sflag:s21], $0x2800  }
0x4b: {  	[sflag:s21] =	ssyncset.done $0x0  }
.Ltmp0:
0x4c: {  	s31 =	sadd.s32 $0x500, s29;
	[sflag:s21] =	ssyncadd.s32 $0xFFFFD800;
	(pc) =	sbr.rel @p1 .LBB2_2-.Ltmp0, $4  }
0x4d: {  	[tilespmem:s17], [sflag:$0x1] =	stream.linear.gather [hbm4b:s31+s2], $0x2800, $0x38;
	[tilespmem:$0x1C880] =	vst v63  }
0x4e: {  	_ =	swait.ge [sflag:s22], $0x2800  }
0x4f: {  	[sflag:s22] =	ssyncset.done $0x0  }
0x50: {  	s30 =	sadd.s32 $0x180, s30;
	s29 =	sadd.s32 $0xA00, s29;
	[sflag:s22] =	ssyncadd.s32 $0xFFFFD800  }
0x51: {  	[spmem:s1] =	stream.indirect.scatter.add.f32 [tilespmem:s18], [sflag:$0x4], $0x80, s30, s20, $0xb8;
	[tilespmem:$0x1C880] =	vst v63  }
0x52: {  	_ =	swait.ge [sflag:s24], $0x2800  }
0x53: {  	[sflag:s24] =	ssyncset.done $0x0  }
0x54: {  	[sflag:s24] =	ssyncadd.s32 $0xFFFFD800  }
0x55: {  	_ =	swait.ge [sflag:s19], $0x2800  }
0x56: {  	[sflag:s19] =	ssyncset.done $0x0  }
0x57: {  	[sflag:s19] =	ssyncadd.s32 $0xFFFFD800  }
0x58: {  	[spmem:s1] =	stream.indirect.scatter.add.f32 [tilespmem:s17], [sflag:$0x3], $0x80, s25, s20, $0xb8;
	[tilespmem:$0x1C880] =	vst v63  }
0x59: {  	_ =	swait.ge [sflag:s21], $0x2800  }
0x5a: {  	[sflag:s21] =	ssyncset.done $0x0  }
0x5b: {  	[sflag:s21] =	ssyncadd.s32 $0xFFFFD800  }
0x5c: {  	s28 =	sadd.s32 s3, s8;
	[bflag:$0x0] =	sbarrier.arrive $0xFFFF  }
0x5d: {  	[hbm:s28], [sflag:s14] =	dma.local [spmem:s15], $0x2700  }
0x5e: {  	_ =	swait.ge [sflag:s13], $0x2700  }
0x5f: {  	s26 =	sadd.s32 $0x1, s26;
	[sflag:s13] =	ssyncset.done $0x0  }
0x60: {  	p1 =	sne.s32 s26, s9;
	s28 =	sadd.s32 @!p0 $0x27000, s8;
	[sflag:s13] =	ssyncadd.s32 $0xFFFFD900  }
0x61: {  	[hbm:s28], [sflag:s14] =	dma.local @!p0 [spmem:s16], $0x100  }
.Ltmp1:
0x62: {  	_ = 	snop;
	(pc) =	sbr.rel @p1 .LBB2_1-.Ltmp1, $4  }
0x63: {  	s28 =	simm.s32 @!p0 $0x5  }
0x64: {  	_ =	swait.ge @!p0 [sflag:s28], $0x100  }
0x65: {  	[sflag:s28] =	ssyncset.done @!p0 $0x0  }
0x66: {  	[sflag:s28] =	ssyncadd.s32 @!p0 $0xFFFFFF00  }
0x67: {  	_ =	sfence.sel $0x180000  }
0x68: {  	[bflag:$0x0] =	sbarrier.arrive $0xFFFF  }
0x69: {  	_ =	strace $0x9000004A  }
0x6a: {  	s0 =	sadd.s32 @!p0 $0x100000, s0;
	[bflag:$0x2] =	sbarrier.arrive $0xFFFF  }
0x6b: {  	[sflag:s0] =	ssyncadd.tile.s32 @!p0 $0x1;
	_ =	shalt  }
.Lfunc_end2:
_tile_overlayer_lowered:
.L_overlay_start_2:
0x6c: {  	(tag) =	ssettag $0x2  }
0x6d: {  	s0 =	rddreg [dreg:$0x0];
	s2 =	stileid.u32  }
0x6e: {  	s1 =	rddreg [dreg:$0x1];
	p0 =	sne.s32 s2, $0x0  }
0x6f: {  	s3 =	rddreg [dreg:$0x2];
	[bflag:$0x3] =	sbarrier.arrive $0xFFFF;
	s2 =	simm.s32 @!p0 $0x1C05  }
0x70: {  	[timem:s3], [sflag:s2] =	dma.local @!p0 [hbm:s0], s1  }
0x71: {  	s0 =	simm.s32 @!p0 $0x5  }
0x72: {  	_ =	swait.ge @!p0 [sflag:s0], s1  }
0x73: {  	s1 =	ssub.s32 @!p0 $0x0, s1;
	[sflag:s0] =	ssyncset.done @!p0 $0x0  }
0x74: {  	[sflag:s0] =	ssyncadd.s32 @!p0 s1  }
0x75: {  	[bflag:$0x3] =	sbarrier.arrive $0xFFFF  }
0x76: {  	_ =	shalt  }

// kernel: kernel.7.cloned.1.call-start
scs
__scs_entry_jumppad:
0x0: {  	(pc) =	sbr.rel $0x88, $3  }
0x1: {  	(tag) =	ssettag $0x0;
	lr =	simm.s32 $0x1  }
0x2: {  	[smem:$0x3F91] =	sst lr;
	_ =	strace $0xD0000000  }
0x3: {  	_ = 	snop  }
0x4: {  	_ = 	snop  }
0x5: {  	_ = 	snop  }
0x6: {  	_ = 	snop  }
0x7: {  	_ = 	snop  }
__scs_overlays_trampoline_lowered:
0x8: {  	[smem:$0x3FA0] =	sst s0  }
0x9: {  	[smem:$0x3FA1] =	sst s1  }
0xa: {  	[smem:$0x3FA2] =	sst s2  }
0xb: {  	[smem:$0x3FA3] =	sst s3  }
0xc: {  	[smem:$0x3FA4] =	sst s4  }
0xd: {  	[smem:$0x3FA5] =	sst s5  }
0xe: {  	[smem:$0x3FA6] =	sst s6  }
0xf: {  	[smem:$0x3FA7] =	sst s7  }
0x10: {  	[smem:$0x3FA8] =	sst s8  }
0x11: {  	[smem:$0x3FA9] =	sst s9;
	s0 =	simm.s32 @!p0 $0x0  }
0x12: {  	s1 =	sld [smem:$0x3F8F];
	s0 =	simm.s32 @p0 $0x1  }
0x13: {  	[smem:$0x3FAA] =	sst s0;
	s0 =	simm.s32 @!p1 $0x0  }
0x14: {  	s2 =	sld [smem:$0x3F8E];
	s0 =	simm.s32 @p1 $0x1  }
0x15: {  	[smem:$0x3FAB] =	sst s0;
	s0 =	simm.s32 @!p2 $0x0  }
0x16: {  	s3 =	sld [smem:$0x3FDB];
	s0 =	simm.s32 @p2 $0x1  }
0x17: {  	s4 =	simm.s32 $0x1BF5;
	[smem:$0x3FAD] =	sst s0  }
0x18: {  	s0 =	sld [smem:$0x3F90];
	_ =	swait.ge [sflag:s4], $0x0  }
0x19: {  	s7 =	sld [smem:$0x3F91]  }
0x1a: {  	s8 =	sadd.s32 $0xFFFFE003, lr  }
0x1b: {  	s9 =	sadd.s32 $0xFFFFFEF7, lr;
	s5 =	simm.s32 $0xFFFFFFFF;
	p2 =	slt.u32 s8, $0xFFFFF086  }
0x1c: {  	p1 =	slt.u32 s9, $0xF7A;
	s5 =	simm.s32 @!p2 $0x0  }
0x1d: {  	s5 =	simm.s32 @p1 $0x1;
	p0 =	seq.s32 s7, s2  }
0x1e: {  	s7 =	smul.u32 @!p0 $0xF7A, s2;
	p2 =	seq.s32 @!p0 s5, $0x0  }
0x1f: {  	s9 =	smul.u32 $0xF7A, s1;
	s8 =	simm.s32 @!p0 $0x1BF5;
	p2 =	por !p2, p0  }
0x20: {  	[sflag:s8] =	ssyncset.s32 @!p0 $0xFFFFF086;
	s6 =	sadd.s32 @!p0 s3, s7;
	s7 =	simm.s32 @!p0 $0x108  }
0x21: {  	s3 =	sadd.s32 s3, s9;
	s6 =	sadd.s32 @!p0 $0x88, s6;
	s7 =	simm.s32 @p2 $0x1082  }
0x22: {  	[simem:s7], [sflag:s8] =	dma.local @!p0 [hbm:s6], $0xF7A  }
0x23: {  	s9 =	sor.u32 $0xD0000000, s2;
	s6 =	simm.s32 $0x108;
	_ =	swait.ge @!p0 [sflag:s8], $0x0  }
0x24: {  	s3 =	sadd.s32 $0x88, s3;
	s6 =	simm.s32 @!p1 $0x1082;
	[sflag:s4] =	ssyncset.s32 $0xFFFFF086  }
0x25: {  	[simem:s6], [sflag:s4] =	dma.local [hbm:s3], $0xF7A  }
0x26: {  	[smem:$0x3F91] =	sst s1;
	(tag) =	ssettag s2;
	_ =	strace s9  }
0x27: {  	s1 =	sld [smem:$0x3FA1]  }
0x28: {  	s2 =	sld [smem:$0x3FA2]  }
0x29: {  	s4 =	sld [smem:$0x3FA4]  }
0x2a: {  	p0 =	seq.s32 s5, $0x0;
	s5 =	sld [smem:$0x3FA5]  }
0x2b: {  	s6 =	sld [smem:$0x3FA6]  }
0x2c: {  	s7 =	sld [smem:$0x3FA7]  }
0x2d: {  	s3 =	simm.s32 $0x108;
	s8 =	sld [smem:$0x3FA8]  }
0x2e: {  	s3 =	simm.s32 @!p0 $0x1082;
	s9 =	sld [smem:$0x3FA9]  }
0x2f: {  	lr =	sadd.s32 s0, s3;
	s0 =	sld [smem:$0x3FA0]  }
0x30: {  	s3 =	sld [smem:$0x3FA3]  }
0x31: {  	[smem:$0x3FAC] =	sst s10  }
0x32: {  	s10 =	sld [smem:$0x3FAA];
	_ =	sdelay $0x3  }
0x33: {  	p0 =	seq.s32 s10, $0x1;
	s10 =	sld [smem:$0x3FAC];
	_ =	sdelay $0x3  }
0x34: {  	[smem:$0x3FAC] =	sst s10  }
0x35: {  	s10 =	sld [smem:$0x3FAB];
	_ =	sdelay $0x3  }
0x36: {  	p1 =	seq.s32 s10, $0x1;
	s10 =	sld [smem:$0x3FAC];
	_ =	sdelay $0x3  }
0x37: {  	[smem:$0x3FAC] =	sst s10  }
0x38: {  	s10 =	sld [smem:$0x3FAD]  }
0x39: {  	_ = 	snop;
	(pc) =	sbr.ind lr, $3  }
0x3a: {  	_ = 	snop  }
0x3b: {  	_ = 	snop  }
0x3c: {  	p2 =	seq.s32 s10, $0x1;
	s10 =	sld [smem:$0x3FAC]  }
0x3d: {  	_ =	shalt  }
0x3e: {  	_ =	shalt  }
0x3f: {  	_ =	shalt  }
0x40: {  	_ =	shalt  }
0x41: {  	_ =	shalt  }
0x42: {  	_ =	shalt  }
0x43: {  	_ =	shalt  }
0x44: {  	_ =	shalt  }
0x45: {  	_ =	shalt  }
0x46: {  	_ =	shalt  }
0x47: {  	_ =	shalt  }
0x48: {  	_ =	shalt  }
0x49: {  	_ =	shalt  }
0x4a: {  	_ =	shalt  }
0x4b: {  	_ =	shalt  }
0x4c: {  	_ =	shalt  }
0x4d: {  	_ =	shalt  }
0x4e: {  	_ =	shalt  }
0x4f: {  	_ =	shalt  }
0x50: {  	_ =	shalt  }
0x51: {  	_ =	shalt  }
0x52: {  	_ =	shalt  }
0x53: {  	_ =	shalt  }
0x54: {  	_ =	shalt  }
0x55: {  	_ =	shalt  }
0x56: {  	_ =	shalt  }
0x57: {  	_ =	shalt  }
0x58: {  	_ =	shalt  }
0x59: {  	_ =	shalt  }
0x5a: {  	_ =	shalt  }
0x5b: {  	_ =	shalt  }
0x5c: {  	_ =	shalt  }
0x5d: {  	_ =	shalt  }
0x5e: {  	_ =	shalt  }
0x5f: {  	_ =	shalt  }
0x60: {  	_ =	shalt  }
0x61: {  	_ =	shalt  }
0x62: {  	_ =	shalt  }
0x63: {  	_ =	shalt  }
0x64: {  	_ =	shalt  }
0x65: {  	_ =	shalt  }
0x66: {  	_ =	shalt  }
0x67: {  	_ =	shalt  }
0x68: {  	_ =	shalt  }
0x69: {  	_ =	shalt  }
0x6a: {  	_ =	shalt  }
0x6b: {  	_ =	shalt  }
0x6c: {  	_ =	shalt  }
0x6d: {  	_ =	shalt  }
0x6e: {  	_ =	shalt  }
0x6f: {  	_ =	shalt  }
0x70: {  	_ =	shalt  }
0x71: {  	_ =	shalt  }
0x72: {  	_ =	shalt  }
0x73: {  	_ =	shalt  }
0x74: {  	_ =	shalt  }
0x75: {  	_ =	shalt  }
0x76: {  	_ =	shalt  }
0x77: {  	_ =	shalt  }
0x78: {  	_ =	shalt  }
0x79: {  	_ =	shalt  }
0x7a: {  	_ =	shalt  }
0x7b: {  	_ =	shalt  }
0x7c: {  	_ =	shalt  }
0x7d: {  	_ =	shalt  }
0x7e: {  	_ =	shalt  }
0x7f: {  	_ =	shalt  }
0x80: {  	_ =	shalt  }
0x81: {  	_ =	shalt  }
0x82: {  	_ =	shalt  }
0x83: {  	_ =	shalt  }
0x84: {  	_ =	shalt  }
0x85: {  	_ =	shalt  }
0x86: {  	_ =	shalt  }
0x87: {  	_ =	shalt  }
.Lfunc_end0:
.L_simem_size_0:
called_computation_lowered:
.L_overlay_start_0:
0x88: {  	s2 =	sld [smem:$0x3FD9]  }
0x89: {  	s3 =	sld [smem:$0x3FFE];
	_ =	sdelay $0x1  }
0x8a: {  	s1 =	srdreg.scid  }
0x8b: {  	s0 =	sand.u32 $0x1, s1  }
0x8c: {  	s14 =	sshll.u32 s0, $0xA;
	s2 =	sadd.s32 s3, s2  }
0x8d: {  	s2 =	sadd.s32 s2, s14  }
0x8e: {  	[smem:$0x3FB8] =	sst s2  }
0x8f: {  	_ = 	snop  }
0x90: {  	s2 =	sld [smem:$0x3FD0];
	_ =	sdelay $0x2  }
0x91: {  	s15 =	simm.s32 $0xA;
	s4 =	simm.s32 $0x10  }
0x92: {  	[smem:s4], [sflag:s15] =	dma.local [hbm:s2], $0x1  }
0x93: {  	_ =	swait.eq [sflag:s15], $0x1  }
0x94: {  	[sflag:s15] =	ssyncset.done $0x0  }
0x95: {  	[sflag:s15] =	ssyncadd.s32 $0xFFFFFFFF  }
0x96: {  	s16 =	sld [smem:$0x11];
	(tm) =	ssettm $0x1  }
0x97: {  	s17 =	sld [smem:$0x3FFB];
	_ =	sdelay $0x3  }
0x98: {  	_ =	strace s17  }
0x99: {  	s3 =	sld [smem:$0x3FFC];
	_ =	sdelay $0x3  }
0x9a: {  	_ =	strace s3  }
0x9b: {  	s3 =	sld [smem:$0x3FFD];
	_ =	sdelay $0x3  }
0x9c: {  	_ =	strace s3  }
0x9d: {  	_ =	strace $0x8FFFFFFF  }
0x9e: {  	s18 =	sld [smem:$0x3FDB];
	_ =	sdelay $0x1  }
0x9f: {  	s19 =	simm.s32 $_scs_section_size  }
0xa0: {  	s5 =	simm.s32 $_size__tile_overlayer_lowered;
	s6 =	simm.s32 $_tile_overlayer_lowered  }
0xa1: {  	s22 =	simm.s32 $0x1BFF;
	s21 =	sshll.u32 s6, $0x1;
	s3 =	sadd.s32 s19, s18  }
0xa2: {  	s7 =	simm.s32 $0x0;
	s20 =	sshll.u32 s5, $0x1;
	s5 =	sadd.s32 s21, s3  }
0xa3: {  	[timem:s7], [sflag:s22] =	dma.local [hbm:s5], s20  }
0xa4: {  	_ =	swait.ge [sflag:s22], s20  }
0xa5: {  	s4 =	ssub.s32 $0x0, s20;
	[sflag:s22] =	ssyncset.done $0x0  }
0xa6: {  	[sflag:s22] =	ssyncadd.s32 s4;
	_ =	sdelay $0x1  }
0xa7: {  	s23 =	simm.s32 $0x1B8B  }
0xa8: {  	_ =	swait.ge [sflag:s23], $0x1  }
0xa9: {  	[sflag:s23] =	ssyncset.done $0x0  }
0xaa: {  	s25 =	simm.s32 $0x1B8E;
	s24 =	sld [smem:$0x3FFE];
	[sflag:s23] =	ssyncadd.s32 $0xFFFFFFFF  }
0xab: {  	s26 =	simm.s32 $execute0_lowered;
	[smem:$0x3FD2] =	sst s25  }
0xac: {  	s5 =	sshll.u32 s26, $0x1;
	_ =	strace $0x80000046;
	[dreg:$0x1] =	wrdreg $0xFFFFFFFF  }
0xad: {  	s28 =	simm.s32 $_size_execute0_lowered;
	s3 =	sadd.s32 s3, s5;
	[dreg:$0x0] =	wrdreg $0x0  }
0xae: {  	s5 =	sshll.u32 s28, $0x1;
	[dreg:$0x2] =	wrdreg s3  }
0xaf: {  	[dreg:$0x3] =	wrdreg s5  }
0xb0: {  	[dreg:$0x4] =	wrdreg $0xC0  }
0xb1: {  	_ =	task [dreg:s7], $0x5FFFF  }
0xb2: {  	[dreg:$0x1] =	wrdreg $0xFFFFFFFF  }
0xb3: {  	[dreg:$0x0] =	wrdreg $0x60  }
0xb4: {  	[dreg:$0x2] =	wrdreg s16  }
0xb5: {  	[dreg:$0x3] =	wrdreg s24  }
0xb6: {  	[dreg:$0x4] =	wrdreg $0x9  }
0xb7: {  	_ =	task.clear_ibuf [dreg:s7], $0x5FFFF;
	_ =	strace $0x90000046  }
0xb8: {  	s29 =	simm.s32 $0x9;
	_ =	strace $0x80000048  }
0xb9: {  	_ =	swait.ge [sflag:s29], $0x1  }
0xba: {  	[sflag:s29] =	ssyncadd.s32 $0xFFFFFFFF  }
0xbb: {  	_ =	strace $0x90000048  }
0xbc: {  	_ =	sfence  }
0xbd: {  	s30 =	sld [smem:$0x0];
	_ =	sdelay $0x2  }
0xbe: {  	s31 =	sshll.u32 s1, $0xD;
	s1 =	sshrl.u32 s1, $0x2  }
0xbf: {  	s3 =	sand.u32 $0x4000, s31;
	s1 =	sadd.s32 s1, s30  }
0xc0: {  	s0 =	sor.u32 s3, s0;
	s1 =	sshll.u32 s1, $0x11  }
0xc1: {  	s0 =	sor.u32 s1, s0  }
0xc2: {  	s0 =	sadd.s32 $0x8F2B, s0  }
0xc3: {  	[sflag:s0] =	ssyncadd.remote.s32 $0x1  }
0xc4: {  	_ =	sfence.sel $0xFFFF  }
0xc5: {  	[dreg:$0x0] =	wrdreg $0xFFFFFFFF;
	(pc) =	sbr.abs _section_cstart, $3  }
0xc6: {  	[dreg:$0x1] =	wrdreg $0xFFFFFFFF  }
0xc7: {  	_ =	task.clear_ibuf [dreg:s7], $0x2FFFF;
	_ =	strace $0x9FFFFFFF  }
0xc8: {  	(tm) =	ssettm $0x7FFFFFFF  }
0xc9: {  	_ =	shalt  }
tec
execute0_lowered:
.L_overlay_start_1:
0x0: {  	(tag) =	ssettag $0x1  }
0x1: {  	s0 =	srdreg.scid;
	s2 =	rddreg [dreg:$0x0]  }
0x2: {  	s6 =	stileid.u32;
	s5 =	rddreg [dreg:$0x1];
	s3 =	simm.s32 $0x0  }
0x3: {  	s16 =	simm.s32 $0x7;
	s18 =	simm.s32 $0x50;
	s19 =	simm.s32 $0x4F00  }
0x4: {  	s20 =	simm.s32 $0xEF00;
	s30 =	simm.s32 $0xC700;
	s0 =	sand.u32 $0x1, s0  }
0x5: {  	s21 =	simm.s32 $0x18F00;
	s22 =	simm.s32 $0x2;
	s1 =	sshll.u32 s0, $0x4  }
0x6: {  	s23 =	simm.s32 $0x1B700;
	s28 =	simm.s32 $0x6;
	s1 =	sor.u32 s6, s1  }
0x7: {  	s29 =	simm.s32 $0x0;
	[smem:$0x7FF] =	sst s3;
	s4 =	sshrl.u32 s1, $0x3  }
0x8: {  	s0 =	ssub.s32 $0x2, s0;
	s6 =	sshll.u32 s6, $0x7;
	s4 =	smul.u32 $0x13C00, s4  }
0x9: {  	_ =	strace $0x80000047;
	s24 =	sshrl.u32 s0, $0x1;
	s6 =	sand.u32 $0x380, s6  }
0xa: {  	s8 =	smul.u32 $0x138800, s1;
	s0 =	ssub.s32 s0, s24;
	s6 =	sor.u32 s6, s4  }
0xb: {  	s24 =	simm.s32 $0x3;
	s13 =	smax.u32 s0, $0x1;
	s6 =	sshrl.u32 s6, $0x3  }
0xc: {  	s0 =	simm.s32 $0x1;
	s31 =	sshrl.u32 s8, $0x3;
	s7 =	sadd.s32 s6, s5  }
0xd: {  	s4 =	sadd.s32 $0x18A00, s5;
	s6 =	smul.u32 $0x2710, s1;
	s25 =	sadd.s32 $0x3E00, s7  }
0xe: {  	s5 =	sadd.s32 $0x3FC00, s5;
	s26 =	sadd.s32 $0xDC00, s7;
	[dreg:$0x3] =	wrdreg s25  }
0xf: {  	s1 =	sadd.s32 s5, s31;
	[dreg:$0x4] =	wrdreg s26;
	s9 =	sadd.s32 $0x50, s6  }
0x10: {  	s10 =	sadd.s32 $0xA0, s6;
	s11 =	sadd.s32 $0xF0, s6;
	s12 =	sadd.s32 $0x26C00, s1  }
0x11: {  	s1 =	simm.s32 $0x16700;
	s25 =	simm.s32 $0x5;
	s26 =	simm.s32 $0x4  }
.LBB2_1:
0x12: {  	s7 =	rddreg [dreg:$0x3];
	s8 =	simm.s32 $0x80;
	s14 =	simm.s32 $0x400  }
0x13: {  	[tilespmem:s3], [sflag:$0x7] =	stream.strided.gather [hbm4b:s7+s8], $0x2780, s14, s8, $0x38;
	[tilespmem:$0x1DF00] =	vst v63  }
0x14: {  	_ =	swait.ge [sflag:s16], $0x2780  }
0x15: {  	[sflag:s16] =	ssyncset.done $0x0  }
0x16: {  	s15 =	simm.s32 $0x2780;
	s17 =	rddreg [dreg:$0x4];
	[sflag:s16] =	ssyncadd.s32 $0xFFFFD880  }
0x17: {  	[tilespmem:s15], [sflag:$0x7] =	stream.strided.gather [hbm4b:s17+s8], $0x2780, s14, s8, $0x38;
	[tilespmem:$0x1DF00] =	vst v63  }
0x18: {  	_ =	swait.ge [sflag:s16], $0x2780  }
0x19: {  	[sflag:s16] =	ssyncset.done $0x0  }
0x1a: {  	[sflag:s16] =	ssyncadd.s32 $0xFFFFD880  }
0x1b: {  	[tilespmem:s19], [sflag:$0x1] =	stream.indirect.gather [hbm4b:s2+s18], $0x80, s3, s18, $0xb8;
	[tilespmem:$0x1DF00] =	vst v63  }
0x1c: {  	_ = 	snop  }
0x1d: {  	[tilespmem:s20], [sflag:$0x1] =	stream.indirect.gather [hbm4b:s4+s18], $0x80, s15, s18, $0xb8;
	[tilespmem:$0x1DF00] =	vst v63  }
0x1e: {  	s17 =	simm.s32 $0x7700  }
0x1f: {  	[tilespmem:s17], [sflag:$0x2] =	stream.indirect.gather [hbm4b:s2+s18], $0x80, s18, s18, $0xb8;
	[tilespmem:$0x1DF00] =	vst v63  }
0x20: {  	s8 =	simm.s32 $0x27D0;
	s14 =	simm.s32 $0x11700  }
0x21: {  	[tilespmem:s14], [sflag:$0x2] =	stream.indirect.gather [hbm4b:s4+s18], $0x80, s8, s18, $0xb8;
	[tilespmem:$0x1DF00] =	vst v63  }
0x22: {  	s15 =	simm.s32 $0xA0;
	s17 =	simm.s32 $0x9F00  }
0x23: {  	[tilespmem:s17], [sflag:$0x3] =	stream.indirect.gather [hbm4b:s2+s18], $0x80, s15, s18, $0xb8;
	[tilespmem:$0x1DF00] =	vst v63  }
0x24: {  	s8 =	simm.s32 $0x2820;
	s14 =	simm.s32 $0x13F00  }
0x25: {  	[tilespmem:s14], [sflag:$0x3] =	stream.indirect.gather [hbm4b:s4+s18], $0x80, s8, s18, $0xb8;
	[tilespmem:$0x1DF00] =	vst v63  }
0x26: {  	s15 =	simm.s32 $0xF0  }
0x27: {  	[tilespmem:s30], [sflag:$0x4] =	stream.indirect.gather [hbm4b:s2+s18], $0x80, s15, s18, $0xb8;
	[tilespmem:$0x1DF00] =	vst v63  }
0x28: {  	s31 =	simm.s32 $0x0;
	s17 =	simm.s32 $0x2870  }
0x29: {  	[tilespmem:s1], [sflag:$0x4] =	stream.indirect.gather [hbm4b:s4+s18], $0x80, s17, s18, $0xb8;
	[tilespmem:$0x1DF00] =	vst v63  }
.LBB2_2:
0x2a: {  	_ =	swait.ge [sflag:s0], $0x2800  }
0x2b: {  	[sflag:s0] =	ssyncset.done $0x0  }
0x2c: {  	[sflag:s0] =	ssyncadd.s32 $0xFFFFD800  }
0x2d: {  	_ =	swait.ge [sflag:s0], $0x2800  }
0x2e: {  	p0 =	seq.s32 s31, $0x0;
	[sflag:s0] =	ssyncset.done $0x0  }
0x2f: {  	s7 =	simm.s32 @!p0 $0x5;
	[sflag:s0] =	ssyncadd.s32 $0xFFFFD800  }
0x30: {  	_ =	swait.ge @!p0 [sflag:s7], $0x2800  }
0x31: {  	s14 =	simm.s32 $0xFFFFFFFC;
	s15 =	simm.s32 $0x5000;
	[sflag:s7] =	ssyncset.done @!p0 $0x0  }
0x32: {  	s17 =	simm.s32 $0xF000;
	[sflag:s7] =	ssyncadd.s32 @!p0 $0xFFFFD800;
	s7 =	simm.s32 $0x19000  }
.LBB2_3:
0x33: {  	v0 =	vld [tilespmem:s15+$0xFFFFFF00]  }
0x34: {  	v1 =	vld [tilespmem:s17+$0xFFFFFF00]  }
0x35: {  	v2 =	vld [tilespmem:s15+$0xFFFFFF10]  }
0x36: {  	v3 =	vld [tilespmem:s17+$0xFFFFFF10];
	_ =	sdelay $0x4  }
0x37: {  	v0 =	vadd.f32 v1, v0;
	v61 =	vadd.f32 v3, v2;
	_ =	sdelay $0x1  }
0x38: {  	v0 =	vadd.s32 $0x8000, v0;
	v1 =	vadd.s32 $0x8000, v61  }
0x39: {  	v0 =	vshrl.u32 v0, $0x10;
	v1 =	vand.u32 $0xFFFF0000, v1  }
0x3a: {  	v0 =	vor.u32 v0, v1  }
0x3b: {  	[tilespmem:s7+$0xFFFFFF00] =	vst v0  }
0x3c: {  	v0 =	vld [tilespmem:s15+$0xFFFFFF20]  }
0x3d: {  	v62 =	vld [tilespmem:s17+$0xFFFFFF20]  }
0x3e: {  	v63 =	vld [tilespmem:s15+$0xFFFFFF30]  }
0x3f: {  	v6 =	vld [tilespmem:s17+$0xFFFFFF30];
	_ =	sdelay $0x4  }
0x40: {  	v0 =	vadd.f32 v62, v0;
	v7 =	vadd.f32 v6, v63;
	_ =	sdelay $0x1  }
0x41: {  	v0 =	vadd.s32 $0x8000, v0;
	v1 =	vadd.s32 $0x8000, v7  }
0x42: {  	v0 =	vshrl.u32 v0, $0x10;
	v1 =	vand.u32 $0xFFFF0000, v1  }
0x43: {  	v0 =	vor.u32 v0, v1  }
0x44: {  	[tilespmem:s7+$0xFFFFFF10] =	vst v0  }
0x45: {  	v0 =	vld [tilespmem:s15+$0xFFFFFF40]  }
0x46: {  	v8 =	vld [tilespmem:s17+$0xFFFFFF40]  }
0x47: {  	v9 =	vld [tilespmem:s15+$0xFFFFFF50]  }
0x48: {  	v10 =	vld [tilespmem:s17+$0xFFFFFF50];
	_ =	sdelay $0x4  }
0x49: {  	v0 =	vadd.f32 v8, v0;
	v11 =	vadd.f32 v10, v9;
	_ =	sdelay $0x1  }
0x4a: {  	v0 =	vadd.s32 $0x8000, v0;
	v1 =	vadd.s32 $0x8000, v11  }
0x4b: {  	v0 =	vshrl.u32 v0, $0x10;
	v1 =	vand.u32 $0xFFFF0000, v1  }
0x4c: {  	v0 =	vor.u32 v0, v1  }
0x4d: {  	[tilespmem:s7+$0xFFFFFF20] =	vst v0  }
0x4e: {  	v0 =	vld [tilespmem:s15+$0xFFFFFF60]  }
0x4f: {  	v12 =	vld [tilespmem:s17+$0xFFFFFF60]  }
0x50: {  	v13 =	vld [tilespmem:s15+$0xFFFFFF70]  }
0x51: {  	v14 =	vld [tilespmem:s17+$0xFFFFFF70];
	_ =	sdelay $0x4  }
0x52: {  	v0 =	vadd.f32 v12, v0;
	v15 =	vadd.f32 v14, v13;
	_ =	sdelay $0x1  }
0x53: {  	v0 =	vadd.s32 $0x8000, v0;
	v1 =	vadd.s32 $0x8000, v15  }
0x54: {  	v0 =	vshrl.u32 v0, $0x10;
	v1 =	vand.u32 $0xFFFF0000, v1  }
0x55: {  	v0 =	vor.u32 v0, v1  }
0x56: {  	[tilespmem:s7+$0xFFFFFF30] =	vst v0  }
0x57: {  	v0 =	vld [tilespmem:s15+$0xFFFFFF80]  }
0x58: {  	v16 =	vld [tilespmem:s17+$0xFFFFFF80]  }
0x59: {  	v17 =	vld [tilespmem:s15+$0xFFFFFF90]  }
0x5a: {  	v18 =	vld [tilespmem:s17+$0xFFFFFF90];
	_ =	sdelay $0x4  }
0x5b: {  	v0 =	vadd.f32 v16, v0;
	v19 =	vadd.f32 v18, v17;
	_ =	sdelay $0x1  }
0x5c: {  	v0 =	vadd.s32 $0x8000, v0;
	v1 =	vadd.s32 $0x8000, v19  }
0x5d: {  	v0 =	vshrl.u32 v0, $0x10;
	v1 =	vand.u32 $0xFFFF0000, v1  }
0x5e: {  	v0 =	vor.u32 v0, v1  }
0x5f: {  	[tilespmem:s7+$0xFFFFFF80] =	vst v0  }
0x60: {  	v0 =	vld [tilespmem:s15+$0xFFFFFFA0]  }
0x61: {  	v20 =	vld [tilespmem:s17+$0xFFFFFFA0]  }
0x62: {  	v21 =	vld [tilespmem:s15+$0xFFFFFFB0]  }
0x63: {  	v22 =	vld [tilespmem:s17+$0xFFFFFFB0];
	_ =	sdelay $0x4  }
0x64: {  	v0 =	vadd.f32 v20, v0;
	v23 =	vadd.f32 v22, v21;
	_ =	sdelay $0x1  }
0x65: {  	v0 =	vadd.s32 $0x8000, v0;
	v1 =	vadd.s32 $0x8000, v23  }
0x66: {  	v0 =	vshrl.u32 v0, $0x10;
	v1 =	vand.u32 $0xFFFF0000, v1  }
0x67: {  	v0 =	vor.u32 v0, v1  }
0x68: {  	[tilespmem:s7+$0xFFFFFF90] =	vst v0  }
0x69: {  	v0 =	vld [tilespmem:s15+$0xFFFFFFC0]  }
0x6a: {  	v24 =	vld [tilespmem:s17+$0xFFFFFFC0]  }
0x6b: {  	v25 =	vld [tilespmem:s15+$0xFFFFFFD0]  }
0x6c: {  	v26 =	vld [tilespmem:s17+$0xFFFFFFD0];
	_ =	sdelay $0x4  }
0x6d: {  	v0 =	vadd.f32 v24, v0;
	v27 =	vadd.f32 v26, v25;
	_ =	sdelay $0x1  }
0x6e: {  	v0 =	vadd.s32 $0x8000, v0;
	v1 =	vadd.s32 $0x8000, v27  }
0x6f: {  	v0 =	vshrl.u32 v0, $0x10;
	v1 =	vand.u32 $0xFFFF0000, v1  }
0x70: {  	v0 =	vor.u32 v0, v1  }
0x71: {  	[tilespmem:s7+$0xFFFFFFA0] =	vst v0  }
0x72: {  	v0 =	vld [tilespmem:s15+$0xFFFFFFE0]  }
0x73: {  	v28 =	vld [tilespmem:s17+$0xFFFFFFE0]  }
0x74: {  	v29 =	vld [tilespmem:s15+$0xFFFFFFF0]  }
0x75: {  	v30 =	vld [tilespmem:s17+$0xFFFFFFF0];
	_ =	sdelay $0x4  }
0x76: {  	v0 =	vadd.f32 v28, v0;
	v31 =	vadd.f32 v30, v29;
	_ =	sdelay $0x1  }
0x77: {  	v0 =	vadd.s32 $0x8000, v0;
	v1 =	vadd.s32 $0x8000, v31  }
0x78: {  	v0 =	vshrl.u32 v0, $0x10;
	v1 =	vand.u32 $0xFFFF0000, v1  }
0x79: {  	v0 =	vor.u32 v0, v1  }
0x7a: {  	[tilespmem:s7+$0xFFFFFFB0] =	vst v0  }
0x7b: {  	v0 =	vld [tilespmem:s15+$0x0]  }
0x7c: {  	v32 =	vld [tilespmem:s17+$0x0]  }
0x7d: {  	v33 =	vld [tilespmem:s15+$0x10]  }
0x7e: {  	v34 =	vld [tilespmem:s17+$0x10];
	_ =	sdelay $0x4  }
0x7f: {  	v0 =	vadd.f32 v32, v0;
	v35 =	vadd.f32 v34, v33;
	_ =	sdelay $0x1  }
0x80: {  	v0 =	vadd.s32 $0x8000, v0;
	v1 =	vadd.s32 $0x8000, v35  }
0x81: {  	v0 =	vshrl.u32 v0, $0x10;
	v1 =	vand.u32 $0xFFFF0000, v1  }
0x82: {  	v0 =	vor.u32 v0, v1  }
0x83: {  	[tilespmem:s7+$0x0] =	vst v0  }
0x84: {  	v0 =	vld [tilespmem:s15+$0x20]  }
0x85: {  	v36 =	vld [tilespmem:s17+$0x20]  }
0x86: {  	v37 =	vld [tilespmem:s15+$0x30]  }
0x87: {  	v38 =	vld [tilespmem:s17+$0x30];
	_ =	sdelay $0x4  }
0x88: {  	v0 =	vadd.f32 v36, v0;
	v39 =	vadd.f32 v38, v37;
	_ =	sdelay $0x1  }
0x89: {  	v0 =	vadd.s32 $0x8000, v0;
	v1 =	vadd.s32 $0x8000, v39  }
0x8a: {  	v0 =	vshrl.u32 v0, $0x10;
	v1 =	vand.u32 $0xFFFF0000, v1  }
0x8b: {  	v0 =	vor.u32 v0, v1  }
0x8c: {  	[tilespmem:s7+$0x10] =	vst v0  }
0x8d: {  	v0 =	vld [tilespmem:s15+$0x40]  }
0x8e: {  	v40 =	vld [tilespmem:s17+$0x40]  }
0x8f: {  	v41 =	vld [tilespmem:s15+$0x50]  }
0x90: {  	v42 =	vld [tilespmem:s17+$0x50];
	_ =	sdelay $0x4  }
0x91: {  	v0 =	vadd.f32 v40, v0;
	v43 =	vadd.f32 v42, v41;
	_ =	sdelay $0x1  }
0x92: {  	v0 =	vadd.s32 $0x8000, v0;
	v1 =	vadd.s32 $0x8000, v43  }
0x93: {  	v0 =	vshrl.u32 v0, $0x10;
	v1 =	vand.u32 $0xFFFF0000, v1  }
0x94: {  	v0 =	vor.u32 v0, v1  }
0x95: {  	[tilespmem:s7+$0x20] =	vst v0  }
0x96: {  	v0 =	vld [tilespmem:s15+$0x60]  }
0x97: {  	v44 =	vld [tilespmem:s17+$0x60]  }
0x98: {  	v45 =	vld [tilespmem:s15+$0x70]  }
0x99: {  	v46 =	vld [tilespmem:s17+$0x70];
	_ =	sdelay $0x4  }
0x9a: {  	v0 =	vadd.f32 v44, v0;
	v47 =	vadd.f32 v46, v45;
	_ =	sdelay $0x1  }
0x9b: {  	v0 =	vadd.s32 $0x8000, v0;
	v1 =	vadd.s32 $0x8000, v47  }
0x9c: {  	v0 =	vshrl.u32 v0, $0x10;
	v1 =	vand.u32 $0xFFFF0000, v1  }
0x9d: {  	v0 =	vor.u32 v0, v1  }
0x9e: {  	[tilespmem:s7+$0x30] =	vst v0  }
0x9f: {  	v0 =	vld [tilespmem:s15+$0x80]  }
0xa0: {  	v48 =	vld [tilespmem:s17+$0x80]  }
0xa1: {  	v49 =	vld [tilespmem:s15+$0x90]  }
0xa2: {  	v50 =	vld [tilespmem:s17+$0x90];
	_ =	sdelay $0x4  }
0xa3: {  	v0 =	vadd.f32 v48, v0;
	v51 =	vadd.f32 v50, v49;
	_ =	sdelay $0x1  }
0xa4: {  	v0 =	vadd.s32 $0x8000, v0;
	v1 =	vadd.s32 $0x8000, v51  }
0xa5: {  	v0 =	vshrl.u32 v0, $0x10;
	v1 =	vand.u32 $0xFFFF0000, v1  }
0xa6: {  	v0 =	vor.u32 v0, v1  }
0xa7: {  	[tilespmem:s7+$0x80] =	vst v0  }
0xa8: {  	v0 =	vld [tilespmem:s15+$0xA0]  }
0xa9: {  	v52 =	vld [tilespmem:s17+$0xA0]  }
0xaa: {  	v53 =	vld [tilespmem:s15+$0xB0]  }
0xab: {  	v54 =	vld [tilespmem:s17+$0xB0];
	_ =	sdelay $0x4  }
0xac: {  	v0 =	vadd.f32 v52, v0;
	v55 =	vadd.f32 v54, v53;
	_ =	sdelay $0x1  }
0xad: {  	v0 =	vadd.s32 $0x8000, v0;
	v1 =	vadd.s32 $0x8000, v55  }
0xae: {  	v0 =	vshrl.u32 v0, $0x10;
	v1 =	vand.u32 $0xFFFF0000, v1  }
0xaf: {  	v0 =	vor.u32 v0, v1  }
0xb0: {  	[tilespmem:s7+$0x90] =	vst v0  }
0xb1: {  	v0 =	vld [tilespmem:s15+$0xC0]  }
0xb2: {  	v56 =	vld [tilespmem:s17+$0xC0]  }
0xb3: {  	v57 =	vld [tilespmem:s15+$0xD0]  }
0xb4: {  	v58 =	vld [tilespmem:s17+$0xD0];
	_ =	sdelay $0x4  }
0xb5: {  	v0 =	vadd.f32 v56, v0;
	v59 =	vadd.f32 v58, v57;
	_ =	sdelay $0x1  }
0xb6: {  	v0 =	vadd.s32 $0x8000, v0;
	v1 =	vadd.s32 $0x8000, v59  }
0xb7: {  	v0 =	vshrl.u32 v0, $0x10;
	v1 =	vand.u32 $0xFFFF0000, v1  }
0xb8: {  	v0 =	vor.u32 v0, v1  }
0xb9: {  	[tilespmem:s7+$0xA0] =	vst v0  }
0xba: {  	v0 =	vld [tilespmem:s15+$0xE0]  }
0xbb: {  	v60 =	vld [tilespmem:s17+$0xE0]  }
0xbc: {  	v61 =	vld [tilespmem:s15+$0xF0]  }
0xbd: {  	v62 =	vld [tilespmem:s17+$0xF0];
	_ =	sdelay $0x3  }
0xbe: {  	s14 =	sadd.s32 $0x4, s14  }
0xbf: {  	p1 =	slt.u32 s14, $0x4C;
	v0 =	vadd.f32 v60, v0;
	v63 =	vadd.f32 v62, v61  }
.Ltmp0:
0xc0: {  	_ = 	snop;
	(pc) =	sbr.rel @p1 .LBB2_3-.Ltmp0, $4  }
0xc1: {  	v0 =	vadd.s32 $0x8000, v0;
	v1 =	vadd.s32 $0x8000, v63  }
0xc2: {  	v0 =	vshrl.u32 v0, $0x10;
	v1 =	vand.u32 $0xFFFF0000, v1  }
0xc3: {  	v0 =	vor.u32 v0, v1  }
0xc4: {  	s15 =	sadd.s32 $0x200, s15;
	s17 =	sadd.s32 $0x200, s17;
	[tilespmem:s7+$0xB0] =	vst v0;
	s7 =	sadd.s32 $0x200, s7  }
0xc5: {  	s14 =	smul.u32 $0x140, s31;
	_ =	sdelay $0x1  }
0xc6: {  	s7 =	sadd.s32 s6, s14  }
0xc7: {  	s7 =	sshll.u32 s7, $0x4  }
0xc8: {  	s7 =	sadd.s32 s5, s7  }
0xc9: {  	[hbm4b:s7+s3] =	stream.linear.scatter [tilespmem:s21], [sflag:$0x5], $0x2800, $0x38;
	[tilespmem:$0x1DF00] =	vst v63  }
0xca: {  	s15 =	sadd.s32 $0x140, s14  }
0xcb: {  	[tilespmem:s19], [sflag:$0x1] =	stream.indirect.gather [hbm4b:s2+s18], $0x80, s15, s18, $0xb8;
	[tilespmem:$0x1DF00] =	vst v63  }
0xcc: {  	s17 =	sadd.s32 $0x28C0, s14  }
0xcd: {  	[tilespmem:s20], [sflag:$0x1] =	stream.indirect.gather [hbm4b:s4+s18], $0x80, s17, s18, $0xb8;
	[tilespmem:$0x1DF00] =	vst v63  }
0xce: {  	_ =	swait.ge [sflag:s22], $0x2800  }
0xcf: {  	[sflag:s22] =	ssyncset.done $0x0  }
0xd0: {  	[sflag:s22] =	ssyncadd.s32 $0xFFFFD800  }
0xd1: {  	_ =	swait.ge [sflag:s22], $0x2800  }
0xd2: {  	[sflag:s22] =	ssyncset.done $0x0  }
0xd3: {  	s7 =	simm.s32 @!p0 $0x6;
	[sflag:s22] =	ssyncadd.s32 $0xFFFFD800  }
0xd4: {  	_ =	swait.ge @!p0 [sflag:s7], $0x2800  }
0xd5: {  	s8 =	simm.s32 $0x1B800;
	s15 =	simm.s32 $0xFFFFFFFC;
	[sflag:s7] =	ssyncset.done @!p0 $0x0  }
0xd6: {  	s17 =	simm.s32 $0x7800;
	[sflag:s7] =	ssyncadd.s32 @!p0 $0xFFFFD800;
	s7 =	simm.s32 $0x11800  }
.LBB2_5:
0xd7: {  	v0 =	vld [tilespmem:s17+$0xFFFFFF00]  }
0xd8: {  	v1 =	vld [tilespmem:s7+$0xFFFFFF00]  }
0xd9: {  	v2 =	vld [tilespmem:s17+$0xFFFFFF10]  }
0xda: {  	v3 =	vld [tilespmem:s7+$0xFFFFFF10];
	_ =	sdelay $0x4  }
0xdb: {  	v0 =	vadd.f32 v1, v0;
	v61 =	vadd.f32 v3, v2;
	_ =	sdelay $0x1  }
0xdc: {  	v0 =	vadd.s32 $0x8000, v0;
	v1 =	vadd.s32 $0x8000, v61  }
0xdd: {  	v0 =	vshrl.u32 v0, $0x10;
	v1 =	vand.u32 $0xFFFF0000, v1  }
0xde: {  	v0 =	vor.u32 v0, v1  }
0xdf: {  	[tilespmem:s8+$0xFFFFFF00] =	vst v0  }
0xe0: {  	v0 =	vld [tilespmem:s17+$0xFFFFFF20]  }
0xe1: {  	v62 =	vld [tilespmem:s7+$0xFFFFFF20]  }
0xe2: {  	v63 =	vld [tilespmem:s17+$0xFFFFFF30]  }
0xe3: {  	v6 =	vld [tilespmem:s7+$0xFFFFFF30];
	_ =	sdelay $0x4  }
0xe4: {  	v0 =	vadd.f32 v62, v0;
	v7 =	vadd.f32 v6, v63;
	_ =	sdelay $0x1  }
0xe5: {  	v0 =	vadd.s32 $0x8000, v0;
	v1 =	vadd.s32 $0x8000, v7  }
0xe6: {  	v0 =	vshrl.u32 v0, $0x10;
	v1 =	vand.u32 $0xFFFF0000, v1  }
0xe7: {  	v0 =	vor.u32 v0, v1  }
0xe8: {  	[tilespmem:s8+$0xFFFFFF10] =	vst v0  }
0xe9: {  	v0 =	vld [tilespmem:s17+$0xFFFFFF40]  }
0xea: {  	v8 =	vld [tilespmem:s7+$0xFFFFFF40]  }
0xeb: {  	v9 =	vld [tilespmem:s17+$0xFFFFFF50]  }
0xec: {  	v10 =	vld [tilespmem:s7+$0xFFFFFF50];
	_ =	sdelay $0x4  }
0xed: {  	v0 =	vadd.f32 v8, v0;
	v11 =	vadd.f32 v10, v9;
	_ =	sdelay $0x1  }
0xee: {  	v0 =	vadd.s32 $0x8000, v0;
	v1 =	vadd.s32 $0x8000, v11  }
0xef: {  	v0 =	vshrl.u32 v0, $0x10;
	v1 =	vand.u32 $0xFFFF0000, v1  }
0xf0: {  	v0 =	vor.u32 v0, v1  }
0xf1: {  	[tilespmem:s8+$0xFFFFFF20] =	vst v0  }
0xf2: {  	v0 =	vld [tilespmem:s17+$0xFFFFFF60]  }
0xf3: {  	v12 =	vld [tilespmem:s7+$0xFFFFFF60]  }
0xf4: {  	v13 =	vld [tilespmem:s17+$0xFFFFFF70]  }
0xf5: {  	v14 =	vld [tilespmem:s7+$0xFFFFFF70];
	_ =	sdelay $0x4  }
0xf6: {  	v0 =	vadd.f32 v12, v0;
	v15 =	vadd.f32 v14, v13;
	_ =	sdelay $0x1  }
0xf7: {  	v0 =	vadd.s32 $0x8000, v0;
	v1 =	vadd.s32 $0x8000, v15  }
0xf8: {  	v0 =	vshrl.u32 v0, $0x10;
	v1 =	vand.u32 $0xFFFF0000, v1  }
0xf9: {  	v0 =	vor.u32 v0, v1  }
0xfa: {  	[tilespmem:s8+$0xFFFFFF30] =	vst v0  }
0xfb: {  	v0 =	vld [tilespmem:s17+$0xFFFFFF80]  }
0xfc: {  	v16 =	vld [tilespmem:s7+$0xFFFFFF80]  }
0xfd: {  	v17 =	vld [tilespmem:s17+$0xFFFFFF90]  }
0xfe: {  	v18 =	vld [tilespmem:s7+$0xFFFFFF90];
	_ =	sdelay $0x4  }
0xff: {  	v0 =	vadd.f32 v16, v0;
	v19 =	vadd.f32 v18, v17;
	_ =	sdelay $0x1  }
0x100: {  	v0 =	vadd.s32 $0x8000, v0;
	v1 =	vadd.s32 $0x8000, v19  }
0x101: {  	v0 =	vshrl.u32 v0, $0x10;
	v1 =	vand.u32 $0xFFFF0000, v1  }
0x102: {  	v0 =	vor.u32 v0, v1  }
0x103: {  	[tilespmem:s8+$0xFFFFFF80] =	vst v0  }
0x104: {  	v0 =	vld [tilespmem:s17+$0xFFFFFFA0]  }
0x105: {  	v20 =	vld [tilespmem:s7+$0xFFFFFFA0]  }
0x106: {  	v21 =	vld [tilespmem:s17+$0xFFFFFFB0]  }
0x107: {  	v22 =	vld [tilespmem:s7+$0xFFFFFFB0];
	_ =	sdelay $0x4  }
0x108: {  	v0 =	vadd.f32 v20, v0;
	v23 =	vadd.f32 v22, v21;
	_ =	sdelay $0x1  }
0x109: {  	v0 =	vadd.s32 $0x8000, v0;
	v1 =	vadd.s32 $0x8000, v23  }
0x10a: {  	v0 =	vshrl.u32 v0, $0x10;
	v1 =	vand.u32 $0xFFFF0000, v1  }
0x10b: {  	v0 =	vor.u32 v0, v1  }
0x10c: {  	[tilespmem:s8+$0xFFFFFF90] =	vst v0  }
0x10d: {  	v0 =	vld [tilespmem:s17+$0xFFFFFFC0]  }
0x10e: {  	v24 =	vld [tilespmem:s7+$0xFFFFFFC0]  }
0x10f: {  	v25 =	vld [tilespmem:s17+$0xFFFFFFD0]  }
0x110: {  	v26 =	vld [tilespmem:s7+$0xFFFFFFD0];
	_ =	sdelay $0x4  }
0x111: {  	v0 =	vadd.f32 v24, v0;
	v27 =	vadd.f32 v26, v25;
	_ =	sdelay $0x1  }
0x112: {  	v0 =	vadd.s32 $0x8000, v0;
	v1 =	vadd.s32 $0x8000, v27  }
0x113: {  	v0 =	vshrl.u32 v0, $0x10;
	v1 =	vand.u32 $0xFFFF0000, v1  }
0x114: {  	v0 =	vor.u32 v0, v1  }
0x115: {  	[tilespmem:s8+$0xFFFFFFA0] =	vst v0  }
0x116: {  	v0 =	vld [tilespmem:s17+$0xFFFFFFE0]  }
0x117: {  	v28 =	vld [tilespmem:s7+$0xFFFFFFE0]  }
0x118: {  	v29 =	vld [tilespmem:s17+$0xFFFFFFF0]  }
0x119: {  	v30 =	vld [tilespmem:s7+$0xFFFFFFF0];
	_ =	sdelay $0x4  }
0x11a: {  	v0 =	vadd.f32 v28, v0;
	v31 =	vadd.f32 v30, v29;
	_ =	sdelay $0x1  }
0x11b: {  	v0 =	vadd.s32 $0x8000, v0;
	v1 =	vadd.s32 $0x8000, v31  }
0x11c: {  	v0 =	vshrl.u32 v0, $0x10;
	v1 =	vand.u32 $0xFFFF0000, v1  }
0x11d: {  	v0 =	vor.u32 v0, v1  }
0x11e: {  	[tilespmem:s8+$0xFFFFFFB0] =	vst v0  }
0x11f: {  	v0 =	vld [tilespmem:s17+$0x0]  }
0x120: {  	v32 =	vld [tilespmem:s7+$0x0]  }
0x121: {  	v33 =	vld [tilespmem:s17+$0x10]  }
0x122: {  	v34 =	vld [tilespmem:s7+$0x10];
	_ =	sdelay $0x4  }
0x123: {  	v0 =	vadd.f32 v32, v0;
	v35 =	vadd.f32 v34, v33;
	_ =	sdelay $0x1  }
0x124: {  	v0 =	vadd.s32 $0x8000, v0;
	v1 =	vadd.s32 $0x8000, v35  }
0x125: {  	v0 =	vshrl.u32 v0, $0x10;
	v1 =	vand.u32 $0xFFFF0000, v1  }
0x126: {  	v0 =	vor.u32 v0, v1  }
0x127: {  	[tilespmem:s8+$0x0] =	vst v0  }
0x128: {  	v0 =	vld [tilespmem:s17+$0x20]  }
0x129: {  	v36 =	vld [tilespmem:s7+$0x20]  }
0x12a: {  	v37 =	vld [tilespmem:s17+$0x30]  }
0x12b: {  	v38 =	vld [tilespmem:s7+$0x30];
	_ =	sdelay $0x4  }
0x12c: {  	v0 =	vadd.f32 v36, v0;
	v39 =	vadd.f32 v38, v37;
	_ =	sdelay $0x1  }
0x12d: {  	v0 =	vadd.s32 $0x8000, v0;
	v1 =	vadd.s32 $0x8000, v39  }
0x12e: {  	v0 =	vshrl.u32 v0, $0x10;
	v1 =	vand.u32 $0xFFFF0000, v1  }
0x12f: {  	v0 =	vor.u32 v0, v1  }
0x130: {  	[tilespmem:s8+$0x10] =	vst v0  }
0x131: {  	v0 =	vld [tilespmem:s17+$0x40]  }
0x132: {  	v40 =	vld [tilespmem:s7+$0x40]  }
0x133: {  	v41 =	vld [tilespmem:s17+$0x50]  }
0x134: {  	v42 =	vld [tilespmem:s7+$0x50];
	_ =	sdelay $0x4  }
0x135: {  	v0 =	vadd.f32 v40, v0;
	v43 =	vadd.f32 v42, v41;
	_ =	sdelay $0x1  }
0x136: {  	v0 =	vadd.s32 $0x8000, v0;
	v1 =	vadd.s32 $0x8000, v43  }
0x137: {  	v0 =	vshrl.u32 v0, $0x10;
	v1 =	vand.u32 $0xFFFF0000, v1  }
0x138: {  	v0 =	vor.u32 v0, v1  }
0x139: {  	[tilespmem:s8+$0x20] =	vst v0  }
0x13a: {  	v0 =	vld [tilespmem:s17+$0x60]  }
0x13b: {  	v44 =	vld [tilespmem:s7+$0x60]  }
0x13c: {  	v45 =	vld [tilespmem:s17+$0x70]  }
0x13d: {  	v46 =	vld [tilespmem:s7+$0x70];
	_ =	sdelay $0x4  }
0x13e: {  	v0 =	vadd.f32 v44, v0;
	v47 =	vadd.f32 v46, v45;
	_ =	sdelay $0x1  }
0x13f: {  	v0 =	vadd.s32 $0x8000, v0;
	v1 =	vadd.s32 $0x8000, v47  }
0x140: {  	v0 =	vshrl.u32 v0, $0x10;
	v1 =	vand.u32 $0xFFFF0000, v1  }
0x141: {  	v0 =	vor.u32 v0, v1  }
0x142: {  	[tilespmem:s8+$0x30] =	vst v0  }
0x143: {  	v0 =	vld [tilespmem:s17+$0x80]  }
0x144: {  	v48 =	vld [tilespmem:s7+$0x80]  }
0x145: {  	v49 =	vld [tilespmem:s17+$0x90]  }
0x146: {  	v50 =	vld [tilespmem:s7+$0x90];
	_ =	sdelay $0x4  }
0x147: {  	v0 =	vadd.f32 v48, v0;
	v51 =	vadd.f32 v50, v49;
	_ =	sdelay $0x1  }
0x148: {  	v0 =	vadd.s32 $0x8000, v0;
	v1 =	vadd.s32 $0x8000, v51  }
0x149: {  	v0 =	vshrl.u32 v0, $0x10;
	v1 =	vand.u32 $0xFFFF0000, v1  }
0x14a: {  	v0 =	vor.u32 v0, v1  }
0x14b: {  	[tilespmem:s8+$0x80] =	vst v0  }
0x14c: {  	v0 =	vld [tilespmem:s17+$0xA0]  }
0x14d: {  	v52 =	vld [tilespmem:s7+$0xA0]  }
0x14e: {  	v53 =	vld [tilespmem:s17+$0xB0]  }
0x14f: {  	v54 =	vld [tilespmem:s7+$0xB0];
	_ =	sdelay $0x4  }
0x150: {  	v0 =	vadd.f32 v52, v0;
	v55 =	vadd.f32 v54, v53;
	_ =	sdelay $0x1  }
0x151: {  	v0 =	vadd.s32 $0x8000, v0;
	v1 =	vadd.s32 $0x8000, v55  }
0x152: {  	v0 =	vshrl.u32 v0, $0x10;
	v1 =	vand.u32 $0xFFFF0000, v1  }
0x153: {  	v0 =	vor.u32 v0, v1  }
0x154: {  	[tilespmem:s8+$0x90] =	vst v0  }
0x155: {  	v0 =	vld [tilespmem:s17+$0xC0]  }
0x156: {  	v56 =	vld [tilespmem:s7+$0xC0]  }
0x157: {  	v57 =	vld [tilespmem:s17+$0xD0]  }
0x158: {  	v58 =	vld [tilespmem:s7+$0xD0];
	_ =	sdelay $0x4  }
0x159: {  	v0 =	vadd.f32 v56, v0;
	v59 =	vadd.f32 v58, v57;
	_ =	sdelay $0x1  }
0x15a: {  	v0 =	vadd.s32 $0x8000, v0;
	v1 =	vadd.s32 $0x8000, v59  }
0x15b: {  	v0 =	vshrl.u32 v0, $0x10;
	v1 =	vand.u32 $0xFFFF0000, v1  }
0x15c: {  	v0 =	vor.u32 v0, v1  }
0x15d: {  	[tilespmem:s8+$0xA0] =	vst v0  }
0x15e: {  	v0 =	vld [tilespmem:s17+$0xE0]  }
0x15f: {  	v60 =	vld [tilespmem:s7+$0xE0]  }
0x160: {  	v61 =	vld [tilespmem:s17+$0xF0]  }
0x161: {  	v62 =	vld [tilespmem:s7+$0xF0];
	_ =	sdelay $0x3  }
0x162: {  	s15 =	sadd.s32 $0x4, s15  }
0x163: {  	p0 =	slt.u32 s15, $0x4C;
	v0 =	vadd.f32 v60, v0;
	v63 =	vadd.f32 v62, v61  }
.Ltmp1:
0x164: {  	_ = 	snop;
	(pc) =	sbr.rel @p0 .LBB2_5-.Ltmp1, $4  }
0x165: {  	v0 =	vadd.s32 $0x8000, v0;
	v1 =	vadd.s32 $0x8000, v63  }
0x166: {  	v0 =	vshrl.u32 v0, $0x10;
	v1 =	vand.u32 $0xFFFF0000, v1  }
0x167: {  	v0 =	vor.u32 v0, v1  }
0x168: {  	s17 =	sadd.s32 $0x200, s17;
	s7 =	sadd.s32 $0x200, s7;
	[tilespmem:s8+$0xB0] =	vst v0;
	s8 =	sadd.s32 $0x200, s8  }
0x169: {  	s7 =	sadd.s32 s14, s9  }
0x16a: {  	s7 =	sshll.u32 s7, $0x4  }
0x16b: {  	p0 =	seq.s32 s31, $0x1E;
	s7 =	sadd.s32 s5, s7  }
0x16c: {  	[hbm4b:s7+s3] =	stream.linear.scatter [tilespmem:s23], [sflag:$0x6], $0x2800, $0x38;
	[tilespmem:$0x1DF00] =	vst v63  }
0x16d: {  	s8 =	simm.s32 @!p0 $0x50;
	s15 =	simm.s32 @!p0 $0x7700;
	s7 =	sadd.s32 @!p0 $0x190, s14  }
0x16e: {  	[tilespmem:s15], [sflag:$0x2] =	stream.indirect.gather @!p0 [hbm4b:s2+s8], $0x80, s7, s8, $0xb8;
	[tilespmem:$0x1DF00] =	vst v63  }
0x16f: {  	s7 =	sadd.s32 @!p0 $0x2910, s14;
	s15 =	simm.s32 @!p0 $0x11700  }
0x170: {  	[tilespmem:s15], [sflag:$0x2] =	stream.indirect.gather @!p0 [hbm4b:s4+s8], $0x80, s7, s8, $0xb8;
	[tilespmem:$0x1DF00] =	vst v63  }
0x171: {  	_ =	swait.ge [sflag:s24], $0x2800  }
0x172: {  	[sflag:s24] =	ssyncset.done $0x0  }
0x173: {  	[sflag:s24] =	ssyncadd.s32 $0xFFFFD800  }
0x174: {  	_ =	swait.ge [sflag:s24], $0x2800  }
0x175: {  	[sflag:s24] =	ssyncset.done $0x0  }
0x176: {  	[sflag:s24] =	ssyncadd.s32 $0xFFFFD800  }
0x177: {  	_ =	swait.ge [sflag:s25], $0x2800  }
0x178: {  	s17 =	simm.s32 $0xA000;
	s15 =	simm.s32 $0xFFFFFFFC;
	[sflag:s25] =	ssyncset.done $0x0  }
0x179: {  	s7 =	simm.s32 $0x14000;
	s8 =	simm.s32 $0x19000;
	[sflag:s25] =	ssyncadd.s32 $0xFFFFD800  }
.LBB2_7:
0x17a: {  	v0 =	vld [tilespmem:s17+$0xFFFFFF00]  }
0x17b: {  	v1 =	vld [tilespmem:s7+$0xFFFFFF00]  }
0x17c: {  	v2 =	vld [tilespmem:s17+$0xFFFFFF10]  }
0x17d: {  	v3 =	vld [tilespmem:s7+$0xFFFFFF10];
	_ =	sdelay $0x4  }
0x17e: {  	v0 =	vadd.f32 v1, v0;
	v61 =	vadd.f32 v3, v2;
	_ =	sdelay $0x1  }
0x17f: {  	v0 =	vadd.s32 $0x8000, v0;
	v1 =	vadd.s32 $0x8000, v61  }
0x180: {  	v0 =	vshrl.u32 v0, $0x10;
	v1 =	vand.u32 $0xFFFF0000, v1  }
0x181: {  	v0 =	vor.u32 v0, v1  }
0x182: {  	[tilespmem:s8+$0xFFFFFF00] =	vst v0  }
0x183: {  	v0 =	vld [tilespmem:s17+$0xFFFFFF20]  }
0x184: {  	v62 =	vld [tilespmem:s7+$0xFFFFFF20]  }
0x185: {  	v63 =	vld [tilespmem:s17+$0xFFFFFF30]  }
0x186: {  	v6 =	vld [tilespmem:s7+$0xFFFFFF30];
	_ =	sdelay $0x4  }
0x187: {  	v0 =	vadd.f32 v62, v0;
	v7 =	vadd.f32 v6, v63;
	_ =	sdelay $0x1  }
0x188: {  	v0 =	vadd.s32 $0x8000, v0;
	v1 =	vadd.s32 $0x8000, v7  }
0x189: {  	v0 =	vshrl.u32 v0, $0x10;
	v1 =	vand.u32 $0xFFFF0000, v1  }
0x18a: {  	v0 =	vor.u32 v0, v1  }
0x18b: {  	[tilespmem:s8+$0xFFFFFF10] =	vst v0  }
0x18c: {  	v0 =	vld [tilespmem:s17+$0xFFFFFF40]  }
0x18d: {  	v8 =	vld [tilespmem:s7+$0xFFFFFF40]  }
0x18e: {  	v9 =	vld [tilespmem:s17+$0xFFFFFF50]  }
0x18f: {  	v10 =	vld [tilespmem:s7+$0xFFFFFF50];
	_ =	sdelay $0x4  }
0x190: {  	v0 =	vadd.f32 v8, v0;
	v11 =	vadd.f32 v10, v9;
	_ =	sdelay $0x1  }
0x191: {  	v0 =	vadd.s32 $0x8000, v0;
	v1 =	vadd.s32 $0x8000, v11  }
0x192: {  	v0 =	vshrl.u32 v0, $0x10;
	v1 =	vand.u32 $0xFFFF0000, v1  }
0x193: {  	v0 =	vor.u32 v0, v1  }
0x194: {  	[tilespmem:s8+$0xFFFFFF20] =	vst v0  }
0x195: {  	v0 =	vld [tilespmem:s17+$0xFFFFFF60]  }
0x196: {  	v12 =	vld [tilespmem:s7+$0xFFFFFF60]  }
0x197: {  	v13 =	vld [tilespmem:s17+$0xFFFFFF70]  }
0x198: {  	v14 =	vld [tilespmem:s7+$0xFFFFFF70];
	_ =	sdelay $0x4  }
0x199: {  	v0 =	vadd.f32 v12, v0;
	v15 =	vadd.f32 v14, v13;
	_ =	sdelay $0x1  }
0x19a: {  	v0 =	vadd.s32 $0x8000, v0;
	v1 =	vadd.s32 $0x8000, v15  }
0x19b: {  	v0 =	vshrl.u32 v0, $0x10;
	v1 =	vand.u32 $0xFFFF0000, v1  }
0x19c: {  	v0 =	vor.u32 v0, v1  }
0x19d: {  	[tilespmem:s8+$0xFFFFFF30] =	vst v0  }
0x19e: {  	v0 =	vld [tilespmem:s17+$0xFFFFFF80]  }
0x19f: {  	v16 =	vld [tilespmem:s7+$0xFFFFFF80]  }
0x1a0: {  	v17 =	vld [tilespmem:s17+$0xFFFFFF90]  }
0x1a1: {  	v18 =	vld [tilespmem:s7+$0xFFFFFF90];
	_ =	sdelay $0x4  }
0x1a2: {  	v0 =	vadd.f32 v16, v0;
	v19 =	vadd.f32 v18, v17;
	_ =	sdelay $0x1  }
0x1a3: {  	v0 =	vadd.s32 $0x8000, v0;
	v1 =	vadd.s32 $0x8000, v19  }
0x1a4: {  	v0 =	vshrl.u32 v0, $0x10;
	v1 =	vand.u32 $0xFFFF0000, v1  }
0x1a5: {  	v0 =	vor.u32 v0, v1  }
0x1a6: {  	[tilespmem:s8+$0xFFFFFF80] =	vst v0  }
0x1a7: {  	v0 =	vld [tilespmem:s17+$0xFFFFFFA0]  }
0x1a8: {  	v20 =	vld [tilespmem:s7+$0xFFFFFFA0]  }
0x1a9: {  	v21 =	vld [tilespmem:s17+$0xFFFFFFB0]  }
0x1aa: {  	v22 =	vld [tilespmem:s7+$0xFFFFFFB0];
	_ =	sdelay $0x4  }
0x1ab: {  	v0 =	vadd.f32 v20, v0;
	v23 =	vadd.f32 v22, v21;
	_ =	sdelay $0x1  }
0x1ac: {  	v0 =	vadd.s32 $0x8000, v0;
	v1 =	vadd.s32 $0x8000, v23  }
0x1ad: {  	v0 =	vshrl.u32 v0, $0x10;
	v1 =	vand.u32 $0xFFFF0000, v1  }
0x1ae: {  	v0 =	vor.u32 v0, v1  }
0x1af: {  	[tilespmem:s8+$0xFFFFFF90] =	vst v0  }
0x1b0: {  	v0 =	vld [tilespmem:s17+$0xFFFFFFC0]  }
0x1b1: {  	v24 =	vld [tilespmem:s7+$0xFFFFFFC0]  }
0x1b2: {  	v25 =	vld [tilespmem:s17+$0xFFFFFFD0]  }
0x1b3: {  	v26 =	vld [tilespmem:s7+$0xFFFFFFD0];
	_ =	sdelay $0x4  }
0x1b4: {  	v0 =	vadd.f32 v24, v0;
	v27 =	vadd.f32 v26, v25;
	_ =	sdelay $0x1  }
0x1b5: {  	v0 =	vadd.s32 $0x8000, v0;
	v1 =	vadd.s32 $0x8000, v27  }
0x1b6: {  	v0 =	vshrl.u32 v0, $0x10;
	v1 =	vand.u32 $0xFFFF0000, v1  }
0x1b7: {  	v0 =	vor.u32 v0, v1  }
0x1b8: {  	[tilespmem:s8+$0xFFFFFFA0] =	vst v0  }
0x1b9: {  	v0 =	vld [tilespmem:s17+$0xFFFFFFE0]  }
0x1ba: {  	v28 =	vld [tilespmem:s7+$0xFFFFFFE0]  }
0x1bb: {  	v29 =	vld [tilespmem:s17+$0xFFFFFFF0]  }
0x1bc: {  	v30 =	vld [tilespmem:s7+$0xFFFFFFF0];
	_ =	sdelay $0x4  }
0x1bd: {  	v0 =	vadd.f32 v28, v0;
	v31 =	vadd.f32 v30, v29;
	_ =	sdelay $0x1  }
0x1be: {  	v0 =	vadd.s32 $0x8000, v0;
	v1 =	vadd.s32 $0x8000, v31  }
0x1bf: {  	v0 =	vshrl.u32 v0, $0x10;
	v1 =	vand.u32 $0xFFFF0000, v1  }
0x1c0: {  	v0 =	vor.u32 v0, v1  }
0x1c1: {  	[tilespmem:s8+$0xFFFFFFB0] =	vst v0  }
0x1c2: {  	v0 =	vld [tilespmem:s17+$0x0]  }
0x1c3: {  	v32 =	vld [tilespmem:s7+$0x0]  }
0x1c4: {  	v33 =	vld [tilespmem:s17+$0x10]  }
0x1c5: {  	v34 =	vld [tilespmem:s7+$0x10];
	_ =	sdelay $0x4  }
0x1c6: {  	v0 =	vadd.f32 v32, v0;
	v35 =	vadd.f32 v34, v33;
	_ =	sdelay $0x1  }
0x1c7: {  	v0 =	vadd.s32 $0x8000, v0;
	v1 =	vadd.s32 $0x8000, v35  }
0x1c8: {  	v0 =	vshrl.u32 v0, $0x10;
	v1 =	vand.u32 $0xFFFF0000, v1  }
0x1c9: {  	v0 =	vor.u32 v0, v1  }
0x1ca: {  	[tilespmem:s8+$0x0] =	vst v0  }
0x1cb: {  	v0 =	vld [tilespmem:s17+$0x20]  }
0x1cc: {  	v36 =	vld [tilespmem:s7+$0x20]  }
0x1cd: {  	v37 =	vld [tilespmem:s17+$0x30]  }
0x1ce: {  	v38 =	vld [tilespmem:s7+$0x30];
	_ =	sdelay $0x4  }
0x1cf: {  	v0 =	vadd.f32 v36, v0;
	v39 =	vadd.f32 v38, v37;
	_ =	sdelay $0x1  }
0x1d0: {  	v0 =	vadd.s32 $0x8000, v0;
	v1 =	vadd.s32 $0x8000, v39  }
0x1d1: {  	v0 =	vshrl.u32 v0, $0x10;
	v1 =	vand.u32 $0xFFFF0000, v1  }
0x1d2: {  	v0 =	vor.u32 v0, v1  }
0x1d3: {  	[tilespmem:s8+$0x10] =	vst v0  }
0x1d4: {  	v0 =	vld [tilespmem:s17+$0x40]  }
0x1d5: {  	v40 =	vld [tilespmem:s7+$0x40]  }
0x1d6: {  	v41 =	vld [tilespmem:s17+$0x50]  }
0x1d7: {  	v42 =	vld [tilespmem:s7+$0x50];
	_ =	sdelay $0x4  }
0x1d8: {  	v0 =	vadd.f32 v40, v0;
	v43 =	vadd.f32 v42, v41;
	_ =	sdelay $0x1  }
0x1d9: {  	v0 =	vadd.s32 $0x8000, v0;
	v1 =	vadd.s32 $0x8000, v43  }
0x1da: {  	v0 =	vshrl.u32 v0, $0x10;
	v1 =	vand.u32 $0xFFFF0000, v1  }
0x1db: {  	v0 =	vor.u32 v0, v1  }
0x1dc: {  	[tilespmem:s8+$0x20] =	vst v0  }
0x1dd: {  	v0 =	vld [tilespmem:s17+$0x60]  }
0x1de: {  	v44 =	vld [tilespmem:s7+$0x60]  }
0x1df: {  	v45 =	vld [tilespmem:s17+$0x70]  }
0x1e0: {  	v46 =	vld [tilespmem:s7+$0x70];
	_ =	sdelay $0x4  }
0x1e1: {  	v0 =	vadd.f32 v44, v0;
	v47 =	vadd.f32 v46, v45;
	_ =	sdelay $0x1  }
0x1e2: {  	v0 =	vadd.s32 $0x8000, v0;
	v1 =	vadd.s32 $0x8000, v47  }
0x1e3: {  	v0 =	vshrl.u32 v0, $0x10;
	v1 =	vand.u32 $0xFFFF0000, v1  }
0x1e4: {  	v0 =	vor.u32 v0, v1  }
0x1e5: {  	[tilespmem:s8+$0x30] =	vst v0  }
0x1e6: {  	v0 =	vld [tilespmem:s17+$0x80]  }
0x1e7: {  	v48 =	vld [tilespmem:s7+$0x80]  }
0x1e8: {  	v49 =	vld [tilespmem:s17+$0x90]  }
0x1e9: {  	v50 =	vld [tilespmem:s7+$0x90];
	_ =	sdelay $0x4  }
0x1ea: {  	v0 =	vadd.f32 v48, v0;
	v51 =	vadd.f32 v50, v49;
	_ =	sdelay $0x1  }
0x1eb: {  	v0 =	vadd.s32 $0x8000, v0;
	v1 =	vadd.s32 $0x8000, v51  }
0x1ec: {  	v0 =	vshrl.u32 v0, $0x10;
	v1 =	vand.u32 $0xFFFF0000, v1  }
0x1ed: {  	v0 =	vor.u32 v0, v1  }
0x1ee: {  	[tilespmem:s8+$0x80] =	vst v0  }
0x1ef: {  	v0 =	vld [tilespmem:s17+$0xA0]  }
0x1f0: {  	v52 =	vld [tilespmem:s7+$0xA0]  }
0x1f1: {  	v53 =	vld [tilespmem:s17+$0xB0]  }
0x1f2: {  	v54 =	vld [tilespmem:s7+$0xB0];
	_ =	sdelay $0x4  }
0x1f3: {  	v0 =	vadd.f32 v52, v0;
	v55 =	vadd.f32 v54, v53;
	_ =	sdelay $0x1  }
0x1f4: {  	v0 =	vadd.s32 $0x8000, v0;
	v1 =	vadd.s32 $0x8000, v55  }
0x1f5: {  	v0 =	vshrl.u32 v0, $0x10;
	v1 =	vand.u32 $0xFFFF0000, v1  }
0x1f6: {  	v0 =	vor.u32 v0, v1  }
0x1f7: {  	[tilespmem:s8+$0x90] =	vst v0  }
0x1f8: {  	v0 =	vld [tilespmem:s17+$0xC0]  }
0x1f9: {  	v56 =	vld [tilespmem:s7+$0xC0]  }
0x1fa: {  	v57 =	vld [tilespmem:s17+$0xD0]  }
0x1fb: {  	v58 =	vld [tilespmem:s7+$0xD0];
	_ =	sdelay $0x4  }
0x1fc: {  	v0 =	vadd.f32 v56, v0;
	v59 =	vadd.f32 v58, v57;
	_ =	sdelay $0x1  }
0x1fd: {  	v0 =	vadd.s32 $0x8000, v0;
	v1 =	vadd.s32 $0x8000, v59  }
0x1fe: {  	v0 =	vshrl.u32 v0, $0x10;
	v1 =	vand.u32 $0xFFFF0000, v1  }
0x1ff: {  	v0 =	vor.u32 v0, v1  }
0x200: {  	[tilespmem:s8+$0xA0] =	vst v0  }
0x201: {  	v0 =	vld [tilespmem:s17+$0xE0]  }
0x202: {  	v60 =	vld [tilespmem:s7+$0xE0]  }
0x203: {  	v61 =	vld [tilespmem:s17+$0xF0]  }
0x204: {  	v62 =	vld [tilespmem:s7+$0xF0];
	_ =	sdelay $0x3  }
0x205: {  	s15 =	sadd.s32 $0x4, s15  }
0x206: {  	p1 =	slt.u32 s15, $0x4C;
	v0 =	vadd.f32 v60, v0;
	v63 =	vadd.f32 v62, v61  }
.Ltmp2:
0x207: {  	_ = 	snop;
	(pc) =	sbr.rel @p1 .LBB2_7-.Ltmp2, $4  }
0x208: {  	v0 =	vadd.s32 $0x8000, v0;
	v1 =	vadd.s32 $0x8000, v63  }
0x209: {  	v0 =	vshrl.u32 v0, $0x10;
	v1 =	vand.u32 $0xFFFF0000, v1  }
0x20a: {  	v0 =	vor.u32 v0, v1  }
0x20b: {  	s17 =	sadd.s32 $0x200, s17;
	s7 =	sadd.s32 $0x200, s7;
	[tilespmem:s8+$0xB0] =	vst v0;
	s8 =	sadd.s32 $0x200, s8  }
0x20c: {  	s7 =	sadd.s32 s14, s10  }
0x20d: {  	s7 =	sshll.u32 s7, $0x4  }
0x20e: {  	s7 =	sadd.s32 s5, s7  }
0x20f: {  	[hbm4b:s7+s3] =	stream.linear.scatter [tilespmem:s21], [sflag:$0x5], $0x2800, $0x38;
	[tilespmem:$0x1DF00] =	vst v63  }
0x210: {  	s8 =	simm.s32 @!p0 $0x50;
	s15 =	simm.s32 @!p0 $0x9F00;
	s7 =	sadd.s32 @!p0 $0x1E0, s14  }
0x211: {  	[tilespmem:s15], [sflag:$0x3] =	stream.indirect.gather @!p0 [hbm4b:s2+s8], $0x80, s7, s8, $0xb8;
	[tilespmem:$0x1DF00] =	vst v63  }
0x212: {  	s7 =	sadd.s32 @!p0 $0x2960, s14;
	s15 =	simm.s32 @!p0 $0x13F00  }
0x213: {  	[tilespmem:s15], [sflag:$0x3] =	stream.indirect.gather @!p0 [hbm4b:s4+s8], $0x80, s7, s8, $0xb8;
	[tilespmem:$0x1DF00] =	vst v63  }
0x214: {  	_ =	swait.ge [sflag:s26], $0x2800  }
0x215: {  	[sflag:s26] =	ssyncset.done $0x0  }
0x216: {  	[sflag:s26] =	ssyncadd.s32 $0xFFFFD800  }
0x217: {  	_ =	swait.ge [sflag:s26], $0x2800  }
0x218: {  	[sflag:s26] =	ssyncset.done $0x0  }
0x219: {  	[sflag:s26] =	ssyncadd.s32 $0xFFFFD800  }
0x21a: {  	_ =	swait.ge [sflag:s28], $0x2800  }
0x21b: {  	s17 =	simm.s32 $0xC800;
	s15 =	simm.s32 $0xFFFFFFFC;
	[sflag:s28] =	ssyncset.done $0x0  }
0x21c: {  	s7 =	simm.s32 $0x16800;
	s8 =	simm.s32 $0x1B800;
	[sflag:s28] =	ssyncadd.s32 $0xFFFFD800  }
.LBB2_9:
0x21d: {  	v0 =	vld [tilespmem:s17+$0xFFFFFF00]  }
0x21e: {  	v1 =	vld [tilespmem:s7+$0xFFFFFF00]  }
0x21f: {  	v2 =	vld [tilespmem:s17+$0xFFFFFF10]  }
0x220: {  	v3 =	vld [tilespmem:s7+$0xFFFFFF10];
	_ =	sdelay $0x4  }
0x221: {  	v0 =	vadd.f32 v1, v0;
	v61 =	vadd.f32 v3, v2;
	_ =	sdelay $0x1  }
0x222: {  	v0 =	vadd.s32 $0x8000, v0;
	v1 =	vadd.s32 $0x8000, v61  }
0x223: {  	v0 =	vshrl.u32 v0, $0x10;
	v1 =	vand.u32 $0xFFFF0000, v1  }
0x224: {  	v0 =	vor.u32 v0, v1  }
0x225: {  	[tilespmem:s8+$0xFFFFFF00] =	vst v0  }
0x226: {  	v0 =	vld [tilespmem:s17+$0xFFFFFF20]  }
0x227: {  	v62 =	vld [tilespmem:s7+$0xFFFFFF20]  }
0x228: {  	v63 =	vld [tilespmem:s17+$0xFFFFFF30]  }
0x229: {  	v6 =	vld [tilespmem:s7+$0xFFFFFF30];
	_ =	sdelay $0x4  }
0x22a: {  	v0 =	vadd.f32 v62, v0;
	v7 =	vadd.f32 v6, v63;
	_ =	sdelay $0x1  }
0x22b: {  	v0 =	vadd.s32 $0x8000, v0;
	v1 =	vadd.s32 $0x8000, v7  }
0x22c: {  	v0 =	vshrl.u32 v0, $0x10;
	v1 =	vand.u32 $0xFFFF0000, v1  }
0x22d: {  	v0 =	vor.u32 v0, v1  }
0x22e: {  	[tilespmem:s8+$0xFFFFFF10] =	vst v0  }
0x22f: {  	v0 =	vld [tilespmem:s17+$0xFFFFFF40]  }
0x230: {  	v8 =	vld [tilespmem:s7+$0xFFFFFF40]  }
0x231: {  	v9 =	vld [tilespmem:s17+$0xFFFFFF50]  }
0x232: {  	v10 =	vld [tilespmem:s7+$0xFFFFFF50];
	_ =	sdelay $0x4  }
0x233: {  	v0 =	vadd.f32 v8, v0;
	v11 =	vadd.f32 v10, v9;
	_ =	sdelay $0x1  }
0x234: {  	v0 =	vadd.s32 $0x8000, v0;
	v1 =	vadd.s32 $0x8000, v11  }
0x235: {  	v0 =	vshrl.u32 v0, $0x10;
	v1 =	vand.u32 $0xFFFF0000, v1  }
0x236: {  	v0 =	vor.u32 v0, v1  }
0x237: {  	[tilespmem:s8+$0xFFFFFF20] =	vst v0  }
0x238: {  	v0 =	vld [tilespmem:s17+$0xFFFFFF60]  }
0x239: {  	v12 =	vld [tilespmem:s7+$0xFFFFFF60]  }
0x23a: {  	v13 =	vld [tilespmem:s17+$0xFFFFFF70]  }
0x23b: {  	v14 =	vld [tilespmem:s7+$0xFFFFFF70];
	_ =	sdelay $0x4  }
0x23c: {  	v0 =	vadd.f32 v12, v0;
	v15 =	vadd.f32 v14, v13;
	_ =	sdelay $0x1  }
0x23d: {  	v0 =	vadd.s32 $0x8000, v0;
	v1 =	vadd.s32 $0x8000, v15  }
0x23e: {  	v0 =	vshrl.u32 v0, $0x10;
	v1 =	vand.u32 $0xFFFF0000, v1  }
0x23f: {  	v0 =	vor.u32 v0, v1  }
0x240: {  	[tilespmem:s8+$0xFFFFFF30] =	vst v0  }
0x241: {  	v0 =	vld [tilespmem:s17+$0xFFFFFF80]  }
0x242: {  	v16 =	vld [tilespmem:s7+$0xFFFFFF80]  }
0x243: {  	v17 =	vld [tilespmem:s17+$0xFFFFFF90]  }
0x244: {  	v18 =	vld [tilespmem:s7+$0xFFFFFF90];
	_ =	sdelay $0x4  }
0x245: {  	v0 =	vadd.f32 v16, v0;
	v19 =	vadd.f32 v18, v17;
	_ =	sdelay $0x1  }
0x246: {  	v0 =	vadd.s32 $0x8000, v0;
	v1 =	vadd.s32 $0x8000, v19  }
0x247: {  	v0 =	vshrl.u32 v0, $0x10;
	v1 =	vand.u32 $0xFFFF0000, v1  }
0x248: {  	v0 =	vor.u32 v0, v1  }
0x249: {  	[tilespmem:s8+$0xFFFFFF80] =	vst v0  }
0x24a: {  	v0 =	vld [tilespmem:s17+$0xFFFFFFA0]  }
0x24b: {  	v20 =	vld [tilespmem:s7+$0xFFFFFFA0]  }
0x24c: {  	v21 =	vld [tilespmem:s17+$0xFFFFFFB0]  }
0x24d: {  	v22 =	vld [tilespmem:s7+$0xFFFFFFB0];
	_ =	sdelay $0x4  }
0x24e: {  	v0 =	vadd.f32 v20, v0;
	v23 =	vadd.f32 v22, v21;
	_ =	sdelay $0x1  }
0x24f: {  	v0 =	vadd.s32 $0x8000, v0;
	v1 =	vadd.s32 $0x8000, v23  }
0x250: {  	v0 =	vshrl.u32 v0, $0x10;
	v1 =	vand.u32 $0xFFFF0000, v1  }
0x251: {  	v0 =	vor.u32 v0, v1  }
0x252: {  	[tilespmem:s8+$0xFFFFFF90] =	vst v0  }
0x253: {  	v0 =	vld [tilespmem:s17+$0xFFFFFFC0]  }
0x254: {  	v24 =	vld [tilespmem:s7+$0xFFFFFFC0]  }
0x255: {  	v25 =	vld [tilespmem:s17+$0xFFFFFFD0]  }
0x256: {  	v26 =	vld [tilespmem:s7+$0xFFFFFFD0];
	_ =	sdelay $0x4  }
0x257: {  	v0 =	vadd.f32 v24, v0;
	v27 =	vadd.f32 v26, v25;
	_ =	sdelay $0x1  }
0x258: {  	v0 =	vadd.s32 $0x8000, v0;
	v1 =	vadd.s32 $0x8000, v27  }
0x259: {  	v0 =	vshrl.u32 v0, $0x10;
	v1 =	vand.u32 $0xFFFF0000, v1  }
0x25a: {  	v0 =	vor.u32 v0, v1  }
0x25b: {  	[tilespmem:s8+$0xFFFFFFA0] =	vst v0  }
0x25c: {  	v0 =	vld [tilespmem:s17+$0xFFFFFFE0]  }
0x25d: {  	v28 =	vld [tilespmem:s7+$0xFFFFFFE0]  }
0x25e: {  	v29 =	vld [tilespmem:s17+$0xFFFFFFF0]  }
0x25f: {  	v30 =	vld [tilespmem:s7+$0xFFFFFFF0];
	_ =	sdelay $0x4  }
0x260: {  	v0 =	vadd.f32 v28, v0;
	v31 =	vadd.f32 v30, v29;
	_ =	sdelay $0x1  }
0x261: {  	v0 =	vadd.s32 $0x8000, v0;
	v1 =	vadd.s32 $0x8000, v31  }
0x262: {  	v0 =	vshrl.u32 v0, $0x10;
	v1 =	vand.u32 $0xFFFF0000, v1  }
0x263: {  	v0 =	vor.u32 v0, v1  }
0x264: {  	[tilespmem:s8+$0xFFFFFFB0] =	vst v0  }
0x265: {  	v0 =	vld [tilespmem:s17+$0x0]  }
0x266: {  	v32 =	vld [tilespmem:s7+$0x0]  }
0x267: {  	v33 =	vld [tilespmem:s17+$0x10]  }
0x268: {  	v34 =	vld [tilespmem:s7+$0x10];
	_ =	sdelay $0x4  }
0x269: {  	v0 =	vadd.f32 v32, v0;
	v35 =	vadd.f32 v34, v33;
	_ =	sdelay $0x1  }
0x26a: {  	v0 =	vadd.s32 $0x8000, v0;
	v1 =	vadd.s32 $0x8000, v35  }
0x26b: {  	v0 =	vshrl.u32 v0, $0x10;
	v1 =	vand.u32 $0xFFFF0000, v1  }
0x26c: {  	v0 =	vor.u32 v0, v1  }
0x26d: {  	[tilespmem:s8+$0x0] =	vst v0  }
0x26e: {  	v0 =	vld [tilespmem:s17+$0x20]  }
0x26f: {  	v36 =	vld [tilespmem:s7+$0x20]  }
0x270: {  	v37 =	vld [tilespmem:s17+$0x30]  }
0x271: {  	v38 =	vld [tilespmem:s7+$0x30];
	_ =	sdelay $0x4  }
0x272: {  	v0 =	vadd.f32 v36, v0;
	v39 =	vadd.f32 v38, v37;
	_ =	sdelay $0x1  }
0x273: {  	v0 =	vadd.s32 $0x8000, v0;
	v1 =	vadd.s32 $0x8000, v39  }
0x274: {  	v0 =	vshrl.u32 v0, $0x10;
	v1 =	vand.u32 $0xFFFF0000, v1  }
0x275: {  	v0 =	vor.u32 v0, v1  }
0x276: {  	[tilespmem:s8+$0x10] =	vst v0  }
0x277: {  	v0 =	vld [tilespmem:s17+$0x40]  }
0x278: {  	v40 =	vld [tilespmem:s7+$0x40]  }
0x279: {  	v41 =	vld [tilespmem:s17+$0x50]  }
0x27a: {  	v42 =	vld [tilespmem:s7+$0x50];
	_ =	sdelay $0x4  }
0x27b: {  	v0 =	vadd.f32 v40, v0;
	v43 =	vadd.f32 v42, v41;
	_ =	sdelay $0x1  }
0x27c: {  	v0 =	vadd.s32 $0x8000, v0;
	v1 =	vadd.s32 $0x8000, v43  }
0x27d: {  	v0 =	vshrl.u32 v0, $0x10;
	v1 =	vand.u32 $0xFFFF0000, v1  }
0x27e: {  	v0 =	vor.u32 v0, v1  }
0x27f: {  	[tilespmem:s8+$0x20] =	vst v0  }
0x280: {  	v0 =	vld [tilespmem:s17+$0x60]  }
0x281: {  	v44 =	vld [tilespmem:s7+$0x60]  }
0x282: {  	v45 =	vld [tilespmem:s17+$0x70]  }
0x283: {  	v46 =	vld [tilespmem:s7+$0x70];
	_ =	sdelay $0x4  }
0x284: {  	v0 =	vadd.f32 v44, v0;
	v47 =	vadd.f32 v46, v45;
	_ =	sdelay $0x1  }
0x285: {  	v0 =	vadd.s32 $0x8000, v0;
	v1 =	vadd.s32 $0x8000, v47  }
0x286: {  	v0 =	vshrl.u32 v0, $0x10;
	v1 =	vand.u32 $0xFFFF0000, v1  }
0x287: {  	v0 =	vor.u32 v0, v1  }
0x288: {  	[tilespmem:s8+$0x30] =	vst v0  }
0x289: {  	v0 =	vld [tilespmem:s17+$0x80]  }
0x28a: {  	v48 =	vld [tilespmem:s7+$0x80]  }
0x28b: {  	v49 =	vld [tilespmem:s17+$0x90]  }
0x28c: {  	v50 =	vld [tilespmem:s7+$0x90];
	_ =	sdelay $0x4  }
0x28d: {  	v0 =	vadd.f32 v48, v0;
	v51 =	vadd.f32 v50, v49;
	_ =	sdelay $0x1  }
0x28e: {  	v0 =	vadd.s32 $0x8000, v0;
	v1 =	vadd.s32 $0x8000, v51  }
0x28f: {  	v0 =	vshrl.u32 v0, $0x10;
	v1 =	vand.u32 $0xFFFF0000, v1  }
0x290: {  	v0 =	vor.u32 v0, v1  }
0x291: {  	[tilespmem:s8+$0x80] =	vst v0  }
0x292: {  	v0 =	vld [tilespmem:s17+$0xA0]  }
0x293: {  	v52 =	vld [tilespmem:s7+$0xA0]  }
0x294: {  	v53 =	vld [tilespmem:s17+$0xB0]  }
0x295: {  	v54 =	vld [tilespmem:s7+$0xB0];
	_ =	sdelay $0x4  }
0x296: {  	v0 =	vadd.f32 v52, v0;
	v55 =	vadd.f32 v54, v53;
	_ =	sdelay $0x1  }
0x297: {  	v0 =	vadd.s32 $0x8000, v0;
	v1 =	vadd.s32 $0x8000, v55  }
0x298: {  	v0 =	vshrl.u32 v0, $0x10;
	v1 =	vand.u32 $0xFFFF0000, v1  }
0x299: {  	v0 =	vor.u32 v0, v1  }
0x29a: {  	[tilespmem:s8+$0x90] =	vst v0  }
0x29b: {  	v0 =	vld [tilespmem:s17+$0xC0]  }
0x29c: {  	v56 =	vld [tilespmem:s7+$0xC0]  }
0x29d: {  	v57 =	vld [tilespmem:s17+$0xD0]  }
0x29e: {  	v58 =	vld [tilespmem:s7+$0xD0];
	_ =	sdelay $0x4  }
0x29f: {  	v0 =	vadd.f32 v56, v0;
	v59 =	vadd.f32 v58, v57;
	_ =	sdelay $0x1  }
0x2a0: {  	v0 =	vadd.s32 $0x8000, v0;
	v1 =	vadd.s32 $0x8000, v59  }
0x2a1: {  	v0 =	vshrl.u32 v0, $0x10;
	v1 =	vand.u32 $0xFFFF0000, v1  }
0x2a2: {  	v0 =	vor.u32 v0, v1  }
0x2a3: {  	[tilespmem:s8+$0xA0] =	vst v0  }
0x2a4: {  	v0 =	vld [tilespmem:s17+$0xE0]  }
0x2a5: {  	v60 =	vld [tilespmem:s7+$0xE0]  }
0x2a6: {  	v61 =	vld [tilespmem:s17+$0xF0]  }
0x2a7: {  	v62 =	vld [tilespmem:s7+$0xF0];
	_ =	sdelay $0x3  }
0x2a8: {  	s15 =	sadd.s32 $0x4, s15  }
0x2a9: {  	p1 =	slt.u32 s15, $0x4C;
	v0 =	vadd.f32 v60, v0;
	v63 =	vadd.f32 v62, v61  }
.Ltmp3:
0x2aa: {  	_ = 	snop;
	(pc) =	sbr.rel @p1 .LBB2_9-.Ltmp3, $4  }
0x2ab: {  	v0 =	vadd.s32 $0x8000, v0;
	v1 =	vadd.s32 $0x8000, v63  }
0x2ac: {  	v0 =	vshrl.u32 v0, $0x10;
	v1 =	vand.u32 $0xFFFF0000, v1  }
0x2ad: {  	v0 =	vor.u32 v0, v1  }
0x2ae: {  	s17 =	sadd.s32 $0x200, s17;
	s7 =	sadd.s32 $0x200, s7;
	[tilespmem:s8+$0xB0] =	vst v0;
	s8 =	sadd.s32 $0x200, s8  }
.Ltmp4:
0x2af: {  	(pc) =	sbr.rel @p0 .LBB2_12-.Ltmp4, $4  }
0x2b0: {  	s7 =	sadd.s32 s14, s11  }
0x2b1: {  	s7 =	sshll.u32 s7, $0x4  }
0x2b2: {  	s7 =	sadd.s32 s5, s7  }
0x2b3: {  	[hbm4b:s7+s3] =	stream.linear.scatter [tilespmem:s23], [sflag:$0x6], $0x2800, $0x38;
	[tilespmem:$0x1DF00] =	vst v63  }
.Ltmp5:
0x2b4: {  	(pc) =	sbr.rel .LBB2_2-.Ltmp5, $4  }
0x2b5: {  	s7 =	sadd.s32 $0x230, s14  }
0x2b6: {  	[tilespmem:s30], [sflag:$0x4] =	stream.indirect.gather [hbm4b:s2+s18], $0x80, s7, s18, $0xb8;
	[tilespmem:$0x1DF00] =	vst v63  }
0x2b7: {  	s17 =	sadd.s32 $0x29B0, s14;
	s31 =	sadd.s32 $0x1, s31  }
0x2b8: {  	[tilespmem:s1], [sflag:$0x4] =	stream.indirect.gather [hbm4b:s4+s18], $0x80, s17, s18, $0xb8;
	[tilespmem:$0x1DF00] =	vst v63  }
.LBB2_12:
0x2b9: {  	_ =	swait.ge [sflag:s0], $0x2800  }
0x2ba: {  	[sflag:s0] =	ssyncset.done $0x0  }
0x2bb: {  	[sflag:s0] =	ssyncadd.s32 $0xFFFFD800  }
0x2bc: {  	_ =	swait.ge [sflag:s0], $0x2800  }
0x2bd: {  	[sflag:s0] =	ssyncset.done $0x0  }
0x2be: {  	[sflag:s0] =	ssyncadd.s32 $0xFFFFD800  }
0x2bf: {  	_ =	swait.ge [sflag:s25], $0x2800  }
0x2c0: {  	s14 =	simm.s32 $0xFFFFFFFC;
	s15 =	simm.s32 $0x5000;
	[sflag:s25] =	ssyncset.done $0x0  }
0x2c1: {  	s7 =	simm.s32 $0xF000;
	s8 =	simm.s32 $0x19000;
	[sflag:s25] =	ssyncadd.s32 $0xFFFFD800  }
.LBB2_13:
0x2c2: {  	v0 =	vld [tilespmem:s15+$0xFFFFFF00]  }
0x2c3: {  	v1 =	vld [tilespmem:s7+$0xFFFFFF00]  }
0x2c4: {  	v2 =	vld [tilespmem:s15+$0xFFFFFF10]  }
0x2c5: {  	v3 =	vld [tilespmem:s7+$0xFFFFFF10];
	_ =	sdelay $0x4  }
0x2c6: {  	v0 =	vadd.f32 v1, v0;
	v61 =	vadd.f32 v3, v2;
	_ =	sdelay $0x1  }
0x2c7: {  	v0 =	vadd.s32 $0x8000, v0;
	v1 =	vadd.s32 $0x8000, v61  }
0x2c8: {  	v0 =	vshrl.u32 v0, $0x10;
	v1 =	vand.u32 $0xFFFF0000, v1  }
0x2c9: {  	v0 =	vor.u32 v0, v1  }
0x2ca: {  	[tilespmem:s8+$0xFFFFFF00] =	vst v0  }
0x2cb: {  	v0 =	vld [tilespmem:s15+$0xFFFFFF20]  }
0x2cc: {  	v62 =	vld [tilespmem:s7+$0xFFFFFF20]  }
0x2cd: {  	v63 =	vld [tilespmem:s15+$0xFFFFFF30]  }
0x2ce: {  	v6 =	vld [tilespmem:s7+$0xFFFFFF30];
	_ =	sdelay $0x4  }
0x2cf: {  	v0 =	vadd.f32 v62, v0;
	v7 =	vadd.f32 v6, v63;
	_ =	sdelay $0x1  }
0x2d0: {  	v0 =	vadd.s32 $0x8000, v0;
	v1 =	vadd.s32 $0x8000, v7  }
0x2d1: {  	v0 =	vshrl.u32 v0, $0x10;
	v1 =	vand.u32 $0xFFFF0000, v1  }
0x2d2: {  	v0 =	vor.u32 v0, v1  }
0x2d3: {  	[tilespmem:s8+$0xFFFFFF10] =	vst v0  }
0x2d4: {  	v0 =	vld [tilespmem:s15+$0xFFFFFF40]  }
0x2d5: {  	v8 =	vld [tilespmem:s7+$0xFFFFFF40]  }
0x2d6: {  	v9 =	vld [tilespmem:s15+$0xFFFFFF50]  }
0x2d7: {  	v10 =	vld [tilespmem:s7+$0xFFFFFF50];
	_ =	sdelay $0x4  }
0x2d8: {  	v0 =	vadd.f32 v8, v0;
	v11 =	vadd.f32 v10, v9;
	_ =	sdelay $0x1  }
0x2d9: {  	v0 =	vadd.s32 $0x8000, v0;
	v1 =	vadd.s32 $0x8000, v11  }
0x2da: {  	v0 =	vshrl.u32 v0, $0x10;
	v1 =	vand.u32 $0xFFFF0000, v1  }
0x2db: {  	v0 =	vor.u32 v0, v1  }
0x2dc: {  	[tilespmem:s8+$0xFFFFFF20] =	vst v0  }
0x2dd: {  	v0 =	vld [tilespmem:s15+$0xFFFFFF60]  }
0x2de: {  	v12 =	vld [tilespmem:s7+$0xFFFFFF60]  }
0x2df: {  	v13 =	vld [tilespmem:s15+$0xFFFFFF70]  }
0x2e0: {  	v14 =	vld [tilespmem:s7+$0xFFFFFF70];
	_ =	sdelay $0x4  }
0x2e1: {  	v0 =	vadd.f32 v12, v0;
	v15 =	vadd.f32 v14, v13;
	_ =	sdelay $0x1  }
0x2e2: {  	v0 =	vadd.s32 $0x8000, v0;
	v1 =	vadd.s32 $0x8000, v15  }
0x2e3: {  	v0 =	vshrl.u32 v0, $0x10;
	v1 =	vand.u32 $0xFFFF0000, v1  }
0x2e4: {  	v0 =	vor.u32 v0, v1  }
0x2e5: {  	[tilespmem:s8+$0xFFFFFF30] =	vst v0  }
0x2e6: {  	v0 =	vld [tilespmem:s15+$0xFFFFFF80]  }
0x2e7: {  	v16 =	vld [tilespmem:s7+$0xFFFFFF80]  }
0x2e8: {  	v17 =	vld [tilespmem:s15+$0xFFFFFF90]  }
0x2e9: {  	v18 =	vld [tilespmem:s7+$0xFFFFFF90];
	_ =	sdelay $0x4  }
0x2ea: {  	v0 =	vadd.f32 v16, v0;
	v19 =	vadd.f32 v18, v17;
	_ =	sdelay $0x1  }
0x2eb: {  	v0 =	vadd.s32 $0x8000, v0;
	v1 =	vadd.s32 $0x8000, v19  }
0x2ec: {  	v0 =	vshrl.u32 v0, $0x10;
	v1 =	vand.u32 $0xFFFF0000, v1  }
0x2ed: {  	v0 =	vor.u32 v0, v1  }
0x2ee: {  	[tilespmem:s8+$0xFFFFFF80] =	vst v0  }
0x2ef: {  	v0 =	vld [tilespmem:s15+$0xFFFFFFA0]  }
0x2f0: {  	v20 =	vld [tilespmem:s7+$0xFFFFFFA0]  }
0x2f1: {  	v21 =	vld [tilespmem:s15+$0xFFFFFFB0]  }
0x2f2: {  	v22 =	vld [tilespmem:s7+$0xFFFFFFB0];
	_ =	sdelay $0x4  }
0x2f3: {  	v0 =	vadd.f32 v20, v0;
	v23 =	vadd.f32 v22, v21;
	_ =	sdelay $0x1  }
0x2f4: {  	v0 =	vadd.s32 $0x8000, v0;
	v1 =	vadd.s32 $0x8000, v23  }
0x2f5: {  	v0 =	vshrl.u32 v0, $0x10;
	v1 =	vand.u32 $0xFFFF0000, v1  }
0x2f6: {  	v0 =	vor.u32 v0, v1  }
0x2f7: {  	[tilespmem:s8+$0xFFFFFF90] =	vst v0  }
0x2f8: {  	v0 =	vld [tilespmem:s15+$0xFFFFFFC0]  }
0x2f9: {  	v24 =	vld [tilespmem:s7+$0xFFFFFFC0]  }
0x2fa: {  	v25 =	vld [tilespmem:s15+$0xFFFFFFD0]  }
0x2fb: {  	v26 =	vld [tilespmem:s7+$0xFFFFFFD0];
	_ =	sdelay $0x4  }
0x2fc: {  	v0 =	vadd.f32 v24, v0;
	v27 =	vadd.f32 v26, v25;
	_ =	sdelay $0x1  }
0x2fd: {  	v0 =	vadd.s32 $0x8000, v0;
	v1 =	vadd.s32 $0x8000, v27  }
0x2fe: {  	v0 =	vshrl.u32 v0, $0x10;
	v1 =	vand.u32 $0xFFFF0000, v1  }
0x2ff: {  	v0 =	vor.u32 v0, v1  }
0x300: {  	[tilespmem:s8+$0xFFFFFFA0] =	vst v0  }
0x301: {  	v0 =	vld [tilespmem:s15+$0xFFFFFFE0]  }
0x302: {  	v28 =	vld [tilespmem:s7+$0xFFFFFFE0]  }
0x303: {  	v29 =	vld [tilespmem:s15+$0xFFFFFFF0]  }
0x304: {  	v30 =	vld [tilespmem:s7+$0xFFFFFFF0];
	_ =	sdelay $0x4  }
0x305: {  	v0 =	vadd.f32 v28, v0;
	v31 =	vadd.f32 v30, v29;
	_ =	sdelay $0x1  }
0x306: {  	v0 =	vadd.s32 $0x8000, v0;
	v1 =	vadd.s32 $0x8000, v31  }
0x307: {  	v0 =	vshrl.u32 v0, $0x10;
	v1 =	vand.u32 $0xFFFF0000, v1  }
0x308: {  	v0 =	vor.u32 v0, v1  }
0x309: {  	[tilespmem:s8+$0xFFFFFFB0] =	vst v0  }
0x30a: {  	v0 =	vld [tilespmem:s15+$0x0]  }
0x30b: {  	v32 =	vld [tilespmem:s7+$0x0]  }
0x30c: {  	v33 =	vld [tilespmem:s15+$0x10]  }
0x30d: {  	v34 =	vld [tilespmem:s7+$0x10];
	_ =	sdelay $0x4  }
0x30e: {  	v0 =	vadd.f32 v32, v0;
	v35 =	vadd.f32 v34, v33;
	_ =	sdelay $0x1  }
0x30f: {  	v0 =	vadd.s32 $0x8000, v0;
	v1 =	vadd.s32 $0x8000, v35  }
0x310: {  	v0 =	vshrl.u32 v0, $0x10;
	v1 =	vand.u32 $0xFFFF0000, v1  }
0x311: {  	v0 =	vor.u32 v0, v1  }
0x312: {  	[tilespmem:s8+$0x0] =	vst v0  }
0x313: {  	v0 =	vld [tilespmem:s15+$0x20]  }
0x314: {  	v36 =	vld [tilespmem:s7+$0x20]  }
0x315: {  	v37 =	vld [tilespmem:s15+$0x30]  }
0x316: {  	v38 =	vld [tilespmem:s7+$0x30];
	_ =	sdelay $0x4  }
0x317: {  	v0 =	vadd.f32 v36, v0;
	v39 =	vadd.f32 v38, v37;
	_ =	sdelay $0x1  }
0x318: {  	v0 =	vadd.s32 $0x8000, v0;
	v1 =	vadd.s32 $0x8000, v39  }
0x319: {  	v0 =	vshrl.u32 v0, $0x10;
	v1 =	vand.u32 $0xFFFF0000, v1  }
0x31a: {  	v0 =	vor.u32 v0, v1  }
0x31b: {  	[tilespmem:s8+$0x10] =	vst v0  }
0x31c: {  	v0 =	vld [tilespmem:s15+$0x40]  }
0x31d: {  	v40 =	vld [tilespmem:s7+$0x40]  }
0x31e: {  	v41 =	vld [tilespmem:s15+$0x50]  }
0x31f: {  	v42 =	vld [tilespmem:s7+$0x50];
	_ =	sdelay $0x4  }
0x320: {  	v0 =	vadd.f32 v40, v0;
	v43 =	vadd.f32 v42, v41;
	_ =	sdelay $0x1  }
0x321: {  	v0 =	vadd.s32 $0x8000, v0;
	v1 =	vadd.s32 $0x8000, v43  }
0x322: {  	v0 =	vshrl.u32 v0, $0x10;
	v1 =	vand.u32 $0xFFFF0000, v1  }
0x323: {  	v0 =	vor.u32 v0, v1  }
0x324: {  	[tilespmem:s8+$0x20] =	vst v0  }
0x325: {  	v0 =	vld [tilespmem:s15+$0x60]  }
0x326: {  	v44 =	vld [tilespmem:s7+$0x60]  }
0x327: {  	v45 =	vld [tilespmem:s15+$0x70]  }
0x328: {  	v46 =	vld [tilespmem:s7+$0x70];
	_ =	sdelay $0x4  }
0x329: {  	v0 =	vadd.f32 v44, v0;
	v47 =	vadd.f32 v46, v45;
	_ =	sdelay $0x1  }
0x32a: {  	v0 =	vadd.s32 $0x8000, v0;
	v1 =	vadd.s32 $0x8000, v47  }
0x32b: {  	v0 =	vshrl.u32 v0, $0x10;
	v1 =	vand.u32 $0xFFFF0000, v1  }
0x32c: {  	v0 =	vor.u32 v0, v1  }
0x32d: {  	[tilespmem:s8+$0x30] =	vst v0  }
0x32e: {  	v0 =	vld [tilespmem:s15+$0x80]  }
0x32f: {  	v48 =	vld [tilespmem:s7+$0x80]  }
0x330: {  	v49 =	vld [tilespmem:s15+$0x90]  }
0x331: {  	v50 =	vld [tilespmem:s7+$0x90];
	_ =	sdelay $0x4  }
0x332: {  	v0 =	vadd.f32 v48, v0;
	v51 =	vadd.f32 v50, v49;
	_ =	sdelay $0x1  }
0x333: {  	v0 =	vadd.s32 $0x8000, v0;
	v1 =	vadd.s32 $0x8000, v51  }
0x334: {  	v0 =	vshrl.u32 v0, $0x10;
	v1 =	vand.u32 $0xFFFF0000, v1  }
0x335: {  	v0 =	vor.u32 v0, v1  }
0x336: {  	[tilespmem:s8+$0x80] =	vst v0  }
0x337: {  	v0 =	vld [tilespmem:s15+$0xA0]  }
0x338: {  	v52 =	vld [tilespmem:s7+$0xA0]  }
0x339: {  	v53 =	vld [tilespmem:s15+$0xB0]  }
0x33a: {  	v54 =	vld [tilespmem:s7+$0xB0];
	_ =	sdelay $0x4  }
0x33b: {  	v0 =	vadd.f32 v52, v0;
	v55 =	vadd.f32 v54, v53;
	_ =	sdelay $0x1  }
0x33c: {  	v0 =	vadd.s32 $0x8000, v0;
	v1 =	vadd.s32 $0x8000, v55  }
0x33d: {  	v0 =	vshrl.u32 v0, $0x10;
	v1 =	vand.u32 $0xFFFF0000, v1  }
0x33e: {  	v0 =	vor.u32 v0, v1  }
0x33f: {  	[tilespmem:s8+$0x90] =	vst v0  }
0x340: {  	v0 =	vld [tilespmem:s15+$0xC0]  }
0x341: {  	v56 =	vld [tilespmem:s7+$0xC0]  }
0x342: {  	v57 =	vld [tilespmem:s15+$0xD0]  }
0x343: {  	v58 =	vld [tilespmem:s7+$0xD0];
	_ =	sdelay $0x4  }
0x344: {  	v0 =	vadd.f32 v56, v0;
	v59 =	vadd.f32 v58, v57;
	_ =	sdelay $0x1  }
0x345: {  	v0 =	vadd.s32 $0x8000, v0;
	v1 =	vadd.s32 $0x8000, v59  }
0x346: {  	v0 =	vshrl.u32 v0, $0x10;
	v1 =	vand.u32 $0xFFFF0000, v1  }
0x347: {  	v0 =	vor.u32 v0, v1  }
0x348: {  	[tilespmem:s8+$0xA0] =	vst v0  }
0x349: {  	v0 =	vld [tilespmem:s15+$0xE0]  }
0x34a: {  	v60 =	vld [tilespmem:s7+$0xE0]  }
0x34b: {  	v61 =	vld [tilespmem:s15+$0xF0]  }
0x34c: {  	v62 =	vld [tilespmem:s7+$0xF0];
	_ =	sdelay $0x3  }
0x34d: {  	s14 =	sadd.s32 $0x4, s14  }
0x34e: {  	p0 =	slt.u32 s14, $0x4C;
	v0 =	vadd.f32 v60, v0;
	v63 =	vadd.f32 v62, v61  }
.Ltmp6:
0x34f: {  	_ = 	snop;
	(pc) =	sbr.rel @p0 .LBB2_13-.Ltmp6, $4  }
0x350: {  	v0 =	vadd.s32 $0x8000, v0;
	v1 =	vadd.s32 $0x8000, v63  }
0x351: {  	v0 =	vshrl.u32 v0, $0x10;
	v1 =	vand.u32 $0xFFFF0000, v1  }
0x352: {  	v0 =	vor.u32 v0, v1  }
0x353: {  	s15 =	sadd.s32 $0x200, s15;
	s7 =	sadd.s32 $0x200, s7;
	[tilespmem:s8+$0xB0] =	vst v0;
	s8 =	sadd.s32 $0x200, s8  }
0x354: {  	[hbm4b:s12+s3] =	stream.linear.scatter [tilespmem:s21], [sflag:$0x5], $0x2800, $0x38;
	[tilespmem:$0x1DF00] =	vst v63  }
0x355: {  	s29 =	sadd.s32 $0x1, s29  }
0x356: {  	_ =	swait.ge [sflag:s28], $0x2800;
	p0 =	sne.s32 s29, s13  }
.Ltmp7:
0x357: {  	[sflag:s28] =	ssyncset.done $0x0;
	(pc) =	sbr.rel @p0 .LBB2_1-.Ltmp7, $4  }
0x358: {  	[sflag:s28] =	ssyncadd.s32 $0xFFFFD800  }
0x359: {  	_ =	swait.ge [sflag:s25], $0x2800  }
0x35a: {  	[sflag:s25] =	ssyncset.done $0x0  }
0x35b: {  	[sflag:s25] =	ssyncadd.s32 $0xFFFFD800  }
0x35c: {  	_ =	sfence.sel $0x180000  }
0x35d: {  	[bflag:$0x0] =	sbarrier.arrive $0xFFFF  }
0x35e: {  	_ =	strace $0x90000047  }
0x35f: {  	s0 =	stileid.u32;
	[bflag:$0x2] =	sbarrier.arrive $0xFFFF  }
0x360: {  	p0 =	sne.s32 s0, $0x0;
	s0 =	rddreg [dreg:$0x2]  }
0x361: {  	s0 =	sadd.s32 @!p0 $0x100000, s0  }
0x362: {  	[sflag:s0] =	ssyncadd.tile.s32 @!p0 $0x1;
	_ =	shalt  }
.Lfunc_end2:
_tile_overlayer_lowered:
.L_overlay_start_2:
0x363: {  	(tag) =	ssettag $0x2  }
0x364: {  	s0 =	rddreg [dreg:$0x0];
	s2 =	stileid.u32  }
0x365: {  	s1 =	rddreg [dreg:$0x1];
	p0 =	sne.s32 s2, $0x0  }
0x366: {  	s3 =	rddreg [dreg:$0x2];
	[bflag:$0x3] =	sbarrier.arrive $0xFFFF;
	s2 =	simm.s32 @!p0 $0x1C07  }
0x367: {  	[timem:s3], [sflag:s2] =	dma.local @!p0 [hbm:s0], s1  }
0x368: {  	s0 =	simm.s32 @!p0 $0x7  }
0x369: {  	_ =	swait.ge @!p0 [sflag:s0], s1  }
0x36a: {  	s1 =	ssub.s32 @!p0 $0x0, s1;
	[sflag:s0] =	ssyncset.done @!p0 $0x0  }
0x36b: {  	[sflag:s0] =	ssyncadd.s32 @!p0 s1  }
0x36c: {  	[bflag:$0x3] =	sbarrier.arrive $0xFFFF  }
0x36d: {  	_ =	shalt  }

</sc_bundles>
